<compile_context>
chip_gen: v7x
topology: tpu7x:2x2x1
jax: 0.10.2.dev20260603
libtpu: 0.0.44.dev20260713+nightly
codegen_flags: <defaults>
</compile_context>

<pallas_src>
import functools

import jax
import jax.numpy as jnp
from jax import lax
from jax.experimental import pallas as pl
from jax.experimental.pallas import tpu as pltpu
from jax.experimental.pallas import tpu_sc as plsc

N = 10000
E = 160000
D = 128
R = 40

NC, NS, L = 2, 16, 16
NW = NC * NS
EPW = E // NW
C = 96
NCH = 54
CLAMP = EPW - C
G = D // L
ZB = 632
NPAD = NS * ZB

EBM = 8000
NEB = E // EBM


def _mm_body(a_ref, w_ref, o_ref):
    o_ref[...] = jnp.dot(a_ref[...], w_ref[...],
                         preferred_element_type=jnp.float32)


def _tc_matmul(a, w, bm):
    m = a.shape[0]
    return pl.pallas_call(
        _mm_body,
        grid=(m // bm,),
        in_specs=[pl.BlockSpec((bm, D), lambda i: (i, 0)),
                  pl.BlockSpec((D, D), lambda i: (0, 0))],
        out_specs=pl.BlockSpec((bm, D), lambda i: (i, 0)),
        out_shape=jax.ShapeDtypeStruct((m, D), jnp.float32),
    )(a, w)


def _attr_body(rel_ref, w_ref, tab_ref, o_ref):
    relb = rel_ref[0, 0]
    wb = w_ref[0, 0]
    onehot = (relb[:, None]
              == lax.broadcasted_iota(jnp.int32, (EBM, R), 1))
    o_ref[...] = wb[:, None] * jnp.dot(
        onehot.astype(jnp.float32), tab_ref[...],
        preferred_element_type=jnp.float32)


def _tc_edge_attr(rel2, w2, tab):
    return pl.pallas_call(
        _attr_body,
        grid=(NEB,),
        in_specs=[pl.BlockSpec((1, 1, EBM), lambda i: (i, 0, 0)),
                  pl.BlockSpec((1, 1, EBM), lambda i: (i, 0, 0)),
                  pl.BlockSpec((R, D), lambda i: (0, 0))],
        out_specs=pl.BlockSpec((EBM, D), lambda i: (i, 0)),
        out_shape=jax.ShapeDtypeStruct((E, D), jnp.float32),
    )(rel2, w2, tab)


def _upd_body(agg_ref, x_ref, wu_ref, ws_ref, o_ref):
    a = agg_ref[0] + agg_ref[1]
    o_ref[...] = jnp.maximum(
        jnp.dot(a, wu_ref[...], preferred_element_type=jnp.float32)
        + jnp.dot(x_ref[...], ws_ref[...], preferred_element_type=jnp.float32),
        0.0)


def _tc_update(aggp, x, w_upd, w_self, bm=2000):
    return pl.pallas_call(
        _upd_body,
        grid=(N // bm,),
        in_specs=[pl.BlockSpec((NC, bm, D), lambda i: (0, i, 0)),
                  pl.BlockSpec((bm, D), lambda i: (i, 0)),
                  pl.BlockSpec((D, D), lambda i: (0, 0)),
                  pl.BlockSpec((D, D), lambda i: (0, 0))],
        out_specs=pl.BlockSpec((bm, D), lambda i: (i, 0)),
        out_shape=jax.ShapeDtypeStruct((N, D), jnp.float32),
    )(aggp, x, w_upd, w_self)


def _sc_agg(xm, eam, eidx):
    mesh = plsc.VectorSubcoreMesh(core_axis_name="c", subcore_axis_name="s")

    @functools.partial(
        pl.kernel,
        out_type=jax.ShapeDtypeStruct((NC, N, D), jnp.float32),
        mesh=mesh,
        scratch_types=[
            pltpu.VMEM((EPW,), jnp.int32),
            pltpu.VMEM((EPW,), jnp.int32),
            [pltpu.VMEM((C, D), jnp.float32) for _ in range(3)],
            [pltpu.VMEM((C,), jnp.int32) for _ in range(3)],
            [pltpu.VMEM((C,), jnp.int32) for _ in range(3)],
            [pltpu.VMEM((C,), jnp.int32) for _ in range(3)],
            [pltpu.SemaphoreType.DMA for _ in range(3)],
            [pltpu.SemaphoreType.DMA for _ in range(3)],
            [pltpu.SemaphoreType.DMA for _ in range(3)],
            pltpu.VMEM_SHARED((NPAD, D), jnp.float32),
        ],
    )
    def k(xm_hbm, eam_hbm, eidx_hbm, out_hbm,
          psrc, pdst, bufs, gidx, lidx, sdix, gsem, asem, ssem, agg_sh):
        buf = bufs[0]
        cid = lax.axis_index("c")
        sid = lax.axis_index("s")
        wid = sid * NC + cid

        def zrow(i, _):
            r = i // G
            g = i % G
            buf[r, pl.ds(g * L, L)] = jnp.zeros((L,), jnp.float32)
            return 0
        lax.fori_loop(0, C * G, zrow, 0)
        base_z = sid * ZB
        for b in range(ZB // C):
            pltpu.sync_copy(buf, agg_sh.at[pl.ds(base_z + b * C, C)])
        pltpu.sync_copy(buf.at[pl.ds(0, ZB % C)],
                        agg_sh.at[pl.ds(base_z + (ZB // C) * C, ZB % C)])
        plsc.subcore_barrier()

        eb = wid * EPW
        pltpu.sync_copy(eidx_hbm.at[pl.ds(eb, EPW)], psrc)
        pltpu.sync_copy(eidx_hbm.at[pl.ds(E + eb, EPW)], pdst)

        def fill_idx(bb, cb):
            for j in range(C // L):
                lane = lax.iota(jnp.int32, L)
                gidx[bb][pl.ds(j * L, L)] = psrc[pl.ds(cb + j * L, L)]
                lidx[bb][pl.ds(j * L, L)] = eb + cb + j * L + lane

        def zero_buf(bb):
            def zb(r, _):
                for g in range(G):
                    bufs[bb][r, pl.ds(g * L, L)] = jnp.zeros((L,), jnp.float32)
                return 0
            lax.fori_loop(0, C, zb, 0)

        def issue_adds(bb):
            pltpu.async_copy(xm_hbm.at[gidx[bb]], bufs[bb], gsem[bb],
                             add=True)
            pltpu.async_copy(eam_hbm.at[lidx[bb]], bufs[bb], asem[bb],
                             add=True)

        def wait_adds(bb):
            pltpu.make_async_copy(
                xm_hbm.at[gidx[bb]], bufs[bb], gsem[bb]).wait()
            pltpu.make_async_copy(
                eam_hbm.at[lidx[bb]], bufs[bb], asem[bb]).wait()

        fill_idx(0, 0)
        issue_adds(0)
        zero_buf(1)
        fill_idx(1, C)
        issue_adds(1)

        def body(k3, _):
            for b in range(3):
                c = k3 * 3 + b
                cb = lax.min(c * C, CLAMP)
                nb = (b + 2) % 3
                wait_adds(b)

                thr = lax.min(c * C, EPW) - cb
                for j in range(C // L):
                    v = pdst[pl.ds(cb + j * L, L)]
                    lanes = j * L + lax.iota(jnp.int32, L)
                    sdix[b][pl.ds(j * L, L)] = jnp.where(
                        lanes >= thr, v, jnp.full((L,), N, jnp.int32))

                def sub(r, _):
                    for g in range(G):
                        v = bufs[b][r, pl.ds(g * L, L)]
                        bufs[b][r, pl.ds(g * L, L)] = jnp.maximum(v, 0.0)
                    return 0
                lax.fori_loop(0, C, sub, 0)

                pltpu.async_copy(bufs[b], agg_sh.at[sdix[b]], ssem[b],
                                 add=True)

                @pl.when(c + 2 < NCH)
                def _pf():
                    @pl.when(c >= 1)
                    def _drain():
                        pltpu.make_async_copy(
                            bufs[nb], agg_sh.at[sdix[nb]], ssem[nb]).wait()
                    zero_buf(nb)
                    cb1 = lax.min((c + 2) * C, CLAMP)
                    fill_idx(nb, cb1)
                    issue_adds(nb)
            return 0

        lax.fori_loop(0, NCH // 3, body, 0)
        for b in range(3):
            pltpu.make_async_copy(bufs[b], agg_sh.at[sdix[b]], ssem[b]).wait()
        plsc.subcore_barrier()

        base_o = sid * ZB

        @pl.when(sid < NS - 1)
        def _w_full():
            pltpu.sync_copy(agg_sh.at[pl.ds(base_o, ZB)],
                            out_hbm.at[cid, pl.ds(base_o, ZB)])

        @pl.when(sid == NS - 1)
        def _w_last():
            rows = N - (NS - 1) * ZB
            pltpu.sync_copy(agg_sh.at[pl.ds(base_o, rows)],
                            out_hbm.at[cid, pl.ds(base_o, rows)])

    return k(xm, eam, eidx)


def _sc_triples(xout, ea, eidx):
    mesh = plsc.VectorSubcoreMesh(core_axis_name="c", subcore_axis_name="s")

    @functools.partial(
        pl.kernel,
        out_type=jax.ShapeDtypeStruct((E, 3 * D), jnp.float32),
        mesh=mesh,
        scratch_types=[
            pltpu.VMEM((EPW,), jnp.int32),
            pltpu.VMEM((EPW,), jnp.int32),
            [pltpu.VMEM((C, 3 * D), jnp.float32) for _ in range(3)],
            [pltpu.VMEM((C,), jnp.int32) for _ in range(3)],
            [pltpu.VMEM((C,), jnp.int32) for _ in range(3)],
            [pltpu.VMEM((C,), jnp.int32) for _ in range(3)],
            [pltpu.SemaphoreType.DMA for _ in range(3)],
            [pltpu.SemaphoreType.DMA for _ in range(3)],
            [pltpu.SemaphoreType.DMA for _ in range(3)],
            [pltpu.SemaphoreType.DMA for _ in range(3)],
        ],
    )
    def k(xout_hbm, ea_hbm, eidx_hbm, out_hbm,
          psrc, pdst, ivl, gis, gid, oxe, gss, gse, gsd, ssc):
        cid = lax.axis_index("c")
        sid = lax.axis_index("s")
        wid = sid * NC + cid
        eb = wid * EPW
        pltpu.sync_copy(eidx_hbm.at[pl.ds(eb, EPW)], psrc)
        pltpu.sync_copy(eidx_hbm.at[pl.ds(E + eb, EPW)], pdst)

        def fill_idx(bb, cb):
            for j in range(C // L):
                lane = lax.iota(jnp.int32, L)
                gis[bb][pl.ds(j * L, L)] = psrc[pl.ds(cb + j * L, L)]
                gid[bb][pl.ds(j * L, L)] = pdst[pl.ds(cb + j * L, L)]
                oxe[bb][pl.ds(j * L, L)] = eb + cb + j * L + lane

        def issue_gathers(bb):
            pltpu.async_copy(xout_hbm.at[gis[bb]],
                             ivl[bb].at[:, pl.ds(0, D)], gss[bb])
            pltpu.async_copy(ea_hbm.at[oxe[bb]],
                             ivl[bb].at[:, pl.ds(D, D)], gse[bb])
            pltpu.async_copy(xout_hbm.at[gid[bb]],
                             ivl[bb].at[:, pl.ds(2 * D, D)], gsd[bb])

        def wait_gathers(bb):
            pltpu.make_async_copy(xout_hbm.at[gis[bb]],
                                  ivl[bb].at[:, pl.ds(0, D)], gss[bb]).wait()
            pltpu.make_async_copy(ea_hbm.at[oxe[bb]],
                                  ivl[bb].at[:, pl.ds(D, D)], gse[bb]).wait()
            pltpu.make_async_copy(xout_hbm.at[gid[bb]],
                                  ivl[bb].at[:, pl.ds(2 * D, D)],
                                  gsd[bb]).wait()

        fill_idx(0, 0)
        issue_gathers(0)
        fill_idx(1, C)
        issue_gathers(1)

        def body(k3, _):
            for b in range(3):
                c = k3 * 3 + b
                nb = (b + 2) % 3
                wait_gathers(b)
                pltpu.async_copy(ivl[b], out_hbm.at[oxe[b]], ssc[b])

                @pl.when(c + 2 < NCH)
                def _pf():
                    @pl.when(c >= 1)
                    def _drain():
                        pltpu.make_async_copy(
                            ivl[nb], out_hbm.at[oxe[nb]], ssc[nb]).wait()
                    cb1 = lax.min((c + 2) * C, CLAMP)
                    fill_idx(nb, cb1)
                    issue_gathers(nb)
            return 0

        lax.fori_loop(0, NCH // 3, body, 0)
        for b in range(3):
            pltpu.make_async_copy(ivl[b], out_hbm.at[oxe[b]], ssc[b]).wait()

    return k(xout, ea, eidx)


def kernel(concept_embedding, relation_embedding, edge_index, edge_relation,
           edge_weight, W_msg, W_self, W_upd):
    x = concept_embedding
    eidx = edge_index.reshape(2 * E)
    rel2 = edge_relation.reshape(NEB, 1, EBM)
    w2 = edge_weight.reshape(NEB, 1, EBM)
    xr = jnp.concatenate(
        [x, relation_embedding,
         jnp.zeros((10240 - N - R, D), jnp.float32)], axis=0)
    xrm = _tc_matmul(xr, W_msg, bm=2048)
    em = lax.slice(xrm, (N, 0), (N + R, D))
    eam = _tc_edge_attr(rel2, w2, em)
    ea = _tc_edge_attr(rel2, w2, relation_embedding)
    aggp = _sc_agg(xrm, eam, eidx)
    xout = _tc_update(aggp, x, W_upd, W_self)
    return _sc_triples(xout, ea, eidx)

# --- scband reference (transcript-rebuilt; emitter-appended) ---
"""Pipeline reference for scband-encoder-73624329388104 (READ-ONLY COPY).

The authoritative reference and input builder live on the scoring server;
editing this copy changes nothing except your own understanding.
"""

import jax, jax.numpy as jnp
import numpy as np

N_NODES = 10000
N_EDGES = 160000
D = 128
N_REL = 40


def setup_inputs(seed: int = 0) -> dict:
    key = jax.random.key(seed)
    ks = jax.random.split(key, 8)
    concept_embedding = jax.random.normal(ks[0], (N_NODES, D), dtype=jnp.float32) * 0.02
    relation_embedding = jax.random.normal(ks[1], (N_REL, D), dtype=jnp.float32) * 0.02
    edge_index = jax.random.randint(ks[2], (2, N_EDGES), 0, N_NODES, dtype=jnp.int32)
    edge_relation = jax.random.randint(ks[3], (N_EDGES,), 0, N_REL, dtype=jnp.int32)
    edge_weight = jax.random.uniform(ks[4], (N_EDGES,), dtype=jnp.float32)
    W_msg = jax.random.normal(ks[5], (D, D), dtype=jnp.float32) * (1.0 / np.sqrt(D))
    W_self = jax.random.normal(ks[6], (D, D), dtype=jnp.float32) * (1.0 / np.sqrt(D))
    W_upd = jax.random.normal(ks[7], (D, D), dtype=jnp.float32) * (1.0 / np.sqrt(D))
    return {
        "concept_embedding": concept_embedding,
        "relation_embedding": relation_embedding,
        "edge_index": edge_index,
        "edge_relation": edge_relation,
        "edge_weight": edge_weight,
        "W_msg": W_msg,
        "W_self": W_self,
        "W_upd": W_upd,
    }


def reference(concept_embedding, relation_embedding, edge_index, edge_relation,
              edge_weight, W_msg, W_self, W_upd):
    # x = conceptnet.concept_embedding[subset]  (subset == all local nodes after relabel)
    x = concept_embedding
    src = edge_index[0]
    dst = edge_index[1]
    # edge_attr = edge_weight.view(-1, 1) * relation_embedding[edge_relation]
    edge_attr = edge_weight[:, None] * jnp.take(relation_embedding, edge_relation, axis=0)
    # GNN message passing layer: gather source features, combine with edge attr,
    # transform, scatter-add to destination nodes, then node update.
    msg = jax.nn.relu((jnp.take(x, src, axis=0) + edge_attr) @ W_msg)
    agg = jax.ops.segment_sum(msg, dst, num_segments=N_NODES)
    x_out = jax.nn.relu(agg @ W_upd + x @ W_self)
    # singles_to_triples(x, edge_index, edge_attr): per-edge [head | relation | tail]
    triples = jnp.concatenate(
        [jnp.take(x_out, src, axis=0), edge_attr, jnp.take(x_out, dst, axis=0)],
        axis=-1,
    )
    return triples

if __name__ == "__main__":
    import jax
    _d = setup_inputs()
    print(jax.jit(kernel)(*tuple(_d.values())))

</pallas_src>

<mosaic_0001>
#map = affine_map<(d0, d1) -> (0, 0)>
#map1 = affine_map<(d0, d1) -> (0)>
#map2 = affine_map<(d0, d1) -> (0, 0, 0)>
module attributes {stable_mosaic.version = 14 : i64} {
  func.func @k(%arg0: i32, %arg1: i32, %arg2: memref<10240x128xf32, #tpu.memory_space<hbm>>, %arg3: memref<160000x128xf32, #tpu.memory_space<hbm>>, %arg4: memref<320000xi32, #tpu.memory_space<hbm>>, %arg5: memref<2x10000x128xf32, #tpu.memory_space<hbm>>, %arg6: memref<5000xi32, #tpu.memory_space<vmem>>, %arg7: memref<5000xi32, #tpu.memory_space<vmem>>, %arg8: memref<96x128xf32, #tpu.memory_space<vmem>>, %arg9: memref<96x128xf32, #tpu.memory_space<vmem>>, %arg10: memref<96x128xf32, #tpu.memory_space<vmem>>, %arg11: memref<96xi32, #tpu.memory_space<vmem>>, %arg12: memref<96xi32, #tpu.memory_space<vmem>>, %arg13: memref<96xi32, #tpu.memory_space<vmem>>, %arg14: memref<96xi32, #tpu.memory_space<vmem>>, %arg15: memref<96xi32, #tpu.memory_space<vmem>>, %arg16: memref<96xi32, #tpu.memory_space<vmem>>, %arg17: memref<96xi32, #tpu.memory_space<vmem>>, %arg18: memref<96xi32, #tpu.memory_space<vmem>>, %arg19: memref<96xi32, #tpu.memory_space<vmem>>, %arg20: memref<!tpu.dma_semaphore, #tpu.memory_space<semaphore_mem>>, %arg21: memref<!tpu.dma_semaphore, #tpu.memory_space<semaphore_mem>>, %arg22: memref<!tpu.dma_semaphore, #tpu.memory_space<semaphore_mem>>, %arg23: memref<!tpu.dma_semaphore, #tpu.memory_space<semaphore_mem>>, %arg24: memref<!tpu.dma_semaphore, #tpu.memory_space<semaphore_mem>>, %arg25: memref<!tpu.dma_semaphore, #tpu.memory_space<semaphore_mem>>, %arg26: memref<!tpu.dma_semaphore, #tpu.memory_space<semaphore_mem>>, %arg27: memref<!tpu.dma_semaphore, #tpu.memory_space<semaphore_mem>>, %arg28: memref<!tpu.dma_semaphore, #tpu.memory_space<semaphore_mem>>, %arg29: memref<10112x128xf32, #tpu.memory_space<vmem_shared>>) attributes {dimension_semantics = [#tpu.dimension_semantics<core_parallel>, #tpu.dimension_semantics<subcore_parallel>], iteration_bounds = array<i64: 2, 16>, scalar_prefetch = 0 : i64, scratch_operands = 24 : i64, tpu.core_type = #tpu.core_type<sc_vector_subcore>, window_params = [{transform_indices = #map}, {transform_indices = #map}, {transform_indices = #map1}, {transform_indices = #map2}]} {
    %mul3A = arith.constant 2 : i32
    %mul3A_0 = arith.muli %arg1, %mul3A : i32
    %add3A = arith.addi %mul3A_0, %arg0 : i32
    %scan3A = arith.constant 0 : i32
    %scan3A_1 = arith.constant 0 : i32
    %scan3A_2 = arith.constant 768 : i32
    %scan3A_3 = arith.addi %scan3A_1, %scan3A_2 : i32
    %scan3A_4 = arith.constant 1 : i32
    %scan3A_5 = scf.for %scan3A_282 = %scan3A_1 to %scan3A_3 step %scan3A_4 iter_args(%scan3A_283 = %scan3A) -> (i32)  : i32 {
      %jit3A = arith.constant 8 : i32
      %div3A = arith.divsi %scan3A_282, %jit3A : i32
      %sign3A = arith.constant 0 : i32
      %sign3A_284 = arith.cmpi sgt, %scan3A_282, %sign3A : i32
      %sign3A_285 = arith.extui %sign3A_284 : i1 to i32
      %sign3A_286 = arith.constant 0 : i32
      %sign3A_287 = arith.cmpi slt, %scan3A_282, %sign3A_286 : i32
      %sign3A_288 = arith.extui %sign3A_287 : i1 to i32
      %sign3A_289 = arith.subi %sign3A_285, %sign3A_288 : i32
      %sign3A_290 = arith.constant 0 : i32
      %sign3A_291 = arith.cmpi sgt, %jit3A, %sign3A_290 : i32
      %sign3A_292 = arith.extui %sign3A_291 : i1 to i32
      %sign3A_293 = arith.constant 0 : i32
      %sign3A_294 = arith.cmpi slt, %jit3A, %sign3A_293 : i32
      %sign3A_295 = arith.extui %sign3A_294 : i1 to i32
      %sign3A_296 = arith.subi %sign3A_292, %sign3A_295 : i32
      %ne3A = arith.cmpi ne, %sign3A_289, %sign3A_296 : i32
      %rem3A = arith.remsi %scan3A_282, %jit3A : i32
      %ne3A_297 = arith.constant 0 : i32
      %ne3A_298 = arith.cmpi ne, %rem3A, %ne3A_297 : i32
      %and3A = arith.andi %ne3A, %ne3A_298 : i1
      %sub3A = arith.constant 1 : i32
      %sub3A_299 = arith.subi %div3A, %sub3A : i32
      %select_n3A = arith.select %and3A, %sub3A_299, %div3A : i32
      %jit3A_300 = arith.constant 8 : i32
      %eq3A_301 = arith.constant 0 : i32
      %eq3A_302 = arith.cmpi eq, %jit3A_300, %eq3A_301 : i32
      %jit3A_303 = arith.constant 1 : i32
      %select_n3A_304 = arith.select %eq3A_302, %jit3A_303, %jit3A_300 : i32
      %rem3A_305 = arith.remsi %scan3A_282, %select_n3A_304 : i32
      %ne3A_306 = arith.constant 0 : i32
      %ne3A_307 = arith.cmpi ne, %rem3A_305, %ne3A_306 : i32
      %lt3A_308 = arith.constant 0 : i32
      %lt3A_309 = arith.cmpi slt, %rem3A_305, %lt3A_308 : i32
      %lt3A_310 = arith.constant 0 : i32
      %lt3A_311 = arith.cmpi slt, %select_n3A_304, %lt3A_310 : i32
      %ne3A_312 = arith.xori %lt3A_309, %lt3A_311 : i1
      %and3A_313 = arith.andi %ne3A_312, %ne3A_307 : i1
      %add3A_314 = arith.addi %rem3A_305, %select_n3A_304 : i32
      %select_n3A_315 = arith.select %and3A_313, %add3A_314, %rem3A_305 : i32
      %broadcast_in_dim3A = arith.constant 0.000000e+00 : f32
      %broadcast_in_dim3A_316 = vector.broadcast %broadcast_in_dim3A : f32 to vector<16xf32>
      %mul3A_317 = arith.constant 16 : i32
      %mul3A_318 = arith.muli %select_n3A_315, %mul3A_317 : i32
      %swap3A_319 = arith.index_cast %select_n3A : i32 to index
      %swap3A_320 = arith.index_cast %mul3A_318 : i32 to index
      %swap3A_321 = tpu.vector_load %arg8[%swap3A_319, %swap3A_320] {strides = array<i32>} : memref<96x128xf32, #tpu.memory_space<vmem>>, vector<1x16xf32>,
      %swap3A_322 = vector.shape_cast %swap3A_321 : vector<1x16xf32> to vector<16xf32>
      %swap3A_323 = vector.shape_cast %broadcast_in_dim3A_316 : vector<16xf32> to vector<1x16xf32>
      tpu.vector_store %arg8[%swap3A_319, %swap3A_320], %swap3A_323 {strides = array<i32>} : memref<96x128xf32, #tpu.memory_space<vmem>>, vector<1x16xf32>,
      %scan3A_324 = arith.constant 0 : i32
      scf.yield %scan3A_324 : i32
    }
    %scan3A_6 = arith.constant 768 : i32
    %mul3A_7 = arith.constant 632 : i32
    %mul3A_8 = arith.muli %arg1, %mul3A_7 : i32
    %add3A_9 = arith.constant 0 : i32
    %add3A_10 = arith.addi %mul3A_8, %add3A_9 : i32
    "tpu.region"() ({
      %run_scoped3A = tpu.sem_alloc : memref<!tpu.dma_semaphore, #tpu.memory_space<semaphore_mem>>
      %dma_start3A_282 = arith.constant 0 : i32
      %dma_start3A_283 = tpu.memref_slice %arg29[%add3A_10, %dma_start3A_282] : memref<10112x128xf32, #tpu.memory_space<vmem_shared>> -> memref<96x128xf32, #tpu.memory_space<vmem_shared>>
      %dma_start3A_284 = arith.constant 0 : i32
      %dma_start3A_285 = tpu.memref_slice %arg29[%add3A_10, %dma_start3A_284] : memref<10112x128xf32, #tpu.memory_space<vmem_shared>> -> memref<96x128xf32, #tpu.memory_space<vmem_shared>>
      tpu.enqueue_dma source(%arg8 : memref<96x128xf32, #tpu.memory_space<vmem>>) target(%dma_start3A_285 : memref<96x128xf32, #tpu.memory_space<vmem_shared>>) target_semaphore(%run_scoped3A : memref<!tpu.dma_semaphore, #tpu.memory_space<semaphore_mem>>)
      %dma_wait3A_286 = arith.constant 0 : i32
      %dma_wait3A_287 = tpu.memref_slice %arg29[%add3A_10, %dma_wait3A_286] : memref<10112x128xf32, #tpu.memory_space<vmem_shared>> -> memref<96x128xf32, #tpu.memory_space<vmem_shared>>
      %dma_wait3A_288 = arith.constant 0 : i32
      %dma_wait3A_289 = tpu.memref_slice %arg29[%add3A_10, %dma_wait3A_288] : memref<10112x128xf32, #tpu.memory_space<vmem_shared>> -> memref<96x128xf32, #tpu.memory_space<vmem_shared>>
      tpu.wait_dma2 semaphore(%run_scoped3A : memref<!tpu.dma_semaphore, #tpu.memory_space<semaphore_mem>>) src(%arg8 : memref<96x128xf32, #tpu.memory_space<vmem>>) dst(%dma_wait3A_289 : memref<96x128xf32, #tpu.memory_space<vmem_shared>>)
      tpu.yield
    }) : () -> ()
    %add3A_11 = arith.constant 96 : i32
    %add3A_12 = arith.addi %mul3A_8, %add3A_11 : i32
    "tpu.region"() ({
      %run_scoped3A = tpu.sem_alloc : memref<!tpu.dma_semaphore, #tpu.memory_space<semaphore_mem>>
      %dma_start3A_282 = arith.constant 0 : i32
      %dma_start3A_283 = tpu.memref_slice %arg29[%add3A_12, %dma_start3A_282] : memref<10112x128xf32, #tpu.memory_space<vmem_shared>> -> memref<96x128xf32, #tpu.memory_space<vmem_shared>>
      %dma_start3A_284 = arith.constant 0 : i32
      %dma_start3A_285 = tpu.memref_slice %arg29[%add3A_12, %dma_start3A_284] : memref<10112x128xf32, #tpu.memory_space<vmem_shared>> -> memref<96x128xf32, #tpu.memory_space<vmem_shared>>
      tpu.enqueue_dma source(%arg8 : memref<96x128xf32, #tpu.memory_space<vmem>>) target(%dma_start3A_285 : memref<96x128xf32, #tpu.memory_space<vmem_shared>>) target_semaphore(%run_scoped3A : memref<!tpu.dma_semaphore, #tpu.memory_space<semaphore_mem>>)
      %dma_wait3A_286 = arith.constant 0 : i32
      %dma_wait3A_287 = tpu.memref_slice %arg29[%add3A_12, %dma_wait3A_286] : memref<10112x128xf32, #tpu.memory_space<vmem_shared>> -> memref<96x128xf32, #tpu.memory_space<vmem_shared>>
      %dma_wait3A_288 = arith.constant 0 : i32
      %dma_wait3A_289 = tpu.memref_slice %arg29[%add3A_12, %dma_wait3A_288] : memref<10112x128xf32, #tpu.memory_space<vmem_shared>> -> memref<96x128xf32, #tpu.memory_space<vmem_shared>>
      tpu.wait_dma2 semaphore(%run_scoped3A : memref<!tpu.dma_semaphore, #tpu.memory_space<semaphore_mem>>) src(%arg8 : memref<96x128xf32, #tpu.memory_space<vmem>>) dst(%dma_wait3A_289 : memref<96x128xf32, #tpu.memory_space<vmem_shared>>)
      tpu.yield
    }) : () -> ()
    %add3A_13 = arith.constant 192 : i32
    %add3A_14 = arith.addi %mul3A_8, %add3A_13 : i32
    "tpu.region"() ({
      %run_scoped3A = tpu.sem_alloc : memref<!tpu.dma_semaphore, #tpu.memory_space<semaphore_mem>>
      %dma_start3A_282 = arith.constant 0 : i32
      %dma_start3A_283 = tpu.memref_slice %arg29[%add3A_14, %dma_start3A_282] : memref<10112x128xf32, #tpu.memory_space<vmem_shared>> -> memref<96x128xf32, #tpu.memory_space<vmem_shared>>
      %dma_start3A_284 = arith.constant 0 : i32
      %dma_start3A_285 = tpu.memref_slice %arg29[%add3A_14, %dma_start3A_284] : memref<10112x128xf32, #tpu.memory_space<vmem_shared>> -> memref<96x128xf32, #tpu.memory_space<vmem_shared>>
      tpu.enqueue_dma source(%arg8 : memref<96x128xf32, #tpu.memory_space<vmem>>) target(%dma_start3A_285 : memref<96x128xf32, #tpu.memory_space<vmem_shared>>) target_semaphore(%run_scoped3A : memref<!tpu.dma_semaphore, #tpu.memory_space<semaphore_mem>>)
      %dma_wait3A_286 = arith.constant 0 : i32
      %dma_wait3A_287 = tpu.memref_slice %arg29[%add3A_14, %dma_wait3A_286] : memref<10112x128xf32, #tpu.memory_space<vmem_shared>> -> memref<96x128xf32, #tpu.memory_space<vmem_shared>>
      %dma_wait3A_288 = arith.constant 0 : i32
      %dma_wait3A_289 = tpu.memref_slice %arg29[%add3A_14, %dma_wait3A_288] : memref<10112x128xf32, #tpu.memory_space<vmem_shared>> -> memref<96x128xf32, #tpu.memory_space<vmem_shared>>
      tpu.wait_dma2 semaphore(%run_scoped3A : memref<!tpu.dma_semaphore, #tpu.memory_space<semaphore_mem>>) src(%arg8 : memref<96x128xf32, #tpu.memory_space<vmem>>) dst(%dma_wait3A_289 : memref<96x128xf32, #tpu.memory_space<vmem_shared>>)
      tpu.yield
    }) : () -> ()
    %add3A_15 = arith.constant 288 : i32
    %add3A_16 = arith.addi %mul3A_8, %add3A_15 : i32
    "tpu.region"() ({
      %run_scoped3A = tpu.sem_alloc : memref<!tpu.dma_semaphore, #tpu.memory_space<semaphore_mem>>
      %dma_start3A_282 = arith.constant 0 : i32
      %dma_start3A_283 = tpu.memref_slice %arg29[%add3A_16, %dma_start3A_282] : memref<10112x128xf32, #tpu.memory_space<vmem_shared>> -> memref<96x128xf32, #tpu.memory_space<vmem_shared>>
      %dma_start3A_284 = arith.constant 0 : i32
      %dma_start3A_285 = tpu.memref_slice %arg29[%add3A_16, %dma_start3A_284] : memref<10112x128xf32, #tpu.memory_space<vmem_shared>> -> memref<96x128xf32, #tpu.memory_space<vmem_shared>>
      tpu.enqueue_dma source(%arg8 : memref<96x128xf32, #tpu.memory_space<vmem>>) target(%dma_start3A_285 : memref<96x128xf32, #tpu.memory_space<vmem_shared>>) target_semaphore(%run_scoped3A : memref<!tpu.dma_semaphore, #tpu.memory_space<semaphore_mem>>)
      %dma_wait3A_286 = arith.constant 0 : i32
      %dma_wait3A_287 = tpu.memref_slice %arg29[%add3A_16, %dma_wait3A_286] : memref<10112x128xf32, #tpu.memory_space<vmem_shared>> -> memref<96x128xf32, #tpu.memory_space<vmem_shared>>
      %dma_wait3A_288 = arith.constant 0 : i32
      %dma_wait3A_289 = tpu.memref_slice %arg29[%add3A_16, %dma_wait3A_288] : memref<10112x128xf32, #tpu.memory_space<vmem_shared>> -> memref<96x128xf32, #tpu.memory_space<vmem_shared>>
      tpu.wait_dma2 semaphore(%run_scoped3A : memref<!tpu.dma_semaphore, #tpu.memory_space<semaphore_mem>>) src(%arg8 : memref<96x128xf32, #tpu.memory_space<vmem>>) dst(%dma_wait3A_289 : memref<96x128xf32, #tpu.memory_space<vmem_shared>>)
      tpu.yield
    }) : () -> ()
    %add3A_17 = arith.constant 384 : i32
    %add3A_18 = arith.addi %mul3A_8, %add3A_17 : i32
    "tpu.region"() ({
      %run_scoped3A = tpu.sem_alloc : memref<!tpu.dma_semaphore, #tpu.memory_space<semaphore_mem>>
      %dma_start3A_282 = arith.constant 0 : i32
      %dma_start3A_283 = tpu.memref_slice %arg29[%add3A_18, %dma_start3A_282] : memref<10112x128xf32, #tpu.memory_space<vmem_shared>> -> memref<96x128xf32, #tpu.memory_space<vmem_shared>>
      %dma_start3A_284 = arith.constant 0 : i32
      %dma_start3A_285 = tpu.memref_slice %arg29[%add3A_18, %dma_start3A_284] : memref<10112x128xf32, #tpu.memory_space<vmem_shared>> -> memref<96x128xf32, #tpu.memory_space<vmem_shared>>
      tpu.enqueue_dma source(%arg8 : memref<96x128xf32, #tpu.memory_space<vmem>>) target(%dma_start3A_285 : memref<96x128xf32, #tpu.memory_space<vmem_shared>>) target_semaphore(%run_scoped3A : memref<!tpu.dma_semaphore, #tpu.memory_space<semaphore_mem>>)
      %dma_wait3A_286 = arith.constant 0 : i32
      %dma_wait3A_287 = tpu.memref_slice %arg29[%add3A_18, %dma_wait3A_286] : memref<10112x128xf32, #tpu.memory_space<vmem_shared>> -> memref<96x128xf32, #tpu.memory_space<vmem_shared>>
      %dma_wait3A_288 = arith.constant 0 : i32
      %dma_wait3A_289 = tpu.memref_slice %arg29[%add3A_18, %dma_wait3A_288] : memref<10112x128xf32, #tpu.memory_space<vmem_shared>> -> memref<96x128xf32, #tpu.memory_space<vmem_shared>>
      tpu.wait_dma2 semaphore(%run_scoped3A : memref<!tpu.dma_semaphore, #tpu.memory_space<semaphore_mem>>) src(%arg8 : memref<96x128xf32, #tpu.memory_space<vmem>>) dst(%dma_wait3A_289 : memref<96x128xf32, #tpu.memory_space<vmem_shared>>)
      tpu.yield
    }) : () -> ()
    %add3A_19 = arith.constant 480 : i32
    %add3A_20 = arith.addi %mul3A_8, %add3A_19 : i32
    "tpu.region"() ({
      %run_scoped3A = tpu.sem_alloc : memref<!tpu.dma_semaphore, #tpu.memory_space<semaphore_mem>>
      %dma_start3A_282 = arith.constant 0 : i32
      %dma_start3A_283 = tpu.memref_slice %arg29[%add3A_20, %dma_start3A_282] : memref<10112x128xf32, #tpu.memory_space<vmem_shared>> -> memref<96x128xf32, #tpu.memory_space<vmem_shared>>
      %dma_start3A_284 = arith.constant 0 : i32
      %dma_start3A_285 = tpu.memref_slice %arg29[%add3A_20, %dma_start3A_284] : memref<10112x128xf32, #tpu.memory_space<vmem_shared>> -> memref<96x128xf32, #tpu.memory_space<vmem_shared>>
      tpu.enqueue_dma source(%arg8 : memref<96x128xf32, #tpu.memory_space<vmem>>) target(%dma_start3A_285 : memref<96x128xf32, #tpu.memory_space<vmem_shared>>) target_semaphore(%run_scoped3A : memref<!tpu.dma_semaphore, #tpu.memory_space<semaphore_mem>>)
      %dma_wait3A_286 = arith.constant 0 : i32
      %dma_wait3A_287 = tpu.memref_slice %arg29[%add3A_20, %dma_wait3A_286] : memref<10112x128xf32, #tpu.memory_space<vmem_shared>> -> memref<96x128xf32, #tpu.memory_space<vmem_shared>>
      %dma_wait3A_288 = arith.constant 0 : i32
      %dma_wait3A_289 = tpu.memref_slice %arg29[%add3A_20, %dma_wait3A_288] : memref<10112x128xf32, #tpu.memory_space<vmem_shared>> -> memref<96x128xf32, #tpu.memory_space<vmem_shared>>
      tpu.wait_dma2 semaphore(%run_scoped3A : memref<!tpu.dma_semaphore, #tpu.memory_space<semaphore_mem>>) src(%arg8 : memref<96x128xf32, #tpu.memory_space<vmem>>) dst(%dma_wait3A_289 : memref<96x128xf32, #tpu.memory_space<vmem_shared>>)
      tpu.yield
    }) : () -> ()
    %add3A_21 = arith.constant 576 : i32
    %add3A_22 = arith.addi %mul3A_8, %add3A_21 : i32
    "tpu.region"() ({
      %run_scoped3A = tpu.sem_alloc : memref<!tpu.dma_semaphore, #tpu.memory_space<semaphore_mem>>
      %dma_start3A_282 = arith.constant 0 : i32
      %dma_start3A_283 = arith.constant 0 : i32
      %dma_start3A_284 = tpu.memref_slice %arg8[%dma_start3A_282, %dma_start3A_283] : memref<96x128xf32, #tpu.memory_space<vmem>> -> memref<56x128xf32, #tpu.memory_space<vmem>>
      %dma_start3A_285 = arith.constant 0 : i32
      %dma_start3A_286 = tpu.memref_slice %arg29[%add3A_22, %dma_start3A_285] : memref<10112x128xf32, #tpu.memory_space<vmem_shared>> -> memref<56x128xf32, #tpu.memory_space<vmem_shared>>
      %dma_start3A_287 = arith.constant 0 : i32
      %dma_start3A_288 = tpu.memref_slice %arg29[%add3A_22, %dma_start3A_287] : memref<10112x128xf32, #tpu.memory_space<vmem_shared>> -> memref<56x128xf32, #tpu.memory_space<vmem_shared>>
      %dma_start3A_289 = arith.constant 0 : i32
      %dma_start3A_290 = arith.constant 0 : i32
      %dma_start3A_291 = tpu.memref_slice %arg8[%dma_start3A_289, %dma_start3A_290] : memref<96x128xf32, #tpu.memory_space<vmem>> -> memref<56x128xf32, #tpu.memory_space<vmem>>
      tpu.enqueue_dma source(%dma_start3A_291 : memref<56x128xf32, #tpu.memory_space<vmem>>) target(%dma_start3A_288 : memref<56x128xf32, #tpu.memory_space<vmem_shared>>) target_semaphore(%run_scoped3A : memref<!tpu.dma_semaphore, #tpu.memory_space<semaphore_mem>>)
      %dma_wait3A_292 = arith.constant 0 : i32
      %dma_wait3A_293 = arith.constant 0 : i32
      %dma_wait3A_294 = tpu.memref_slice %arg8[%dma_wait3A_292, %dma_wait3A_293] : memref<96x128xf32, #tpu.memory_space<vmem>> -> memref<56x128xf32, #tpu.memory_space<vmem>>
      %dma_wait3A_295 = arith.constant 0 : i32
      %dma_wait3A_296 = tpu.memref_slice %arg29[%add3A_22, %dma_wait3A_295] : memref<10112x128xf32, #tpu.memory_space<vmem_shared>> -> memref<56x128xf32, #tpu.memory_space<vmem_shared>>
      %dma_wait3A_297 = arith.constant 0 : i32
      %dma_wait3A_298 = tpu.memref_slice %arg29[%add3A_22, %dma_wait3A_297] : memref<10112x128xf32, #tpu.memory_space<vmem_shared>> -> memref<56x128xf32, #tpu.memory_space<vmem_shared>>
      %dma_wait3A_299 = arith.constant 0 : i32
      %dma_wait3A_300 = arith.constant 0 : i32
      %dma_wait3A_301 = tpu.memref_slice %arg8[%dma_wait3A_299, %dma_wait3A_300] : memref<96x128xf32, #tpu.memory_space<vmem>> -> memref<56x128xf32, #tpu.memory_space<vmem>>
      tpu.wait_dma2 semaphore(%run_scoped3A : memref<!tpu.dma_semaphore, #tpu.memory_space<semaphore_mem>>) src(%dma_wait3A_301 : memref<56x128xf32, #tpu.memory_space<vmem>>) dst(%dma_wait3A_298 : memref<56x128xf32, #tpu.memory_space<vmem_shared>>)
      tpu.yield
    }) : () -> ()
    %barrier3A = arith.constant 0 : index
    tpu.barrier barrier_id(%barrier3A)
    %mul3A_23 = arith.constant 5000 : i32
    %mul3A_24 = arith.muli %add3A, %mul3A_23 : i32
    "tpu.region"() ({
      %run_scoped3A = tpu.sem_alloc : memref<!tpu.dma_semaphore, #tpu.memory_space<semaphore_mem>>
      %dma_start3A_282 = tpu.memref_slice %arg4[%mul3A_24] : memref<320000xi32, #tpu.memory_space<hbm>> -> memref<5000xi32, #tpu.memory_space<hbm>>
      %dma_start3A_283 = tpu.memref_slice %arg4[%mul3A_24] : memref<320000xi32, #tpu.memory_space<hbm>> -> memref<5000xi32, #tpu.memory_space<hbm>>
      tpu.enqueue_dma source(%dma_start3A_283 : memref<5000xi32, #tpu.memory_space<hbm>>) target(%arg6 : memref<5000xi32, #tpu.memory_space<vmem>>) target_semaphore(%run_scoped3A : memref<!tpu.dma_semaphore, #tpu.memory_space<semaphore_mem>>)
      %dma_wait3A_284 = tpu.memref_slice %arg4[%mul3A_24] : memref<320000xi32, #tpu.memory_space<hbm>> -> memref<5000xi32, #tpu.memory_space<hbm>>
      %dma_wait3A_285 = tpu.memref_slice %arg4[%mul3A_24] : memref<320000xi32, #tpu.memory_space<hbm>> -> memref<5000xi32, #tpu.memory_space<hbm>>
      tpu.wait_dma2 semaphore(%run_scoped3A : memref<!tpu.dma_semaphore, #tpu.memory_space<semaphore_mem>>) src(%dma_wait3A_285 : memref<5000xi32, #tpu.memory_space<hbm>>) dst(%arg6 : memref<5000xi32, #tpu.memory_space<vmem>>)
      tpu.yield
    }) : () -> ()
    %add3A_25 = arith.constant 160000 : i32
    %add3A_26 = arith.addi %add3A_25, %mul3A_24 : i32
    "tpu.region"() ({
      %run_scoped3A = tpu.sem_alloc : memref<!tpu.dma_semaphore, #tpu.memory_space<semaphore_mem>>
      %dma_start3A_282 = tpu.memref_slice %arg4[%add3A_26] : memref<320000xi32, #tpu.memory_space<hbm>> -> memref<5000xi32, #tpu.memory_space<hbm>>
      %dma_start3A_283 = tpu.memref_slice %arg4[%add3A_26] : memref<320000xi32, #tpu.memory_space<hbm>> -> memref<5000xi32, #tpu.memory_space<hbm>>
      tpu.enqueue_dma source(%dma_start3A_283 : memref<5000xi32, #tpu.memory_space<hbm>>) target(%arg7 : memref<5000xi32, #tpu.memory_space<vmem>>) target_semaphore(%run_scoped3A : memref<!tpu.dma_semaphore, #tpu.memory_space<semaphore_mem>>)
      %dma_wait3A_284 = tpu.memref_slice %arg4[%add3A_26] : memref<320000xi32, #tpu.memory_space<hbm>> -> memref<5000xi32, #tpu.memory_space<hbm>>
      %dma_wait3A_285 = tpu.memref_slice %arg4[%add3A_26] : memref<320000xi32, #tpu.memory_space<hbm>> -> memref<5000xi32, #tpu.memory_space<hbm>>
      tpu.wait_dma2 semaphore(%run_scoped3A : memref<!tpu.dma_semaphore, #tpu.memory_space<semaphore_mem>>) src(%dma_wait3A_285 : memref<5000xi32, #tpu.memory_space<hbm>>) dst(%arg7 : memref<5000xi32, #tpu.memory_space<vmem>>)
      tpu.yield
    }) : () -> ()
    %iota3A = tpu.iota {dimensions = array<i32: 0>} : vector<16xi32>
    %get3A = arith.constant 0 : index
    %get3A_27 = tpu.vector_load %arg6[%get3A] {strides = array<i32>} : memref<5000xi32, #tpu.memory_space<vmem>>, vector<16xi32>,
    %get3A_28 = vector.shape_cast %get3A_27 : vector<16xi32> to vector<16xi32>
    %swap3A = arith.constant 0 : index
    %swap3A_29 = tpu.vector_load %arg11[%swap3A] {strides = array<i32>} : memref<96xi32, #tpu.memory_space<vmem>>, vector<16xi32>,
    %swap3A_30 = vector.shape_cast %swap3A_29 : vector<16xi32> to vector<16xi32>
    %swap3A_31 = vector.shape_cast %get3A_28 : vector<16xi32> to vector<16xi32>
    tpu.vector_store %arg11[%swap3A], %swap3A_31 {strides = array<i32>} : memref<96xi32, #tpu.memory_space<vmem>>, vector<16xi32>,
    %add3A_32 = arith.constant 0 : i32
    %add3A_33 = arith.addi %mul3A_24, %add3A_32 : i32
    %add3A_34 = arith.constant 0 : i32
    %add3A_35 = arith.addi %add3A_33, %add3A_34 : i32
    %add3A_36 = vector.broadcast %add3A_35 : i32 to vector<16xi32>
    %add3A_37 = arith.addi %add3A_36, %iota3A : vector<16xi32>
    %swap3A_38 = arith.constant 0 : index
    %swap3A_39 = tpu.vector_load %arg14[%swap3A_38] {strides = array<i32>} : memref<96xi32, #tpu.memory_space<vmem>>, vector<16xi32>,
    %swap3A_40 = vector.shape_cast %swap3A_39 : vector<16xi32> to vector<16xi32>
    %swap3A_41 = vector.shape_cast %add3A_37 : vector<16xi32> to vector<16xi32>
    tpu.vector_store %arg14[%swap3A_38], %swap3A_41 {strides = array<i32>} : memref<96xi32, #tpu.memory_space<vmem>>, vector<16xi32>,
    %iota3A_42 = tpu.iota {dimensions = array<i32: 0>} : vector<16xi32>
    %get3A_43 = arith.constant 16 : index
    %get3A_44 = tpu.vector_load %arg6[%get3A_43] {strides = array<i32>} : memref<5000xi32, #tpu.memory_space<vmem>>, vector<16xi32>,
    %get3A_45 = vector.shape_cast %get3A_44 : vector<16xi32> to vector<16xi32>
    %swap3A_46 = arith.constant 16 : index
    %swap3A_47 = tpu.vector_load %arg11[%swap3A_46] {strides = array<i32>} : memref<96xi32, #tpu.memory_space<vmem>>, vector<16xi32>,
    %swap3A_48 = vector.shape_cast %swap3A_47 : vector<16xi32> to vector<16xi32>
    %swap3A_49 = vector.shape_cast %get3A_45 : vector<16xi32> to vector<16xi32>
    tpu.vector_store %arg11[%swap3A_46], %swap3A_49 {strides = array<i32>} : memref<96xi32, #tpu.memory_space<vmem>>, vector<16xi32>,
    %add3A_50 = arith.constant 0 : i32
    %add3A_51 = arith.addi %mul3A_24, %add3A_50 : i32
    %add3A_52 = arith.constant 16 : i32
    %add3A_53 = arith.addi %add3A_51, %add3A_52 : i32
    %add3A_54 = vector.broadcast %add3A_53 : i32 to vector<16xi32>
    %add3A_55 = arith.addi %add3A_54, %iota3A_42 : vector<16xi32>
    %swap3A_56 = arith.constant 16 : index
    %swap3A_57 = tpu.vector_load %arg14[%swap3A_56] {strides = array<i32>} : memref<96xi32, #tpu.memory_space<vmem>>, vector<16xi32>,
    %swap3A_58 = vector.shape_cast %swap3A_57 : vector<16xi32> to vector<16xi32>
    %swap3A_59 = vector.shape_cast %add3A_55 : vector<16xi32> to vector<16xi32>
    tpu.vector_store %arg14[%swap3A_56], %swap3A_59 {strides = array<i32>} : memref<96xi32, #tpu.memory_space<vmem>>, vector<16xi32>,
    %iota3A_60 = tpu.iota {dimensions = array<i32: 0>} : vector<16xi32>
    %get3A_61 = arith.constant 32 : index
    %get3A_62 = tpu.vector_load %arg6[%get3A_61] {strides = array<i32>} : memref<5000xi32, #tpu.memory_space<vmem>>, vector<16xi32>,
    %get3A_63 = vector.shape_cast %get3A_62 : vector<16xi32> to vector<16xi32>
    %swap3A_64 = arith.constant 32 : index
    %swap3A_65 = tpu.vector_load %arg11[%swap3A_64] {strides = array<i32>} : memref<96xi32, #tpu.memory_space<vmem>>, vector<16xi32>,
    %swap3A_66 = vector.shape_cast %swap3A_65 : vector<16xi32> to vector<16xi32>
    %swap3A_67 = vector.shape_cast %get3A_63 : vector<16xi32> to vector<16xi32>
    tpu.vector_store %arg11[%swap3A_64], %swap3A_67 {strides = array<i32>} : memref<96xi32, #tpu.memory_space<vmem>>, vector<16xi32>,
    %add3A_68 = arith.constant 0 : i32
    %add3A_69 = arith.addi %mul3A_24, %add3A_68 : i32
    %add3A_70 = arith.constant 32 : i32
    %add3A_71 = arith.addi %add3A_69, %add3A_70 : i32
    %add3A_72 = vector.broadcast %add3A_71 : i32 to vector<16xi32>
    %add3A_73 = arith.addi %add3A_72, %iota3A_60 : vector<16xi32>
    %swap3A_74 = arith.constant 32 : index
    %swap3A_75 = tpu.vector_load %arg14[%swap3A_74] {strides = array<i32>} : memref<96xi32, #tpu.memory_space<vmem>>, vector<16xi32>,
    %swap3A_76 = vector.shape_cast %swap3A_75 : vector<16xi32> to vector<16xi32>
    %swap3A_77 = vector.shape_cast %add3A_73 : vector<16xi32> to vector<16xi32>
    tpu.vector_store %arg14[%swap3A_74], %swap3A_77 {strides = array<i32>} : memref<96xi32, #tpu.memory_space<vmem>>, vector<16xi32>,
    %iota3A_78 = tpu.iota {dimensions = array<i32: 0>} : vector<16xi32>
    %get3A_79 = arith.constant 48 : index
    %get3A_80 = tpu.vector_load %arg6[%get3A_79] {strides = array<i32>} : memref<5000xi32, #tpu.memory_space<vmem>>, vector<16xi32>,
    %get3A_81 = vector.shape_cast %get3A_80 : vector<16xi32> to vector<16xi32>
    %swap3A_82 = arith.constant 48 : index
    %swap3A_83 = tpu.vector_load %arg11[%swap3A_82] {strides = array<i32>} : memref<96xi32, #tpu.memory_space<vmem>>, vector<16xi32>,
    %swap3A_84 = vector.shape_cast %swap3A_83 : vector<16xi32> to vector<16xi32>
    %swap3A_85 = vector.shape_cast %get3A_81 : vector<16xi32> to vector<16xi32>
    tpu.vector_store %arg11[%swap3A_82], %swap3A_85 {strides = array<i32>} : memref<96xi32, #tpu.memory_space<vmem>>, vector<16xi32>,
    %add3A_86 = arith.constant 0 : i32
    %add3A_87 = arith.addi %mul3A_24, %add3A_86 : i32
    %add3A_88 = arith.constant 48 : i32
    %add3A_89 = arith.addi %add3A_87, %add3A_88 : i32
    %add3A_90 = vector.broadcast %add3A_89 : i32 to vector<16xi32>
    %add3A_91 = arith.addi %add3A_90, %iota3A_78 : vector<16xi32>
    %swap3A_92 = arith.constant 48 : index
    %swap3A_93 = tpu.vector_load %arg14[%swap3A_92] {strides = array<i32>} : memref<96xi32, #tpu.memory_space<vmem>>, vector<16xi32>,
    %swap3A_94 = vector.shape_cast %swap3A_93 : vector<16xi32> to vector<16xi32>
    %swap3A_95 = vector.shape_cast %add3A_91 : vector<16xi32> to vector<16xi32>
    tpu.vector_store %arg14[%swap3A_92], %swap3A_95 {strides = array<i32>} : memref<96xi32, #tpu.memory_space<vmem>>, vector<16xi32>,
    %iota3A_96 = tpu.iota {dimensions = array<i32: 0>} : vector<16xi32>
    %get3A_97 = arith.constant 64 : index
    %get3A_98 = tpu.vector_load %arg6[%get3A_97] {strides = array<i32>} : memref<5000xi32, #tpu.memory_space<vmem>>, vector<16xi32>,
    %get3A_99 = vector.shape_cast %get3A_98 : vector<16xi32> to vector<16xi32>
    %swap3A_100 = arith.constant 64 : index
    %swap3A_101 = tpu.vector_load %arg11[%swap3A_100] {strides = array<i32>} : memref<96xi32, #tpu.memory_space<vmem>>, vector<16xi32>,
    %swap3A_102 = vector.shape_cast %swap3A_101 : vector<16xi32> to vector<16xi32>
    %swap3A_103 = vector.shape_cast %get3A_99 : vector<16xi32> to vector<16xi32>
    tpu.vector_store %arg11[%swap3A_100], %swap3A_103 {strides = array<i32>} : memref<96xi32, #tpu.memory_space<vmem>>, vector<16xi32>,
    %add3A_104 = arith.constant 0 : i32
    %add3A_105 = arith.addi %mul3A_24, %add3A_104 : i32
    %add3A_106 = arith.constant 64 : i32
    %add3A_107 = arith.addi %add3A_105, %add3A_106 : i32
    %add3A_108 = vector.broadcast %add3A_107 : i32 to vector<16xi32>
    %add3A_109 = arith.addi %add3A_108, %iota3A_96 : vector<16xi32>
    %swap3A_110 = arith.constant 64 : index
    %swap3A_111 = tpu.vector_load %arg14[%swap3A_110] {strides = array<i32>} : memref<96xi32, #tpu.memory_space<vmem>>, vector<16xi32>,
    %swap3A_112 = vector.shape_cast %swap3A_111 : vector<16xi32> to vector<16xi32>
    %swap3A_113 = vector.shape_cast %add3A_109 : vector<16xi32> to vector<16xi32>
    tpu.vector_store %arg14[%swap3A_110], %swap3A_113 {strides = array<i32>} : memref<96xi32, #tpu.memory_space<vmem>>, vector<16xi32>,
    %iota3A_114 = tpu.iota {dimensions = array<i32: 0>} : vector<16xi32>
    %get3A_115 = arith.constant 80 : index
    %get3A_116 = tpu.vector_load %arg6[%get3A_115] {strides = array<i32>} : memref<5000xi32, #tpu.memory_space<vmem>>, vector<16xi32>,
    %get3A_117 = vector.shape_cast %get3A_116 : vector<16xi32> to vector<16xi32>
    %swap3A_118 = arith.constant 80 : index
    %swap3A_119 = tpu.vector_load %arg11[%swap3A_118] {strides = array<i32>} : memref<96xi32, #tpu.memory_space<vmem>>, vector<16xi32>,
    %swap3A_120 = vector.shape_cast %swap3A_119 : vector<16xi32> to vector<16xi32>
    %swap3A_121 = vector.shape_cast %get3A_117 : vector<16xi32> to vector<16xi32>
    tpu.vector_store %arg11[%swap3A_118], %swap3A_121 {strides = array<i32>} : memref<96xi32, #tpu.memory_space<vmem>>, vector<16xi32>,
    %add3A_122 = arith.constant 0 : i32
    %add3A_123 = arith.addi %mul3A_24, %add3A_122 : i32
    %add3A_124 = arith.constant 80 : i32
    %add3A_125 = arith.addi %add3A_123, %add3A_124 : i32
    %add3A_126 = vector.broadcast %add3A_125 : i32 to vector<16xi32>
    %add3A_127 = arith.addi %add3A_126, %iota3A_114 : vector<16xi32>
    %swap3A_128 = arith.constant 80 : index
    %swap3A_129 = tpu.vector_load %arg14[%swap3A_128] {strides = array<i32>} : memref<96xi32, #tpu.memory_space<vmem>>, vector<16xi32>,
    %swap3A_130 = vector.shape_cast %swap3A_129 : vector<16xi32> to vector<16xi32>
    %swap3A_131 = vector.shape_cast %add3A_127 : vector<16xi32> to vector<16xi32>
    tpu.vector_store %arg14[%swap3A_128], %swap3A_131 {strides = array<i32>} : memref<96xi32, #tpu.memory_space<vmem>>, vector<16xi32>,
    %dma_start3A = arith.constant 0 : i32
    %dma_start3A_132 = arith.constant 0 : i32
    %dma_start3A_133 = tpu.memref_slice %arg2[%dma_start3A, %dma_start3A_132] : memref<10240x128xf32, #tpu.memory_space<hbm>> -> memref<10240x128xf32, #tpu.memory_space<hbm>>
    tpu.enqueue_indirect_dma source(%dma_start3A_133 : memref<10240x128xf32, #tpu.memory_space<hbm>>) target(%arg8 : memref<96x128xf32, #tpu.memory_space<vmem>>) offsets(%arg11 : memref<96xi32, #tpu.memory_space<vmem>>) semaphore(%arg20 : memref<!tpu.dma_semaphore, #tpu.memory_space<semaphore_mem>>) {add = true}
    %dma_start3A_134 = arith.constant 0 : i32
    %dma_start3A_135 = arith.constant 0 : i32
    %dma_start3A_136 = tpu.memref_slice %arg3[%dma_start3A_134, %dma_start3A_135] : memref<160000x128xf32, #tpu.memory_space<hbm>> -> memref<160000x128xf32, #tpu.memory_space<hbm>>
    tpu.enqueue_indirect_dma source(%dma_start3A_136 : memref<160000x128xf32, #tpu.memory_space<hbm>>) target(%arg8 : memref<96x128xf32, #tpu.memory_space<vmem>>) offsets(%arg14 : memref<96xi32, #tpu.memory_space<vmem>>) semaphore(%arg23 : memref<!tpu.dma_semaphore, #tpu.memory_space<semaphore_mem>>) {add = true}
    %scan3A_137 = arith.constant 0 : i32
    %scan3A_138 = arith.constant 0 : i32
    %scan3A_139 = arith.constant 96 : i32
    %scan3A_140 = arith.addi %scan3A_138, %scan3A_139 : i32
    %scan3A_141 = arith.constant 1 : i32
    %scan3A_142 = scf.for %scan3A_282 = %scan3A_138 to %scan3A_140 step %scan3A_141 iter_args(%scan3A_283 = %scan3A_137) -> (i32)  : i32 {
      %broadcast_in_dim3A = arith.constant 0.000000e+00 : f32
      %broadcast_in_dim3A_284 = vector.broadcast %broadcast_in_dim3A : f32 to vector<16xf32>
      %swap3A_285 = arith.index_cast %scan3A_282 : i32 to index
      %swap3A_286 = arith.constant 0 : index
      %swap3A_287 = tpu.vector_load %arg9[%swap3A_285, %swap3A_286] {strides = array<i32>} : memref<96x128xf32, #tpu.memory_space<vmem>>, vector<1x16xf32>,
      %swap3A_288 = vector.shape_cast %swap3A_287 : vector<1x16xf32> to vector<16xf32>
      %swap3A_289 = vector.shape_cast %broadcast_in_dim3A_284 : vector<16xf32> to vector<1x16xf32>
      tpu.vector_store %arg9[%swap3A_285, %swap3A_286], %swap3A_289 {strides = array<i32>} : memref<96x128xf32, #tpu.memory_space<vmem>>, vector<1x16xf32>,
      %broadcast_in_dim3A_290 = arith.constant 0.000000e+00 : f32
      %broadcast_in_dim3A_291 = vector.broadcast %broadcast_in_dim3A_290 : f32 to vector<16xf32>
      %swap3A_292 = arith.index_cast %scan3A_282 : i32 to index
      %swap3A_293 = arith.constant 16 : index
      %swap3A_294 = tpu.vector_load %arg9[%swap3A_292, %swap3A_293] {strides = array<i32>} : memref<96x128xf32, #tpu.memory_space<vmem>>, vector<1x16xf32>,
      %swap3A_295 = vector.shape_cast %swap3A_294 : vector<1x16xf32> to vector<16xf32>
      %swap3A_296 = vector.shape_cast %broadcast_in_dim3A_291 : vector<16xf32> to vector<1x16xf32>
      tpu.vector_store %arg9[%swap3A_292, %swap3A_293], %swap3A_296 {strides = array<i32>} : memref<96x128xf32, #tpu.memory_space<vmem>>, vector<1x16xf32>,
      %broadcast_in_dim3A_297 = arith.constant 0.000000e+00 : f32
      %broadcast_in_dim3A_298 = vector.broadcast %broadcast_in_dim3A_297 : f32 to vector<16xf32>
      %swap3A_299 = arith.index_cast %scan3A_282 : i32 to index
      %swap3A_300 = arith.constant 32 : index
      %swap3A_301 = tpu.vector_load %arg9[%swap3A_299, %swap3A_300] {strides = array<i32>} : memref<96x128xf32, #tpu.memory_space<vmem>>, vector<1x16xf32>,
      %swap3A_302 = vector.shape_cast %swap3A_301 : vector<1x16xf32> to vector<16xf32>
      %swap3A_303 = vector.shape_cast %broadcast_in_dim3A_298 : vector<16xf32> to vector<1x16xf32>
      tpu.vector_store %arg9[%swap3A_299, %swap3A_300], %swap3A_303 {strides = array<i32>} : memref<96x128xf32, #tpu.memory_space<vmem>>, vector<1x16xf32>,
      %broadcast_in_dim3A_304 = arith.constant 0.000000e+00 : f32
      %broadcast_in_dim3A_305 = vector.broadcast %broadcast_in_dim3A_304 : f32 to vector<16xf32>
      %swap3A_306 = arith.index_cast %scan3A_282 : i32 to index
      %swap3A_307 = arith.constant 48 : index
      %swap3A_308 = tpu.vector_load %arg9[%swap3A_306, %swap3A_307] {strides = array<i32>} : memref<96x128xf32, #tpu.memory_space<vmem>>, vector<1x16xf32>,
      %swap3A_309 = vector.shape_cast %swap3A_308 : vector<1x16xf32> to vector<16xf32>
      %swap3A_310 = vector.shape_cast %broadcast_in_dim3A_305 : vector<16xf32> to vector<1x16xf32>
      tpu.vector_store %arg9[%swap3A_306, %swap3A_307], %swap3A_310 {strides = array<i32>} : memref<96x128xf32, #tpu.memory_space<vmem>>, vector<1x16xf32>,
      %broadcast_in_dim3A_311 = arith.constant 0.000000e+00 : f32
      %broadcast_in_dim3A_312 = vector.broadcast %broadcast_in_dim3A_311 : f32 to vector<16xf32>
      %swap3A_313 = arith.index_cast %scan3A_282 : i32 to index
      %swap3A_314 = arith.constant 64 : index
      %swap3A_315 = tpu.vector_load %arg9[%swap3A_313, %swap3A_314] {strides = array<i32>} : memref<96x128xf32, #tpu.memory_space<vmem>>, vector<1x16xf32>,
      %swap3A_316 = vector.shape_cast %swap3A_315 : vector<1x16xf32> to vector<16xf32>
      %swap3A_317 = vector.shape_cast %broadcast_in_dim3A_312 : vector<16xf32> to vector<1x16xf32>
      tpu.vector_store %arg9[%swap3A_313, %swap3A_314], %swap3A_317 {strides = array<i32>} : memref<96x128xf32, #tpu.memory_space<vmem>>, vector<1x16xf32>,
      %broadcast_in_dim3A_318 = arith.constant 0.000000e+00 : f32
      %broadcast_in_dim3A_319 = vector.broadcast %broadcast_in_dim3A_318 : f32 to vector<16xf32>
      %swap3A_320 = arith.index_cast %scan3A_282 : i32 to index
      %swap3A_321 = arith.constant 80 : index
      %swap3A_322 = tpu.vector_load %arg9[%swap3A_320, %swap3A_321] {strides = array<i32>} : memref<96x128xf32, #tpu.memory_space<vmem>>, vector<1x16xf32>,
      %swap3A_323 = vector.shape_cast %swap3A_322 : vector<1x16xf32> to vector<16xf32>
      %swap3A_324 = vector.shape_cast %broadcast_in_dim3A_319 : vector<16xf32> to vector<1x16xf32>
      tpu.vector_store %arg9[%swap3A_320, %swap3A_321], %swap3A_324 {strides = array<i32>} : memref<96x128xf32, #tpu.memory_space<vmem>>, vector<1x16xf32>,
      %broadcast_in_dim3A_325 = arith.constant 0.000000e+00 : f32
      %broadcast_in_dim3A_326 = vector.broadcast %broadcast_in_dim3A_325 : f32 to vector<16xf32>
      %swap3A_327 = arith.index_cast %scan3A_282 : i32 to index
      %swap3A_328 = arith.constant 96 : index
      %swap3A_329 = tpu.vector_load %arg9[%swap3A_327, %swap3A_328] {strides = array<i32>} : memref<96x128xf32, #tpu.memory_space<vmem>>, vector<1x16xf32>,
      %swap3A_330 = vector.shape_cast %swap3A_329 : vector<1x16xf32> to vector<16xf32>
      %swap3A_331 = vector.shape_cast %broadcast_in_dim3A_326 : vector<16xf32> to vector<1x16xf32>
      tpu.vector_store %arg9[%swap3A_327, %swap3A_328], %swap3A_331 {strides = array<i32>} : memref<96x128xf32, #tpu.memory_space<vmem>>, vector<1x16xf32>,
      %broadcast_in_dim3A_332 = arith.constant 0.000000e+00 : f32
      %broadcast_in_dim3A_333 = vector.broadcast %broadcast_in_dim3A_332 : f32 to vector<16xf32>
      %swap3A_334 = arith.index_cast %scan3A_282 : i32 to index
      %swap3A_335 = arith.constant 112 : index
      %swap3A_336 = tpu.vector_load %arg9[%swap3A_334, %swap3A_335] {strides = array<i32>} : memref<96x128xf32, #tpu.memory_space<vmem>>, vector<1x16xf32>,
      %swap3A_337 = vector.shape_cast %swap3A_336 : vector<1x16xf32> to vector<16xf32>
      %swap3A_338 = vector.shape_cast %broadcast_in_dim3A_333 : vector<16xf32> to vector<1x16xf32>
      tpu.vector_store %arg9[%swap3A_334, %swap3A_335], %swap3A_338 {strides = array<i32>} : memref<96x128xf32, #tpu.memory_space<vmem>>, vector<1x16xf32>,
      %scan3A_339 = arith.constant 0 : i32
      scf.yield %scan3A_339 : i32
    }
    %scan3A_143 = arith.constant 96 : i32
    %iota3A_144 = tpu.iota {dimensions = array<i32: 0>} : vector<16xi32>
    %get3A_145 = arith.constant 96 : index
    %get3A_146 = tpu.vector_load %arg6[%get3A_145] {strides = array<i32>} : memref<5000xi32, #tpu.memory_space<vmem>>, vector<16xi32>,
    %get3A_147 = vector.shape_cast %get3A_146 : vector<16xi32> to vector<16xi32>
    %swap3A_148 = arith.constant 0 : index
    %swap3A_149 = tpu.vector_load %arg12[%swap3A_148] {strides = array<i32>} : memref<96xi32, #tpu.memory_space<vmem>>, vector<16xi32>,
    %swap3A_150 = vector.shape_cast %swap3A_149 : vector<16xi32> to vector<16xi32>
    %swap3A_151 = vector.shape_cast %get3A_147 : vector<16xi32> to vector<16xi32>
    tpu.vector_store %arg12[%swap3A_148], %swap3A_151 {strides = array<i32>} : memref<96xi32, #tpu.memory_space<vmem>>, vector<16xi32>,
    %add3A_152 = arith.constant 96 : i32
    %add3A_153 = arith.addi %mul3A_24, %add3A_152 : i32
    %add3A_154 = arith.constant 0 : i32
    %add3A_155 = arith.addi %add3A_153, %add3A_154 : i32
    %add3A_156 = vector.broadcast %add3A_155 : i32 to vector<16xi32>
    %add3A_157 = arith.addi %add3A_156, %iota3A_144 : vector<16xi32>
    %swap3A_158 = arith.constant 0 : index
    %swap3A_159 = tpu.vector_load %arg15[%swap3A_158] {strides = array<i32>} : memref<96xi32, #tpu.memory_space<vmem>>, vector<16xi32>,
    %swap3A_160 = vector.shape_cast %swap3A_159 : vector<16xi32> to vector<16xi32>
    %swap3A_161 = vector.shape_cast %add3A_157 : vector<16xi32> to vector<16xi32>
    tpu.vector_store %arg15[%swap3A_158], %swap3A_161 {strides = array<i32>} : memref<96xi32, #tpu.memory_space<vmem>>, vector<16xi32>,
    %iota3A_162 = tpu.iota {dimensions = array<i32: 0>} : vector<16xi32>
    %get3A_163 = arith.constant 112 : index
    %get3A_164 = tpu.vector_load %arg6[%get3A_163] {strides = array<i32>} : memref<5000xi32, #tpu.memory_space<vmem>>, vector<16xi32>,
    %get3A_165 = vector.shape_cast %get3A_164 : vector<16xi32> to vector<16xi32>
    %swap3A_166 = arith.constant 16 : index
    %swap3A_167 = tpu.vector_load %arg12[%swap3A_166] {strides = array<i32>} : memref<96xi32, #tpu.memory_space<vmem>>, vector<16xi32>,
    %swap3A_168 = vector.shape_cast %swap3A_167 : vector<16xi32> to vector<16xi32>
    %swap3A_169 = vector.shape_cast %get3A_165 : vector<16xi32> to vector<16xi32>
    tpu.vector_store %arg12[%swap3A_166], %swap3A_169 {strides = array<i32>} : memref<96xi32, #tpu.memory_space<vmem>>, vector<16xi32>,
    %add3A_170 = arith.constant 96 : i32
    %add3A_171 = arith.addi %mul3A_24, %add3A_170 : i32
    %add3A_172 = arith.constant 16 : i32
    %add3A_173 = arith.addi %add3A_171, %add3A_172 : i32
    %add3A_174 = vector.broadcast %add3A_173 : i32 to vector<16xi32>
    %add3A_175 = arith.addi %add3A_174, %iota3A_162 : vector<16xi32>
    %swap3A_176 = arith.constant 16 : index
    %swap3A_177 = tpu.vector_load %arg15[%swap3A_176] {strides = array<i32>} : memref<96xi32, #tpu.memory_space<vmem>>, vector<16xi32>,
    %swap3A_178 = vector.shape_cast %swap3A_177 : vector<16xi32> to vector<16xi32>
    %swap3A_179 = vector.shape_cast %add3A_175 : vector<16xi32> to vector<16xi32>
    tpu.vector_store %arg15[%swap3A_176], %swap3A_179 {strides = array<i32>} : memref<96xi32, #tpu.memory_space<vmem>>, vector<16xi32>,
    %iota3A_180 = tpu.iota {dimensions = array<i32: 0>} : vector<16xi32>
    %get3A_181 = arith.constant 128 : index
    %get3A_182 = tpu.vector_load %arg6[%get3A_181] {strides = array<i32>} : memref<5000xi32, #tpu.memory_space<vmem>>, vector<16xi32>,
    %get3A_183 = vector.shape_cast %get3A_182 : vector<16xi32> to vector<16xi32>
    %swap3A_184 = arith.constant 32 : index
    %swap3A_185 = tpu.vector_load %arg12[%swap3A_184] {strides = array<i32>} : memref<96xi32, #tpu.memory_space<vmem>>, vector<16xi32>,
    %swap3A_186 = vector.shape_cast %swap3A_185 : vector<16xi32> to vector<16xi32>
    %swap3A_187 = vector.shape_cast %get3A_183 : vector<16xi32> to vector<16xi32>
    tpu.vector_store %arg12[%swap3A_184], %swap3A_187 {strides = array<i32>} : memref<96xi32, #tpu.memory_space<vmem>>, vector<16xi32>,
    %add3A_188 = arith.constant 96 : i32
    %add3A_189 = arith.addi %mul3A_24, %add3A_188 : i32
    %add3A_190 = arith.constant 32 : i32
    %add3A_191 = arith.addi %add3A_189, %add3A_190 : i32
    %add3A_192 = vector.broadcast %add3A_191 : i32 to vector<16xi32>
    %add3A_193 = arith.addi %add3A_192, %iota3A_180 : vector<16xi32>
    %swap3A_194 = arith.constant 32 : index
    %swap3A_195 = tpu.vector_load %arg15[%swap3A_194] {strides = array<i32>} : memref<96xi32, #tpu.memory_space<vmem>>, vector<16xi32>,
    %swap3A_196 = vector.shape_cast %swap3A_195 : vector<16xi32> to vector<16xi32>
    %swap3A_197 = vector.shape_cast %add3A_193 : vector<16xi32> to vector<16xi32>
    tpu.vector_store %arg15[%swap3A_194], %swap3A_197 {strides = array<i32>} : memref<96xi32, #tpu.memory_space<vmem>>, vector<16xi32>,
    %iota3A_198 = tpu.iota {dimensions = array<i32: 0>} : vector<16xi32>
    %get3A_199 = arith.constant 144 : index
    %get3A_200 = tpu.vector_load %arg6[%get3A_199] {strides = array<i32>} : memref<5000xi32, #tpu.memory_space<vmem>>, vector<16xi32>,
    %get3A_201 = vector.shape_cast %get3A_200 : vector<16xi32> to vector<16xi32>
    %swap3A_202 = arith.constant 48 : index
    %swap3A_203 = tpu.vector_load %arg12[%swap3A_202] {strides = array<i32>} : memref<96xi32, #tpu.memory_space<vmem>>, vector<16xi32>,
    %swap3A_204 = vector.shape_cast %swap3A_203 : vector<16xi32> to vector<16xi32>
    %swap3A_205 = vector.shape_cast %get3A_201 : vector<16xi32> to vector<16xi32>
    tpu.vector_store %arg12[%swap3A_202], %swap3A_205 {strides = array<i32>} : memref<96xi32, #tpu.memory_space<vmem>>, vector<16xi32>,
    %add3A_206 = arith.constant 96 : i32
    %add3A_207 = arith.addi %mul3A_24, %add3A_206 : i32
    %add3A_208 = arith.constant 48 : i32
    %add3A_209 = arith.addi %add3A_207, %add3A_208 : i32
    %add3A_210 = vector.broadcast %add3A_209 : i32 to vector<16xi32>
    %add3A_211 = arith.addi %add3A_210, %iota3A_198 : vector<16xi32>
    %swap3A_212 = arith.constant 48 : index
    %swap3A_213 = tpu.vector_load %arg15[%swap3A_212] {strides = array<i32>} : memref<96xi32, #tpu.memory_space<vmem>>, vector<16xi32>,
    %swap3A_214 = vector.shape_cast %swap3A_213 : vector<16xi32> to vector<16xi32>
    %swap3A_215 = vector.shape_cast %add3A_211 : vector<16xi32> to vector<16xi32>
    tpu.vector_store %arg15[%swap3A_212], %swap3A_215 {strides = array<i32>} : memref<96xi32, #tpu.memory_space<vmem>>, vector<16xi32>,
    %iota3A_216 = tpu.iota {dimensions = array<i32: 0>} : vector<16xi32>
    %get3A_217 = arith.constant 160 : index
    %get3A_218 = tpu.vector_load %arg6[%get3A_217] {strides = array<i32>} : memref<5000xi32, #tpu.memory_space<vmem>>, vector<16xi32>,
    %get3A_219 = vector.shape_cast %get3A_218 : vector<16xi32> to vector<16xi32>
    %swap3A_220 = arith.constant 64 : index
    %swap3A_221 = tpu.vector_load %arg12[%swap3A_220] {strides = array<i32>} : memref<96xi32, #tpu.memory_space<vmem>>, vector<16xi32>,
    %swap3A_222 = vector.shape_cast %swap3A_221 : vector<16xi32> to vector<16xi32>
    %swap3A_223 = vector.shape_cast %get3A_219 : vector<16xi32> to vector<16xi32>
    tpu.vector_store %arg12[%swap3A_220], %swap3A_223 {strides = array<i32>} : memref<96xi32, #tpu.memory_space<vmem>>, vector<16xi32>,
    %add3A_224 = arith.constant 96 : i32
    %add3A_225 = arith.addi %mul3A_24, %add3A_224 : i32
    %add3A_226 = arith.constant 64 : i32
    %add3A_227 = arith.addi %add3A_225, %add3A_226 : i32
    %add3A_228 = vector.broadcast %add3A_227 : i32 to vector<16xi32>
    %add3A_229 = arith.addi %add3A_228, %iota3A_216 : vector<16xi32>
    %swap3A_230 = arith.constant 64 : index
    %swap3A_231 = tpu.vector_load %arg15[%swap3A_230] {strides = array<i32>} : memref<96xi32, #tpu.memory_space<vmem>>, vector<16xi32>,
    %swap3A_232 = vector.shape_cast %swap3A_231 : vector<16xi32> to vector<16xi32>
    %swap3A_233 = vector.shape_cast %add3A_229 : vector<16xi32> to vector<16xi32>
    tpu.vector_store %arg15[%swap3A_230], %swap3A_233 {strides = array<i32>} : memref<96xi32, #tpu.memory_space<vmem>>, vector<16xi32>,
    %iota3A_234 = tpu.iota {dimensions = array<i32: 0>} : vector<16xi32>
    %get3A_235 = arith.constant 176 : index
    %get3A_236 = tpu.vector_load %arg6[%get3A_235] {strides = array<i32>} : memref<5000xi32, #tpu.memory_space<vmem>>, vector<16xi32>,
    %get3A_237 = vector.shape_cast %get3A_236 : vector<16xi32> to vector<16xi32>
    %swap3A_238 = arith.constant 80 : index
    %swap3A_239 = tpu.vector_load %arg12[%swap3A_238] {strides = array<i32>} : memref<96xi32, #tpu.memory_space<vmem>>, vector<16xi32>,
    %swap3A_240 = vector.shape_cast %swap3A_239 : vector<16xi32> to vector<16xi32>
    %swap3A_241 = vector.shape_cast %get3A_237 : vector<16xi32> to vector<16xi32>
    tpu.vector_store %arg12[%swap3A_238], %swap3A_241 {strides = array<i32>} : memref<96xi32, #tpu.memory_space<vmem>>, vector<16xi32>,
    %add3A_242 = arith.constant 96 : i32
    %add3A_243 = arith.addi %mul3A_24, %add3A_242 : i32
    %add3A_244 = arith.constant 80 : i32
    %add3A_245 = arith.addi %add3A_243, %add3A_244 : i32
    %add3A_246 = vector.broadcast %add3A_245 : i32 to vector<16xi32>
    %add3A_247 = arith.addi %add3A_246, %iota3A_234 : vector<16xi32>
    %swap3A_248 = arith.constant 80 : index
    %swap3A_249 = tpu.vector_load %arg15[%swap3A_248] {strides = array<i32>} : memref<96xi32, #tpu.memory_space<vmem>>, vector<16xi32>,
    %swap3A_250 = vector.shape_cast %swap3A_249 : vector<16xi32> to vector<16xi32>
    %swap3A_251 = vector.shape_cast %add3A_247 : vector<16xi32> to vector<16xi32>
    tpu.vector_store %arg15[%swap3A_248], %swap3A_251 {strides = array<i32>} : memref<96xi32, #tpu.memory_space<vmem>>, vector<16xi32>,
    %dma_start3A_252 = arith.constant 0 : i32
    %dma_start3A_253 = arith.constant 0 : i32
    %dma_start3A_254 = tpu.memref_slice %arg2[%dma_start3A_252, %dma_start3A_253] : memref<10240x128xf32, #tpu.memory_space<hbm>> -> memref<10240x128xf32, #tpu.memory_space<hbm>>
    tpu.enqueue_indirect_dma source(%dma_start3A_254 : memref<10240x128xf32, #tpu.memory_space<hbm>>) target(%arg9 : memref<96x128xf32, #tpu.memory_space<vmem>>) offsets(%arg12 : memref<96xi32, #tpu.memory_space<vmem>>) semaphore(%arg21 : memref<!tpu.dma_semaphore, #tpu.memory_space<semaphore_mem>>) {add = true}
    %dma_start3A_255 = arith.constant 0 : i32
    %dma_start3A_256 = arith.constant 0 : i32
    %dma_start3A_257 = tpu.memref_slice %arg3[%dma_start3A_255, %dma_start3A_256] : memref<160000x128xf32, #tpu.memory_space<hbm>> -> memref<160000x128xf32, #tpu.memory_space<hbm>>
    tpu.enqueue_indirect_dma source(%dma_start3A_257 : memref<160000x128xf32, #tpu.memory_space<hbm>>) target(%arg9 : memref<96x128xf32, #tpu.memory_space<vmem>>) offsets(%arg15 : memref<96xi32, #tpu.memory_space<vmem>>) semaphore(%arg24 : memref<!tpu.dma_semaphore, #tpu.memory_space<semaphore_mem>>) {add = true}
    %scan3A_258 = arith.constant 0 : i32
    %scan3A_259 = arith.constant 0 : i32
    %scan3A_260 = arith.constant 18 : i32
    %scan3A_261 = arith.addi %scan3A_259, %scan3A_260 : i32
    %scan3A_262 = arith.constant 1 : i32
    %scan3A_263 = scf.for %scan3A_282 = %scan3A_259 to %scan3A_261 step %scan3A_262 iter_args(%scan3A_283 = %scan3A_258) -> (i32)  : i32 {
      %mul3A_284 = arith.constant 3 : i32
      %mul3A_285 = arith.muli %scan3A_282, %mul3A_284 : i32
      %add3A_286 = arith.constant 0 : i32
      %add3A_287 = arith.addi %mul3A_285, %add3A_286 : i32
      %mul3A_288 = arith.constant 96 : i32
      %mul3A_289 = arith.muli %add3A_287, %mul3A_288 : i32
      %min3A = arith.constant 4904 : i32
      %min3A_290 = arith.minsi %mul3A_289, %min3A : i32
      %dma_wait3A_291 = arith.constant 0 : i32
      %dma_wait3A_292 = arith.constant 0 : i32
      %dma_wait3A_293 = tpu.memref_slice %arg2[%dma_wait3A_291, %dma_wait3A_292] : memref<10240x128xf32, #tpu.memory_space<hbm>> -> memref<10240x128xf32, #tpu.memory_space<hbm>>
      tpu.wait_indirect_dma semaphore(%arg20 : memref<!tpu.dma_semaphore, #tpu.memory_space<semaphore_mem>>) src(%dma_wait3A_293 : memref<10240x128xf32, #tpu.memory_space<hbm>>) dst(%arg8 : memref<96x128xf32, #tpu.memory_space<vmem>>)
      %dma_wait3A_294 = arith.constant 0 : i32
      %dma_wait3A_295 = arith.constant 0 : i32
      %dma_wait3A_296 = tpu.memref_slice %arg3[%dma_wait3A_294, %dma_wait3A_295] : memref<160000x128xf32, #tpu.memory_space<hbm>> -> memref<160000x128xf32, #tpu.memory_space<hbm>>
      tpu.wait_indirect_dma semaphore(%arg23 : memref<!tpu.dma_semaphore, #tpu.memory_space<semaphore_mem>>) src(%dma_wait3A_296 : memref<160000x128xf32, #tpu.memory_space<hbm>>) dst(%arg8 : memref<96x128xf32, #tpu.memory_space<vmem>>)
      %mul3A_297 = arith.constant 96 : i32
      %mul3A_298 = arith.muli %add3A_287, %mul3A_297 : i32
      %min3A_299 = arith.constant 5000 : i32
      %min3A_300 = arith.minsi %mul3A_298, %min3A_299 : i32
      %sub3A = arith.subi %min3A_300, %min3A_290 : i32
      %add3A_301 = arith.constant 0 : i32
      %add3A_302 = arith.addi %min3A_290, %add3A_301 : i32
      %get3A_303 = arith.index_cast %add3A_302 : i32 to index
      %get3A_304 = tpu.vector_load %arg7[%get3A_303] {strides = array<i32>} : memref<5000xi32, #tpu.memory_space<vmem>>, vector<16xi32>,
      %get3A_305 = vector.shape_cast %get3A_304 : vector<16xi32> to vector<16xi32>
      %iota3A_306 = tpu.iota {dimensions = array<i32: 0>} : vector<16xi32>
      %add3A_307 = arith.constant 0 : i32
      %add3A_308 = vector.broadcast %add3A_307 : i32 to vector<16xi32>
      %add3A_309 = arith.addi %add3A_308, %iota3A_306 : vector<16xi32>
      %ge3A = vector.broadcast %sub3A : i32 to vector<16xi32>
      %ge3A_310 = arith.cmpi sge, %add3A_309, %ge3A : vector<16xi32>
      %broadcast_in_dim3A = arith.constant 10000 : i32
      %broadcast_in_dim3A_311 = vector.broadcast %broadcast_in_dim3A : i32 to vector<16xi32>
      %select_n3A = arith.select %ge3A_310, %get3A_305, %broadcast_in_dim3A_311 : vector<16xi1>, vector<16xi32>
      %swap3A_312 = arith.constant 0 : index
      %swap3A_313 = tpu.vector_load %arg17[%swap3A_312] {strides = array<i32>} : memref<96xi32, #tpu.memory_space<vmem>>, vector<16xi32>,
      %swap3A_314 = vector.shape_cast %swap3A_313 : vector<16xi32> to vector<16xi32>
      %swap3A_315 = vector.shape_cast %select_n3A : vector<16xi32> to vector<16xi32>
      tpu.vector_store %arg17[%swap3A_312], %swap3A_315 {strides = array<i32>} : memref<96xi32, #tpu.memory_space<vmem>>, vector<16xi32>,
      %add3A_316 = arith.constant 16 : i32
      %add3A_317 = arith.addi %min3A_290, %add3A_316 : i32
      %get3A_318 = arith.index_cast %add3A_317 : i32 to index
      %get3A_319 = tpu.vector_load %arg7[%get3A_318] {strides = array<i32>} : memref<5000xi32, #tpu.memory_space<vmem>>, vector<16xi32>,
      %get3A_320 = vector.shape_cast %get3A_319 : vector<16xi32> to vector<16xi32>
      %iota3A_321 = tpu.iota {dimensions = array<i32: 0>} : vector<16xi32>
      %add3A_322 = arith.constant 16 : i32
      %add3A_323 = vector.broadcast %add3A_322 : i32 to vector<16xi32>
      %add3A_324 = arith.addi %add3A_323, %iota3A_321 : vector<16xi32>
      %ge3A_325 = vector.broadcast %sub3A : i32 to vector<16xi32>
      %ge3A_326 = arith.cmpi sge, %add3A_324, %ge3A_325 : vector<16xi32>
      %broadcast_in_dim3A_327 = arith.constant 10000 : i32
      %broadcast_in_dim3A_328 = vector.broadcast %broadcast_in_dim3A_327 : i32 to vector<16xi32>
      %select_n3A_329 = arith.select %ge3A_326, %get3A_320, %broadcast_in_dim3A_328 : vector<16xi1>, vector<16xi32>
      %swap3A_330 = arith.constant 16 : index
      %swap3A_331 = tpu.vector_load %arg17[%swap3A_330] {strides = array<i32>} : memref<96xi32, #tpu.memory_space<vmem>>, vector<16xi32>,
      %swap3A_332 = vector.shape_cast %swap3A_331 : vector<16xi32> to vector<16xi32>
      %swap3A_333 = vector.shape_cast %select_n3A_329 : vector<16xi32> to vector<16xi32>
      tpu.vector_store %arg17[%swap3A_330], %swap3A_333 {strides = array<i32>} : memref<96xi32, #tpu.memory_space<vmem>>, vector<16xi32>,
      %add3A_334 = arith.constant 32 : i32
      %add3A_335 = arith.addi %min3A_290, %add3A_334 : i32
      %get3A_336 = arith.index_cast %add3A_335 : i32 to index
      %get3A_337 = tpu.vector_load %arg7[%get3A_336] {strides = array<i32>} : memref<5000xi32, #tpu.memory_space<vmem>>, vector<16xi32>,
      %get3A_338 = vector.shape_cast %get3A_337 : vector<16xi32> to vector<16xi32>
      %iota3A_339 = tpu.iota {dimensions = array<i32: 0>} : vector<16xi32>
      %add3A_340 = arith.constant 32 : i32
      %add3A_341 = vector.broadcast %add3A_340 : i32 to vector<16xi32>
      %add3A_342 = arith.addi %add3A_341, %iota3A_339 : vector<16xi32>
      %ge3A_343 = vector.broadcast %sub3A : i32 to vector<16xi32>
      %ge3A_344 = arith.cmpi sge, %add3A_342, %ge3A_343 : vector<16xi32>
      %broadcast_in_dim3A_345 = arith.constant 10000 : i32
      %broadcast_in_dim3A_346 = vector.broadcast %broadcast_in_dim3A_345 : i32 to vector<16xi32>
      %select_n3A_347 = arith.select %ge3A_344, %get3A_338, %broadcast_in_dim3A_346 : vector<16xi1>, vector<16xi32>
      %swap3A_348 = arith.constant 32 : index
      %swap3A_349 = tpu.vector_load %arg17[%swap3A_348] {strides = array<i32>} : memref<96xi32, #tpu.memory_space<vmem>>, vector<16xi32>,
      %swap3A_350 = vector.shape_cast %swap3A_349 : vector<16xi32> to vector<16xi32>
      %swap3A_351 = vector.shape_cast %select_n3A_347 : vector<16xi32> to vector<16xi32>
      tpu.vector_store %arg17[%swap3A_348], %swap3A_351 {strides = array<i32>} : memref<96xi32, #tpu.memory_space<vmem>>, vector<16xi32>,
      %add3A_352 = arith.constant 48 : i32
      %add3A_353 = arith.addi %min3A_290, %add3A_352 : i32
      %get3A_354 = arith.index_cast %add3A_353 : i32 to index
      %get3A_355 = tpu.vector_load %arg7[%get3A_354] {strides = array<i32>} : memref<5000xi32, #tpu.memory_space<vmem>>, vector<16xi32>,
      %get3A_356 = vector.shape_cast %get3A_355 : vector<16xi32> to vector<16xi32>
      %iota3A_357 = tpu.iota {dimensions = array<i32: 0>} : vector<16xi32>
      %add3A_358 = arith.constant 48 : i32
      %add3A_359 = vector.broadcast %add3A_358 : i32 to vector<16xi32>
      %add3A_360 = arith.addi %add3A_359, %iota3A_357 : vector<16xi32>
      %ge3A_361 = vector.broadcast %sub3A : i32 to vector<16xi32>
      %ge3A_362 = arith.cmpi sge, %add3A_360, %ge3A_361 : vector<16xi32>
      %broadcast_in_dim3A_363 = arith.constant 10000 : i32
      %broadcast_in_dim3A_364 = vector.broadcast %broadcast_in_dim3A_363 : i32 to vector<16xi32>
      %select_n3A_365 = arith.select %ge3A_362, %get3A_356, %broadcast_in_dim3A_364 : vector<16xi1>, vector<16xi32>
      %swap3A_366 = arith.constant 48 : index
      %swap3A_367 = tpu.vector_load %arg17[%swap3A_366] {strides = array<i32>} : memref<96xi32, #tpu.memory_space<vmem>>, vector<16xi32>,
      %swap3A_368 = vector.shape_cast %swap3A_367 : vector<16xi32> to vector<16xi32>
      %swap3A_369 = vector.shape_cast %select_n3A_365 : vector<16xi32> to vector<16xi32>
      tpu.vector_store %arg17[%swap3A_366], %swap3A_369 {strides = array<i32>} : memref<96xi32, #tpu.memory_space<vmem>>, vector<16xi32>,
      %add3A_370 = arith.constant 64 : i32
      %add3A_371 = arith.addi %min3A_290, %add3A_370 : i32
      %get3A_372 = arith.index_cast %add3A_371 : i32 to index
      %get3A_373 = tpu.vector_load %arg7[%get3A_372] {strides = array<i32>} : memref<5000xi32, #tpu.memory_space<vmem>>, vector<16xi32>,
      %get3A_374 = vector.shape_cast %get3A_373 : vector<16xi32> to vector<16xi32>
      %iota3A_375 = tpu.iota {dimensions = array<i32: 0>} : vector<16xi32>
      %add3A_376 = arith.constant 64 : i32
      %add3A_377 = vector.broadcast %add3A_376 : i32 to vector<16xi32>
      %add3A_378 = arith.addi %add3A_377, %iota3A_375 : vector<16xi32>
      %ge3A_379 = vector.broadcast %sub3A : i32 to vector<16xi32>
      %ge3A_380 = arith.cmpi sge, %add3A_378, %ge3A_379 : vector<16xi32>
      %broadcast_in_dim3A_381 = arith.constant 10000 : i32
      %broadcast_in_dim3A_382 = vector.broadcast %broadcast_in_dim3A_381 : i32 to vector<16xi32>
      %select_n3A_383 = arith.select %ge3A_380, %get3A_374, %broadcast_in_dim3A_382 : vector<16xi1>, vector<16xi32>
      %swap3A_384 = arith.constant 64 : index
      %swap3A_385 = tpu.vector_load %arg17[%swap3A_384] {strides = array<i32>} : memref<96xi32, #tpu.memory_space<vmem>>, vector<16xi32>,
      %swap3A_386 = vector.shape_cast %swap3A_385 : vector<16xi32> to vector<16xi32>
      %swap3A_387 = vector.shape_cast %select_n3A_383 : vector<16xi32> to vector<16xi32>
      tpu.vector_store %arg17[%swap3A_384], %swap3A_387 {strides = array<i32>} : memref<96xi32, #tpu.memory_space<vmem>>, vector<16xi32>,
      %add3A_388 = arith.constant 80 : i32
      %add3A_389 = arith.addi %min3A_290, %add3A_388 : i32
      %get3A_390 = arith.index_cast %add3A_389 : i32 to index
      %get3A_391 = tpu.vector_load %arg7[%get3A_390] {strides = array<i32>} : memref<5000xi32, #tpu.memory_space<vmem>>, vector<16xi32>,
      %get3A_392 = vector.shape_cast %get3A_391 : vector<16xi32> to vector<16xi32>
      %iota3A_393 = tpu.iota {dimensions = array<i32: 0>} : vector<16xi32>
      %add3A_394 = arith.constant 80 : i32
      %add3A_395 = vector.broadcast %add3A_394 : i32 to vector<16xi32>
      %add3A_396 = arith.addi %add3A_395, %iota3A_393 : vector<16xi32>
      %ge3A_397 = vector.broadcast %sub3A : i32 to vector<16xi32>
      %ge3A_398 = arith.cmpi sge, %add3A_396, %ge3A_397 : vector<16xi32>
      %broadcast_in_dim3A_399 = arith.constant 10000 : i32
      %broadcast_in_dim3A_400 = vector.broadcast %broadcast_in_dim3A_399 : i32 to vector<16xi32>
      %select_n3A_401 = arith.select %ge3A_398, %get3A_392, %broadcast_in_dim3A_400 : vector<16xi1>, vector<16xi32>
      %swap3A_402 = arith.constant 80 : index
      %swap3A_403 = tpu.vector_load %arg17[%swap3A_402] {strides = array<i32>} : memref<96xi32, #tpu.memory_space<vmem>>, vector<16xi32>,
      %swap3A_404 = vector.shape_cast %swap3A_403 : vector<16xi32> to vector<16xi32>
      %swap3A_405 = vector.shape_cast %select_n3A_401 : vector<16xi32> to vector<16xi32>
      tpu.vector_store %arg17[%swap3A_402], %swap3A_405 {strides = array<i32>} : memref<96xi32, #tpu.memory_space<vmem>>, vector<16xi32>,
      %scan3A_406 = arith.constant 0 : i32
      %scan3A_407 = arith.constant 0 : i32
      %scan3A_408 = arith.constant 96 : i32
      %scan3A_409 = arith.addi %scan3A_407, %scan3A_408 : i32
      %scan3A_410 = arith.constant 1 : i32
      %scan3A_411 = scf.for %scan3A_712 = %scan3A_407 to %scan3A_409 step %scan3A_410 iter_args(%scan3A_713 = %scan3A_406) -> (i32)  : i32 {
        %get3A_714 = arith.index_cast %scan3A_712 : i32 to index
        %get3A_715 = arith.constant 0 : index
        %get3A_716 = tpu.vector_load %arg8[%get3A_714, %get3A_715] {strides = array<i32>} : memref<96x128xf32, #tpu.memory_space<vmem>>, vector<1x16xf32>,
        %get3A_717 = vector.shape_cast %get3A_716 : vector<1x16xf32> to vector<16xf32>
        %max3A = arith.constant 0.000000e+00 : f32
        %max3A_718 = vector.broadcast %max3A : f32 to vector<16xf32>
        %max3A_719 = arith.maximumf %get3A_717, %max3A_718 : vector<16xf32>
        %swap3A_720 = arith.index_cast %scan3A_712 : i32 to index
        %swap3A_721 = arith.constant 0 : index
        %swap3A_722 = tpu.vector_load %arg8[%swap3A_720, %swap3A_721] {strides = array<i32>} : memref<96x128xf32, #tpu.memory_space<vmem>>, vector<1x16xf32>,
        %swap3A_723 = vector.shape_cast %swap3A_722 : vector<1x16xf32> to vector<16xf32>
        %swap3A_724 = vector.shape_cast %max3A_719 : vector<16xf32> to vector<1x16xf32>
        tpu.vector_store %arg8[%swap3A_720, %swap3A_721], %swap3A_724 {strides = array<i32>} : memref<96x128xf32, #tpu.memory_space<vmem>>, vector<1x16xf32>,
        %get3A_725 = arith.index_cast %scan3A_712 : i32 to index
        %get3A_726 = arith.constant 16 : index
        %get3A_727 = tpu.vector_load %arg8[%get3A_725, %get3A_726] {strides = array<i32>} : memref<96x128xf32, #tpu.memory_space<vmem>>, vector<1x16xf32>,
        %get3A_728 = vector.shape_cast %get3A_727 : vector<1x16xf32> to vector<16xf32>
        %max3A_729 = arith.constant 0.000000e+00 : f32
        %max3A_730 = vector.broadcast %max3A_729 : f32 to vector<16xf32>
        %max3A_731 = arith.maximumf %get3A_728, %max3A_730 : vector<16xf32>
        %swap3A_732 = arith.index_cast %scan3A_712 : i32 to index
        %swap3A_733 = arith.constant 16 : index
        %swap3A_734 = tpu.vector_load %arg8[%swap3A_732, %swap3A_733] {strides = array<i32>} : memref<96x128xf32, #tpu.memory_space<vmem>>, vector<1x16xf32>,
        %swap3A_735 = vector.shape_cast %swap3A_734 : vector<1x16xf32> to vector<16xf32>
        %swap3A_736 = vector.shape_cast %max3A_731 : vector<16xf32> to vector<1x16xf32>
        tpu.vector_store %arg8[%swap3A_732, %swap3A_733], %swap3A_736 {strides = array<i32>} : memref<96x128xf32, #tpu.memory_space<vmem>>, vector<1x16xf32>,
        %get3A_737 = arith.index_cast %scan3A_712 : i32 to index
        %get3A_738 = arith.constant 32 : index
        %get3A_739 = tpu.vector_load %arg8[%get3A_737, %get3A_738] {strides = array<i32>} : memref<96x128xf32, #tpu.memory_space<vmem>>, vector<1x16xf32>,
        %get3A_740 = vector.shape_cast %get3A_739 : vector<1x16xf32> to vector<16xf32>
        %max3A_741 = arith.constant 0.000000e+00 : f32
        %max3A_742 = vector.broadcast %max3A_741 : f32 to vector<16xf32>
        %max3A_743 = arith.maximumf %get3A_740, %max3A_742 : vector<16xf32>
        %swap3A_744 = arith.index_cast %scan3A_712 : i32 to index
        %swap3A_745 = arith.constant 32 : index
        %swap3A_746 = tpu.vector_load %arg8[%swap3A_744, %swap3A_745] {strides = array<i32>} : memref<96x128xf32, #tpu.memory_space<vmem>>, vector<1x16xf32>,
        %swap3A_747 = vector.shape_cast %swap3A_746 : vector<1x16xf32> to vector<16xf32>
        %swap3A_748 = vector.shape_cast %max3A_743 : vector<16xf32> to vector<1x16xf32>
        tpu.vector_store %arg8[%swap3A_744, %swap3A_745], %swap3A_748 {strides = array<i32>} : memref<96x128xf32, #tpu.memory_space<vmem>>, vector<1x16xf32>,
        %get3A_749 = arith.index_cast %scan3A_712 : i32 to index
        %get3A_750 = arith.constant 48 : index
        %get3A_751 = tpu.vector_load %arg8[%get3A_749, %get3A_750] {strides = array<i32>} : memref<96x128xf32, #tpu.memory_space<vmem>>, vector<1x16xf32>,
        %get3A_752 = vector.shape_cast %get3A_751 : vector<1x16xf32> to vector<16xf32>
        %max3A_753 = arith.constant 0.000000e+00 : f32
        %max3A_754 = vector.broadcast %max3A_753 : f32 to vector<16xf32>
        %max3A_755 = arith.maximumf %get3A_752, %max3A_754 : vector<16xf32>
        %swap3A_756 = arith.index_cast %scan3A_712 : i32 to index
        %swap3A_757 = arith.constant 48 : index
        %swap3A_758 = tpu.vector_load %arg8[%swap3A_756, %swap3A_757] {strides = array<i32>} : memref<96x128xf32, #tpu.memory_space<vmem>>, vector<1x16xf32>,
        %swap3A_759 = vector.shape_cast %swap3A_758 : vector<1x16xf32> to vector<16xf32>
        %swap3A_760 = vector.shape_cast %max3A_755 : vector<16xf32> to vector<1x16xf32>
        tpu.vector_store %arg8[%swap3A_756, %swap3A_757], %swap3A_760 {strides = array<i32>} : memref<96x128xf32, #tpu.memory_space<vmem>>, vector<1x16xf32>,
        %get3A_761 = arith.index_cast %scan3A_712 : i32 to index
        %get3A_762 = arith.constant 64 : index
        %get3A_763 = tpu.vector_load %arg8[%get3A_761, %get3A_762] {strides = array<i32>} : memref<96x128xf32, #tpu.memory_space<vmem>>, vector<1x16xf32>,
        %get3A_764 = vector.shape_cast %get3A_763 : vector<1x16xf32> to vector<16xf32>
        %max3A_765 = arith.constant 0.000000e+00 : f32
        %max3A_766 = vector.broadcast %max3A_765 : f32 to vector<16xf32>
        %max3A_767 = arith.maximumf %get3A_764, %max3A_766 : vector<16xf32>
        %swap3A_768 = arith.index_cast %scan3A_712 : i32 to index
        %swap3A_769 = arith.constant 64 : index
        %swap3A_770 = tpu.vector_load %arg8[%swap3A_768, %swap3A_769] {strides = array<i32>} : memref<96x128xf32, #tpu.memory_space<vmem>>, vector<1x16xf32>,
        %swap3A_771 = vector.shape_cast %swap3A_770 : vector<1x16xf32> to vector<16xf32>
        %swap3A_772 = vector.shape_cast %max3A_767 : vector<16xf32> to vector<1x16xf32>
        tpu.vector_store %arg8[%swap3A_768, %swap3A_769], %swap3A_772 {strides = array<i32>} : memref<96x128xf32, #tpu.memory_space<vmem>>, vector<1x16xf32>,
        %get3A_773 = arith.index_cast %scan3A_712 : i32 to index
        %get3A_774 = arith.constant 80 : index
        %get3A_775 = tpu.vector_load %arg8[%get3A_773, %get3A_774] {strides = array<i32>} : memref<96x128xf32, #tpu.memory_space<vmem>>, vector<1x16xf32>,
        %get3A_776 = vector.shape_cast %get3A_775 : vector<1x16xf32> to vector<16xf32>
        %max3A_777 = arith.constant 0.000000e+00 : f32
        %max3A_778 = vector.broadcast %max3A_777 : f32 to vector<16xf32>
        %max3A_779 = arith.maximumf %get3A_776, %max3A_778 : vector<16xf32>
        %swap3A_780 = arith.index_cast %scan3A_712 : i32 to index
        %swap3A_781 = arith.constant 80 : index
        %swap3A_782 = tpu.vector_load %arg8[%swap3A_780, %swap3A_781] {strides = array<i32>} : memref<96x128xf32, #tpu.memory_space<vmem>>, vector<1x16xf32>,
        %swap3A_783 = vector.shape_cast %swap3A_782 : vector<1x16xf32> to vector<16xf32>
        %swap3A_784 = vector.shape_cast %max3A_779 : vector<16xf32> to vector<1x16xf32>
        tpu.vector_store %arg8[%swap3A_780, %swap3A_781], %swap3A_784 {strides = array<i32>} : memref<96x128xf32, #tpu.memory_space<vmem>>, vector<1x16xf32>,
        %get3A_785 = arith.index_cast %scan3A_712 : i32 to index
        %get3A_786 = arith.constant 96 : index
        %get3A_787 = tpu.vector_load %arg8[%get3A_785, %get3A_786] {strides = array<i32>} : memref<96x128xf32, #tpu.memory_space<vmem>>, vector<1x16xf32>,
        %get3A_788 = vector.shape_cast %get3A_787 : vector<1x16xf32> to vector<16xf32>
        %max3A_789 = arith.constant 0.000000e+00 : f32
        %max3A_790 = vector.broadcast %max3A_789 : f32 to vector<16xf32>
        %max3A_791 = arith.maximumf %get3A_788, %max3A_790 : vector<16xf32>
        %swap3A_792 = arith.index_cast %scan3A_712 : i32 to index
        %swap3A_793 = arith.constant 96 : index
        %swap3A_794 = tpu.vector_load %arg8[%swap3A_792, %swap3A_793] {strides = array<i32>} : memref<96x128xf32, #tpu.memory_space<vmem>>, vector<1x16xf32>,
        %swap3A_795 = vector.shape_cast %swap3A_794 : vector<1x16xf32> to vector<16xf32>
        %swap3A_796 = vector.shape_cast %max3A_791 : vector<16xf32> to vector<1x16xf32>
        tpu.vector_store %arg8[%swap3A_792, %swap3A_793], %swap3A_796 {strides = array<i32>} : memref<96x128xf32, #tpu.memory_space<vmem>>, vector<1x16xf32>,
        %get3A_797 = arith.index_cast %scan3A_712 : i32 to index
        %get3A_798 = arith.constant 112 : index
        %get3A_799 = tpu.vector_load %arg8[%get3A_797, %get3A_798] {strides = array<i32>} : memref<96x128xf32, #tpu.memory_space<vmem>>, vector<1x16xf32>,
        %get3A_800 = vector.shape_cast %get3A_799 : vector<1x16xf32> to vector<16xf32>
        %max3A_801 = arith.constant 0.000000e+00 : f32
        %max3A_802 = vector.broadcast %max3A_801 : f32 to vector<16xf32>
        %max3A_803 = arith.maximumf %get3A_800, %max3A_802 : vector<16xf32>
        %swap3A_804 = arith.index_cast %scan3A_712 : i32 to index
        %swap3A_805 = arith.constant 112 : index
        %swap3A_806 = tpu.vector_load %arg8[%swap3A_804, %swap3A_805] {strides = array<i32>} : memref<96x128xf32, #tpu.memory_space<vmem>>, vector<1x16xf32>,
        %swap3A_807 = vector.shape_cast %swap3A_806 : vector<1x16xf32> to vector<16xf32>
        %swap3A_808 = vector.shape_cast %max3A_803 : vector<16xf32> to vector<1x16xf32>
        tpu.vector_store %arg8[%swap3A_804, %swap3A_805], %swap3A_808 {strides = array<i32>} : memref<96x128xf32, #tpu.memory_space<vmem>>, vector<1x16xf32>,
        %scan3A_809 = arith.constant 0 : i32
        scf.yield %scan3A_809 : i32
      }
      %scan3A_412 = arith.constant 96 : i32
      %dma_start3A_413 = arith.constant 0 : i32
      %dma_start3A_414 = arith.constant 0 : i32
      %dma_start3A_415 = tpu.memref_slice %arg29[%dma_start3A_413, %dma_start3A_414] : memref<10112x128xf32, #tpu.memory_space<vmem_shared>> -> memref<10112x128xf32, #tpu.memory_space<vmem_shared>>
      tpu.enqueue_indirect_dma source(%arg8 : memref<96x128xf32, #tpu.memory_space<vmem>>) target(%dma_start3A_415 : memref<10112x128xf32, #tpu.memory_space<vmem_shared>>) offsets(%arg17 : memref<96xi32, #tpu.memory_space<vmem>>) semaphore(%arg26 : memref<!tpu.dma_semaphore, #tpu.memory_space<semaphore_mem>>) {add = true}
      %add3A_416 = arith.constant 2 : i32
      %add3A_417 = arith.addi %add3A_287, %add3A_416 : i32
      %lt3A_418 = arith.constant 54 : i32
      %lt3A_419 = arith.cmpi slt, %add3A_417, %lt3A_418 : i32
      %convert_element_type3A_420 = arith.extui %lt3A_419 : i1 to i32
      %cond3A_421 = arith.constant 0 : i32
      %cond3A_422 = arith.cmpi ne, %convert_element_type3A_420, %cond3A_421 : i32
      scf.if %cond3A_422 {
        %ge3A_712 = arith.constant 1 : i32
        %ge3A_713 = arith.cmpi sge, %add3A_287, %ge3A_712 : i32
        %convert_element_type3A_714 = arith.extui %ge3A_713 : i1 to i32
        %cond3A_715 = arith.constant 0 : i32
        %cond3A_716 = arith.cmpi ne, %convert_element_type3A_714, %cond3A_715 : i32
        scf.if %cond3A_716 {
          %dma_wait3A_850 = arith.constant 0 : i32
          %dma_wait3A_851 = arith.constant 0 : i32
          %dma_wait3A_852 = tpu.memref_slice %arg29[%dma_wait3A_850, %dma_wait3A_851] : memref<10112x128xf32, #tpu.memory_space<vmem_shared>> -> memref<10112x128xf32, #tpu.memory_space<vmem_shared>>
          tpu.wait_indirect_dma semaphore(%arg28 : memref<!tpu.dma_semaphore, #tpu.memory_space<semaphore_mem>>) src(%arg10 : memref<96x128xf32, #tpu.memory_space<vmem>>) dst(%dma_wait3A_852 : memref<10112x128xf32, #tpu.memory_space<vmem_shared>>)
        } else {
        }
        %scan3A_717 = arith.constant 0 : i32
        %scan3A_718 = arith.constant 0 : i32
        %scan3A_719 = arith.constant 96 : i32
        %scan3A_720 = arith.addi %scan3A_718, %scan3A_719 : i32
        %scan3A_721 = arith.constant 1 : i32
        %scan3A_722 = scf.for %scan3A_850 = %scan3A_718 to %scan3A_720 step %scan3A_721 iter_args(%scan3A_851 = %scan3A_717) -> (i32)  : i32 {
          %broadcast_in_dim3A_852 = arith.constant 0.000000e+00 : f32
          %broadcast_in_dim3A_853 = vector.broadcast %broadcast_in_dim3A_852 : f32 to vector<16xf32>
          %swap3A_854 = arith.index_cast %scan3A_850 : i32 to index
          %swap3A_855 = arith.constant 0 : index
          %swap3A_856 = tpu.vector_load %arg10[%swap3A_854, %swap3A_855] {strides = array<i32>} : memref<96x128xf32, #tpu.memory_space<vmem>>, vector<1x16xf32>,
          %swap3A_857 = vector.shape_cast %swap3A_856 : vector<1x16xf32> to vector<16xf32>
          %swap3A_858 = vector.shape_cast %broadcast_in_dim3A_853 : vector<16xf32> to vector<1x16xf32>
          tpu.vector_store %arg10[%swap3A_854, %swap3A_855], %swap3A_858 {strides = array<i32>} : memref<96x128xf32, #tpu.memory_space<vmem>>, vector<1x16xf32>,
          %broadcast_in_dim3A_859 = arith.constant 0.000000e+00 : f32
          %broadcast_in_dim3A_860 = vector.broadcast %broadcast_in_dim3A_859 : f32 to vector<16xf32>
          %swap3A_861 = arith.index_cast %scan3A_850 : i32 to index
          %swap3A_862 = arith.constant 16 : index
          %swap3A_863 = tpu.vector_load %arg10[%swap3A_861, %swap3A_862] {strides = array<i32>} : memref<96x128xf32, #tpu.memory_space<vmem>>, vector<1x16xf32>,
          %swap3A_864 = vector.shape_cast %swap3A_863 : vector<1x16xf32> to vector<16xf32>
          %swap3A_865 = vector.shape_cast %broadcast_in_dim3A_860 : vector<16xf32> to vector<1x16xf32>
          tpu.vector_store %arg10[%swap3A_861, %swap3A_862], %swap3A_865 {strides = array<i32>} : memref<96x128xf32, #tpu.memory_space<vmem>>, vector<1x16xf32>,
          %broadcast_in_dim3A_866 = arith.constant 0.000000e+00 : f32
          %broadcast_in_dim3A_867 = vector.broadcast %broadcast_in_dim3A_866 : f32 to vector<16xf32>
          %swap3A_868 = arith.index_cast %scan3A_850 : i32 to index
          %swap3A_869 = arith.constant 32 : index
          %swap3A_870 = tpu.vector_load %arg10[%swap3A_868, %swap3A_869] {strides = array<i32>} : memref<96x128xf32, #tpu.memory_space<vmem>>, vector<1x16xf32>,
          %swap3A_871 = vector.shape_cast %swap3A_870 : vector<1x16xf32> to vector<16xf32>
          %swap3A_872 = vector.shape_cast %broadcast_in_dim3A_867 : vector<16xf32> to vector<1x16xf32>
          tpu.vector_store %arg10[%swap3A_868, %swap3A_869], %swap3A_872 {strides = array<i32>} : memref<96x128xf32, #tpu.memory_space<vmem>>, vector<1x16xf32>,
          %broadcast_in_dim3A_873 = arith.constant 0.000000e+00 : f32
          %broadcast_in_dim3A_874 = vector.broadcast %broadcast_in_dim3A_873 : f32 to vector<16xf32>
          %swap3A_875 = arith.index_cast %scan3A_850 : i32 to index
          %swap3A_876 = arith.constant 48 : index
          %swap3A_877 = tpu.vector_load %arg10[%swap3A_875, %swap3A_876] {strides = array<i32>} : memref<96x128xf32, #tpu.memory_space<vmem>>, vector<1x16xf32>,
          %swap3A_878 = vector.shape_cast %swap3A_877 : vector<1x16xf32> to vector<16xf32>
          %swap3A_879 = vector.shape_cast %broadcast_in_dim3A_874 : vector<16xf32> to vector<1x16xf32>
          tpu.vector_store %arg10[%swap3A_875, %swap3A_876], %swap3A_879 {strides = array<i32>} : memref<96x128xf32, #tpu.memory_space<vmem>>, vector<1x16xf32>,
          %broadcast_in_dim3A_880 = arith.constant 0.000000e+00 : f32
          %broadcast_in_dim3A_881 = vector.broadcast %broadcast_in_dim3A_880 : f32 to vector<16xf32>
          %swap3A_882 = arith.index_cast %scan3A_850 : i32 to index
          %swap3A_883 = arith.constant 64 : index
          %swap3A_884 = tpu.vector_load %arg10[%swap3A_882, %swap3A_883] {strides = array<i32>} : memref<96x128xf32, #tpu.memory_space<vmem>>, vector<1x16xf32>,
          %swap3A_885 = vector.shape_cast %swap3A_884 : vector<1x16xf32> to vector<16xf32>
          %swap3A_886 = vector.shape_cast %broadcast_in_dim3A_881 : vector<16xf32> to vector<1x16xf32>
          tpu.vector_store %arg10[%swap3A_882, %swap3A_883], %swap3A_886 {strides = array<i32>} : memref<96x128xf32, #tpu.memory_space<vmem>>, vector<1x16xf32>,
          %broadcast_in_dim3A_887 = arith.constant 0.000000e+00 : f32
          %broadcast_in_dim3A_888 = vector.broadcast %broadcast_in_dim3A_887 : f32 to vector<16xf32>
          %swap3A_889 = arith.index_cast %scan3A_850 : i32 to index
          %swap3A_890 = arith.constant 80 : index
          %swap3A_891 = tpu.vector_load %arg10[%swap3A_889, %swap3A_890] {strides = array<i32>} : memref<96x128xf32, #tpu.memory_space<vmem>>, vector<1x16xf32>,
          %swap3A_892 = vector.shape_cast %swap3A_891 : vector<1x16xf32> to vector<16xf32>
          %swap3A_893 = vector.shape_cast %broadcast_in_dim3A_888 : vector<16xf32> to vector<1x16xf32>
          tpu.vector_store %arg10[%swap3A_889, %swap3A_890], %swap3A_893 {strides = array<i32>} : memref<96x128xf32, #tpu.memory_space<vmem>>, vector<1x16xf32>,
          %broadcast_in_dim3A_894 = arith.constant 0.000000e+00 : f32
          %broadcast_in_dim3A_895 = vector.broadcast %broadcast_in_dim3A_894 : f32 to vector<16xf32>
          %swap3A_896 = arith.index_cast %scan3A_850 : i32 to index
          %swap3A_897 = arith.constant 96 : index
          %swap3A_898 = tpu.vector_load %arg10[%swap3A_896, %swap3A_897] {strides = array<i32>} : memref<96x128xf32, #tpu.memory_space<vmem>>, vector<1x16xf32>,
          %swap3A_899 = vector.shape_cast %swap3A_898 : vector<1x16xf32> to vector<16xf32>
          %swap3A_900 = vector.shape_cast %broadcast_in_dim3A_895 : vector<16xf32> to vector<1x16xf32>
          tpu.vector_store %arg10[%swap3A_896, %swap3A_897], %swap3A_900 {strides = array<i32>} : memref<96x128xf32, #tpu.memory_space<vmem>>, vector<1x16xf32>,
          %broadcast_in_dim3A_901 = arith.constant 0.000000e+00 : f32
          %broadcast_in_dim3A_902 = vector.broadcast %broadcast_in_dim3A_901 : f32 to vector<16xf32>
          %swap3A_903 = arith.index_cast %scan3A_850 : i32 to index
          %swap3A_904 = arith.constant 112 : index
          %swap3A_905 = tpu.vector_load %arg10[%swap3A_903, %swap3A_904] {strides = array<i32>} : memref<96x128xf32, #tpu.memory_space<vmem>>, vector<1x16xf32>,
          %swap3A_906 = vector.shape_cast %swap3A_905 : vector<1x16xf32> to vector<16xf32>
          %swap3A_907 = vector.shape_cast %broadcast_in_dim3A_902 : vector<16xf32> to vector<1x16xf32>
          tpu.vector_store %arg10[%swap3A_903, %swap3A_904], %swap3A_907 {strides = array<i32>} : memref<96x128xf32, #tpu.memory_space<vmem>>, vector<1x16xf32>,
          %scan3A_908 = arith.constant 0 : i32
          scf.yield %scan3A_908 : i32
        }
        %scan3A_723 = arith.constant 96 : i32
        %add3A_724 = arith.constant 2 : i32
        %add3A_725 = arith.addi %add3A_287, %add3A_724 : i32
        %mul3A_726 = arith.constant 96 : i32
        %mul3A_727 = arith.muli %add3A_725, %mul3A_726 : i32
        %min3A_728 = arith.constant 4904 : i32
        %min3A_729 = arith.minsi %mul3A_727, %min3A_728 : i32
        %iota3A_730 = tpu.iota {dimensions = array<i32: 0>} : vector<16xi32>
        %add3A_731 = arith.constant 0 : i32
        %add3A_732 = arith.addi %min3A_729, %add3A_731 : i32
        %get3A_733 = arith.index_cast %add3A_732 : i32 to index
        %get3A_734 = tpu.vector_load %arg6[%get3A_733] {strides = array<i32>} : memref<5000xi32, #tpu.memory_space<vmem>>, vector<16xi32>,
        %get3A_735 = vector.shape_cast %get3A_734 : vector<16xi32> to vector<16xi32>
        %swap3A_736 = arith.constant 0 : index
        %swap3A_737 = tpu.vector_load %arg13[%swap3A_736] {strides = array<i32>} : memref<96xi32, #tpu.memory_space<vmem>>, vector<16xi32>,
        %swap3A_738 = vector.shape_cast %swap3A_737 : vector<16xi32> to vector<16xi32>
        %swap3A_739 = vector.shape_cast %get3A_735 : vector<16xi32> to vector<16xi32>
        tpu.vector_store %arg13[%swap3A_736], %swap3A_739 {strides = array<i32>} : memref<96xi32, #tpu.memory_space<vmem>>, vector<16xi32>,
        %add3A_740 = arith.addi %mul3A_24, %min3A_729 : i32
        %add3A_741 = arith.constant 0 : i32
        %add3A_742 = arith.addi %add3A_740, %add3A_741 : i32
        %add3A_743 = vector.broadcast %add3A_742 : i32 to vector<16xi32>
        %add3A_744 = arith.addi %add3A_743, %iota3A_730 : vector<16xi32>
        %swap3A_745 = arith.constant 0 : index
        %swap3A_746 = tpu.vector_load %arg16[%swap3A_745] {strides = array<i32>} : memref<96xi32, #tpu.memory_space<vmem>>, vector<16xi32>,
        %swap3A_747 = vector.shape_cast %swap3A_746 : vector<16xi32> to vector<16xi32>
        %swap3A_748 = vector.shape_cast %add3A_744 : vector<16xi32> to vector<16xi32>
        tpu.vector_store %arg16[%swap3A_745], %swap3A_748 {strides = array<i32>} : memref<96xi32, #tpu.memory_space<vmem>>, vector<16xi32>,
        %iota3A_749 = tpu.iota {dimensions = array<i32: 0>} : vector<16xi32>
        %add3A_750 = arith.constant 16 : i32
        %add3A_751 = arith.addi %min3A_729, %add3A_750 : i32
        %get3A_752 = arith.index_cast %add3A_751 : i32 to index
        %get3A_753 = tpu.vector_load %arg6[%get3A_752] {strides = array<i32>} : memref<5000xi32, #tpu.memory_space<vmem>>, vector<16xi32>,
        %get3A_754 = vector.shape_cast %get3A_753 : vector<16xi32> to vector<16xi32>
        %swap3A_755 = arith.constant 16 : index
        %swap3A_756 = tpu.vector_load %arg13[%swap3A_755] {strides = array<i32>} : memref<96xi32, #tpu.memory_space<vmem>>, vector<16xi32>,
        %swap3A_757 = vector.shape_cast %swap3A_756 : vector<16xi32> to vector<16xi32>
        %swap3A_758 = vector.shape_cast %get3A_754 : vector<16xi32> to vector<16xi32>
        tpu.vector_store %arg13[%swap3A_755], %swap3A_758 {strides = array<i32>} : memref<96xi32, #tpu.memory_space<vmem>>, vector<16xi32>,
        %add3A_759 = arith.addi %mul3A_24, %min3A_729 : i32
        %add3A_760 = arith.constant 16 : i32
        %add3A_761 = arith.addi %add3A_759, %add3A_760 : i32
        %add3A_762 = vector.broadcast %add3A_761 : i32 to vector<16xi32>
        %add3A_763 = arith.addi %add3A_762, %iota3A_749 : vector<16xi32>
        %swap3A_764 = arith.constant 16 : index
        %swap3A_765 = tpu.vector_load %arg16[%swap3A_764] {strides = array<i32>} : memref<96xi32, #tpu.memory_space<vmem>>, vector<16xi32>,
        %swap3A_766 = vector.shape_cast %swap3A_765 : vector<16xi32> to vector<16xi32>
        %swap3A_767 = vector.shape_cast %add3A_763 : vector<16xi32> to vector<16xi32>
        tpu.vector_store %arg16[%swap3A_764], %swap3A_767 {strides = array<i32>} : memref<96xi32, #tpu.memory_space<vmem>>, vector<16xi32>,
        %iota3A_768 = tpu.iota {dimensions = array<i32: 0>} : vector<16xi32>
        %add3A_769 = arith.constant 32 : i32
        %add3A_770 = arith.addi %min3A_729, %add3A_769 : i32
        %get3A_771 = arith.index_cast %add3A_770 : i32 to index
        %get3A_772 = tpu.vector_load %arg6[%get3A_771] {strides = array<i32>} : memref<5000xi32, #tpu.memory_space<vmem>>, vector<16xi32>,
        %get3A_773 = vector.shape_cast %get3A_772 : vector<16xi32> to vector<16xi32>
        %swap3A_774 = arith.constant 32 : index
        %swap3A_775 = tpu.vector_load %arg13[%swap3A_774] {strides = array<i32>} : memref<96xi32, #tpu.memory_space<vmem>>, vector<16xi32>,
        %swap3A_776 = vector.shape_cast %swap3A_775 : vector<16xi32> to vector<16xi32>
        %swap3A_777 = vector.shape_cast %get3A_773 : vector<16xi32> to vector<16xi32>
        tpu.vector_store %arg13[%swap3A_774], %swap3A_777 {strides = array<i32>} : memref<96xi32, #tpu.memory_space<vmem>>, vector<16xi32>,
        %add3A_778 = arith.addi %mul3A_24, %min3A_729 : i32
        %add3A_779 = arith.constant 32 : i32
        %add3A_780 = arith.addi %add3A_778, %add3A_779 : i32
        %add3A_781 = vector.broadcast %add3A_780 : i32 to vector<16xi32>
        %add3A_782 = arith.addi %add3A_781, %iota3A_768 : vector<16xi32>
        %swap3A_783 = arith.constant 32 : index
        %swap3A_784 = tpu.vector_load %arg16[%swap3A_783] {strides = array<i32>} : memref<96xi32, #tpu.memory_space<vmem>>, vector<16xi32>,
        %swap3A_785 = vector.shape_cast %swap3A_784 : vector<16xi32> to vector<16xi32>
        %swap3A_786 = vector.shape_cast %add3A_782 : vector<16xi32> to vector<16xi32>
        tpu.vector_store %arg16[%swap3A_783], %swap3A_786 {strides = array<i32>} : memref<96xi32, #tpu.memory_space<vmem>>, vector<16xi32>,
        %iota3A_787 = tpu.iota {dimensions = array<i32: 0>} : vector<16xi32>
        %add3A_788 = arith.constant 48 : i32
        %add3A_789 = arith.addi %min3A_729, %add3A_788 : i32
        %get3A_790 = arith.index_cast %add3A_789 : i32 to index
        %get3A_791 = tpu.vector_load %arg6[%get3A_790] {strides = array<i32>} : memref<5000xi32, #tpu.memory_space<vmem>>, vector<16xi32>,
        %get3A_792 = vector.shape_cast %get3A_791 : vector<16xi32> to vector<16xi32>
        %swap3A_793 = arith.constant 48 : index
        %swap3A_794 = tpu.vector_load %arg13[%swap3A_793] {strides = array<i32>} : memref<96xi32, #tpu.memory_space<vmem>>, vector<16xi32>,
        %swap3A_795 = vector.shape_cast %swap3A_794 : vector<16xi32> to vector<16xi32>
        %swap3A_796 = vector.shape_cast %get3A_792 : vector<16xi32> to vector<16xi32>
        tpu.vector_store %arg13[%swap3A_793], %swap3A_796 {strides = array<i32>} : memref<96xi32, #tpu.memory_space<vmem>>, vector<16xi32>,
        %add3A_797 = arith.addi %mul3A_24, %min3A_729 : i32
        %add3A_798 = arith.constant 48 : i32
        %add3A_799 = arith.addi %add3A_797, %add3A_798 : i32
        %add3A_800 = vector.broadcast %add3A_799 : i32 to vector<16xi32>
        %add3A_801 = arith.addi %add3A_800, %iota3A_787 : vector<16xi32>
        %swap3A_802 = arith.constant 48 : index
        %swap3A_803 = tpu.vector_load %arg16[%swap3A_802] {strides = array<i32>} : memref<96xi32, #tpu.memory_space<vmem>>, vector<16xi32>,
        %swap3A_804 = vector.shape_cast %swap3A_803 : vector<16xi32> to vector<16xi32>
        %swap3A_805 = vector.shape_cast %add3A_801 : vector<16xi32> to vector<16xi32>
        tpu.vector_store %arg16[%swap3A_802], %swap3A_805 {strides = array<i32>} : memref<96xi32, #tpu.memory_space<vmem>>, vector<16xi32>,
        %iota3A_806 = tpu.iota {dimensions = array<i32: 0>} : vector<16xi32>
        %add3A_807 = arith.constant 64 : i32
        %add3A_808 = arith.addi %min3A_729, %add3A_807 : i32
        %get3A_809 = arith.index_cast %add3A_808 : i32 to index
        %get3A_810 = tpu.vector_load %arg6[%get3A_809] {strides = array<i32>} : memref<5000xi32, #tpu.memory_space<vmem>>, vector<16xi32>,
        %get3A_811 = vector.shape_cast %get3A_810 : vector<16xi32> to vector<16xi32>
        %swap3A_812 = arith.constant 64 : index
        %swap3A_813 = tpu.vector_load %arg13[%swap3A_812] {strides = array<i32>} : memref<96xi32, #tpu.memory_space<vmem>>, vector<16xi32>,
        %swap3A_814 = vector.shape_cast %swap3A_813 : vector<16xi32> to vector<16xi32>
        %swap3A_815 = vector.shape_cast %get3A_811 : vector<16xi32> to vector<16xi32>
        tpu.vector_store %arg13[%swap3A_812], %swap3A_815 {strides = array<i32>} : memref<96xi32, #tpu.memory_space<vmem>>, vector<16xi32>,
        %add3A_816 = arith.addi %mul3A_24, %min3A_729 : i32
        %add3A_817 = arith.constant 64 : i32
        %add3A_818 = arith.addi %add3A_816, %add3A_817 : i32
        %add3A_819 = vector.broadcast %add3A_818 : i32 to vector<16xi32>
        %add3A_820 = arith.addi %add3A_819, %iota3A_806 : vector<16xi32>
        %swap3A_821 = arith.constant 64 : index
        %swap3A_822 = tpu.vector_load %arg16[%swap3A_821] {strides = array<i32>} : memref<96xi32, #tpu.memory_space<vmem>>, vector<16xi32>,
        %swap3A_823 = vector.shape_cast %swap3A_822 : vector<16xi32> to vector<16xi32>
        %swap3A_824 = vector.shape_cast %add3A_820 : vector<16xi32> to vector<16xi32>
        tpu.vector_store %arg16[%swap3A_821], %swap3A_824 {strides = array<i32>} : memref<96xi32, #tpu.memory_space<vmem>>, vector<16xi32>,
        %iota3A_825 = tpu.iota {dimensions = array<i32: 0>} : vector<16xi32>
        %add3A_826 = arith.constant 80 : i32
        %add3A_827 = arith.addi %min3A_729, %add3A_826 : i32
        %get3A_828 = arith.index_cast %add3A_827 : i32 to index
        %get3A_829 = tpu.vector_load %arg6[%get3A_828] {strides = array<i32>} : memref<5000xi32, #tpu.memory_space<vmem>>, vector<16xi32>,
        %get3A_830 = vector.shape_cast %get3A_829 : vector<16xi32> to vector<16xi32>
        %swap3A_831 = arith.constant 80 : index
        %swap3A_832 = tpu.vector_load %arg13[%swap3A_831] {strides = array<i32>} : memref<96xi32, #tpu.memory_space<vmem>>, vector<16xi32>,
        %swap3A_833 = vector.shape_cast %swap3A_832 : vector<16xi32> to vector<16xi32>
        %swap3A_834 = vector.shape_cast %get3A_830 : vector<16xi32> to vector<16xi32>
        tpu.vector_store %arg13[%swap3A_831], %swap3A_834 {strides = array<i32>} : memref<96xi32, #tpu.memory_space<vmem>>, vector<16xi32>,
        %add3A_835 = arith.addi %mul3A_24, %min3A_729 : i32
        %add3A_836 = arith.constant 80 : i32
        %add3A_837 = arith.addi %add3A_835, %add3A_836 : i32
        %add3A_838 = vector.broadcast %add3A_837 : i32 to vector<16xi32>
        %add3A_839 = arith.addi %add3A_838, %iota3A_825 : vector<16xi32>
        %swap3A_840 = arith.constant 80 : index
        %swap3A_841 = tpu.vector_load %arg16[%swap3A_840] {strides = array<i32>} : memref<96xi32, #tpu.memory_space<vmem>>, vector<16xi32>,
        %swap3A_842 = vector.shape_cast %swap3A_841 : vector<16xi32> to vector<16xi32>
        %swap3A_843 = vector.shape_cast %add3A_839 : vector<16xi32> to vector<16xi32>
        tpu.vector_store %arg16[%swap3A_840], %swap3A_843 {strides = array<i32>} : memref<96xi32, #tpu.memory_space<vmem>>, vector<16xi32>,
        %dma_start3A_844 = arith.constant 0 : i32
        %dma_start3A_845 = arith.constant 0 : i32
        %dma_start3A_846 = tpu.memref_slice %arg2[%dma_start3A_844, %dma_start3A_845] : memref<10240x128xf32, #tpu.memory_space<hbm>> -> memref<10240x128xf32, #tpu.memory_space<hbm>>
        tpu.enqueue_indirect_dma source(%dma_start3A_846 : memref<10240x128xf32, #tpu.memory_space<hbm>>) target(%arg10 : memref<96x128xf32, #tpu.memory_space<vmem>>) offsets(%arg13 : memref<96xi32, #tpu.memory_space<vmem>>) semaphore(%arg22 : memref<!tpu.dma_semaphore, #tpu.memory_space<semaphore_mem>>) {add = true}
        %dma_start3A_847 = arith.constant 0 : i32
        %dma_start3A_848 = arith.constant 0 : i32
        %dma_start3A_849 = tpu.memref_slice %arg3[%dma_start3A_847, %dma_start3A_848] : memref<160000x128xf32, #tpu.memory_space<hbm>> -> memref<160000x128xf32, #tpu.memory_space<hbm>>
        tpu.enqueue_indirect_dma source(%dma_start3A_849 : memref<160000x128xf32, #tpu.memory_space<hbm>>) target(%arg10 : memref<96x128xf32, #tpu.memory_space<vmem>>) offsets(%arg16 : memref<96xi32, #tpu.memory_space<vmem>>) semaphore(%arg25 : memref<!tpu.dma_semaphore, #tpu.memory_space<semaphore_mem>>) {add = true}
      } else {
      }
      %mul3A_423 = arith.constant 3 : i32
      %mul3A_424 = arith.muli %scan3A_282, %mul3A_423 : i32
      %add3A_425 = arith.constant 1 : i32
      %add3A_426 = arith.addi %mul3A_424, %add3A_425 : i32
      %mul3A_427 = arith.constant 96 : i32
      %mul3A_428 = arith.muli %add3A_426, %mul3A_427 : i32
      %min3A_429 = arith.constant 4904 : i32
      %min3A_430 = arith.minsi %mul3A_428, %min3A_429 : i32
      %dma_wait3A_431 = arith.constant 0 : i32
      %dma_wait3A_432 = arith.constant 0 : i32
      %dma_wait3A_433 = tpu.memref_slice %arg2[%dma_wait3A_431, %dma_wait3A_432] : memref<10240x128xf32, #tpu.memory_space<hbm>> -> memref<10240x128xf32, #tpu.memory_space<hbm>>
      tpu.wait_indirect_dma semaphore(%arg21 : memref<!tpu.dma_semaphore, #tpu.memory_space<semaphore_mem>>) src(%dma_wait3A_433 : memref<10240x128xf32, #tpu.memory_space<hbm>>) dst(%arg9 : memref<96x128xf32, #tpu.memory_space<vmem>>)
      %dma_wait3A_434 = arith.constant 0 : i32
      %dma_wait3A_435 = arith.constant 0 : i32
      %dma_wait3A_436 = tpu.memref_slice %arg3[%dma_wait3A_434, %dma_wait3A_435] : memref<160000x128xf32, #tpu.memory_space<hbm>> -> memref<160000x128xf32, #tpu.memory_space<hbm>>
      tpu.wait_indirect_dma semaphore(%arg24 : memref<!tpu.dma_semaphore, #tpu.memory_space<semaphore_mem>>) src(%dma_wait3A_436 : memref<160000x128xf32, #tpu.memory_space<hbm>>) dst(%arg9 : memref<96x128xf32, #tpu.memory_space<vmem>>)
      %mul3A_437 = arith.constant 96 : i32
      %mul3A_438 = arith.muli %add3A_426, %mul3A_437 : i32
      %min3A_439 = arith.constant 5000 : i32
      %min3A_440 = arith.minsi %mul3A_438, %min3A_439 : i32
      %sub3A_441 = arith.subi %min3A_440, %min3A_430 : i32
      %add3A_442 = arith.constant 0 : i32
      %add3A_443 = arith.addi %min3A_430, %add3A_442 : i32
      %get3A_444 = arith.index_cast %add3A_443 : i32 to index
      %get3A_445 = tpu.vector_load %arg7[%get3A_444] {strides = array<i32>} : memref<5000xi32, #tpu.memory_space<vmem>>, vector<16xi32>,
      %get3A_446 = vector.shape_cast %get3A_445 : vector<16xi32> to vector<16xi32>
      %iota3A_447 = tpu.iota {dimensions = array<i32: 0>} : vector<16xi32>
      %add3A_448 = arith.constant 0 : i32
      %add3A_449 = vector.broadcast %add3A_448 : i32 to vector<16xi32>
      %add3A_450 = arith.addi %add3A_449, %iota3A_447 : vector<16xi32>
      %ge3A_451 = vector.broadcast %sub3A_441 : i32 to vector<16xi32>
      %ge3A_452 = arith.cmpi sge, %add3A_450, %ge3A_451 : vector<16xi32>
      %broadcast_in_dim3A_453 = arith.constant 10000 : i32
      %broadcast_in_dim3A_454 = vector.broadcast %broadcast_in_dim3A_453 : i32 to vector<16xi32>
      %select_n3A_455 = arith.select %ge3A_452, %get3A_446, %broadcast_in_dim3A_454 : vector<16xi1>, vector<16xi32>
      %swap3A_456 = arith.constant 0 : index
      %swap3A_457 = tpu.vector_load %arg18[%swap3A_456] {strides = array<i32>} : memref<96xi32, #tpu.memory_space<vmem>>, vector<16xi32>,
      %swap3A_458 = vector.shape_cast %swap3A_457 : vector<16xi32> to vector<16xi32>
      %swap3A_459 = vector.shape_cast %select_n3A_455 : vector<16xi32> to vector<16xi32>
      tpu.vector_store %arg18[%swap3A_456], %swap3A_459 {strides = array<i32>} : memref<96xi32, #tpu.memory_space<vmem>>, vector<16xi32>,
      %add3A_460 = arith.constant 16 : i32
      %add3A_461 = arith.addi %min3A_430, %add3A_460 : i32
      %get3A_462 = arith.index_cast %add3A_461 : i32 to index
      %get3A_463 = tpu.vector_load %arg7[%get3A_462] {strides = array<i32>} : memref<5000xi32, #tpu.memory_space<vmem>>, vector<16xi32>,
      %get3A_464 = vector.shape_cast %get3A_463 : vector<16xi32> to vector<16xi32>
      %iota3A_465 = tpu.iota {dimensions = array<i32: 0>} : vector<16xi32>
      %add3A_466 = arith.constant 16 : i32
      %add3A_467 = vector.broadcast %add3A_466 : i32 to vector<16xi32>
      %add3A_468 = arith.addi %add3A_467, %iota3A_465 : vector<16xi32>
      %ge3A_469 = vector.broadcast %sub3A_441 : i32 to vector<16xi32>
      %ge3A_470 = arith.cmpi sge, %add3A_468, %ge3A_469 : vector<16xi32>
      %broadcast_in_dim3A_471 = arith.constant 10000 : i32
      %broadcast_in_dim3A_472 = vector.broadcast %broadcast_in_dim3A_471 : i32 to vector<16xi32>
      %select_n3A_473 = arith.select %ge3A_470, %get3A_464, %broadcast_in_dim3A_472 : vector<16xi1>, vector<16xi32>
      %swap3A_474 = arith.constant 16 : index
      %swap3A_475 = tpu.vector_load %arg18[%swap3A_474] {strides = array<i32>} : memref<96xi32, #tpu.memory_space<vmem>>, vector<16xi32>,
      %swap3A_476 = vector.shape_cast %swap3A_475 : vector<16xi32> to vector<16xi32>
      %swap3A_477 = vector.shape_cast %select_n3A_473 : vector<16xi32> to vector<16xi32>
      tpu.vector_store %arg18[%swap3A_474], %swap3A_477 {strides = array<i32>} : memref<96xi32, #tpu.memory_space<vmem>>, vector<16xi32>,
      %add3A_478 = arith.constant 32 : i32
      %add3A_479 = arith.addi %min3A_430, %add3A_478 : i32
      %get3A_480 = arith.index_cast %add3A_479 : i32 to index
      %get3A_481 = tpu.vector_load %arg7[%get3A_480] {strides = array<i32>} : memref<5000xi32, #tpu.memory_space<vmem>>, vector<16xi32>,
      %get3A_482 = vector.shape_cast %get3A_481 : vector<16xi32> to vector<16xi32>
      %iota3A_483 = tpu.iota {dimensions = array<i32: 0>} : vector<16xi32>
      %add3A_484 = arith.constant 32 : i32
      %add3A_485 = vector.broadcast %add3A_484 : i32 to vector<16xi32>
      %add3A_486 = arith.addi %add3A_485, %iota3A_483 : vector<16xi32>
      %ge3A_487 = vector.broadcast %sub3A_441 : i32 to vector<16xi32>
      %ge3A_488 = arith.cmpi sge, %add3A_486, %ge3A_487 : vector<16xi32>
      %broadcast_in_dim3A_489 = arith.constant 10000 : i32
      %broadcast_in_dim3A_490 = vector.broadcast %broadcast_in_dim3A_489 : i32 to vector<16xi32>
      %select_n3A_491 = arith.select %ge3A_488, %get3A_482, %broadcast_in_dim3A_490 : vector<16xi1>, vector<16xi32>
      %swap3A_492 = arith.constant 32 : index
      %swap3A_493 = tpu.vector_load %arg18[%swap3A_492] {strides = array<i32>} : memref<96xi32, #tpu.memory_space<vmem>>, vector<16xi32>,
      %swap3A_494 = vector.shape_cast %swap3A_493 : vector<16xi32> to vector<16xi32>
      %swap3A_495 = vector.shape_cast %select_n3A_491 : vector<16xi32> to vector<16xi32>
      tpu.vector_store %arg18[%swap3A_492], %swap3A_495 {strides = array<i32>} : memref<96xi32, #tpu.memory_space<vmem>>, vector<16xi32>,
      %add3A_496 = arith.constant 48 : i32
      %add3A_497 = arith.addi %min3A_430, %add3A_496 : i32
      %get3A_498 = arith.index_cast %add3A_497 : i32 to index
      %get3A_499 = tpu.vector_load %arg7[%get3A_498] {strides = array<i32>} : memref<5000xi32, #tpu.memory_space<vmem>>, vector<16xi32>,
      %get3A_500 = vector.shape_cast %get3A_499 : vector<16xi32> to vector<16xi32>
      %iota3A_501 = tpu.iota {dimensions = array<i32: 0>} : vector<16xi32>
      %add3A_502 = arith.constant 48 : i32
      %add3A_503 = vector.broadcast %add3A_502 : i32 to vector<16xi32>
      %add3A_504 = arith.addi %add3A_503, %iota3A_501 : vector<16xi32>
      %ge3A_505 = vector.broadcast %sub3A_441 : i32 to vector<16xi32>
      %ge3A_506 = arith.cmpi sge, %add3A_504, %ge3A_505 : vector<16xi32>
      %broadcast_in_dim3A_507 = arith.constant 10000 : i32
      %broadcast_in_dim3A_508 = vector.broadcast %broadcast_in_dim3A_507 : i32 to vector<16xi32>
      %select_n3A_509 = arith.select %ge3A_506, %get3A_500, %broadcast_in_dim3A_508 : vector<16xi1>, vector<16xi32>
      %swap3A_510 = arith.constant 48 : index
      %swap3A_511 = tpu.vector_load %arg18[%swap3A_510] {strides = array<i32>} : memref<96xi32, #tpu.memory_space<vmem>>, vector<16xi32>,
      %swap3A_512 = vector.shape_cast %swap3A_511 : vector<16xi32> to vector<16xi32>
      %swap3A_513 = vector.shape_cast %select_n3A_509 : vector<16xi32> to vector<16xi32>
      tpu.vector_store %arg18[%swap3A_510], %swap3A_513 {strides = array<i32>} : memref<96xi32, #tpu.memory_space<vmem>>, vector<16xi32>,
      %add3A_514 = arith.constant 64 : i32
      %add3A_515 = arith.addi %min3A_430, %add3A_514 : i32
      %get3A_516 = arith.index_cast %add3A_515 : i32 to index
      %get3A_517 = tpu.vector_load %arg7[%get3A_516] {strides = array<i32>} : memref<5000xi32, #tpu.memory_space<vmem>>, vector<16xi32>,
      %get3A_518 = vector.shape_cast %get3A_517 : vector<16xi32> to vector<16xi32>
      %iota3A_519 = tpu.iota {dimensions = array<i32: 0>} : vector<16xi32>
      %add3A_520 = arith.constant 64 : i32
      %add3A_521 = vector.broadcast %add3A_520 : i32 to vector<16xi32>
      %add3A_522 = arith.addi %add3A_521, %iota3A_519 : vector<16xi32>
      %ge3A_523 = vector.broadcast %sub3A_441 : i32 to vector<16xi32>
      %ge3A_524 = arith.cmpi sge, %add3A_522, %ge3A_523 : vector<16xi32>
      %broadcast_in_dim3A_525 = arith.constant 10000 : i32
      %broadcast_in_dim3A_526 = vector.broadcast %broadcast_in_dim3A_525 : i32 to vector<16xi32>
      %select_n3A_527 = arith.select %ge3A_524, %get3A_518, %broadcast_in_dim3A_526 : vector<16xi1>, vector<16xi32>
      %swap3A_528 = arith.constant 64 : index
      %swap3A_529 = tpu.vector_load %arg18[%swap3A_528] {strides = array<i32>} : memref<96xi32, #tpu.memory_space<vmem>>, vector<16xi32>,
      %swap3A_530 = vector.shape_cast %swap3A_529 : vector<16xi32> to vector<16xi32>
      %swap3A_531 = vector.shape_cast %select_n3A_527 : vector<16xi32> to vector<16xi32>
      tpu.vector_store %arg18[%swap3A_528], %swap3A_531 {strides = array<i32>} : memref<96xi32, #tpu.memory_space<vmem>>, vector<16xi32>,
      %add3A_532 = arith.constant 80 : i32
      %add3A_533 = arith.addi %min3A_430, %add3A_532 : i32
      %get3A_534 = arith.index_cast %add3A_533 : i32 to index
      %get3A_535 = tpu.vector_load %arg7[%get3A_534] {strides = array<i32>} : memref<5000xi32, #tpu.memory_space<vmem>>, vector<16xi32>,
      %get3A_536 = vector.shape_cast %get3A_535 : vector<16xi32> to vector<16xi32>
      %iota3A_537 = tpu.iota {dimensions = array<i32: 0>} : vector<16xi32>
      %add3A_538 = arith.constant 80 : i32
      %add3A_539 = vector.broadcast %add3A_538 : i32 to vector<16xi32>
      %add3A_540 = arith.addi %add3A_539, %iota3A_537 : vector<16xi32>
      %ge3A_541 = vector.broadcast %sub3A_441 : i32 to vector<16xi32>
      %ge3A_542 = arith.cmpi sge, %add3A_540, %ge3A_541 : vector<16xi32>
      %broadcast_in_dim3A_543 = arith.constant 10000 : i32
      %broadcast_in_dim3A_544 = vector.broadcast %broadcast_in_dim3A_543 : i32 to vector<16xi32>
      %select_n3A_545 = arith.select %ge3A_542, %get3A_536, %broadcast_in_dim3A_544 : vector<16xi1>, vector<16xi32>
      %swap3A_546 = arith.constant 80 : index
      %swap3A_547 = tpu.vector_load %arg18[%swap3A_546] {strides = array<i32>} : memref<96xi32, #tpu.memory_space<vmem>>, vector<16xi32>,
      %swap3A_548 = vector.shape_cast %swap3A_547 : vector<16xi32> to vector<16xi32>
      %swap3A_549 = vector.shape_cast %select_n3A_545 : vector<16xi32> to vector<16xi32>
      tpu.vector_store %arg18[%swap3A_546], %swap3A_549 {strides = array<i32>} : memref<96xi32, #tpu.memory_space<vmem>>, vector<16xi32>,
      %scan3A_550 = arith.constant 0 : i32
      %scan3A_551 = arith.constant 0 : i32
      %scan3A_552 = arith.constant 96 : i32
      %scan3A_553 = arith.addi %scan3A_551, %scan3A_552 : i32
      %scan3A_554 = arith.constant 1 : i32
      %scan3A_555 = scf.for %scan3A_712 = %scan3A_551 to %scan3A_553 step %scan3A_554 iter_args(%scan3A_713 = %scan3A_550) -> (i32)  : i32 {
        %get3A_714 = arith.index_cast %scan3A_712 : i32 to index
        %get3A_715 = arith.constant 0 : index
        %get3A_716 = tpu.vector_load %arg9[%get3A_714, %get3A_715] {strides = array<i32>} : memref<96x128xf32, #tpu.memory_space<vmem>>, vector<1x16xf32>,
        %get3A_717 = vector.shape_cast %get3A_716 : vector<1x16xf32> to vector<16xf32>
        %max3A = arith.constant 0.000000e+00 : f32
        %max3A_718 = vector.broadcast %max3A : f32 to vector<16xf32>
        %max3A_719 = arith.maximumf %get3A_717, %max3A_718 : vector<16xf32>
        %swap3A_720 = arith.index_cast %scan3A_712 : i32 to index
        %swap3A_721 = arith.constant 0 : index
        %swap3A_722 = tpu.vector_load %arg9[%swap3A_720, %swap3A_721] {strides = array<i32>} : memref<96x128xf32, #tpu.memory_space<vmem>>, vector<1x16xf32>,
        %swap3A_723 = vector.shape_cast %swap3A_722 : vector<1x16xf32> to vector<16xf32>
        %swap3A_724 = vector.shape_cast %max3A_719 : vector<16xf32> to vector<1x16xf32>
        tpu.vector_store %arg9[%swap3A_720, %swap3A_721], %swap3A_724 {strides = array<i32>} : memref<96x128xf32, #tpu.memory_space<vmem>>, vector<1x16xf32>,
        %get3A_725 = arith.index_cast %scan3A_712 : i32 to index
        %get3A_726 = arith.constant 16 : index
        %get3A_727 = tpu.vector_load %arg9[%get3A_725, %get3A_726] {strides = array<i32>} : memref<96x128xf32, #tpu.memory_space<vmem>>, vector<1x16xf32>,
        %get3A_728 = vector.shape_cast %get3A_727 : vector<1x16xf32> to vector<16xf32>
        %max3A_729 = arith.constant 0.000000e+00 : f32
        %max3A_730 = vector.broadcast %max3A_729 : f32 to vector<16xf32>
        %max3A_731 = arith.maximumf %get3A_728, %max3A_730 : vector<16xf32>
        %swap3A_732 = arith.index_cast %scan3A_712 : i32 to index
        %swap3A_733 = arith.constant 16 : index
        %swap3A_734 = tpu.vector_load %arg9[%swap3A_732, %swap3A_733] {strides = array<i32>} : memref<96x128xf32, #tpu.memory_space<vmem>>, vector<1x16xf32>,
        %swap3A_735 = vector.shape_cast %swap3A_734 : vector<1x16xf32> to vector<16xf32>
        %swap3A_736 = vector.shape_cast %max3A_731 : vector<16xf32> to vector<1x16xf32>
        tpu.vector_store %arg9[%swap3A_732, %swap3A_733], %swap3A_736 {strides = array<i32>} : memref<96x128xf32, #tpu.memory_space<vmem>>, vector<1x16xf32>,
        %get3A_737 = arith.index_cast %scan3A_712 : i32 to index
        %get3A_738 = arith.constant 32 : index
        %get3A_739 = tpu.vector_load %arg9[%get3A_737, %get3A_738] {strides = array<i32>} : memref<96x128xf32, #tpu.memory_space<vmem>>, vector<1x16xf32>,
        %get3A_740 = vector.shape_cast %get3A_739 : vector<1x16xf32> to vector<16xf32>
        %max3A_741 = arith.constant 0.000000e+00 : f32
        %max3A_742 = vector.broadcast %max3A_741 : f32 to vector<16xf32>
        %max3A_743 = arith.maximumf %get3A_740, %max3A_742 : vector<16xf32>
        %swap3A_744 = arith.index_cast %scan3A_712 : i32 to index
        %swap3A_745 = arith.constant 32 : index
        %swap3A_746 = tpu.vector_load %arg9[%swap3A_744, %swap3A_745] {strides = array<i32>} : memref<96x128xf32, #tpu.memory_space<vmem>>, vector<1x16xf32>,
        %swap3A_747 = vector.shape_cast %swap3A_746 : vector<1x16xf32> to vector<16xf32>
        %swap3A_748 = vector.shape_cast %max3A_743 : vector<16xf32> to vector<1x16xf32>
        tpu.vector_store %arg9[%swap3A_744, %swap3A_745], %swap3A_748 {strides = array<i32>} : memref<96x128xf32, #tpu.memory_space<vmem>>, vector<1x16xf32>,
        %get3A_749 = arith.index_cast %scan3A_712 : i32 to index
        %get3A_750 = arith.constant 48 : index
        %get3A_751 = tpu.vector_load %arg9[%get3A_749, %get3A_750] {strides = array<i32>} : memref<96x128xf32, #tpu.memory_space<vmem>>, vector<1x16xf32>,
        %get3A_752 = vector.shape_cast %get3A_751 : vector<1x16xf32> to vector<16xf32>
        %max3A_753 = arith.constant 0.000000e+00 : f32
        %max3A_754 = vector.broadcast %max3A_753 : f32 to vector<16xf32>
        %max3A_755 = arith.maximumf %get3A_752, %max3A_754 : vector<16xf32>
        %swap3A_756 = arith.index_cast %scan3A_712 : i32 to index
        %swap3A_757 = arith.constant 48 : index
        %swap3A_758 = tpu.vector_load %arg9[%swap3A_756, %swap3A_757] {strides = array<i32>} : memref<96x128xf32, #tpu.memory_space<vmem>>, vector<1x16xf32>,
        %swap3A_759 = vector.shape_cast %swap3A_758 : vector<1x16xf32> to vector<16xf32>
        %swap3A_760 = vector.shape_cast %max3A_755 : vector<16xf32> to vector<1x16xf32>
        tpu.vector_store %arg9[%swap3A_756, %swap3A_757], %swap3A_760 {strides = array<i32>} : memref<96x128xf32, #tpu.memory_space<vmem>>, vector<1x16xf32>,
        %get3A_761 = arith.index_cast %scan3A_712 : i32 to index
        %get3A_762 = arith.constant 64 : index
        %get3A_763 = tpu.vector_load %arg9[%get3A_761, %get3A_762] {strides = array<i32>} : memref<96x128xf32, #tpu.memory_space<vmem>>, vector<1x16xf32>,
        %get3A_764 = vector.shape_cast %get3A_763 : vector<1x16xf32> to vector<16xf32>
        %max3A_765 = arith.constant 0.000000e+00 : f32
        %max3A_766 = vector.broadcast %max3A_765 : f32 to vector<16xf32>
        %max3A_767 = arith.maximumf %get3A_764, %max3A_766 : vector<16xf32>
        %swap3A_768 = arith.index_cast %scan3A_712 : i32 to index
        %swap3A_769 = arith.constant 64 : index
        %swap3A_770 = tpu.vector_load %arg9[%swap3A_768, %swap3A_769] {strides = array<i32>} : memref<96x128xf32, #tpu.memory_space<vmem>>, vector<1x16xf32>,
        %swap3A_771 = vector.shape_cast %swap3A_770 : vector<1x16xf32> to vector<16xf32>
        %swap3A_772 = vector.shape_cast %max3A_767 : vector<16xf32> to vector<1x16xf32>
        tpu.vector_store %arg9[%swap3A_768, %swap3A_769], %swap3A_772 {strides = array<i32>} : memref<96x128xf32, #tpu.memory_space<vmem>>, vector<1x16xf32>,
        %get3A_773 = arith.index_cast %scan3A_712 : i32 to index
        %get3A_774 = arith.constant 80 : index
        %get3A_775 = tpu.vector_load %arg9[%get3A_773, %get3A_774] {strides = array<i32>} : memref<96x128xf32, #tpu.memory_space<vmem>>, vector<1x16xf32>,
        %get3A_776 = vector.shape_cast %get3A_775 : vector<1x16xf32> to vector<16xf32>
        %max3A_777 = arith.constant 0.000000e+00 : f32
        %max3A_778 = vector.broadcast %max3A_777 : f32 to vector<16xf32>
        %max3A_779 = arith.maximumf %get3A_776, %max3A_778 : vector<16xf32>
        %swap3A_780 = arith.index_cast %scan3A_712 : i32 to index
        %swap3A_781 = arith.constant 80 : index
        %swap3A_782 = tpu.vector_load %arg9[%swap3A_780, %swap3A_781] {strides = array<i32>} : memref<96x128xf32, #tpu.memory_space<vmem>>, vector<1x16xf32>,
        %swap3A_783 = vector.shape_cast %swap3A_782 : vector<1x16xf32> to vector<16xf32>
        %swap3A_784 = vector.shape_cast %max3A_779 : vector<16xf32> to vector<1x16xf32>
        tpu.vector_store %arg9[%swap3A_780, %swap3A_781], %swap3A_784 {strides = array<i32>} : memref<96x128xf32, #tpu.memory_space<vmem>>, vector<1x16xf32>,
        %get3A_785 = arith.index_cast %scan3A_712 : i32 to index
        %get3A_786 = arith.constant 96 : index
        %get3A_787 = tpu.vector_load %arg9[%get3A_785, %get3A_786] {strides = array<i32>} : memref<96x128xf32, #tpu.memory_space<vmem>>, vector<1x16xf32>,
        %get3A_788 = vector.shape_cast %get3A_787 : vector<1x16xf32> to vector<16xf32>
        %max3A_789 = arith.constant 0.000000e+00 : f32
        %max3A_790 = vector.broadcast %max3A_789 : f32 to vector<16xf32>
        %max3A_791 = arith.maximumf %get3A_788, %max3A_790 : vector<16xf32>
        %swap3A_792 = arith.index_cast %scan3A_712 : i32 to index
        %swap3A_793 = arith.constant 96 : index
        %swap3A_794 = tpu.vector_load %arg9[%swap3A_792, %swap3A_793] {strides = array<i32>} : memref<96x128xf32, #tpu.memory_space<vmem>>, vector<1x16xf32>,
        %swap3A_795 = vector.shape_cast %swap3A_794 : vector<1x16xf32> to vector<16xf32>
        %swap3A_796 = vector.shape_cast %max3A_791 : vector<16xf32> to vector<1x16xf32>
        tpu.vector_store %arg9[%swap3A_792, %swap3A_793], %swap3A_796 {strides = array<i32>} : memref<96x128xf32, #tpu.memory_space<vmem>>, vector<1x16xf32>,
        %get3A_797 = arith.index_cast %scan3A_712 : i32 to index
        %get3A_798 = arith.constant 112 : index
        %get3A_799 = tpu.vector_load %arg9[%get3A_797, %get3A_798] {strides = array<i32>} : memref<96x128xf32, #tpu.memory_space<vmem>>, vector<1x16xf32>,
        %get3A_800 = vector.shape_cast %get3A_799 : vector<1x16xf32> to vector<16xf32>
        %max3A_801 = arith.constant 0.000000e+00 : f32
        %max3A_802 = vector.broadcast %max3A_801 : f32 to vector<16xf32>
        %max3A_803 = arith.maximumf %get3A_800, %max3A_802 : vector<16xf32>
        %swap3A_804 = arith.index_cast %scan3A_712 : i32 to index
        %swap3A_805 = arith.constant 112 : index
        %swap3A_806 = tpu.vector_load %arg9[%swap3A_804, %swap3A_805] {strides = array<i32>} : memref<96x128xf32, #tpu.memory_space<vmem>>, vector<1x16xf32>,
        %swap3A_807 = vector.shape_cast %swap3A_806 : vector<1x16xf32> to vector<16xf32>
        %swap3A_808 = vector.shape_cast %max3A_803 : vector<16xf32> to vector<1x16xf32>
        tpu.vector_store %arg9[%swap3A_804, %swap3A_805], %swap3A_808 {strides = array<i32>} : memref<96x128xf32, #tpu.memory_space<vmem>>, vector<1x16xf32>,
        %scan3A_809 = arith.constant 0 : i32
        scf.yield %scan3A_809 : i32
      }
      %scan3A_556 = arith.constant 96 : i32
      %dma_start3A_557 = arith.constant 0 : i32
      %dma_start3A_558 = arith.constant 0 : i32
      %dma_start3A_559 = tpu.memref_slice %arg29[%dma_start3A_557, %dma_start3A_558] : memref<10112x128xf32, #tpu.memory_space<vmem_shared>> -> memref<10112x128xf32, #tpu.memory_space<vmem_shared>>
      tpu.enqueue_indirect_dma source(%arg9 : memref<96x128xf32, #tpu.memory_space<vmem>>) target(%dma_start3A_559 : memref<10112x128xf32, #tpu.memory_space<vmem_shared>>) offsets(%arg18 : memref<96xi32, #tpu.memory_space<vmem>>) semaphore(%arg27 : memref<!tpu.dma_semaphore, #tpu.memory_space<semaphore_mem>>) {add = true}
      %add3A_560 = arith.constant 2 : i32
      %add3A_561 = arith.addi %add3A_426, %add3A_560 : i32
      %lt3A_562 = arith.constant 54 : i32
      %lt3A_563 = arith.cmpi slt, %add3A_561, %lt3A_562 : i32
      %convert_element_type3A_564 = arith.extui %lt3A_563 : i1 to i32
      %cond3A_565 = arith.constant 0 : i32
      %cond3A_566 = arith.cmpi ne, %convert_element_type3A_564, %cond3A_565 : i32
      scf.if %cond3A_566 {
        %ge3A_712 = arith.constant 1 : i32
        %ge3A_713 = arith.cmpi sge, %add3A_426, %ge3A_712 : i32
        %convert_element_type3A_714 = arith.extui %ge3A_713 : i1 to i32
        %cond3A_715 = arith.constant 0 : i32
        %cond3A_716 = arith.cmpi ne, %convert_element_type3A_714, %cond3A_715 : i32
        scf.if %cond3A_716 {
          %dma_wait3A_850 = arith.constant 0 : i32
          %dma_wait3A_851 = arith.constant 0 : i32
          %dma_wait3A_852 = tpu.memref_slice %arg29[%dma_wait3A_850, %dma_wait3A_851] : memref<10112x128xf32, #tpu.memory_space<vmem_shared>> -> memref<10112x128xf32, #tpu.memory_space<vmem_shared>>
          tpu.wait_indirect_dma semaphore(%arg26 : memref<!tpu.dma_semaphore, #tpu.memory_space<semaphore_mem>>) src(%arg8 : memref<96x128xf32, #tpu.memory_space<vmem>>) dst(%dma_wait3A_852 : memref<10112x128xf32, #tpu.memory_space<vmem_shared>>)
        } else {
        }
        %scan3A_717 = arith.constant 0 : i32
        %scan3A_718 = arith.constant 0 : i32
        %scan3A_719 = arith.constant 96 : i32
        %scan3A_720 = arith.addi %scan3A_718, %scan3A_719 : i32
        %scan3A_721 = arith.constant 1 : i32
        %scan3A_722 = scf.for %scan3A_850 = %scan3A_718 to %scan3A_720 step %scan3A_721 iter_args(%scan3A_851 = %scan3A_717) -> (i32)  : i32 {
          %broadcast_in_dim3A_852 = arith.constant 0.000000e+00 : f32
          %broadcast_in_dim3A_853 = vector.broadcast %broadcast_in_dim3A_852 : f32 to vector<16xf32>
          %swap3A_854 = arith.index_cast %scan3A_850 : i32 to index
          %swap3A_855 = arith.constant 0 : index
          %swap3A_856 = tpu.vector_load %arg8[%swap3A_854, %swap3A_855] {strides = array<i32>} : memref<96x128xf32, #tpu.memory_space<vmem>>, vector<1x16xf32>,
          %swap3A_857 = vector.shape_cast %swap3A_856 : vector<1x16xf32> to vector<16xf32>
          %swap3A_858 = vector.shape_cast %broadcast_in_dim3A_853 : vector<16xf32> to vector<1x16xf32>
          tpu.vector_store %arg8[%swap3A_854, %swap3A_855], %swap3A_858 {strides = array<i32>} : memref<96x128xf32, #tpu.memory_space<vmem>>, vector<1x16xf32>,
          %broadcast_in_dim3A_859 = arith.constant 0.000000e+00 : f32
          %broadcast_in_dim3A_860 = vector.broadcast %broadcast_in_dim3A_859 : f32 to vector<16xf32>
          %swap3A_861 = arith.index_cast %scan3A_850 : i32 to index
          %swap3A_862 = arith.constant 16 : index
          %swap3A_863 = tpu.vector_load %arg8[%swap3A_861, %swap3A_862] {strides = array<i32>} : memref<96x128xf32, #tpu.memory_space<vmem>>, vector<1x16xf32>,
          %swap3A_864 = vector.shape_cast %swap3A_863 : vector<1x16xf32> to vector<16xf32>
          %swap3A_865 = vector.shape_cast %broadcast_in_dim3A_860 : vector<16xf32> to vector<1x16xf32>
          tpu.vector_store %arg8[%swap3A_861, %swap3A_862], %swap3A_865 {strides = array<i32>} : memref<96x128xf32, #tpu.memory_space<vmem>>, vector<1x16xf32>,
          %broadcast_in_dim3A_866 = arith.constant 0.000000e+00 : f32
          %broadcast_in_dim3A_867 = vector.broadcast %broadcast_in_dim3A_866 : f32 to vector<16xf32>
          %swap3A_868 = arith.index_cast %scan3A_850 : i32 to index
          %swap3A_869 = arith.constant 32 : index
          %swap3A_870 = tpu.vector_load %arg8[%swap3A_868, %swap3A_869] {strides = array<i32>} : memref<96x128xf32, #tpu.memory_space<vmem>>, vector<1x16xf32>,
          %swap3A_871 = vector.shape_cast %swap3A_870 : vector<1x16xf32> to vector<16xf32>
          %swap3A_872 = vector.shape_cast %broadcast_in_dim3A_867 : vector<16xf32> to vector<1x16xf32>
          tpu.vector_store %arg8[%swap3A_868, %swap3A_869], %swap3A_872 {strides = array<i32>} : memref<96x128xf32, #tpu.memory_space<vmem>>, vector<1x16xf32>,
          %broadcast_in_dim3A_873 = arith.constant 0.000000e+00 : f32
          %broadcast_in_dim3A_874 = vector.broadcast %broadcast_in_dim3A_873 : f32 to vector<16xf32>
          %swap3A_875 = arith.index_cast %scan3A_850 : i32 to index
          %swap3A_876 = arith.constant 48 : index
          %swap3A_877 = tpu.vector_load %arg8[%swap3A_875, %swap3A_876] {strides = array<i32>} : memref<96x128xf32, #tpu.memory_space<vmem>>, vector<1x16xf32>,
          %swap3A_878 = vector.shape_cast %swap3A_877 : vector<1x16xf32> to vector<16xf32>
          %swap3A_879 = vector.shape_cast %broadcast_in_dim3A_874 : vector<16xf32> to vector<1x16xf32>
          tpu.vector_store %arg8[%swap3A_875, %swap3A_876], %swap3A_879 {strides = array<i32>} : memref<96x128xf32, #tpu.memory_space<vmem>>, vector<1x16xf32>,
          %broadcast_in_dim3A_880 = arith.constant 0.000000e+00 : f32
          %broadcast_in_dim3A_881 = vector.broadcast %broadcast_in_dim3A_880 : f32 to vector<16xf32>
          %swap3A_882 = arith.index_cast %scan3A_850 : i32 to index
          %swap3A_883 = arith.constant 64 : index
          %swap3A_884 = tpu.vector_load %arg8[%swap3A_882, %swap3A_883] {strides = array<i32>} : memref<96x128xf32, #tpu.memory_space<vmem>>, vector<1x16xf32>,
          %swap3A_885 = vector.shape_cast %swap3A_884 : vector<1x16xf32> to vector<16xf32>
          %swap3A_886 = vector.shape_cast %broadcast_in_dim3A_881 : vector<16xf32> to vector<1x16xf32>
          tpu.vector_store %arg8[%swap3A_882, %swap3A_883], %swap3A_886 {strides = array<i32>} : memref<96x128xf32, #tpu.memory_space<vmem>>, vector<1x16xf32>,
          %broadcast_in_dim3A_887 = arith.constant 0.000000e+00 : f32
          %broadcast_in_dim3A_888 = vector.broadcast %broadcast_in_dim3A_887 : f32 to vector<16xf32>
          %swap3A_889 = arith.index_cast %scan3A_850 : i32 to index
          %swap3A_890 = arith.constant 80 : index
          %swap3A_891 = tpu.vector_load %arg8[%swap3A_889, %swap3A_890] {strides = array<i32>} : memref<96x128xf32, #tpu.memory_space<vmem>>, vector<1x16xf32>,
          %swap3A_892 = vector.shape_cast %swap3A_891 : vector<1x16xf32> to vector<16xf32>
          %swap3A_893 = vector.shape_cast %broadcast_in_dim3A_888 : vector<16xf32> to vector<1x16xf32>
          tpu.vector_store %arg8[%swap3A_889, %swap3A_890], %swap3A_893 {strides = array<i32>} : memref<96x128xf32, #tpu.memory_space<vmem>>, vector<1x16xf32>,
          %broadcast_in_dim3A_894 = arith.constant 0.000000e+00 : f32
          %broadcast_in_dim3A_895 = vector.broadcast %broadcast_in_dim3A_894 : f32 to vector<16xf32>
          %swap3A_896 = arith.index_cast %scan3A_850 : i32 to index
          %swap3A_897 = arith.constant 96 : index
          %swap3A_898 = tpu.vector_load %arg8[%swap3A_896, %swap3A_897] {strides = array<i32>} : memref<96x128xf32, #tpu.memory_space<vmem>>, vector<1x16xf32>,
          %swap3A_899 = vector.shape_cast %swap3A_898 : vector<1x16xf32> to vector<16xf32>
          %swap3A_900 = vector.shape_cast %broadcast_in_dim3A_895 : vector<16xf32> to vector<1x16xf32>
          tpu.vector_store %arg8[%swap3A_896, %swap3A_897], %swap3A_900 {strides = array<i32>} : memref<96x128xf32, #tpu.memory_space<vmem>>, vector<1x16xf32>,
          %broadcast_in_dim3A_901 = arith.constant 0.000000e+00 : f32
          %broadcast_in_dim3A_902 = vector.broadcast %broadcast_in_dim3A_901 : f32 to vector<16xf32>
          %swap3A_903 = arith.index_cast %scan3A_850 : i32 to index
          %swap3A_904 = arith.constant 112 : index
          %swap3A_905 = tpu.vector_load %arg8[%swap3A_903, %swap3A_904] {strides = array<i32>} : memref<96x128xf32, #tpu.memory_space<vmem>>, vector<1x16xf32>,
          %swap3A_906 = vector.shape_cast %swap3A_905 : vector<1x16xf32> to vector<16xf32>
          %swap3A_907 = vector.shape_cast %broadcast_in_dim3A_902 : vector<16xf32> to vector<1x16xf32>
          tpu.vector_store %arg8[%swap3A_903, %swap3A_904], %swap3A_907 {strides = array<i32>} : memref<96x128xf32, #tpu.memory_space<vmem>>, vector<1x16xf32>,
          %scan3A_908 = arith.constant 0 : i32
          scf.yield %scan3A_908 : i32
        }
        %scan3A_723 = arith.constant 96 : i32
        %add3A_724 = arith.constant 2 : i32
        %add3A_725 = arith.addi %add3A_426, %add3A_724 : i32
        %mul3A_726 = arith.constant 96 : i32
        %mul3A_727 = arith.muli %add3A_725, %mul3A_726 : i32
        %min3A_728 = arith.constant 4904 : i32
        %min3A_729 = arith.minsi %mul3A_727, %min3A_728 : i32
        %iota3A_730 = tpu.iota {dimensions = array<i32: 0>} : vector<16xi32>
        %add3A_731 = arith.constant 0 : i32
        %add3A_732 = arith.addi %min3A_729, %add3A_731 : i32
        %get3A_733 = arith.index_cast %add3A_732 : i32 to index
        %get3A_734 = tpu.vector_load %arg6[%get3A_733] {strides = array<i32>} : memref<5000xi32, #tpu.memory_space<vmem>>, vector<16xi32>,
        %get3A_735 = vector.shape_cast %get3A_734 : vector<16xi32> to vector<16xi32>
        %swap3A_736 = arith.constant 0 : index
        %swap3A_737 = tpu.vector_load %arg11[%swap3A_736] {strides = array<i32>} : memref<96xi32, #tpu.memory_space<vmem>>, vector<16xi32>,
        %swap3A_738 = vector.shape_cast %swap3A_737 : vector<16xi32> to vector<16xi32>
        %swap3A_739 = vector.shape_cast %get3A_735 : vector<16xi32> to vector<16xi32>
        tpu.vector_store %arg11[%swap3A_736], %swap3A_739 {strides = array<i32>} : memref<96xi32, #tpu.memory_space<vmem>>, vector<16xi32>,
        %add3A_740 = arith.addi %mul3A_24, %min3A_729 : i32
        %add3A_741 = arith.constant 0 : i32
        %add3A_742 = arith.addi %add3A_740, %add3A_741 : i32
        %add3A_743 = vector.broadcast %add3A_742 : i32 to vector<16xi32>
        %add3A_744 = arith.addi %add3A_743, %iota3A_730 : vector<16xi32>
        %swap3A_745 = arith.constant 0 : index
        %swap3A_746 = tpu.vector_load %arg14[%swap3A_745] {strides = array<i32>} : memref<96xi32, #tpu.memory_space<vmem>>, vector<16xi32>,
        %swap3A_747 = vector.shape_cast %swap3A_746 : vector<16xi32> to vector<16xi32>
        %swap3A_748 = vector.shape_cast %add3A_744 : vector<16xi32> to vector<16xi32>
        tpu.vector_store %arg14[%swap3A_745], %swap3A_748 {strides = array<i32>} : memref<96xi32, #tpu.memory_space<vmem>>, vector<16xi32>,
        %iota3A_749 = tpu.iota {dimensions = array<i32: 0>} : vector<16xi32>
        %add3A_750 = arith.constant 16 : i32
        %add3A_751 = arith.addi %min3A_729, %add3A_750 : i32
        %get3A_752 = arith.index_cast %add3A_751 : i32 to index
        %get3A_753 = tpu.vector_load %arg6[%get3A_752] {strides = array<i32>} : memref<5000xi32, #tpu.memory_space<vmem>>, vector<16xi32>,
        %get3A_754 = vector.shape_cast %get3A_753 : vector<16xi32> to vector<16xi32>
        %swap3A_755 = arith.constant 16 : index
        %swap3A_756 = tpu.vector_load %arg11[%swap3A_755] {strides = array<i32>} : memref<96xi32, #tpu.memory_space<vmem>>, vector<16xi32>,
        %swap3A_757 = vector.shape_cast %swap3A_756 : vector<16xi32> to vector<16xi32>
        %swap3A_758 = vector.shape_cast %get3A_754 : vector<16xi32> to vector<16xi32>
        tpu.vector_store %arg11[%swap3A_755], %swap3A_758 {strides = array<i32>} : memref<96xi32, #tpu.memory_space<vmem>>, vector<16xi32>,
        %add3A_759 = arith.addi %mul3A_24, %min3A_729 : i32
        %add3A_760 = arith.constant 16 : i32
        %add3A_761 = arith.addi %add3A_759, %add3A_760 : i32
        %add3A_762 = vector.broadcast %add3A_761 : i32 to vector<16xi32>
        %add3A_763 = arith.addi %add3A_762, %iota3A_749 : vector<16xi32>
        %swap3A_764 = arith.constant 16 : index
        %swap3A_765 = tpu.vector_load %arg14[%swap3A_764] {strides = array<i32>} : memref<96xi32, #tpu.memory_space<vmem>>, vector<16xi32>,
        %swap3A_766 = vector.shape_cast %swap3A_765 : vector<16xi32> to vector<16xi32>
        %swap3A_767 = vector.shape_cast %add3A_763 : vector<16xi32> to vector<16xi32>
        tpu.vector_store %arg14[%swap3A_764], %swap3A_767 {strides = array<i32>} : memref<96xi32, #tpu.memory_space<vmem>>, vector<16xi32>,
        %iota3A_768 = tpu.iota {dimensions = array<i32: 0>} : vector<16xi32>
        %add3A_769 = arith.constant 32 : i32
        %add3A_770 = arith.addi %min3A_729, %add3A_769 : i32
        %get3A_771 = arith.index_cast %add3A_770 : i32 to index
        %get3A_772 = tpu.vector_load %arg6[%get3A_771] {strides = array<i32>} : memref<5000xi32, #tpu.memory_space<vmem>>, vector<16xi32>,
        %get3A_773 = vector.shape_cast %get3A_772 : vector<16xi32> to vector<16xi32>
        %swap3A_774 = arith.constant 32 : index
        %swap3A_775 = tpu.vector_load %arg11[%swap3A_774] {strides = array<i32>} : memref<96xi32, #tpu.memory_space<vmem>>, vector<16xi32>,
        %swap3A_776 = vector.shape_cast %swap3A_775 : vector<16xi32> to vector<16xi32>
        %swap3A_777 = vector.shape_cast %get3A_773 : vector<16xi32> to vector<16xi32>
        tpu.vector_store %arg11[%swap3A_774], %swap3A_777 {strides = array<i32>} : memref<96xi32, #tpu.memory_space<vmem>>, vector<16xi32>,
        %add3A_778 = arith.addi %mul3A_24, %min3A_729 : i32
        %add3A_779 = arith.constant 32 : i32
        %add3A_780 = arith.addi %add3A_778, %add3A_779 : i32
        %add3A_781 = vector.broadcast %add3A_780 : i32 to vector<16xi32>
        %add3A_782 = arith.addi %add3A_781, %iota3A_768 : vector<16xi32>
        %swap3A_783 = arith.constant 32 : index
        %swap3A_784 = tpu.vector_load %arg14[%swap3A_783] {strides = array<i32>} : memref<96xi32, #tpu.memory_space<vmem>>, vector<16xi32>,
        %swap3A_785 = vector.shape_cast %swap3A_784 : vector<16xi32> to vector<16xi32>
        %swap3A_786 = vector.shape_cast %add3A_782 : vector<16xi32> to vector<16xi32>
        tpu.vector_store %arg14[%swap3A_783], %swap3A_786 {strides = array<i32>} : memref<96xi32, #tpu.memory_space<vmem>>, vector<16xi32>,
        %iota3A_787 = tpu.iota {dimensions = array<i32: 0>} : vector<16xi32>
        %add3A_788 = arith.constant 48 : i32
        %add3A_789 = arith.addi %min3A_729, %add3A_788 : i32
        %get3A_790 = arith.index_cast %add3A_789 : i32 to index
        %get3A_791 = tpu.vector_load %arg6[%get3A_790] {strides = array<i32>} : memref<5000xi32, #tpu.memory_space<vmem>>, vector<16xi32>,
        %get3A_792 = vector.shape_cast %get3A_791 : vector<16xi32> to vector<16xi32>
        %swap3A_793 = arith.constant 48 : index
        %swap3A_794 = tpu.vector_load %arg11[%swap3A_793] {strides = array<i32>} : memref<96xi32, #tpu.memory_space<vmem>>, vector<16xi32>,
        %swap3A_795 = vector.shape_cast %swap3A_794 : vector<16xi32> to vector<16xi32>
        %swap3A_796 = vector.shape_cast %get3A_792 : vector<16xi32> to vector<16xi32>
        tpu.vector_store %arg11[%swap3A_793], %swap3A_796 {strides = array<i32>} : memref<96xi32, #tpu.memory_space<vmem>>, vector<16xi32>,
        %add3A_797 = arith.addi %mul3A_24, %min3A_729 : i32
        %add3A_798 = arith.constant 48 : i32
        %add3A_799 = arith.addi %add3A_797, %add3A_798 : i32
        %add3A_800 = vector.broadcast %add3A_799 : i32 to vector<16xi32>
        %add3A_801 = arith.addi %add3A_800, %iota3A_787 : vector<16xi32>
        %swap3A_802 = arith.constant 48 : index
        %swap3A_803 = tpu.vector_load %arg14[%swap3A_802] {strides = array<i32>} : memref<96xi32, #tpu.memory_space<vmem>>, vector<16xi32>,
        %swap3A_804 = vector.shape_cast %swap3A_803 : vector<16xi32> to vector<16xi32>
        %swap3A_805 = vector.shape_cast %add3A_801 : vector<16xi32> to vector<16xi32>
        tpu.vector_store %arg14[%swap3A_802], %swap3A_805 {strides = array<i32>} : memref<96xi32, #tpu.memory_space<vmem>>, vector<16xi32>,
        %iota3A_806 = tpu.iota {dimensions = array<i32: 0>} : vector<16xi32>
        %add3A_807 = arith.constant 64 : i32
        %add3A_808 = arith.addi %min3A_729, %add3A_807 : i32
        %get3A_809 = arith.index_cast %add3A_808 : i32 to index
        %get3A_810 = tpu.vector_load %arg6[%get3A_809] {strides = array<i32>} : memref<5000xi32, #tpu.memory_space<vmem>>, vector<16xi32>,
        %get3A_811 = vector.shape_cast %get3A_810 : vector<16xi32> to vector<16xi32>
        %swap3A_812 = arith.constant 64 : index
        %swap3A_813 = tpu.vector_load %arg11[%swap3A_812] {strides = array<i32>} : memref<96xi32, #tpu.memory_space<vmem>>, vector<16xi32>,
        %swap3A_814 = vector.shape_cast %swap3A_813 : vector<16xi32> to vector<16xi32>
        %swap3A_815 = vector.shape_cast %get3A_811 : vector<16xi32> to vector<16xi32>
        tpu.vector_store %arg11[%swap3A_812], %swap3A_815 {strides = array<i32>} : memref<96xi32, #tpu.memory_space<vmem>>, vector<16xi32>,
        %add3A_816 = arith.addi %mul3A_24, %min3A_729 : i32
        %add3A_817 = arith.constant 64 : i32
        %add3A_818 = arith.addi %add3A_816, %add3A_817 : i32
        %add3A_819 = vector.broadcast %add3A_818 : i32 to vector<16xi32>
        %add3A_820 = arith.addi %add3A_819, %iota3A_806 : vector<16xi32>
        %swap3A_821 = arith.constant 64 : index
        %swap3A_822 = tpu.vector_load %arg14[%swap3A_821] {strides = array<i32>} : memref<96xi32, #tpu.memory_space<vmem>>, vector<16xi32>,
        %swap3A_823 = vector.shape_cast %swap3A_822 : vector<16xi32> to vector<16xi32>
        %swap3A_824 = vector.shape_cast %add3A_820 : vector<16xi32> to vector<16xi32>
        tpu.vector_store %arg14[%swap3A_821], %swap3A_824 {strides = array<i32>} : memref<96xi32, #tpu.memory_space<vmem>>, vector<16xi32>,
        %iota3A_825 = tpu.iota {dimensions = array<i32: 0>} : vector<16xi32>
        %add3A_826 = arith.constant 80 : i32
        %add3A_827 = arith.addi %min3A_729, %add3A_826 : i32
        %get3A_828 = arith.index_cast %add3A_827 : i32 to index
        %get3A_829 = tpu.vector_load %arg6[%get3A_828] {strides = array<i32>} : memref<5000xi32, #tpu.memory_space<vmem>>, vector<16xi32>,
        %get3A_830 = vector.shape_cast %get3A_829 : vector<16xi32> to vector<16xi32>
        %swap3A_831 = arith.constant 80 : index
        %swap3A_832 = tpu.vector_load %arg11[%swap3A_831] {strides = array<i32>} : memref<96xi32, #tpu.memory_space<vmem>>, vector<16xi32>,
        %swap3A_833 = vector.shape_cast %swap3A_832 : vector<16xi32> to vector<16xi32>
        %swap3A_834 = vector.shape_cast %get3A_830 : vector<16xi32> to vector<16xi32>
        tpu.vector_store %arg11[%swap3A_831], %swap3A_834 {strides = array<i32>} : memref<96xi32, #tpu.memory_space<vmem>>, vector<16xi32>,
        %add3A_835 = arith.addi %mul3A_24, %min3A_729 : i32
        %add3A_836 = arith.constant 80 : i32
        %add3A_837 = arith.addi %add3A_835, %add3A_836 : i32
        %add3A_838 = vector.broadcast %add3A_837 : i32 to vector<16xi32>
        %add3A_839 = arith.addi %add3A_838, %iota3A_825 : vector<16xi32>
        %swap3A_840 = arith.constant 80 : index
        %swap3A_841 = tpu.vector_load %arg14[%swap3A_840] {strides = array<i32>} : memref<96xi32, #tpu.memory_space<vmem>>, vector<16xi32>,
        %swap3A_842 = vector.shape_cast %swap3A_841 : vector<16xi32> to vector<16xi32>
        %swap3A_843 = vector.shape_cast %add3A_839 : vector<16xi32> to vector<16xi32>
        tpu.vector_store %arg14[%swap3A_840], %swap3A_843 {strides = array<i32>} : memref<96xi32, #tpu.memory_space<vmem>>, vector<16xi32>,
        %dma_start3A_844 = arith.constant 0 : i32
        %dma_start3A_845 = arith.constant 0 : i32
        %dma_start3A_846 = tpu.memref_slice %arg2[%dma_start3A_844, %dma_start3A_845] : memref<10240x128xf32, #tpu.memory_space<hbm>> -> memref<10240x128xf32, #tpu.memory_space<hbm>>
        tpu.enqueue_indirect_dma source(%dma_start3A_846 : memref<10240x128xf32, #tpu.memory_space<hbm>>) target(%arg8 : memref<96x128xf32, #tpu.memory_space<vmem>>) offsets(%arg11 : memref<96xi32, #tpu.memory_space<vmem>>) semaphore(%arg20 : memref<!tpu.dma_semaphore, #tpu.memory_space<semaphore_mem>>) {add = true}
        %dma_start3A_847 = arith.constant 0 : i32
        %dma_start3A_848 = arith.constant 0 : i32
        %dma_start3A_849 = tpu.memref_slice %arg3[%dma_start3A_847, %dma_start3A_848] : memref<160000x128xf32, #tpu.memory_space<hbm>> -> memref<160000x128xf32, #tpu.memory_space<hbm>>
        tpu.enqueue_indirect_dma source(%dma_start3A_849 : memref<160000x128xf32, #tpu.memory_space<hbm>>) target(%arg8 : memref<96x128xf32, #tpu.memory_space<vmem>>) offsets(%arg14 : memref<96xi32, #tpu.memory_space<vmem>>) semaphore(%arg23 : memref<!tpu.dma_semaphore, #tpu.memory_space<semaphore_mem>>) {add = true}
      } else {
      }
      %mul3A_567 = arith.constant 3 : i32
      %mul3A_568 = arith.muli %scan3A_282, %mul3A_567 : i32
      %add3A_569 = arith.constant 2 : i32
      %add3A_570 = arith.addi %mul3A_568, %add3A_569 : i32
      %mul3A_571 = arith.constant 96 : i32
      %mul3A_572 = arith.muli %add3A_570, %mul3A_571 : i32
      %min3A_573 = arith.constant 4904 : i32
      %min3A_574 = arith.minsi %mul3A_572, %min3A_573 : i32
      %dma_wait3A_575 = arith.constant 0 : i32
      %dma_wait3A_576 = arith.constant 0 : i32
      %dma_wait3A_577 = tpu.memref_slice %arg2[%dma_wait3A_575, %dma_wait3A_576] : memref<10240x128xf32, #tpu.memory_space<hbm>> -> memref<10240x128xf32, #tpu.memory_space<hbm>>
      tpu.wait_indirect_dma semaphore(%arg22 : memref<!tpu.dma_semaphore, #tpu.memory_space<semaphore_mem>>) src(%dma_wait3A_577 : memref<10240x128xf32, #tpu.memory_space<hbm>>) dst(%arg10 : memref<96x128xf32, #tpu.memory_space<vmem>>)
      %dma_wait3A_578 = arith.constant 0 : i32
      %dma_wait3A_579 = arith.constant 0 : i32
      %dma_wait3A_580 = tpu.memref_slice %arg3[%dma_wait3A_578, %dma_wait3A_579] : memref<160000x128xf32, #tpu.memory_space<hbm>> -> memref<160000x128xf32, #tpu.memory_space<hbm>>
      tpu.wait_indirect_dma semaphore(%arg25 : memref<!tpu.dma_semaphore, #tpu.memory_space<semaphore_mem>>) src(%dma_wait3A_580 : memref<160000x128xf32, #tpu.memory_space<hbm>>) dst(%arg10 : memref<96x128xf32, #tpu.memory_space<vmem>>)
      %mul3A_581 = arith.constant 96 : i32
      %mul3A_582 = arith.muli %add3A_570, %mul3A_581 : i32
      %min3A_583 = arith.constant 5000 : i32
      %min3A_584 = arith.minsi %mul3A_582, %min3A_583 : i32
      %sub3A_585 = arith.subi %min3A_584, %min3A_574 : i32
      %add3A_586 = arith.constant 0 : i32
      %add3A_587 = arith.addi %min3A_574, %add3A_586 : i32
      %get3A_588 = arith.index_cast %add3A_587 : i32 to index
      %get3A_589 = tpu.vector_load %arg7[%get3A_588] {strides = array<i32>} : memref<5000xi32, #tpu.memory_space<vmem>>, vector<16xi32>,
      %get3A_590 = vector.shape_cast %get3A_589 : vector<16xi32> to vector<16xi32>
      %iota3A_591 = tpu.iota {dimensions = array<i32: 0>} : vector<16xi32>
      %add3A_592 = arith.constant 0 : i32
      %add3A_593 = vector.broadcast %add3A_592 : i32 to vector<16xi32>
      %add3A_594 = arith.addi %add3A_593, %iota3A_591 : vector<16xi32>
      %ge3A_595 = vector.broadcast %sub3A_585 : i32 to vector<16xi32>
      %ge3A_596 = arith.cmpi sge, %add3A_594, %ge3A_595 : vector<16xi32>
      %broadcast_in_dim3A_597 = arith.constant 10000 : i32
      %broadcast_in_dim3A_598 = vector.broadcast %broadcast_in_dim3A_597 : i32 to vector<16xi32>
      %select_n3A_599 = arith.select %ge3A_596, %get3A_590, %broadcast_in_dim3A_598 : vector<16xi1>, vector<16xi32>
      %swap3A_600 = arith.constant 0 : index
      %swap3A_601 = tpu.vector_load %arg19[%swap3A_600] {strides = array<i32>} : memref<96xi32, #tpu.memory_space<vmem>>, vector<16xi32>,
      %swap3A_602 = vector.shape_cast %swap3A_601 : vector<16xi32> to vector<16xi32>
      %swap3A_603 = vector.shape_cast %select_n3A_599 : vector<16xi32> to vector<16xi32>
      tpu.vector_store %arg19[%swap3A_600], %swap3A_603 {strides = array<i32>} : memref<96xi32, #tpu.memory_space<vmem>>, vector<16xi32>,
      %add3A_604 = arith.constant 16 : i32
      %add3A_605 = arith.addi %min3A_574, %add3A_604 : i32
      %get3A_606 = arith.index_cast %add3A_605 : i32 to index
      %get3A_607 = tpu.vector_load %arg7[%get3A_606] {strides = array<i32>} : memref<5000xi32, #tpu.memory_space<vmem>>, vector<16xi32>,
      %get3A_608 = vector.shape_cast %get3A_607 : vector<16xi32> to vector<16xi32>
      %iota3A_609 = tpu.iota {dimensions = array<i32: 0>} : vector<16xi32>
      %add3A_610 = arith.constant 16 : i32
      %add3A_611 = vector.broadcast %add3A_610 : i32 to vector<16xi32>
      %add3A_612 = arith.addi %add3A_611, %iota3A_609 : vector<16xi32>
      %ge3A_613 = vector.broadcast %sub3A_585 : i32 to vector<16xi32>
      %ge3A_614 = arith.cmpi sge, %add3A_612, %ge3A_613 : vector<16xi32>
      %broadcast_in_dim3A_615 = arith.constant 10000 : i32
      %broadcast_in_dim3A_616 = vector.broadcast %broadcast_in_dim3A_615 : i32 to vector<16xi32>
      %select_n3A_617 = arith.select %ge3A_614, %get3A_608, %broadcast_in_dim3A_616 : vector<16xi1>, vector<16xi32>
      %swap3A_618 = arith.constant 16 : index
      %swap3A_619 = tpu.vector_load %arg19[%swap3A_618] {strides = array<i32>} : memref<96xi32, #tpu.memory_space<vmem>>, vector<16xi32>,
      %swap3A_620 = vector.shape_cast %swap3A_619 : vector<16xi32> to vector<16xi32>
      %swap3A_621 = vector.shape_cast %select_n3A_617 : vector<16xi32> to vector<16xi32>
      tpu.vector_store %arg19[%swap3A_618], %swap3A_621 {strides = array<i32>} : memref<96xi32, #tpu.memory_space<vmem>>, vector<16xi32>,
      %add3A_622 = arith.constant 32 : i32
      %add3A_623 = arith.addi %min3A_574, %add3A_622 : i32
      %get3A_624 = arith.index_cast %add3A_623 : i32 to index
      %get3A_625 = tpu.vector_load %arg7[%get3A_624] {strides = array<i32>} : memref<5000xi32, #tpu.memory_space<vmem>>, vector<16xi32>,
      %get3A_626 = vector.shape_cast %get3A_625 : vector<16xi32> to vector<16xi32>
      %iota3A_627 = tpu.iota {dimensions = array<i32: 0>} : vector<16xi32>
      %add3A_628 = arith.constant 32 : i32
      %add3A_629 = vector.broadcast %add3A_628 : i32 to vector<16xi32>
      %add3A_630 = arith.addi %add3A_629, %iota3A_627 : vector<16xi32>
      %ge3A_631 = vector.broadcast %sub3A_585 : i32 to vector<16xi32>
      %ge3A_632 = arith.cmpi sge, %add3A_630, %ge3A_631 : vector<16xi32>
      %broadcast_in_dim3A_633 = arith.constant 10000 : i32
      %broadcast_in_dim3A_634 = vector.broadcast %broadcast_in_dim3A_633 : i32 to vector<16xi32>
      %select_n3A_635 = arith.select %ge3A_632, %get3A_626, %broadcast_in_dim3A_634 : vector<16xi1>, vector<16xi32>
      %swap3A_636 = arith.constant 32 : index
      %swap3A_637 = tpu.vector_load %arg19[%swap3A_636] {strides = array<i32>} : memref<96xi32, #tpu.memory_space<vmem>>, vector<16xi32>,
      %swap3A_638 = vector.shape_cast %swap3A_637 : vector<16xi32> to vector<16xi32>
      %swap3A_639 = vector.shape_cast %select_n3A_635 : vector<16xi32> to vector<16xi32>
      tpu.vector_store %arg19[%swap3A_636], %swap3A_639 {strides = array<i32>} : memref<96xi32, #tpu.memory_space<vmem>>, vector<16xi32>,
      %add3A_640 = arith.constant 48 : i32
      %add3A_641 = arith.addi %min3A_574, %add3A_640 : i32
      %get3A_642 = arith.index_cast %add3A_641 : i32 to index
      %get3A_643 = tpu.vector_load %arg7[%get3A_642] {strides = array<i32>} : memref<5000xi32, #tpu.memory_space<vmem>>, vector<16xi32>,
      %get3A_644 = vector.shape_cast %get3A_643 : vector<16xi32> to vector<16xi32>
      %iota3A_645 = tpu.iota {dimensions = array<i32: 0>} : vector<16xi32>
      %add3A_646 = arith.constant 48 : i32
      %add3A_647 = vector.broadcast %add3A_646 : i32 to vector<16xi32>
      %add3A_648 = arith.addi %add3A_647, %iota3A_645 : vector<16xi32>
      %ge3A_649 = vector.broadcast %sub3A_585 : i32 to vector<16xi32>
      %ge3A_650 = arith.cmpi sge, %add3A_648, %ge3A_649 : vector<16xi32>
      %broadcast_in_dim3A_651 = arith.constant 10000 : i32
      %broadcast_in_dim3A_652 = vector.broadcast %broadcast_in_dim3A_651 : i32 to vector<16xi32>
      %select_n3A_653 = arith.select %ge3A_650, %get3A_644, %broadcast_in_dim3A_652 : vector<16xi1>, vector<16xi32>
      %swap3A_654 = arith.constant 48 : index
      %swap3A_655 = tpu.vector_load %arg19[%swap3A_654] {strides = array<i32>} : memref<96xi32, #tpu.memory_space<vmem>>, vector<16xi32>,
      %swap3A_656 = vector.shape_cast %swap3A_655 : vector<16xi32> to vector<16xi32>
      %swap3A_657 = vector.shape_cast %select_n3A_653 : vector<16xi32> to vector<16xi32>
      tpu.vector_store %arg19[%swap3A_654], %swap3A_657 {strides = array<i32>} : memref<96xi32, #tpu.memory_space<vmem>>, vector<16xi32>,
      %add3A_658 = arith.constant 64 : i32
      %add3A_659 = arith.addi %min3A_574, %add3A_658 : i32
      %get3A_660 = arith.index_cast %add3A_659 : i32 to index
      %get3A_661 = tpu.vector_load %arg7[%get3A_660] {strides = array<i32>} : memref<5000xi32, #tpu.memory_space<vmem>>, vector<16xi32>,
      %get3A_662 = vector.shape_cast %get3A_661 : vector<16xi32> to vector<16xi32>
      %iota3A_663 = tpu.iota {dimensions = array<i32: 0>} : vector<16xi32>
      %add3A_664 = arith.constant 64 : i32
      %add3A_665 = vector.broadcast %add3A_664 : i32 to vector<16xi32>
      %add3A_666 = arith.addi %add3A_665, %iota3A_663 : vector<16xi32>
      %ge3A_667 = vector.broadcast %sub3A_585 : i32 to vector<16xi32>
      %ge3A_668 = arith.cmpi sge, %add3A_666, %ge3A_667 : vector<16xi32>
      %broadcast_in_dim3A_669 = arith.constant 10000 : i32
      %broadcast_in_dim3A_670 = vector.broadcast %broadcast_in_dim3A_669 : i32 to vector<16xi32>
      %select_n3A_671 = arith.select %ge3A_668, %get3A_662, %broadcast_in_dim3A_670 : vector<16xi1>, vector<16xi32>
      %swap3A_672 = arith.constant 64 : index
      %swap3A_673 = tpu.vector_load %arg19[%swap3A_672] {strides = array<i32>} : memref<96xi32, #tpu.memory_space<vmem>>, vector<16xi32>,
      %swap3A_674 = vector.shape_cast %swap3A_673 : vector<16xi32> to vector<16xi32>
      %swap3A_675 = vector.shape_cast %select_n3A_671 : vector<16xi32> to vector<16xi32>
      tpu.vector_store %arg19[%swap3A_672], %swap3A_675 {strides = array<i32>} : memref<96xi32, #tpu.memory_space<vmem>>, vector<16xi32>,
      %add3A_676 = arith.constant 80 : i32
      %add3A_677 = arith.addi %min3A_574, %add3A_676 : i32
      %get3A_678 = arith.index_cast %add3A_677 : i32 to index
      %get3A_679 = tpu.vector_load %arg7[%get3A_678] {strides = array<i32>} : memref<5000xi32, #tpu.memory_space<vmem>>, vector<16xi32>,
      %get3A_680 = vector.shape_cast %get3A_679 : vector<16xi32> to vector<16xi32>
      %iota3A_681 = tpu.iota {dimensions = array<i32: 0>} : vector<16xi32>
      %add3A_682 = arith.constant 80 : i32
      %add3A_683 = vector.broadcast %add3A_682 : i32 to vector<16xi32>
      %add3A_684 = arith.addi %add3A_683, %iota3A_681 : vector<16xi32>
      %ge3A_685 = vector.broadcast %sub3A_585 : i32 to vector<16xi32>
      %ge3A_686 = arith.cmpi sge, %add3A_684, %ge3A_685 : vector<16xi32>
      %broadcast_in_dim3A_687 = arith.constant 10000 : i32
      %broadcast_in_dim3A_688 = vector.broadcast %broadcast_in_dim3A_687 : i32 to vector<16xi32>
      %select_n3A_689 = arith.select %ge3A_686, %get3A_680, %broadcast_in_dim3A_688 : vector<16xi1>, vector<16xi32>
      %swap3A_690 = arith.constant 80 : index
      %swap3A_691 = tpu.vector_load %arg19[%swap3A_690] {strides = array<i32>} : memref<96xi32, #tpu.memory_space<vmem>>, vector<16xi32>,
      %swap3A_692 = vector.shape_cast %swap3A_691 : vector<16xi32> to vector<16xi32>
      %swap3A_693 = vector.shape_cast %select_n3A_689 : vector<16xi32> to vector<16xi32>
      tpu.vector_store %arg19[%swap3A_690], %swap3A_693 {strides = array<i32>} : memref<96xi32, #tpu.memory_space<vmem>>, vector<16xi32>,
      %scan3A_694 = arith.constant 0 : i32
      %scan3A_695 = arith.constant 0 : i32
      %scan3A_696 = arith.constant 96 : i32
      %scan3A_697 = arith.addi %scan3A_695, %scan3A_696 : i32
      %scan3A_698 = arith.constant 1 : i32
      %scan3A_699 = scf.for %scan3A_712 = %scan3A_695 to %scan3A_697 step %scan3A_698 iter_args(%scan3A_713 = %scan3A_694) -> (i32)  : i32 {
        %get3A_714 = arith.index_cast %scan3A_712 : i32 to index
        %get3A_715 = arith.constant 0 : index
        %get3A_716 = tpu.vector_load %arg10[%get3A_714, %get3A_715] {strides = array<i32>} : memref<96x128xf32, #tpu.memory_space<vmem>>, vector<1x16xf32>,
        %get3A_717 = vector.shape_cast %get3A_716 : vector<1x16xf32> to vector<16xf32>
        %max3A = arith.constant 0.000000e+00 : f32
        %max3A_718 = vector.broadcast %max3A : f32 to vector<16xf32>
        %max3A_719 = arith.maximumf %get3A_717, %max3A_718 : vector<16xf32>
        %swap3A_720 = arith.index_cast %scan3A_712 : i32 to index
        %swap3A_721 = arith.constant 0 : index
        %swap3A_722 = tpu.vector_load %arg10[%swap3A_720, %swap3A_721] {strides = array<i32>} : memref<96x128xf32, #tpu.memory_space<vmem>>, vector<1x16xf32>,
        %swap3A_723 = vector.shape_cast %swap3A_722 : vector<1x16xf32> to vector<16xf32>
        %swap3A_724 = vector.shape_cast %max3A_719 : vector<16xf32> to vector<1x16xf32>
        tpu.vector_store %arg10[%swap3A_720, %swap3A_721], %swap3A_724 {strides = array<i32>} : memref<96x128xf32, #tpu.memory_space<vmem>>, vector<1x16xf32>,
        %get3A_725 = arith.index_cast %scan3A_712 : i32 to index
        %get3A_726 = arith.constant 16 : index
        %get3A_727 = tpu.vector_load %arg10[%get3A_725, %get3A_726] {strides = array<i32>} : memref<96x128xf32, #tpu.memory_space<vmem>>, vector<1x16xf32>,
        %get3A_728 = vector.shape_cast %get3A_727 : vector<1x16xf32> to vector<16xf32>
        %max3A_729 = arith.constant 0.000000e+00 : f32
        %max3A_730 = vector.broadcast %max3A_729 : f32 to vector<16xf32>
        %max3A_731 = arith.maximumf %get3A_728, %max3A_730 : vector<16xf32>
        %swap3A_732 = arith.index_cast %scan3A_712 : i32 to index
        %swap3A_733 = arith.constant 16 : index
        %swap3A_734 = tpu.vector_load %arg10[%swap3A_732, %swap3A_733] {strides = array<i32>} : memref<96x128xf32, #tpu.memory_space<vmem>>, vector<1x16xf32>,
        %swap3A_735 = vector.shape_cast %swap3A_734 : vector<1x16xf32> to vector<16xf32>
        %swap3A_736 = vector.shape_cast %max3A_731 : vector<16xf32> to vector<1x16xf32>
        tpu.vector_store %arg10[%swap3A_732, %swap3A_733], %swap3A_736 {strides = array<i32>} : memref<96x128xf32, #tpu.memory_space<vmem>>, vector<1x16xf32>,
        %get3A_737 = arith.index_cast %scan3A_712 : i32 to index
        %get3A_738 = arith.constant 32 : index
        %get3A_739 = tpu.vector_load %arg10[%get3A_737, %get3A_738] {strides = array<i32>} : memref<96x128xf32, #tpu.memory_space<vmem>>, vector<1x16xf32>,
        %get3A_740 = vector.shape_cast %get3A_739 : vector<1x16xf32> to vector<16xf32>
        %max3A_741 = arith.constant 0.000000e+00 : f32
        %max3A_742 = vector.broadcast %max3A_741 : f32 to vector<16xf32>
        %max3A_743 = arith.maximumf %get3A_740, %max3A_742 : vector<16xf32>
        %swap3A_744 = arith.index_cast %scan3A_712 : i32 to index
        %swap3A_745 = arith.constant 32 : index
        %swap3A_746 = tpu.vector_load %arg10[%swap3A_744, %swap3A_745] {strides = array<i32>} : memref<96x128xf32, #tpu.memory_space<vmem>>, vector<1x16xf32>,
        %swap3A_747 = vector.shape_cast %swap3A_746 : vector<1x16xf32> to vector<16xf32>
        %swap3A_748 = vector.shape_cast %max3A_743 : vector<16xf32> to vector<1x16xf32>
        tpu.vector_store %arg10[%swap3A_744, %swap3A_745], %swap3A_748 {strides = array<i32>} : memref<96x128xf32, #tpu.memory_space<vmem>>, vector<1x16xf32>,
        %get3A_749 = arith.index_cast %scan3A_712 : i32 to index
        %get3A_750 = arith.constant 48 : index
        %get3A_751 = tpu.vector_load %arg10[%get3A_749, %get3A_750] {strides = array<i32>} : memref<96x128xf32, #tpu.memory_space<vmem>>, vector<1x16xf32>,
        %get3A_752 = vector.shape_cast %get3A_751 : vector<1x16xf32> to vector<16xf32>
        %max3A_753 = arith.constant 0.000000e+00 : f32
        %max3A_754 = vector.broadcast %max3A_753 : f32 to vector<16xf32>
        %max3A_755 = arith.maximumf %get3A_752, %max3A_754 : vector<16xf32>
        %swap3A_756 = arith.index_cast %scan3A_712 : i32 to index
        %swap3A_757 = arith.constant 48 : index
        %swap3A_758 = tpu.vector_load %arg10[%swap3A_756, %swap3A_757] {strides = array<i32>} : memref<96x128xf32, #tpu.memory_space<vmem>>, vector<1x16xf32>,
        %swap3A_759 = vector.shape_cast %swap3A_758 : vector<1x16xf32> to vector<16xf32>
        %swap3A_760 = vector.shape_cast %max3A_755 : vector<16xf32> to vector<1x16xf32>
        tpu.vector_store %arg10[%swap3A_756, %swap3A_757], %swap3A_760 {strides = array<i32>} : memref<96x128xf32, #tpu.memory_space<vmem>>, vector<1x16xf32>,
        %get3A_761 = arith.index_cast %scan3A_712 : i32 to index
        %get3A_762 = arith.constant 64 : index
        %get3A_763 = tpu.vector_load %arg10[%get3A_761, %get3A_762] {strides = array<i32>} : memref<96x128xf32, #tpu.memory_space<vmem>>, vector<1x16xf32>,
        %get3A_764 = vector.shape_cast %get3A_763 : vector<1x16xf32> to vector<16xf32>
        %max3A_765 = arith.constant 0.000000e+00 : f32
        %max3A_766 = vector.broadcast %max3A_765 : f32 to vector<16xf32>
        %max3A_767 = arith.maximumf %get3A_764, %max3A_766 : vector<16xf32>
        %swap3A_768 = arith.index_cast %scan3A_712 : i32 to index
        %swap3A_769 = arith.constant 64 : index
        %swap3A_770 = tpu.vector_load %arg10[%swap3A_768, %swap3A_769] {strides = array<i32>} : memref<96x128xf32, #tpu.memory_space<vmem>>, vector<1x16xf32>,
        %swap3A_771 = vector.shape_cast %swap3A_770 : vector<1x16xf32> to vector<16xf32>
        %swap3A_772 = vector.shape_cast %max3A_767 : vector<16xf32> to vector<1x16xf32>
        tpu.vector_store %arg10[%swap3A_768, %swap3A_769], %swap3A_772 {strides = array<i32>} : memref<96x128xf32, #tpu.memory_space<vmem>>, vector<1x16xf32>,
        %get3A_773 = arith.index_cast %scan3A_712 : i32 to index
        %get3A_774 = arith.constant 80 : index
        %get3A_775 = tpu.vector_load %arg10[%get3A_773, %get3A_774] {strides = array<i32>} : memref<96x128xf32, #tpu.memory_space<vmem>>, vector<1x16xf32>,
        %get3A_776 = vector.shape_cast %get3A_775 : vector<1x16xf32> to vector<16xf32>
        %max3A_777 = arith.constant 0.000000e+00 : f32
        %max3A_778 = vector.broadcast %max3A_777 : f32 to vector<16xf32>
        %max3A_779 = arith.maximumf %get3A_776, %max3A_778 : vector<16xf32>
        %swap3A_780 = arith.index_cast %scan3A_712 : i32 to index
        %swap3A_781 = arith.constant 80 : index
        %swap3A_782 = tpu.vector_load %arg10[%swap3A_780, %swap3A_781] {strides = array<i32>} : memref<96x128xf32, #tpu.memory_space<vmem>>, vector<1x16xf32>,
        %swap3A_783 = vector.shape_cast %swap3A_782 : vector<1x16xf32> to vector<16xf32>
        %swap3A_784 = vector.shape_cast %max3A_779 : vector<16xf32> to vector<1x16xf32>
        tpu.vector_store %arg10[%swap3A_780, %swap3A_781], %swap3A_784 {strides = array<i32>} : memref<96x128xf32, #tpu.memory_space<vmem>>, vector<1x16xf32>,
        %get3A_785 = arith.index_cast %scan3A_712 : i32 to index
        %get3A_786 = arith.constant 96 : index
        %get3A_787 = tpu.vector_load %arg10[%get3A_785, %get3A_786] {strides = array<i32>} : memref<96x128xf32, #tpu.memory_space<vmem>>, vector<1x16xf32>,
        %get3A_788 = vector.shape_cast %get3A_787 : vector<1x16xf32> to vector<16xf32>
        %max3A_789 = arith.constant 0.000000e+00 : f32
        %max3A_790 = vector.broadcast %max3A_789 : f32 to vector<16xf32>
        %max3A_791 = arith.maximumf %get3A_788, %max3A_790 : vector<16xf32>
        %swap3A_792 = arith.index_cast %scan3A_712 : i32 to index
        %swap3A_793 = arith.constant 96 : index
        %swap3A_794 = tpu.vector_load %arg10[%swap3A_792, %swap3A_793] {strides = array<i32>} : memref<96x128xf32, #tpu.memory_space<vmem>>, vector<1x16xf32>,
        %swap3A_795 = vector.shape_cast %swap3A_794 : vector<1x16xf32> to vector<16xf32>
        %swap3A_796 = vector.shape_cast %max3A_791 : vector<16xf32> to vector<1x16xf32>
        tpu.vector_store %arg10[%swap3A_792, %swap3A_793], %swap3A_796 {strides = array<i32>} : memref<96x128xf32, #tpu.memory_space<vmem>>, vector<1x16xf32>,
        %get3A_797 = arith.index_cast %scan3A_712 : i32 to index
        %get3A_798 = arith.constant 112 : index
        %get3A_799 = tpu.vector_load %arg10[%get3A_797, %get3A_798] {strides = array<i32>} : memref<96x128xf32, #tpu.memory_space<vmem>>, vector<1x16xf32>,
        %get3A_800 = vector.shape_cast %get3A_799 : vector<1x16xf32> to vector<16xf32>
        %max3A_801 = arith.constant 0.000000e+00 : f32
        %max3A_802 = vector.broadcast %max3A_801 : f32 to vector<16xf32>
        %max3A_803 = arith.maximumf %get3A_800, %max3A_802 : vector<16xf32>
        %swap3A_804 = arith.index_cast %scan3A_712 : i32 to index
        %swap3A_805 = arith.constant 112 : index
        %swap3A_806 = tpu.vector_load %arg10[%swap3A_804, %swap3A_805] {strides = array<i32>} : memref<96x128xf32, #tpu.memory_space<vmem>>, vector<1x16xf32>,
        %swap3A_807 = vector.shape_cast %swap3A_806 : vector<1x16xf32> to vector<16xf32>
        %swap3A_808 = vector.shape_cast %max3A_803 : vector<16xf32> to vector<1x16xf32>
        tpu.vector_store %arg10[%swap3A_804, %swap3A_805], %swap3A_808 {strides = array<i32>} : memref<96x128xf32, #tpu.memory_space<vmem>>, vector<1x16xf32>,
        %scan3A_809 = arith.constant 0 : i32
        scf.yield %scan3A_809 : i32
      }
      %scan3A_700 = arith.constant 96 : i32
      %dma_start3A_701 = arith.constant 0 : i32
      %dma_start3A_702 = arith.constant 0 : i32
      %dma_start3A_703 = tpu.memref_slice %arg29[%dma_start3A_701, %dma_start3A_702] : memref<10112x128xf32, #tpu.memory_space<vmem_shared>> -> memref<10112x128xf32, #tpu.memory_space<vmem_shared>>
      tpu.enqueue_indirect_dma source(%arg10 : memref<96x128xf32, #tpu.memory_space<vmem>>) target(%dma_start3A_703 : memref<10112x128xf32, #tpu.memory_space<vmem_shared>>) offsets(%arg19 : memref<96xi32, #tpu.memory_space<vmem>>) semaphore(%arg28 : memref<!tpu.dma_semaphore, #tpu.memory_space<semaphore_mem>>) {add = true}
      %add3A_704 = arith.constant 2 : i32
      %add3A_705 = arith.addi %add3A_570, %add3A_704 : i32
      %lt3A_706 = arith.constant 54 : i32
      %lt3A_707 = arith.cmpi slt, %add3A_705, %lt3A_706 : i32
      %convert_element_type3A_708 = arith.extui %lt3A_707 : i1 to i32
      %cond3A_709 = arith.constant 0 : i32
      %cond3A_710 = arith.cmpi ne, %convert_element_type3A_708, %cond3A_709 : i32
      scf.if %cond3A_710 {
        %ge3A_712 = arith.constant 1 : i32
        %ge3A_713 = arith.cmpi sge, %add3A_570, %ge3A_712 : i32
        %convert_element_type3A_714 = arith.extui %ge3A_713 : i1 to i32
        %cond3A_715 = arith.constant 0 : i32
        %cond3A_716 = arith.cmpi ne, %convert_element_type3A_714, %cond3A_715 : i32
        scf.if %cond3A_716 {
          %dma_wait3A_850 = arith.constant 0 : i32
          %dma_wait3A_851 = arith.constant 0 : i32
          %dma_wait3A_852 = tpu.memref_slice %arg29[%dma_wait3A_850, %dma_wait3A_851] : memref<10112x128xf32, #tpu.memory_space<vmem_shared>> -> memref<10112x128xf32, #tpu.memory_space<vmem_shared>>
          tpu.wait_indirect_dma semaphore(%arg27 : memref<!tpu.dma_semaphore, #tpu.memory_space<semaphore_mem>>) src(%arg9 : memref<96x128xf32, #tpu.memory_space<vmem>>) dst(%dma_wait3A_852 : memref<10112x128xf32, #tpu.memory_space<vmem_shared>>)
        } else {
        }
        %scan3A_717 = arith.constant 0 : i32
        %scan3A_718 = arith.constant 0 : i32
        %scan3A_719 = arith.constant 96 : i32
        %scan3A_720 = arith.addi %scan3A_718, %scan3A_719 : i32
        %scan3A_721 = arith.constant 1 : i32
        %scan3A_722 = scf.for %scan3A_850 = %scan3A_718 to %scan3A_720 step %scan3A_721 iter_args(%scan3A_851 = %scan3A_717) -> (i32)  : i32 {
          %broadcast_in_dim3A_852 = arith.constant 0.000000e+00 : f32
          %broadcast_in_dim3A_853 = vector.broadcast %broadcast_in_dim3A_852 : f32 to vector<16xf32>
          %swap3A_854 = arith.index_cast %scan3A_850 : i32 to index
          %swap3A_855 = arith.constant 0 : index
          %swap3A_856 = tpu.vector_load %arg9[%swap3A_854, %swap3A_855] {strides = array<i32>} : memref<96x128xf32, #tpu.memory_space<vmem>>, vector<1x16xf32>,
          %swap3A_857 = vector.shape_cast %swap3A_856 : vector<1x16xf32> to vector<16xf32>
          %swap3A_858 = vector.shape_cast %broadcast_in_dim3A_853 : vector<16xf32> to vector<1x16xf32>
          tpu.vector_store %arg9[%swap3A_854, %swap3A_855], %swap3A_858 {strides = array<i32>} : memref<96x128xf32, #tpu.memory_space<vmem>>, vector<1x16xf32>,
          %broadcast_in_dim3A_859 = arith.constant 0.000000e+00 : f32
          %broadcast_in_dim3A_860 = vector.broadcast %broadcast_in_dim3A_859 : f32 to vector<16xf32>
          %swap3A_861 = arith.index_cast %scan3A_850 : i32 to index
          %swap3A_862 = arith.constant 16 : index
          %swap3A_863 = tpu.vector_load %arg9[%swap3A_861, %swap3A_862] {strides = array<i32>} : memref<96x128xf32, #tpu.memory_space<vmem>>, vector<1x16xf32>,
          %swap3A_864 = vector.shape_cast %swap3A_863 : vector<1x16xf32> to vector<16xf32>
          %swap3A_865 = vector.shape_cast %broadcast_in_dim3A_860 : vector<16xf32> to vector<1x16xf32>
          tpu.vector_store %arg9[%swap3A_861, %swap3A_862], %swap3A_865 {strides = array<i32>} : memref<96x128xf32, #tpu.memory_space<vmem>>, vector<1x16xf32>,
          %broadcast_in_dim3A_866 = arith.constant 0.000000e+00 : f32
          %broadcast_in_dim3A_867 = vector.broadcast %broadcast_in_dim3A_866 : f32 to vector<16xf32>
          %swap3A_868 = arith.index_cast %scan3A_850 : i32 to index
          %swap3A_869 = arith.constant 32 : index
          %swap3A_870 = tpu.vector_load %arg9[%swap3A_868, %swap3A_869] {strides = array<i32>} : memref<96x128xf32, #tpu.memory_space<vmem>>, vector<1x16xf32>,
          %swap3A_871 = vector.shape_cast %swap3A_870 : vector<1x16xf32> to vector<16xf32>
          %swap3A_872 = vector.shape_cast %broadcast_in_dim3A_867 : vector<16xf32> to vector<1x16xf32>
          tpu.vector_store %arg9[%swap3A_868, %swap3A_869], %swap3A_872 {strides = array<i32>} : memref<96x128xf32, #tpu.memory_space<vmem>>, vector<1x16xf32>,
          %broadcast_in_dim3A_873 = arith.constant 0.000000e+00 : f32
          %broadcast_in_dim3A_874 = vector.broadcast %broadcast_in_dim3A_873 : f32 to vector<16xf32>
          %swap3A_875 = arith.index_cast %scan3A_850 : i32 to index
          %swap3A_876 = arith.constant 48 : index
          %swap3A_877 = tpu.vector_load %arg9[%swap3A_875, %swap3A_876] {strides = array<i32>} : memref<96x128xf32, #tpu.memory_space<vmem>>, vector<1x16xf32>,
          %swap3A_878 = vector.shape_cast %swap3A_877 : vector<1x16xf32> to vector<16xf32>
          %swap3A_879 = vector.shape_cast %broadcast_in_dim3A_874 : vector<16xf32> to vector<1x16xf32>
          tpu.vector_store %arg9[%swap3A_875, %swap3A_876], %swap3A_879 {strides = array<i32>} : memref<96x128xf32, #tpu.memory_space<vmem>>, vector<1x16xf32>,
          %broadcast_in_dim3A_880 = arith.constant 0.000000e+00 : f32
          %broadcast_in_dim3A_881 = vector.broadcast %broadcast_in_dim3A_880 : f32 to vector<16xf32>
          %swap3A_882 = arith.index_cast %scan3A_850 : i32 to index
          %swap3A_883 = arith.constant 64 : index
          %swap3A_884 = tpu.vector_load %arg9[%swap3A_882, %swap3A_883] {strides = array<i32>} : memref<96x128xf32, #tpu.memory_space<vmem>>, vector<1x16xf32>,
          %swap3A_885 = vector.shape_cast %swap3A_884 : vector<1x16xf32> to vector<16xf32>
          %swap3A_886 = vector.shape_cast %broadcast_in_dim3A_881 : vector<16xf32> to vector<1x16xf32>
          tpu.vector_store %arg9[%swap3A_882, %swap3A_883], %swap3A_886 {strides = array<i32>} : memref<96x128xf32, #tpu.memory_space<vmem>>, vector<1x16xf32>,
          %broadcast_in_dim3A_887 = arith.constant 0.000000e+00 : f32
          %broadcast_in_dim3A_888 = vector.broadcast %broadcast_in_dim3A_887 : f32 to vector<16xf32>
          %swap3A_889 = arith.index_cast %scan3A_850 : i32 to index
          %swap3A_890 = arith.constant 80 : index
          %swap3A_891 = tpu.vector_load %arg9[%swap3A_889, %swap3A_890] {strides = array<i32>} : memref<96x128xf32, #tpu.memory_space<vmem>>, vector<1x16xf32>,
          %swap3A_892 = vector.shape_cast %swap3A_891 : vector<1x16xf32> to vector<16xf32>
          %swap3A_893 = vector.shape_cast %broadcast_in_dim3A_888 : vector<16xf32> to vector<1x16xf32>
          tpu.vector_store %arg9[%swap3A_889, %swap3A_890], %swap3A_893 {strides = array<i32>} : memref<96x128xf32, #tpu.memory_space<vmem>>, vector<1x16xf32>,
          %broadcast_in_dim3A_894 = arith.constant 0.000000e+00 : f32
          %broadcast_in_dim3A_895 = vector.broadcast %broadcast_in_dim3A_894 : f32 to vector<16xf32>
          %swap3A_896 = arith.index_cast %scan3A_850 : i32 to index
          %swap3A_897 = arith.constant 96 : index
          %swap3A_898 = tpu.vector_load %arg9[%swap3A_896, %swap3A_897] {strides = array<i32>} : memref<96x128xf32, #tpu.memory_space<vmem>>, vector<1x16xf32>,
          %swap3A_899 = vector.shape_cast %swap3A_898 : vector<1x16xf32> to vector<16xf32>
          %swap3A_900 = vector.shape_cast %broadcast_in_dim3A_895 : vector<16xf32> to vector<1x16xf32>
          tpu.vector_store %arg9[%swap3A_896, %swap3A_897], %swap3A_900 {strides = array<i32>} : memref<96x128xf32, #tpu.memory_space<vmem>>, vector<1x16xf32>,
          %broadcast_in_dim3A_901 = arith.constant 0.000000e+00 : f32
          %broadcast_in_dim3A_902 = vector.broadcast %broadcast_in_dim3A_901 : f32 to vector<16xf32>
          %swap3A_903 = arith.index_cast %scan3A_850 : i32 to index
          %swap3A_904 = arith.constant 112 : index
          %swap3A_905 = tpu.vector_load %arg9[%swap3A_903, %swap3A_904] {strides = array<i32>} : memref<96x128xf32, #tpu.memory_space<vmem>>, vector<1x16xf32>,
          %swap3A_906 = vector.shape_cast %swap3A_905 : vector<1x16xf32> to vector<16xf32>
          %swap3A_907 = vector.shape_cast %broadcast_in_dim3A_902 : vector<16xf32> to vector<1x16xf32>
          tpu.vector_store %arg9[%swap3A_903, %swap3A_904], %swap3A_907 {strides = array<i32>} : memref<96x128xf32, #tpu.memory_space<vmem>>, vector<1x16xf32>,
          %scan3A_908 = arith.constant 0 : i32
          scf.yield %scan3A_908 : i32
        }
        %scan3A_723 = arith.constant 96 : i32
        %add3A_724 = arith.constant 2 : i32
        %add3A_725 = arith.addi %add3A_570, %add3A_724 : i32
        %mul3A_726 = arith.constant 96 : i32
        %mul3A_727 = arith.muli %add3A_725, %mul3A_726 : i32
        %min3A_728 = arith.constant 4904 : i32
        %min3A_729 = arith.minsi %mul3A_727, %min3A_728 : i32
        %iota3A_730 = tpu.iota {dimensions = array<i32: 0>} : vector<16xi32>
        %add3A_731 = arith.constant 0 : i32
        %add3A_732 = arith.addi %min3A_729, %add3A_731 : i32
        %get3A_733 = arith.index_cast %add3A_732 : i32 to index
        %get3A_734 = tpu.vector_load %arg6[%get3A_733] {strides = array<i32>} : memref<5000xi32, #tpu.memory_space<vmem>>, vector<16xi32>,
        %get3A_735 = vector.shape_cast %get3A_734 : vector<16xi32> to vector<16xi32>
        %swap3A_736 = arith.constant 0 : index
        %swap3A_737 = tpu.vector_load %arg12[%swap3A_736] {strides = array<i32>} : memref<96xi32, #tpu.memory_space<vmem>>, vector<16xi32>,
        %swap3A_738 = vector.shape_cast %swap3A_737 : vector<16xi32> to vector<16xi32>
        %swap3A_739 = vector.shape_cast %get3A_735 : vector<16xi32> to vector<16xi32>
        tpu.vector_store %arg12[%swap3A_736], %swap3A_739 {strides = array<i32>} : memref<96xi32, #tpu.memory_space<vmem>>, vector<16xi32>,
        %add3A_740 = arith.addi %mul3A_24, %min3A_729 : i32
        %add3A_741 = arith.constant 0 : i32
        %add3A_742 = arith.addi %add3A_740, %add3A_741 : i32
        %add3A_743 = vector.broadcast %add3A_742 : i32 to vector<16xi32>
        %add3A_744 = arith.addi %add3A_743, %iota3A_730 : vector<16xi32>
        %swap3A_745 = arith.constant 0 : index
        %swap3A_746 = tpu.vector_load %arg15[%swap3A_745] {strides = array<i32>} : memref<96xi32, #tpu.memory_space<vmem>>, vector<16xi32>,
        %swap3A_747 = vector.shape_cast %swap3A_746 : vector<16xi32> to vector<16xi32>
        %swap3A_748 = vector.shape_cast %add3A_744 : vector<16xi32> to vector<16xi32>
        tpu.vector_store %arg15[%swap3A_745], %swap3A_748 {strides = array<i32>} : memref<96xi32, #tpu.memory_space<vmem>>, vector<16xi32>,
        %iota3A_749 = tpu.iota {dimensions = array<i32: 0>} : vector<16xi32>
        %add3A_750 = arith.constant 16 : i32
        %add3A_751 = arith.addi %min3A_729, %add3A_750 : i32
        %get3A_752 = arith.index_cast %add3A_751 : i32 to index
        %get3A_753 = tpu.vector_load %arg6[%get3A_752] {strides = array<i32>} : memref<5000xi32, #tpu.memory_space<vmem>>, vector<16xi32>,
        %get3A_754 = vector.shape_cast %get3A_753 : vector<16xi32> to vector<16xi32>
        %swap3A_755 = arith.constant 16 : index
        %swap3A_756 = tpu.vector_load %arg12[%swap3A_755] {strides = array<i32>} : memref<96xi32, #tpu.memory_space<vmem>>, vector<16xi32>,
        %swap3A_757 = vector.shape_cast %swap3A_756 : vector<16xi32> to vector<16xi32>
        %swap3A_758 = vector.shape_cast %get3A_754 : vector<16xi32> to vector<16xi32>
        tpu.vector_store %arg12[%swap3A_755], %swap3A_758 {strides = array<i32>} : memref<96xi32, #tpu.memory_space<vmem>>, vector<16xi32>,
        %add3A_759 = arith.addi %mul3A_24, %min3A_729 : i32
        %add3A_760 = arith.constant 16 : i32
        %add3A_761 = arith.addi %add3A_759, %add3A_760 : i32
        %add3A_762 = vector.broadcast %add3A_761 : i32 to vector<16xi32>
        %add3A_763 = arith.addi %add3A_762, %iota3A_749 : vector<16xi32>
        %swap3A_764 = arith.constant 16 : index
        %swap3A_765 = tpu.vector_load %arg15[%swap3A_764] {strides = array<i32>} : memref<96xi32, #tpu.memory_space<vmem>>, vector<16xi32>,
        %swap3A_766 = vector.shape_cast %swap3A_765 : vector<16xi32> to vector<16xi32>
        %swap3A_767 = vector.shape_cast %add3A_763 : vector<16xi32> to vector<16xi32>
        tpu.vector_store %arg15[%swap3A_764], %swap3A_767 {strides = array<i32>} : memref<96xi32, #tpu.memory_space<vmem>>, vector<16xi32>,
        %iota3A_768 = tpu.iota {dimensions = array<i32: 0>} : vector<16xi32>
        %add3A_769 = arith.constant 32 : i32
        %add3A_770 = arith.addi %min3A_729, %add3A_769 : i32
        %get3A_771 = arith.index_cast %add3A_770 : i32 to index
        %get3A_772 = tpu.vector_load %arg6[%get3A_771] {strides = array<i32>} : memref<5000xi32, #tpu.memory_space<vmem>>, vector<16xi32>,
        %get3A_773 = vector.shape_cast %get3A_772 : vector<16xi32> to vector<16xi32>
        %swap3A_774 = arith.constant 32 : index
        %swap3A_775 = tpu.vector_load %arg12[%swap3A_774] {strides = array<i32>} : memref<96xi32, #tpu.memory_space<vmem>>, vector<16xi32>,
        %swap3A_776 = vector.shape_cast %swap3A_775 : vector<16xi32> to vector<16xi32>
        %swap3A_777 = vector.shape_cast %get3A_773 : vector<16xi32> to vector<16xi32>
        tpu.vector_store %arg12[%swap3A_774], %swap3A_777 {strides = array<i32>} : memref<96xi32, #tpu.memory_space<vmem>>, vector<16xi32>,
        %add3A_778 = arith.addi %mul3A_24, %min3A_729 : i32
        %add3A_779 = arith.constant 32 : i32
        %add3A_780 = arith.addi %add3A_778, %add3A_779 : i32
        %add3A_781 = vector.broadcast %add3A_780 : i32 to vector<16xi32>
        %add3A_782 = arith.addi %add3A_781, %iota3A_768 : vector<16xi32>
        %swap3A_783 = arith.constant 32 : index
        %swap3A_784 = tpu.vector_load %arg15[%swap3A_783] {strides = array<i32>} : memref<96xi32, #tpu.memory_space<vmem>>, vector<16xi32>,
        %swap3A_785 = vector.shape_cast %swap3A_784 : vector<16xi32> to vector<16xi32>
        %swap3A_786 = vector.shape_cast %add3A_782 : vector<16xi32> to vector<16xi32>
        tpu.vector_store %arg15[%swap3A_783], %swap3A_786 {strides = array<i32>} : memref<96xi32, #tpu.memory_space<vmem>>, vector<16xi32>,
        %iota3A_787 = tpu.iota {dimensions = array<i32: 0>} : vector<16xi32>
        %add3A_788 = arith.constant 48 : i32
        %add3A_789 = arith.addi %min3A_729, %add3A_788 : i32
        %get3A_790 = arith.index_cast %add3A_789 : i32 to index
        %get3A_791 = tpu.vector_load %arg6[%get3A_790] {strides = array<i32>} : memref<5000xi32, #tpu.memory_space<vmem>>, vector<16xi32>,
        %get3A_792 = vector.shape_cast %get3A_791 : vector<16xi32> to vector<16xi32>
        %swap3A_793 = arith.constant 48 : index
        %swap3A_794 = tpu.vector_load %arg12[%swap3A_793] {strides = array<i32>} : memref<96xi32, #tpu.memory_space<vmem>>, vector<16xi32>,
        %swap3A_795 = vector.shape_cast %swap3A_794 : vector<16xi32> to vector<16xi32>
        %swap3A_796 = vector.shape_cast %get3A_792 : vector<16xi32> to vector<16xi32>
        tpu.vector_store %arg12[%swap3A_793], %swap3A_796 {strides = array<i32>} : memref<96xi32, #tpu.memory_space<vmem>>, vector<16xi32>,
        %add3A_797 = arith.addi %mul3A_24, %min3A_729 : i32
        %add3A_798 = arith.constant 48 : i32
        %add3A_799 = arith.addi %add3A_797, %add3A_798 : i32
        %add3A_800 = vector.broadcast %add3A_799 : i32 to vector<16xi32>
        %add3A_801 = arith.addi %add3A_800, %iota3A_787 : vector<16xi32>
        %swap3A_802 = arith.constant 48 : index
        %swap3A_803 = tpu.vector_load %arg15[%swap3A_802] {strides = array<i32>} : memref<96xi32, #tpu.memory_space<vmem>>, vector<16xi32>,
        %swap3A_804 = vector.shape_cast %swap3A_803 : vector<16xi32> to vector<16xi32>
        %swap3A_805 = vector.shape_cast %add3A_801 : vector<16xi32> to vector<16xi32>
        tpu.vector_store %arg15[%swap3A_802], %swap3A_805 {strides = array<i32>} : memref<96xi32, #tpu.memory_space<vmem>>, vector<16xi32>,
        %iota3A_806 = tpu.iota {dimensions = array<i32: 0>} : vector<16xi32>
        %add3A_807 = arith.constant 64 : i32
        %add3A_808 = arith.addi %min3A_729, %add3A_807 : i32
        %get3A_809 = arith.index_cast %add3A_808 : i32 to index
        %get3A_810 = tpu.vector_load %arg6[%get3A_809] {strides = array<i32>} : memref<5000xi32, #tpu.memory_space<vmem>>, vector<16xi32>,
        %get3A_811 = vector.shape_cast %get3A_810 : vector<16xi32> to vector<16xi32>
        %swap3A_812 = arith.constant 64 : index
        %swap3A_813 = tpu.vector_load %arg12[%swap3A_812] {strides = array<i32>} : memref<96xi32, #tpu.memory_space<vmem>>, vector<16xi32>,
        %swap3A_814 = vector.shape_cast %swap3A_813 : vector<16xi32> to vector<16xi32>
        %swap3A_815 = vector.shape_cast %get3A_811 : vector<16xi32> to vector<16xi32>
        tpu.vector_store %arg12[%swap3A_812], %swap3A_815 {strides = array<i32>} : memref<96xi32, #tpu.memory_space<vmem>>, vector<16xi32>,
        %add3A_816 = arith.addi %mul3A_24, %min3A_729 : i32
        %add3A_817 = arith.constant 64 : i32
        %add3A_818 = arith.addi %add3A_816, %add3A_817 : i32
        %add3A_819 = vector.broadcast %add3A_818 : i32 to vector<16xi32>
        %add3A_820 = arith.addi %add3A_819, %iota3A_806 : vector<16xi32>
        %swap3A_821 = arith.constant 64 : index
        %swap3A_822 = tpu.vector_load %arg15[%swap3A_821] {strides = array<i32>} : memref<96xi32, #tpu.memory_space<vmem>>, vector<16xi32>,
        %swap3A_823 = vector.shape_cast %swap3A_822 : vector<16xi32> to vector<16xi32>
        %swap3A_824 = vector.shape_cast %add3A_820 : vector<16xi32> to vector<16xi32>
        tpu.vector_store %arg15[%swap3A_821], %swap3A_824 {strides = array<i32>} : memref<96xi32, #tpu.memory_space<vmem>>, vector<16xi32>,
        %iota3A_825 = tpu.iota {dimensions = array<i32: 0>} : vector<16xi32>
        %add3A_826 = arith.constant 80 : i32
        %add3A_827 = arith.addi %min3A_729, %add3A_826 : i32
        %get3A_828 = arith.index_cast %add3A_827 : i32 to index
        %get3A_829 = tpu.vector_load %arg6[%get3A_828] {strides = array<i32>} : memref<5000xi32, #tpu.memory_space<vmem>>, vector<16xi32>,
        %get3A_830 = vector.shape_cast %get3A_829 : vector<16xi32> to vector<16xi32>
        %swap3A_831 = arith.constant 80 : index
        %swap3A_832 = tpu.vector_load %arg12[%swap3A_831] {strides = array<i32>} : memref<96xi32, #tpu.memory_space<vmem>>, vector<16xi32>,
        %swap3A_833 = vector.shape_cast %swap3A_832 : vector<16xi32> to vector<16xi32>
        %swap3A_834 = vector.shape_cast %get3A_830 : vector<16xi32> to vector<16xi32>
        tpu.vector_store %arg12[%swap3A_831], %swap3A_834 {strides = array<i32>} : memref<96xi32, #tpu.memory_space<vmem>>, vector<16xi32>,
        %add3A_835 = arith.addi %mul3A_24, %min3A_729 : i32
        %add3A_836 = arith.constant 80 : i32
        %add3A_837 = arith.addi %add3A_835, %add3A_836 : i32
        %add3A_838 = vector.broadcast %add3A_837 : i32 to vector<16xi32>
        %add3A_839 = arith.addi %add3A_838, %iota3A_825 : vector<16xi32>
        %swap3A_840 = arith.constant 80 : index
        %swap3A_841 = tpu.vector_load %arg15[%swap3A_840] {strides = array<i32>} : memref<96xi32, #tpu.memory_space<vmem>>, vector<16xi32>,
        %swap3A_842 = vector.shape_cast %swap3A_841 : vector<16xi32> to vector<16xi32>
        %swap3A_843 = vector.shape_cast %add3A_839 : vector<16xi32> to vector<16xi32>
        tpu.vector_store %arg15[%swap3A_840], %swap3A_843 {strides = array<i32>} : memref<96xi32, #tpu.memory_space<vmem>>, vector<16xi32>,
        %dma_start3A_844 = arith.constant 0 : i32
        %dma_start3A_845 = arith.constant 0 : i32
        %dma_start3A_846 = tpu.memref_slice %arg2[%dma_start3A_844, %dma_start3A_845] : memref<10240x128xf32, #tpu.memory_space<hbm>> -> memref<10240x128xf32, #tpu.memory_space<hbm>>
        tpu.enqueue_indirect_dma source(%dma_start3A_846 : memref<10240x128xf32, #tpu.memory_space<hbm>>) target(%arg9 : memref<96x128xf32, #tpu.memory_space<vmem>>) offsets(%arg12 : memref<96xi32, #tpu.memory_space<vmem>>) semaphore(%arg21 : memref<!tpu.dma_semaphore, #tpu.memory_space<semaphore_mem>>) {add = true}
        %dma_start3A_847 = arith.constant 0 : i32
        %dma_start3A_848 = arith.constant 0 : i32
        %dma_start3A_849 = tpu.memref_slice %arg3[%dma_start3A_847, %dma_start3A_848] : memref<160000x128xf32, #tpu.memory_space<hbm>> -> memref<160000x128xf32, #tpu.memory_space<hbm>>
        tpu.enqueue_indirect_dma source(%dma_start3A_849 : memref<160000x128xf32, #tpu.memory_space<hbm>>) target(%arg9 : memref<96x128xf32, #tpu.memory_space<vmem>>) offsets(%arg15 : memref<96xi32, #tpu.memory_space<vmem>>) semaphore(%arg24 : memref<!tpu.dma_semaphore, #tpu.memory_space<semaphore_mem>>) {add = true}
      } else {
      }
      %scan3A_711 = arith.constant 0 : i32
      scf.yield %scan3A_711 : i32
    }
    %scan3A_264 = arith.constant 18 : i32
    %dma_wait3A = arith.constant 0 : i32
    %dma_wait3A_265 = arith.constant 0 : i32
    %dma_wait3A_266 = tpu.memref_slice %arg29[%dma_wait3A, %dma_wait3A_265] : memref<10112x128xf32, #tpu.memory_space<vmem_shared>> -> memref<10112x128xf32, #tpu.memory_space<vmem_shared>>
    tpu.wait_indirect_dma semaphore(%arg26 : memref<!tpu.dma_semaphore, #tpu.memory_space<semaphore_mem>>) src(%arg8 : memref<96x128xf32, #tpu.memory_space<vmem>>) dst(%dma_wait3A_266 : memref<10112x128xf32, #tpu.memory_space<vmem_shared>>)
    %dma_wait3A_267 = arith.constant 0 : i32
    %dma_wait3A_268 = arith.constant 0 : i32
    %dma_wait3A_269 = tpu.memref_slice %arg29[%dma_wait3A_267, %dma_wait3A_268] : memref<10112x128xf32, #tpu.memory_space<vmem_shared>> -> memref<10112x128xf32, #tpu.memory_space<vmem_shared>>
    tpu.wait_indirect_dma semaphore(%arg27 : memref<!tpu.dma_semaphore, #tpu.memory_space<semaphore_mem>>) src(%arg9 : memref<96x128xf32, #tpu.memory_space<vmem>>) dst(%dma_wait3A_269 : memref<10112x128xf32, #tpu.memory_space<vmem_shared>>)
    %dma_wait3A_270 = arith.constant 0 : i32
    %dma_wait3A_271 = arith.constant 0 : i32
    %dma_wait3A_272 = tpu.memref_slice %arg29[%dma_wait3A_270, %dma_wait3A_271] : memref<10112x128xf32, #tpu.memory_space<vmem_shared>> -> memref<10112x128xf32, #tpu.memory_space<vmem_shared>>
    tpu.wait_indirect_dma semaphore(%arg28 : memref<!tpu.dma_semaphore, #tpu.memory_space<semaphore_mem>>) src(%arg10 : memref<96x128xf32, #tpu.memory_space<vmem>>) dst(%dma_wait3A_272 : memref<10112x128xf32, #tpu.memory_space<vmem_shared>>)
    %barrier3A_273 = arith.constant 0 : index
    tpu.barrier barrier_id(%barrier3A_273)
    %mul3A_274 = arith.constant 632 : i32
    %mul3A_275 = arith.muli %arg1, %mul3A_274 : i32
    %lt3A = arith.constant 15 : i32
    %lt3A_276 = arith.cmpi slt, %arg1, %lt3A : i32
    %convert_element_type3A = arith.extui %lt3A_276 : i1 to i32
    %cond3A = arith.constant 0 : i32
    %cond3A_277 = arith.cmpi ne, %convert_element_type3A, %cond3A : i32
    scf.if %cond3A_277 {
      "tpu.region"() ({
        %run_scoped3A = tpu.sem_alloc : memref<!tpu.dma_semaphore, #tpu.memory_space<semaphore_mem>>
        %dma_start3A_282 = arith.constant 0 : i32
        %dma_start3A_283 = tpu.memref_slice %arg5[%arg0, %mul3A_275, %dma_start3A_282] : memref<2x10000x128xf32, #tpu.memory_space<hbm>> -> memref<1x632x128xf32, #tpu.memory_space<hbm>>
        %dma_start3A_284 = tpu.memref_squeeze %dma_start3A_283 : memref<1x632x128xf32, #tpu.memory_space<hbm>> -> memref<632x128xf32, #tpu.memory_space<hbm>>
        %dma_start3A_285 = arith.constant 0 : i32
        %dma_start3A_286 = tpu.memref_slice %arg29[%mul3A_275, %dma_start3A_285] : memref<10112x128xf32, #tpu.memory_space<vmem_shared>> -> memref<632x128xf32, #tpu.memory_space<vmem_shared>>
        tpu.enqueue_dma source(%dma_start3A_286 : memref<632x128xf32, #tpu.memory_space<vmem_shared>>) target(%dma_start3A_284 : memref<632x128xf32, #tpu.memory_space<hbm>>) target_semaphore(%run_scoped3A : memref<!tpu.dma_semaphore, #tpu.memory_space<semaphore_mem>>)
        %dma_wait3A_287 = arith.constant 0 : i32
        %dma_wait3A_288 = tpu.memref_slice %arg5[%arg0, %mul3A_275, %dma_wait3A_287] : memref<2x10000x128xf32, #tpu.memory_space<hbm>> -> memref<1x632x128xf32, #tpu.memory_space<hbm>>
        %dma_wait3A_289 = tpu.memref_squeeze %dma_wait3A_288 : memref<1x632x128xf32, #tpu.memory_space<hbm>> -> memref<632x128xf32, #tpu.memory_space<hbm>>
        %dma_wait3A_290 = arith.constant 0 : i32
        %dma_wait3A_291 = tpu.memref_slice %arg29[%mul3A_275, %dma_wait3A_290] : memref<10112x128xf32, #tpu.memory_space<vmem_shared>> -> memref<632x128xf32, #tpu.memory_space<vmem_shared>>
        tpu.wait_dma2 semaphore(%run_scoped3A : memref<!tpu.dma_semaphore, #tpu.memory_space<semaphore_mem>>) src(%dma_wait3A_291 : memref<632x128xf32, #tpu.memory_space<vmem_shared>>) dst(%dma_wait3A_289 : memref<632x128xf32, #tpu.memory_space<hbm>>)
        tpu.yield
      }) : () -> ()
    } else {
    }
    %eq3A = arith.constant 15 : i32
    %eq3A_278 = arith.cmpi eq, %arg1, %eq3A : i32
    %convert_element_type3A_279 = arith.extui %eq3A_278 : i1 to i32
    %cond3A_280 = arith.constant 0 : i32
    %cond3A_281 = arith.cmpi ne, %convert_element_type3A_279, %cond3A_280 : i32
    scf.if %cond3A_281 {
      "tpu.region"() ({
        %run_scoped3A = tpu.sem_alloc : memref<!tpu.dma_semaphore, #tpu.memory_space<semaphore_mem>>
        %dma_start3A_282 = arith.constant 0 : i32
        %dma_start3A_283 = tpu.memref_slice %arg5[%arg0, %mul3A_275, %dma_start3A_282] : memref<2x10000x128xf32, #tpu.memory_space<hbm>> -> memref<1x520x128xf32, #tpu.memory_space<hbm>>
        %dma_start3A_284 = tpu.memref_squeeze %dma_start3A_283 : memref<1x520x128xf32, #tpu.memory_space<hbm>> -> memref<520x128xf32, #tpu.memory_space<hbm>>
        %dma_start3A_285 = arith.constant 0 : i32
        %dma_start3A_286 = tpu.memref_slice %arg29[%mul3A_275, %dma_start3A_285] : memref<10112x128xf32, #tpu.memory_space<vmem_shared>> -> memref<520x128xf32, #tpu.memory_space<vmem_shared>>
        tpu.enqueue_dma source(%dma_start3A_286 : memref<520x128xf32, #tpu.memory_space<vmem_shared>>) target(%dma_start3A_284 : memref<520x128xf32, #tpu.memory_space<hbm>>) target_semaphore(%run_scoped3A : memref<!tpu.dma_semaphore, #tpu.memory_space<semaphore_mem>>)
        %dma_wait3A_287 = arith.constant 0 : i32
        %dma_wait3A_288 = tpu.memref_slice %arg5[%arg0, %mul3A_275, %dma_wait3A_287] : memref<2x10000x128xf32, #tpu.memory_space<hbm>> -> memref<1x520x128xf32, #tpu.memory_space<hbm>>
        %dma_wait3A_289 = tpu.memref_squeeze %dma_wait3A_288 : memref<1x520x128xf32, #tpu.memory_space<hbm>> -> memref<520x128xf32, #tpu.memory_space<hbm>>
        %dma_wait3A_290 = arith.constant 0 : i32
        %dma_wait3A_291 = tpu.memref_slice %arg29[%mul3A_275, %dma_wait3A_290] : memref<10112x128xf32, #tpu.memory_space<vmem_shared>> -> memref<520x128xf32, #tpu.memory_space<vmem_shared>>
        tpu.wait_dma2 semaphore(%run_scoped3A : memref<!tpu.dma_semaphore, #tpu.memory_space<semaphore_mem>>) src(%dma_wait3A_291 : memref<520x128xf32, #tpu.memory_space<vmem_shared>>) dst(%dma_wait3A_289 : memref<520x128xf32, #tpu.memory_space<hbm>>)
        tpu.yield
      }) : () -> ()
    } else {
    }
    return
  }
}

#map = affine_map<(d0, d1) -> (0, 0)>
#map1 = affine_map<(d0, d1) -> (0)>
module attributes {stable_mosaic.version = 14 : i64} {
  func.func @k(%arg0: i32, %arg1: i32, %arg2: memref<10000x128xf32, #tpu.memory_space<hbm>>, %arg3: memref<160000x128xf32, #tpu.memory_space<hbm>>, %arg4: memref<320000xi32, #tpu.memory_space<hbm>>, %arg5: memref<160000x384xf32, #tpu.memory_space<hbm>>, %arg6: memref<5000xi32, #tpu.memory_space<vmem>>, %arg7: memref<5000xi32, #tpu.memory_space<vmem>>, %arg8: memref<96x384xf32, #tpu.memory_space<vmem>>, %arg9: memref<96x384xf32, #tpu.memory_space<vmem>>, %arg10: memref<96x384xf32, #tpu.memory_space<vmem>>, %arg11: memref<96xi32, #tpu.memory_space<vmem>>, %arg12: memref<96xi32, #tpu.memory_space<vmem>>, %arg13: memref<96xi32, #tpu.memory_space<vmem>>, %arg14: memref<96xi32, #tpu.memory_space<vmem>>, %arg15: memref<96xi32, #tpu.memory_space<vmem>>, %arg16: memref<96xi32, #tpu.memory_space<vmem>>, %arg17: memref<96xi32, #tpu.memory_space<vmem>>, %arg18: memref<96xi32, #tpu.memory_space<vmem>>, %arg19: memref<96xi32, #tpu.memory_space<vmem>>, %arg20: memref<!tpu.dma_semaphore, #tpu.memory_space<semaphore_mem>>, %arg21: memref<!tpu.dma_semaphore, #tpu.memory_space<semaphore_mem>>, %arg22: memref<!tpu.dma_semaphore, #tpu.memory_space<semaphore_mem>>, %arg23: memref<!tpu.dma_semaphore, #tpu.memory_space<semaphore_mem>>, %arg24: memref<!tpu.dma_semaphore, #tpu.memory_space<semaphore_mem>>, %arg25: memref<!tpu.dma_semaphore, #tpu.memory_space<semaphore_mem>>, %arg26: memref<!tpu.dma_semaphore, #tpu.memory_space<semaphore_mem>>, %arg27: memref<!tpu.dma_semaphore, #tpu.memory_space<semaphore_mem>>, %arg28: memref<!tpu.dma_semaphore, #tpu.memory_space<semaphore_mem>>, %arg29: memref<!tpu.dma_semaphore, #tpu.memory_space<semaphore_mem>>, %arg30: memref<!tpu.dma_semaphore, #tpu.memory_space<semaphore_mem>>, %arg31: memref<!tpu.dma_semaphore, #tpu.memory_space<semaphore_mem>>) attributes {dimension_semantics = [#tpu.dimension_semantics<core_parallel>, #tpu.dimension_semantics<subcore_parallel>], iteration_bounds = array<i64: 2, 16>, scalar_prefetch = 0 : i64, scratch_operands = 26 : i64, tpu.core_type = #tpu.core_type<sc_vector_subcore>, window_params = [{transform_indices = #map}, {transform_indices = #map}, {transform_indices = #map1}, {transform_indices = #map}]} {
    %mul3A = arith.constant 2 : i32
    %mul3A_0 = arith.muli %arg1, %mul3A : i32
    %add3A = arith.addi %mul3A_0, %arg0 : i32
    %mul3A_1 = arith.constant 5000 : i32
    %mul3A_2 = arith.muli %add3A, %mul3A_1 : i32
    "tpu.region"() ({
      %run_scoped3A = tpu.sem_alloc : memref<!tpu.dma_semaphore, #tpu.memory_space<semaphore_mem>>
      %dma_start3A_351 = tpu.memref_slice %arg4[%mul3A_2] : memref<320000xi32, #tpu.memory_space<hbm>> -> memref<5000xi32, #tpu.memory_space<hbm>>
      %dma_start3A_352 = tpu.memref_slice %arg4[%mul3A_2] : memref<320000xi32, #tpu.memory_space<hbm>> -> memref<5000xi32, #tpu.memory_space<hbm>>
      tpu.enqueue_dma source(%dma_start3A_352 : memref<5000xi32, #tpu.memory_space<hbm>>) target(%arg6 : memref<5000xi32, #tpu.memory_space<vmem>>) target_semaphore(%run_scoped3A : memref<!tpu.dma_semaphore, #tpu.memory_space<semaphore_mem>>)
      %dma_wait3A_353 = tpu.memref_slice %arg4[%mul3A_2] : memref<320000xi32, #tpu.memory_space<hbm>> -> memref<5000xi32, #tpu.memory_space<hbm>>
      %dma_wait3A_354 = tpu.memref_slice %arg4[%mul3A_2] : memref<320000xi32, #tpu.memory_space<hbm>> -> memref<5000xi32, #tpu.memory_space<hbm>>
      tpu.wait_dma2 semaphore(%run_scoped3A : memref<!tpu.dma_semaphore, #tpu.memory_space<semaphore_mem>>) src(%dma_wait3A_354 : memref<5000xi32, #tpu.memory_space<hbm>>) dst(%arg6 : memref<5000xi32, #tpu.memory_space<vmem>>)
      tpu.yield
    }) : () -> ()
    %add3A_3 = arith.constant 160000 : i32
    %add3A_4 = arith.addi %add3A_3, %mul3A_2 : i32
    "tpu.region"() ({
      %run_scoped3A = tpu.sem_alloc : memref<!tpu.dma_semaphore, #tpu.memory_space<semaphore_mem>>
      %dma_start3A_351 = tpu.memref_slice %arg4[%add3A_4] : memref<320000xi32, #tpu.memory_space<hbm>> -> memref<5000xi32, #tpu.memory_space<hbm>>
      %dma_start3A_352 = tpu.memref_slice %arg4[%add3A_4] : memref<320000xi32, #tpu.memory_space<hbm>> -> memref<5000xi32, #tpu.memory_space<hbm>>
      tpu.enqueue_dma source(%dma_start3A_352 : memref<5000xi32, #tpu.memory_space<hbm>>) target(%arg7 : memref<5000xi32, #tpu.memory_space<vmem>>) target_semaphore(%run_scoped3A : memref<!tpu.dma_semaphore, #tpu.memory_space<semaphore_mem>>)
      %dma_wait3A_353 = tpu.memref_slice %arg4[%add3A_4] : memref<320000xi32, #tpu.memory_space<hbm>> -> memref<5000xi32, #tpu.memory_space<hbm>>
      %dma_wait3A_354 = tpu.memref_slice %arg4[%add3A_4] : memref<320000xi32, #tpu.memory_space<hbm>> -> memref<5000xi32, #tpu.memory_space<hbm>>
      tpu.wait_dma2 semaphore(%run_scoped3A : memref<!tpu.dma_semaphore, #tpu.memory_space<semaphore_mem>>) src(%dma_wait3A_354 : memref<5000xi32, #tpu.memory_space<hbm>>) dst(%arg7 : memref<5000xi32, #tpu.memory_space<vmem>>)
      tpu.yield
    }) : () -> ()
    %iota3A = tpu.iota {dimensions = array<i32: 0>} : vector<16xi32>
    %get3A = arith.constant 0 : index
    %get3A_5 = tpu.vector_load %arg6[%get3A] {strides = array<i32>} : memref<5000xi32, #tpu.memory_space<vmem>>, vector<16xi32>,
    %get3A_6 = vector.shape_cast %get3A_5 : vector<16xi32> to vector<16xi32>
    %swap3A = arith.constant 0 : index
    %swap3A_7 = tpu.vector_load %arg11[%swap3A] {strides = array<i32>} : memref<96xi32, #tpu.memory_space<vmem>>, vector<16xi32>,
    %swap3A_8 = vector.shape_cast %swap3A_7 : vector<16xi32> to vector<16xi32>
    %swap3A_9 = vector.shape_cast %get3A_6 : vector<16xi32> to vector<16xi32>
    tpu.vector_store %arg11[%swap3A], %swap3A_9 {strides = array<i32>} : memref<96xi32, #tpu.memory_space<vmem>>, vector<16xi32>,
    %get3A_10 = arith.constant 0 : index
    %get3A_11 = tpu.vector_load %arg7[%get3A_10] {strides = array<i32>} : memref<5000xi32, #tpu.memory_space<vmem>>, vector<16xi32>,
    %get3A_12 = vector.shape_cast %get3A_11 : vector<16xi32> to vector<16xi32>
    %swap3A_13 = arith.constant 0 : index
    %swap3A_14 = tpu.vector_load %arg14[%swap3A_13] {strides = array<i32>} : memref<96xi32, #tpu.memory_space<vmem>>, vector<16xi32>,
    %swap3A_15 = vector.shape_cast %swap3A_14 : vector<16xi32> to vector<16xi32>
    %swap3A_16 = vector.shape_cast %get3A_12 : vector<16xi32> to vector<16xi32>
    tpu.vector_store %arg14[%swap3A_13], %swap3A_16 {strides = array<i32>} : memref<96xi32, #tpu.memory_space<vmem>>, vector<16xi32>,
    %add3A_17 = arith.constant 0 : i32
    %add3A_18 = arith.addi %mul3A_2, %add3A_17 : i32
    %add3A_19 = arith.constant 0 : i32
    %add3A_20 = arith.addi %add3A_18, %add3A_19 : i32
    %add3A_21 = vector.broadcast %add3A_20 : i32 to vector<16xi32>
    %add3A_22 = arith.addi %add3A_21, %iota3A : vector<16xi32>
    %swap3A_23 = arith.constant 0 : index
    %swap3A_24 = tpu.vector_load %arg17[%swap3A_23] {strides = array<i32>} : memref<96xi32, #tpu.memory_space<vmem>>, vector<16xi32>,
    %swap3A_25 = vector.shape_cast %swap3A_24 : vector<16xi32> to vector<16xi32>
    %swap3A_26 = vector.shape_cast %add3A_22 : vector<16xi32> to vector<16xi32>
    tpu.vector_store %arg17[%swap3A_23], %swap3A_26 {strides = array<i32>} : memref<96xi32, #tpu.memory_space<vmem>>, vector<16xi32>,
    %iota3A_27 = tpu.iota {dimensions = array<i32: 0>} : vector<16xi32>
    %get3A_28 = arith.constant 16 : index
    %get3A_29 = tpu.vector_load %arg6[%get3A_28] {strides = array<i32>} : memref<5000xi32, #tpu.memory_space<vmem>>, vector<16xi32>,
    %get3A_30 = vector.shape_cast %get3A_29 : vector<16xi32> to vector<16xi32>
    %swap3A_31 = arith.constant 16 : index
    %swap3A_32 = tpu.vector_load %arg11[%swap3A_31] {strides = array<i32>} : memref<96xi32, #tpu.memory_space<vmem>>, vector<16xi32>,
    %swap3A_33 = vector.shape_cast %swap3A_32 : vector<16xi32> to vector<16xi32>
    %swap3A_34 = vector.shape_cast %get3A_30 : vector<16xi32> to vector<16xi32>
    tpu.vector_store %arg11[%swap3A_31], %swap3A_34 {strides = array<i32>} : memref<96xi32, #tpu.memory_space<vmem>>, vector<16xi32>,
    %get3A_35 = arith.constant 16 : index
    %get3A_36 = tpu.vector_load %arg7[%get3A_35] {strides = array<i32>} : memref<5000xi32, #tpu.memory_space<vmem>>, vector<16xi32>,
    %get3A_37 = vector.shape_cast %get3A_36 : vector<16xi32> to vector<16xi32>
    %swap3A_38 = arith.constant 16 : index
    %swap3A_39 = tpu.vector_load %arg14[%swap3A_38] {strides = array<i32>} : memref<96xi32, #tpu.memory_space<vmem>>, vector<16xi32>,
    %swap3A_40 = vector.shape_cast %swap3A_39 : vector<16xi32> to vector<16xi32>
    %swap3A_41 = vector.shape_cast %get3A_37 : vector<16xi32> to vector<16xi32>
    tpu.vector_store %arg14[%swap3A_38], %swap3A_41 {strides = array<i32>} : memref<96xi32, #tpu.memory_space<vmem>>, vector<16xi32>,
    %add3A_42 = arith.constant 0 : i32
    %add3A_43 = arith.addi %mul3A_2, %add3A_42 : i32
    %add3A_44 = arith.constant 16 : i32
    %add3A_45 = arith.addi %add3A_43, %add3A_44 : i32
    %add3A_46 = vector.broadcast %add3A_45 : i32 to vector<16xi32>
    %add3A_47 = arith.addi %add3A_46, %iota3A_27 : vector<16xi32>
    %swap3A_48 = arith.constant 16 : index
    %swap3A_49 = tpu.vector_load %arg17[%swap3A_48] {strides = array<i32>} : memref<96xi32, #tpu.memory_space<vmem>>, vector<16xi32>,
    %swap3A_50 = vector.shape_cast %swap3A_49 : vector<16xi32> to vector<16xi32>
    %swap3A_51 = vector.shape_cast %add3A_47 : vector<16xi32> to vector<16xi32>
    tpu.vector_store %arg17[%swap3A_48], %swap3A_51 {strides = array<i32>} : memref<96xi32, #tpu.memory_space<vmem>>, vector<16xi32>,
    %iota3A_52 = tpu.iota {dimensions = array<i32: 0>} : vector<16xi32>
    %get3A_53 = arith.constant 32 : index
    %get3A_54 = tpu.vector_load %arg6[%get3A_53] {strides = array<i32>} : memref<5000xi32, #tpu.memory_space<vmem>>, vector<16xi32>,
    %get3A_55 = vector.shape_cast %get3A_54 : vector<16xi32> to vector<16xi32>
    %swap3A_56 = arith.constant 32 : index
    %swap3A_57 = tpu.vector_load %arg11[%swap3A_56] {strides = array<i32>} : memref<96xi32, #tpu.memory_space<vmem>>, vector<16xi32>,
    %swap3A_58 = vector.shape_cast %swap3A_57 : vector<16xi32> to vector<16xi32>
    %swap3A_59 = vector.shape_cast %get3A_55 : vector<16xi32> to vector<16xi32>
    tpu.vector_store %arg11[%swap3A_56], %swap3A_59 {strides = array<i32>} : memref<96xi32, #tpu.memory_space<vmem>>, vector<16xi32>,
    %get3A_60 = arith.constant 32 : index
    %get3A_61 = tpu.vector_load %arg7[%get3A_60] {strides = array<i32>} : memref<5000xi32, #tpu.memory_space<vmem>>, vector<16xi32>,
    %get3A_62 = vector.shape_cast %get3A_61 : vector<16xi32> to vector<16xi32>
    %swap3A_63 = arith.constant 32 : index
    %swap3A_64 = tpu.vector_load %arg14[%swap3A_63] {strides = array<i32>} : memref<96xi32, #tpu.memory_space<vmem>>, vector<16xi32>,
    %swap3A_65 = vector.shape_cast %swap3A_64 : vector<16xi32> to vector<16xi32>
    %swap3A_66 = vector.shape_cast %get3A_62 : vector<16xi32> to vector<16xi32>
    tpu.vector_store %arg14[%swap3A_63], %swap3A_66 {strides = array<i32>} : memref<96xi32, #tpu.memory_space<vmem>>, vector<16xi32>,
    %add3A_67 = arith.constant 0 : i32
    %add3A_68 = arith.addi %mul3A_2, %add3A_67 : i32
    %add3A_69 = arith.constant 32 : i32
    %add3A_70 = arith.addi %add3A_68, %add3A_69 : i32
    %add3A_71 = vector.broadcast %add3A_70 : i32 to vector<16xi32>
    %add3A_72 = arith.addi %add3A_71, %iota3A_52 : vector<16xi32>
    %swap3A_73 = arith.constant 32 : index
    %swap3A_74 = tpu.vector_load %arg17[%swap3A_73] {strides = array<i32>} : memref<96xi32, #tpu.memory_space<vmem>>, vector<16xi32>,
    %swap3A_75 = vector.shape_cast %swap3A_74 : vector<16xi32> to vector<16xi32>
    %swap3A_76 = vector.shape_cast %add3A_72 : vector<16xi32> to vector<16xi32>
    tpu.vector_store %arg17[%swap3A_73], %swap3A_76 {strides = array<i32>} : memref<96xi32, #tpu.memory_space<vmem>>, vector<16xi32>,
    %iota3A_77 = tpu.iota {dimensions = array<i32: 0>} : vector<16xi32>
    %get3A_78 = arith.constant 48 : index
    %get3A_79 = tpu.vector_load %arg6[%get3A_78] {strides = array<i32>} : memref<5000xi32, #tpu.memory_space<vmem>>, vector<16xi32>,
    %get3A_80 = vector.shape_cast %get3A_79 : vector<16xi32> to vector<16xi32>
    %swap3A_81 = arith.constant 48 : index
    %swap3A_82 = tpu.vector_load %arg11[%swap3A_81] {strides = array<i32>} : memref<96xi32, #tpu.memory_space<vmem>>, vector<16xi32>,
    %swap3A_83 = vector.shape_cast %swap3A_82 : vector<16xi32> to vector<16xi32>
    %swap3A_84 = vector.shape_cast %get3A_80 : vector<16xi32> to vector<16xi32>
    tpu.vector_store %arg11[%swap3A_81], %swap3A_84 {strides = array<i32>} : memref<96xi32, #tpu.memory_space<vmem>>, vector<16xi32>,
    %get3A_85 = arith.constant 48 : index
    %get3A_86 = tpu.vector_load %arg7[%get3A_85] {strides = array<i32>} : memref<5000xi32, #tpu.memory_space<vmem>>, vector<16xi32>,
    %get3A_87 = vector.shape_cast %get3A_86 : vector<16xi32> to vector<16xi32>
    %swap3A_88 = arith.constant 48 : index
    %swap3A_89 = tpu.vector_load %arg14[%swap3A_88] {strides = array<i32>} : memref<96xi32, #tpu.memory_space<vmem>>, vector<16xi32>,
    %swap3A_90 = vector.shape_cast %swap3A_89 : vector<16xi32> to vector<16xi32>
    %swap3A_91 = vector.shape_cast %get3A_87 : vector<16xi32> to vector<16xi32>
    tpu.vector_store %arg14[%swap3A_88], %swap3A_91 {strides = array<i32>} : memref<96xi32, #tpu.memory_space<vmem>>, vector<16xi32>,
    %add3A_92 = arith.constant 0 : i32
    %add3A_93 = arith.addi %mul3A_2, %add3A_92 : i32
    %add3A_94 = arith.constant 48 : i32
    %add3A_95 = arith.addi %add3A_93, %add3A_94 : i32
    %add3A_96 = vector.broadcast %add3A_95 : i32 to vector<16xi32>
    %add3A_97 = arith.addi %add3A_96, %iota3A_77 : vector<16xi32>
    %swap3A_98 = arith.constant 48 : index
    %swap3A_99 = tpu.vector_load %arg17[%swap3A_98] {strides = array<i32>} : memref<96xi32, #tpu.memory_space<vmem>>, vector<16xi32>,
    %swap3A_100 = vector.shape_cast %swap3A_99 : vector<16xi32> to vector<16xi32>
    %swap3A_101 = vector.shape_cast %add3A_97 : vector<16xi32> to vector<16xi32>
    tpu.vector_store %arg17[%swap3A_98], %swap3A_101 {strides = array<i32>} : memref<96xi32, #tpu.memory_space<vmem>>, vector<16xi32>,
    %iota3A_102 = tpu.iota {dimensions = array<i32: 0>} : vector<16xi32>
    %get3A_103 = arith.constant 64 : index
    %get3A_104 = tpu.vector_load %arg6[%get3A_103] {strides = array<i32>} : memref<5000xi32, #tpu.memory_space<vmem>>, vector<16xi32>,
    %get3A_105 = vector.shape_cast %get3A_104 : vector<16xi32> to vector<16xi32>
    %swap3A_106 = arith.constant 64 : index
    %swap3A_107 = tpu.vector_load %arg11[%swap3A_106] {strides = array<i32>} : memref<96xi32, #tpu.memory_space<vmem>>, vector<16xi32>,
    %swap3A_108 = vector.shape_cast %swap3A_107 : vector<16xi32> to vector<16xi32>
    %swap3A_109 = vector.shape_cast %get3A_105 : vector<16xi32> to vector<16xi32>
    tpu.vector_store %arg11[%swap3A_106], %swap3A_109 {strides = array<i32>} : memref<96xi32, #tpu.memory_space<vmem>>, vector<16xi32>,
    %get3A_110 = arith.constant 64 : index
    %get3A_111 = tpu.vector_load %arg7[%get3A_110] {strides = array<i32>} : memref<5000xi32, #tpu.memory_space<vmem>>, vector<16xi32>,
    %get3A_112 = vector.shape_cast %get3A_111 : vector<16xi32> to vector<16xi32>
    %swap3A_113 = arith.constant 64 : index
    %swap3A_114 = tpu.vector_load %arg14[%swap3A_113] {strides = array<i32>} : memref<96xi32, #tpu.memory_space<vmem>>, vector<16xi32>,
    %swap3A_115 = vector.shape_cast %swap3A_114 : vector<16xi32> to vector<16xi32>
    %swap3A_116 = vector.shape_cast %get3A_112 : vector<16xi32> to vector<16xi32>
    tpu.vector_store %arg14[%swap3A_113], %swap3A_116 {strides = array<i32>} : memref<96xi32, #tpu.memory_space<vmem>>, vector<16xi32>,
    %add3A_117 = arith.constant 0 : i32
    %add3A_118 = arith.addi %mul3A_2, %add3A_117 : i32
    %add3A_119 = arith.constant 64 : i32
    %add3A_120 = arith.addi %add3A_118, %add3A_119 : i32
    %add3A_121 = vector.broadcast %add3A_120 : i32 to vector<16xi32>
    %add3A_122 = arith.addi %add3A_121, %iota3A_102 : vector<16xi32>
    %swap3A_123 = arith.constant 64 : index
    %swap3A_124 = tpu.vector_load %arg17[%swap3A_123] {strides = array<i32>} : memref<96xi32, #tpu.memory_space<vmem>>, vector<16xi32>,
    %swap3A_125 = vector.shape_cast %swap3A_124 : vector<16xi32> to vector<16xi32>
    %swap3A_126 = vector.shape_cast %add3A_122 : vector<16xi32> to vector<16xi32>
    tpu.vector_store %arg17[%swap3A_123], %swap3A_126 {strides = array<i32>} : memref<96xi32, #tpu.memory_space<vmem>>, vector<16xi32>,
    %iota3A_127 = tpu.iota {dimensions = array<i32: 0>} : vector<16xi32>
    %get3A_128 = arith.constant 80 : index
    %get3A_129 = tpu.vector_load %arg6[%get3A_128] {strides = array<i32>} : memref<5000xi32, #tpu.memory_space<vmem>>, vector<16xi32>,
    %get3A_130 = vector.shape_cast %get3A_129 : vector<16xi32> to vector<16xi32>
    %swap3A_131 = arith.constant 80 : index
    %swap3A_132 = tpu.vector_load %arg11[%swap3A_131] {strides = array<i32>} : memref<96xi32, #tpu.memory_space<vmem>>, vector<16xi32>,
    %swap3A_133 = vector.shape_cast %swap3A_132 : vector<16xi32> to vector<16xi32>
    %swap3A_134 = vector.shape_cast %get3A_130 : vector<16xi32> to vector<16xi32>
    tpu.vector_store %arg11[%swap3A_131], %swap3A_134 {strides = array<i32>} : memref<96xi32, #tpu.memory_space<vmem>>, vector<16xi32>,
    %get3A_135 = arith.constant 80 : index
    %get3A_136 = tpu.vector_load %arg7[%get3A_135] {strides = array<i32>} : memref<5000xi32, #tpu.memory_space<vmem>>, vector<16xi32>,
    %get3A_137 = vector.shape_cast %get3A_136 : vector<16xi32> to vector<16xi32>
    %swap3A_138 = arith.constant 80 : index
    %swap3A_139 = tpu.vector_load %arg14[%swap3A_138] {strides = array<i32>} : memref<96xi32, #tpu.memory_space<vmem>>, vector<16xi32>,
    %swap3A_140 = vector.shape_cast %swap3A_139 : vector<16xi32> to vector<16xi32>
    %swap3A_141 = vector.shape_cast %get3A_137 : vector<16xi32> to vector<16xi32>
    tpu.vector_store %arg14[%swap3A_138], %swap3A_141 {strides = array<i32>} : memref<96xi32, #tpu.memory_space<vmem>>, vector<16xi32>,
    %add3A_142 = arith.constant 0 : i32
    %add3A_143 = arith.addi %mul3A_2, %add3A_142 : i32
    %add3A_144 = arith.constant 80 : i32
    %add3A_145 = arith.addi %add3A_143, %add3A_144 : i32
    %add3A_146 = vector.broadcast %add3A_145 : i32 to vector<16xi32>
    %add3A_147 = arith.addi %add3A_146, %iota3A_127 : vector<16xi32>
    %swap3A_148 = arith.constant 80 : index
    %swap3A_149 = tpu.vector_load %arg17[%swap3A_148] {strides = array<i32>} : memref<96xi32, #tpu.memory_space<vmem>>, vector<16xi32>,
    %swap3A_150 = vector.shape_cast %swap3A_149 : vector<16xi32> to vector<16xi32>
    %swap3A_151 = vector.shape_cast %add3A_147 : vector<16xi32> to vector<16xi32>
    tpu.vector_store %arg17[%swap3A_148], %swap3A_151 {strides = array<i32>} : memref<96xi32, #tpu.memory_space<vmem>>, vector<16xi32>,
    %dma_start3A = arith.constant 0 : i32
    %dma_start3A_152 = arith.constant 0 : i32
    %dma_start3A_153 = tpu.memref_slice %arg8[%dma_start3A, %dma_start3A_152] : memref<96x384xf32, #tpu.memory_space<vmem>> -> memref<96x128xf32, #tpu.memory_space<vmem>>
    %dma_start3A_154 = arith.constant 0 : i32
    %dma_start3A_155 = arith.constant 0 : i32
    %dma_start3A_156 = tpu.memref_slice %arg2[%dma_start3A_154, %dma_start3A_155] : memref<10000x128xf32, #tpu.memory_space<hbm>> -> memref<10000x128xf32, #tpu.memory_space<hbm>>
    tpu.enqueue_indirect_dma source(%dma_start3A_156 : memref<10000x128xf32, #tpu.memory_space<hbm>>) target(%dma_start3A_153 : memref<96x128xf32, #tpu.memory_space<vmem>>) offsets(%arg11 : memref<96xi32, #tpu.memory_space<vmem>>) semaphore(%arg20 : memref<!tpu.dma_semaphore, #tpu.memory_space<semaphore_mem>>)
    %dma_start3A_157 = arith.constant 0 : i32
    %dma_start3A_158 = arith.constant 128 : i32
    %dma_start3A_159 = tpu.memref_slice %arg8[%dma_start3A_157, %dma_start3A_158] : memref<96x384xf32, #tpu.memory_space<vmem>> -> memref<96x128xf32, #tpu.memory_space<vmem>>
    %dma_start3A_160 = arith.constant 0 : i32
    %dma_start3A_161 = arith.constant 0 : i32
    %dma_start3A_162 = tpu.memref_slice %arg3[%dma_start3A_160, %dma_start3A_161] : memref<160000x128xf32, #tpu.memory_space<hbm>> -> memref<160000x128xf32, #tpu.memory_space<hbm>>
    tpu.enqueue_indirect_dma source(%dma_start3A_162 : memref<160000x128xf32, #tpu.memory_space<hbm>>) target(%dma_start3A_159 : memref<96x128xf32, #tpu.memory_space<vmem>>) offsets(%arg17 : memref<96xi32, #tpu.memory_space<vmem>>) semaphore(%arg23 : memref<!tpu.dma_semaphore, #tpu.memory_space<semaphore_mem>>)
    %dma_start3A_163 = arith.constant 0 : i32
    %dma_start3A_164 = arith.constant 256 : i32
    %dma_start3A_165 = tpu.memref_slice %arg8[%dma_start3A_163, %dma_start3A_164] : memref<96x384xf32, #tpu.memory_space<vmem>> -> memref<96x128xf32, #tpu.memory_space<vmem>>
    %dma_start3A_166 = arith.constant 0 : i32
    %dma_start3A_167 = arith.constant 0 : i32
    %dma_start3A_168 = tpu.memref_slice %arg2[%dma_start3A_166, %dma_start3A_167] : memref<10000x128xf32, #tpu.memory_space<hbm>> -> memref<10000x128xf32, #tpu.memory_space<hbm>>
    tpu.enqueue_indirect_dma source(%dma_start3A_168 : memref<10000x128xf32, #tpu.memory_space<hbm>>) target(%dma_start3A_165 : memref<96x128xf32, #tpu.memory_space<vmem>>) offsets(%arg14 : memref<96xi32, #tpu.memory_space<vmem>>) semaphore(%arg26 : memref<!tpu.dma_semaphore, #tpu.memory_space<semaphore_mem>>)
    %iota3A_169 = tpu.iota {dimensions = array<i32: 0>} : vector<16xi32>
    %get3A_170 = arith.constant 96 : index
    %get3A_171 = tpu.vector_load %arg6[%get3A_170] {strides = array<i32>} : memref<5000xi32, #tpu.memory_space<vmem>>, vector<16xi32>,
    %get3A_172 = vector.shape_cast %get3A_171 : vector<16xi32> to vector<16xi32>
    %swap3A_173 = arith.constant 0 : index
    %swap3A_174 = tpu.vector_load %arg12[%swap3A_173] {strides = array<i32>} : memref<96xi32, #tpu.memory_space<vmem>>, vector<16xi32>,
    %swap3A_175 = vector.shape_cast %swap3A_174 : vector<16xi32> to vector<16xi32>
    %swap3A_176 = vector.shape_cast %get3A_172 : vector<16xi32> to vector<16xi32>
    tpu.vector_store %arg12[%swap3A_173], %swap3A_176 {strides = array<i32>} : memref<96xi32, #tpu.memory_space<vmem>>, vector<16xi32>,
    %get3A_177 = arith.constant 96 : index
    %get3A_178 = tpu.vector_load %arg7[%get3A_177] {strides = array<i32>} : memref<5000xi32, #tpu.memory_space<vmem>>, vector<16xi32>,
    %get3A_179 = vector.shape_cast %get3A_178 : vector<16xi32> to vector<16xi32>
    %swap3A_180 = arith.constant 0 : index
    %swap3A_181 = tpu.vector_load %arg15[%swap3A_180] {strides = array<i32>} : memref<96xi32, #tpu.memory_space<vmem>>, vector<16xi32>,
    %swap3A_182 = vector.shape_cast %swap3A_181 : vector<16xi32> to vector<16xi32>
    %swap3A_183 = vector.shape_cast %get3A_179 : vector<16xi32> to vector<16xi32>
    tpu.vector_store %arg15[%swap3A_180], %swap3A_183 {strides = array<i32>} : memref<96xi32, #tpu.memory_space<vmem>>, vector<16xi32>,
    %add3A_184 = arith.constant 96 : i32
    %add3A_185 = arith.addi %mul3A_2, %add3A_184 : i32
    %add3A_186 = arith.constant 0 : i32
    %add3A_187 = arith.addi %add3A_185, %add3A_186 : i32
    %add3A_188 = vector.broadcast %add3A_187 : i32 to vector<16xi32>
    %add3A_189 = arith.addi %add3A_188, %iota3A_169 : vector<16xi32>
    %swap3A_190 = arith.constant 0 : index
    %swap3A_191 = tpu.vector_load %arg18[%swap3A_190] {strides = array<i32>} : memref<96xi32, #tpu.memory_space<vmem>>, vector<16xi32>,
    %swap3A_192 = vector.shape_cast %swap3A_191 : vector<16xi32> to vector<16xi32>
    %swap3A_193 = vector.shape_cast %add3A_189 : vector<16xi32> to vector<16xi32>
    tpu.vector_store %arg18[%swap3A_190], %swap3A_193 {strides = array<i32>} : memref<96xi32, #tpu.memory_space<vmem>>, vector<16xi32>,
    %iota3A_194 = tpu.iota {dimensions = array<i32: 0>} : vector<16xi32>
    %get3A_195 = arith.constant 112 : index
    %get3A_196 = tpu.vector_load %arg6[%get3A_195] {strides = array<i32>} : memref<5000xi32, #tpu.memory_space<vmem>>, vector<16xi32>,
    %get3A_197 = vector.shape_cast %get3A_196 : vector<16xi32> to vector<16xi32>
    %swap3A_198 = arith.constant 16 : index
    %swap3A_199 = tpu.vector_load %arg12[%swap3A_198] {strides = array<i32>} : memref<96xi32, #tpu.memory_space<vmem>>, vector<16xi32>,
    %swap3A_200 = vector.shape_cast %swap3A_199 : vector<16xi32> to vector<16xi32>
    %swap3A_201 = vector.shape_cast %get3A_197 : vector<16xi32> to vector<16xi32>
    tpu.vector_store %arg12[%swap3A_198], %swap3A_201 {strides = array<i32>} : memref<96xi32, #tpu.memory_space<vmem>>, vector<16xi32>,
    %get3A_202 = arith.constant 112 : index
    %get3A_203 = tpu.vector_load %arg7[%get3A_202] {strides = array<i32>} : memref<5000xi32, #tpu.memory_space<vmem>>, vector<16xi32>,
    %get3A_204 = vector.shape_cast %get3A_203 : vector<16xi32> to vector<16xi32>
    %swap3A_205 = arith.constant 16 : index
    %swap3A_206 = tpu.vector_load %arg15[%swap3A_205] {strides = array<i32>} : memref<96xi32, #tpu.memory_space<vmem>>, vector<16xi32>,
    %swap3A_207 = vector.shape_cast %swap3A_206 : vector<16xi32> to vector<16xi32>
    %swap3A_208 = vector.shape_cast %get3A_204 : vector<16xi32> to vector<16xi32>
    tpu.vector_store %arg15[%swap3A_205], %swap3A_208 {strides = array<i32>} : memref<96xi32, #tpu.memory_space<vmem>>, vector<16xi32>,
    %add3A_209 = arith.constant 96 : i32
    %add3A_210 = arith.addi %mul3A_2, %add3A_209 : i32
    %add3A_211 = arith.constant 16 : i32
    %add3A_212 = arith.addi %add3A_210, %add3A_211 : i32
    %add3A_213 = vector.broadcast %add3A_212 : i32 to vector<16xi32>
    %add3A_214 = arith.addi %add3A_213, %iota3A_194 : vector<16xi32>
    %swap3A_215 = arith.constant 16 : index
    %swap3A_216 = tpu.vector_load %arg18[%swap3A_215] {strides = array<i32>} : memref<96xi32, #tpu.memory_space<vmem>>, vector<16xi32>,
    %swap3A_217 = vector.shape_cast %swap3A_216 : vector<16xi32> to vector<16xi32>
    %swap3A_218 = vector.shape_cast %add3A_214 : vector<16xi32> to vector<16xi32>
    tpu.vector_store %arg18[%swap3A_215], %swap3A_218 {strides = array<i32>} : memref<96xi32, #tpu.memory_space<vmem>>, vector<16xi32>,
    %iota3A_219 = tpu.iota {dimensions = array<i32: 0>} : vector<16xi32>
    %get3A_220 = arith.constant 128 : index
    %get3A_221 = tpu.vector_load %arg6[%get3A_220] {strides = array<i32>} : memref<5000xi32, #tpu.memory_space<vmem>>, vector<16xi32>,
    %get3A_222 = vector.shape_cast %get3A_221 : vector<16xi32> to vector<16xi32>
    %swap3A_223 = arith.constant 32 : index
    %swap3A_224 = tpu.vector_load %arg12[%swap3A_223] {strides = array<i32>} : memref<96xi32, #tpu.memory_space<vmem>>, vector<16xi32>,
    %swap3A_225 = vector.shape_cast %swap3A_224 : vector<16xi32> to vector<16xi32>
    %swap3A_226 = vector.shape_cast %get3A_222 : vector<16xi32> to vector<16xi32>
    tpu.vector_store %arg12[%swap3A_223], %swap3A_226 {strides = array<i32>} : memref<96xi32, #tpu.memory_space<vmem>>, vector<16xi32>,
    %get3A_227 = arith.constant 128 : index
    %get3A_228 = tpu.vector_load %arg7[%get3A_227] {strides = array<i32>} : memref<5000xi32, #tpu.memory_space<vmem>>, vector<16xi32>,
    %get3A_229 = vector.shape_cast %get3A_228 : vector<16xi32> to vector<16xi32>
    %swap3A_230 = arith.constant 32 : index
    %swap3A_231 = tpu.vector_load %arg15[%swap3A_230] {strides = array<i32>} : memref<96xi32, #tpu.memory_space<vmem>>, vector<16xi32>,
    %swap3A_232 = vector.shape_cast %swap3A_231 : vector<16xi32> to vector<16xi32>
    %swap3A_233 = vector.shape_cast %get3A_229 : vector<16xi32> to vector<16xi32>
    tpu.vector_store %arg15[%swap3A_230], %swap3A_233 {strides = array<i32>} : memref<96xi32, #tpu.memory_space<vmem>>, vector<16xi32>,
    %add3A_234 = arith.constant 96 : i32
    %add3A_235 = arith.addi %mul3A_2, %add3A_234 : i32
    %add3A_236 = arith.constant 32 : i32
    %add3A_237 = arith.addi %add3A_235, %add3A_236 : i32
    %add3A_238 = vector.broadcast %add3A_237 : i32 to vector<16xi32>
    %add3A_239 = arith.addi %add3A_238, %iota3A_219 : vector<16xi32>
    %swap3A_240 = arith.constant 32 : index
    %swap3A_241 = tpu.vector_load %arg18[%swap3A_240] {strides = array<i32>} : memref<96xi32, #tpu.memory_space<vmem>>, vector<16xi32>,
    %swap3A_242 = vector.shape_cast %swap3A_241 : vector<16xi32> to vector<16xi32>
    %swap3A_243 = vector.shape_cast %add3A_239 : vector<16xi32> to vector<16xi32>
    tpu.vector_store %arg18[%swap3A_240], %swap3A_243 {strides = array<i32>} : memref<96xi32, #tpu.memory_space<vmem>>, vector<16xi32>,
    %iota3A_244 = tpu.iota {dimensions = array<i32: 0>} : vector<16xi32>
    %get3A_245 = arith.constant 144 : index
    %get3A_246 = tpu.vector_load %arg6[%get3A_245] {strides = array<i32>} : memref<5000xi32, #tpu.memory_space<vmem>>, vector<16xi32>,
    %get3A_247 = vector.shape_cast %get3A_246 : vector<16xi32> to vector<16xi32>
    %swap3A_248 = arith.constant 48 : index
    %swap3A_249 = tpu.vector_load %arg12[%swap3A_248] {strides = array<i32>} : memref<96xi32, #tpu.memory_space<vmem>>, vector<16xi32>,
    %swap3A_250 = vector.shape_cast %swap3A_249 : vector<16xi32> to vector<16xi32>
    %swap3A_251 = vector.shape_cast %get3A_247 : vector<16xi32> to vector<16xi32>
    tpu.vector_store %arg12[%swap3A_248], %swap3A_251 {strides = array<i32>} : memref<96xi32, #tpu.memory_space<vmem>>, vector<16xi32>,
    %get3A_252 = arith.constant 144 : index
    %get3A_253 = tpu.vector_load %arg7[%get3A_252] {strides = array<i32>} : memref<5000xi32, #tpu.memory_space<vmem>>, vector<16xi32>,
    %get3A_254 = vector.shape_cast %get3A_253 : vector<16xi32> to vector<16xi32>
    %swap3A_255 = arith.constant 48 : index
    %swap3A_256 = tpu.vector_load %arg15[%swap3A_255] {strides = array<i32>} : memref<96xi32, #tpu.memory_space<vmem>>, vector<16xi32>,
    %swap3A_257 = vector.shape_cast %swap3A_256 : vector<16xi32> to vector<16xi32>
    %swap3A_258 = vector.shape_cast %get3A_254 : vector<16xi32> to vector<16xi32>
    tpu.vector_store %arg15[%swap3A_255], %swap3A_258 {strides = array<i32>} : memref<96xi32, #tpu.memory_space<vmem>>, vector<16xi32>,
    %add3A_259 = arith.constant 96 : i32
    %add3A_260 = arith.addi %mul3A_2, %add3A_259 : i32
    %add3A_261 = arith.constant 48 : i32
    %add3A_262 = arith.addi %add3A_260, %add3A_261 : i32
    %add3A_263 = vector.broadcast %add3A_262 : i32 to vector<16xi32>
    %add3A_264 = arith.addi %add3A_263, %iota3A_244 : vector<16xi32>
    %swap3A_265 = arith.constant 48 : index
    %swap3A_266 = tpu.vector_load %arg18[%swap3A_265] {strides = array<i32>} : memref<96xi32, #tpu.memory_space<vmem>>, vector<16xi32>,
    %swap3A_267 = vector.shape_cast %swap3A_266 : vector<16xi32> to vector<16xi32>
    %swap3A_268 = vector.shape_cast %add3A_264 : vector<16xi32> to vector<16xi32>
    tpu.vector_store %arg18[%swap3A_265], %swap3A_268 {strides = array<i32>} : memref<96xi32, #tpu.memory_space<vmem>>, vector<16xi32>,
    %iota3A_269 = tpu.iota {dimensions = array<i32: 0>} : vector<16xi32>
    %get3A_270 = arith.constant 160 : index
    %get3A_271 = tpu.vector_load %arg6[%get3A_270] {strides = array<i32>} : memref<5000xi32, #tpu.memory_space<vmem>>, vector<16xi32>,
    %get3A_272 = vector.shape_cast %get3A_271 : vector<16xi32> to vector<16xi32>
    %swap3A_273 = arith.constant 64 : index
    %swap3A_274 = tpu.vector_load %arg12[%swap3A_273] {strides = array<i32>} : memref<96xi32, #tpu.memory_space<vmem>>, vector<16xi32>,
    %swap3A_275 = vector.shape_cast %swap3A_274 : vector<16xi32> to vector<16xi32>
    %swap3A_276 = vector.shape_cast %get3A_272 : vector<16xi32> to vector<16xi32>
    tpu.vector_store %arg12[%swap3A_273], %swap3A_276 {strides = array<i32>} : memref<96xi32, #tpu.memory_space<vmem>>, vector<16xi32>,
    %get3A_277 = arith.constant 160 : index
    %get3A_278 = tpu.vector_load %arg7[%get3A_277] {strides = array<i32>} : memref<5000xi32, #tpu.memory_space<vmem>>, vector<16xi32>,
    %get3A_279 = vector.shape_cast %get3A_278 : vector<16xi32> to vector<16xi32>
    %swap3A_280 = arith.constant 64 : index
    %swap3A_281 = tpu.vector_load %arg15[%swap3A_280] {strides = array<i32>} : memref<96xi32, #tpu.memory_space<vmem>>, vector<16xi32>,
    %swap3A_282 = vector.shape_cast %swap3A_281 : vector<16xi32> to vector<16xi32>
    %swap3A_283 = vector.shape_cast %get3A_279 : vector<16xi32> to vector<16xi32>
    tpu.vector_store %arg15[%swap3A_280], %swap3A_283 {strides = array<i32>} : memref<96xi32, #tpu.memory_space<vmem>>, vector<16xi32>,
    %add3A_284 = arith.constant 96 : i32
    %add3A_285 = arith.addi %mul3A_2, %add3A_284 : i32
    %add3A_286 = arith.constant 64 : i32
    %add3A_287 = arith.addi %add3A_285, %add3A_286 : i32
    %add3A_288 = vector.broadcast %add3A_287 : i32 to vector<16xi32>
    %add3A_289 = arith.addi %add3A_288, %iota3A_269 : vector<16xi32>
    %swap3A_290 = arith.constant 64 : index
    %swap3A_291 = tpu.vector_load %arg18[%swap3A_290] {strides = array<i32>} : memref<96xi32, #tpu.memory_space<vmem>>, vector<16xi32>,
    %swap3A_292 = vector.shape_cast %swap3A_291 : vector<16xi32> to vector<16xi32>
    %swap3A_293 = vector.shape_cast %add3A_289 : vector<16xi32> to vector<16xi32>
    tpu.vector_store %arg18[%swap3A_290], %swap3A_293 {strides = array<i32>} : memref<96xi32, #tpu.memory_space<vmem>>, vector<16xi32>,
    %iota3A_294 = tpu.iota {dimensions = array<i32: 0>} : vector<16xi32>
    %get3A_295 = arith.constant 176 : index
    %get3A_296 = tpu.vector_load %arg6[%get3A_295] {strides = array<i32>} : memref<5000xi32, #tpu.memory_space<vmem>>, vector<16xi32>,
    %get3A_297 = vector.shape_cast %get3A_296 : vector<16xi32> to vector<16xi32>
    %swap3A_298 = arith.constant 80 : index
    %swap3A_299 = tpu.vector_load %arg12[%swap3A_298] {strides = array<i32>} : memref<96xi32, #tpu.memory_space<vmem>>, vector<16xi32>,
    %swap3A_300 = vector.shape_cast %swap3A_299 : vector<16xi32> to vector<16xi32>
    %swap3A_301 = vector.shape_cast %get3A_297 : vector<16xi32> to vector<16xi32>
    tpu.vector_store %arg12[%swap3A_298], %swap3A_301 {strides = array<i32>} : memref<96xi32, #tpu.memory_space<vmem>>, vector<16xi32>,
    %get3A_302 = arith.constant 176 : index
    %get3A_303 = tpu.vector_load %arg7[%get3A_302] {strides = array<i32>} : memref<5000xi32, #tpu.memory_space<vmem>>, vector<16xi32>,
    %get3A_304 = vector.shape_cast %get3A_303 : vector<16xi32> to vector<16xi32>
    %swap3A_305 = arith.constant 80 : index
    %swap3A_306 = tpu.vector_load %arg15[%swap3A_305] {strides = array<i32>} : memref<96xi32, #tpu.memory_space<vmem>>, vector<16xi32>,
    %swap3A_307 = vector.shape_cast %swap3A_306 : vector<16xi32> to vector<16xi32>
    %swap3A_308 = vector.shape_cast %get3A_304 : vector<16xi32> to vector<16xi32>
    tpu.vector_store %arg15[%swap3A_305], %swap3A_308 {strides = array<i32>} : memref<96xi32, #tpu.memory_space<vmem>>, vector<16xi32>,
    %add3A_309 = arith.constant 96 : i32
    %add3A_310 = arith.addi %mul3A_2, %add3A_309 : i32
    %add3A_311 = arith.constant 80 : i32
    %add3A_312 = arith.addi %add3A_310, %add3A_311 : i32
    %add3A_313 = vector.broadcast %add3A_312 : i32 to vector<16xi32>
    %add3A_314 = arith.addi %add3A_313, %iota3A_294 : vector<16xi32>
    %swap3A_315 = arith.constant 80 : index
    %swap3A_316 = tpu.vector_load %arg18[%swap3A_315] {strides = array<i32>} : memref<96xi32, #tpu.memory_space<vmem>>, vector<16xi32>,
    %swap3A_317 = vector.shape_cast %swap3A_316 : vector<16xi32> to vector<16xi32>
    %swap3A_318 = vector.shape_cast %add3A_314 : vector<16xi32> to vector<16xi32>
    tpu.vector_store %arg18[%swap3A_315], %swap3A_318 {strides = array<i32>} : memref<96xi32, #tpu.memory_space<vmem>>, vector<16xi32>,
    %dma_start3A_319 = arith.constant 0 : i32
    %dma_start3A_320 = arith.constant 0 : i32
    %dma_start3A_321 = tpu.memref_slice %arg9[%dma_start3A_319, %dma_start3A_320] : memref<96x384xf32, #tpu.memory_space<vmem>> -> memref<96x128xf32, #tpu.memory_space<vmem>>
    %dma_start3A_322 = arith.constant 0 : i32
    %dma_start3A_323 = arith.constant 0 : i32
    %dma_start3A_324 = tpu.memref_slice %arg2[%dma_start3A_322, %dma_start3A_323] : memref<10000x128xf32, #tpu.memory_space<hbm>> -> memref<10000x128xf32, #tpu.memory_space<hbm>>
    tpu.enqueue_indirect_dma source(%dma_start3A_324 : memref<10000x128xf32, #tpu.memory_space<hbm>>) target(%dma_start3A_321 : memref<96x128xf32, #tpu.memory_space<vmem>>) offsets(%arg12 : memref<96xi32, #tpu.memory_space<vmem>>) semaphore(%arg21 : memref<!tpu.dma_semaphore, #tpu.memory_space<semaphore_mem>>)
    %dma_start3A_325 = arith.constant 0 : i32
    %dma_start3A_326 = arith.constant 128 : i32
    %dma_start3A_327 = tpu.memref_slice %arg9[%dma_start3A_325, %dma_start3A_326] : memref<96x384xf32, #tpu.memory_space<vmem>> -> memref<96x128xf32, #tpu.memory_space<vmem>>
    %dma_start3A_328 = arith.constant 0 : i32
    %dma_start3A_329 = arith.constant 0 : i32
    %dma_start3A_330 = tpu.memref_slice %arg3[%dma_start3A_328, %dma_start3A_329] : memref<160000x128xf32, #tpu.memory_space<hbm>> -> memref<160000x128xf32, #tpu.memory_space<hbm>>
    tpu.enqueue_indirect_dma source(%dma_start3A_330 : memref<160000x128xf32, #tpu.memory_space<hbm>>) target(%dma_start3A_327 : memref<96x128xf32, #tpu.memory_space<vmem>>) offsets(%arg18 : memref<96xi32, #tpu.memory_space<vmem>>) semaphore(%arg24 : memref<!tpu.dma_semaphore, #tpu.memory_space<semaphore_mem>>)
    %dma_start3A_331 = arith.constant 0 : i32
    %dma_start3A_332 = arith.constant 256 : i32
    %dma_start3A_333 = tpu.memref_slice %arg9[%dma_start3A_331, %dma_start3A_332] : memref<96x384xf32, #tpu.memory_space<vmem>> -> memref<96x128xf32, #tpu.memory_space<vmem>>
    %dma_start3A_334 = arith.constant 0 : i32
    %dma_start3A_335 = arith.constant 0 : i32
    %dma_start3A_336 = tpu.memref_slice %arg2[%dma_start3A_334, %dma_start3A_335] : memref<10000x128xf32, #tpu.memory_space<hbm>> -> memref<10000x128xf32, #tpu.memory_space<hbm>>
    tpu.enqueue_indirect_dma source(%dma_start3A_336 : memref<10000x128xf32, #tpu.memory_space<hbm>>) target(%dma_start3A_333 : memref<96x128xf32, #tpu.memory_space<vmem>>) offsets(%arg15 : memref<96xi32, #tpu.memory_space<vmem>>) semaphore(%arg27 : memref<!tpu.dma_semaphore, #tpu.memory_space<semaphore_mem>>)
    %scan3A = arith.constant 0 : i32
    %scan3A_337 = arith.constant 0 : i32
    %scan3A_338 = arith.constant 18 : i32
    %scan3A_339 = arith.addi %scan3A_337, %scan3A_338 : i32
    %scan3A_340 = arith.constant 1 : i32
    %scan3A_341 = scf.for %scan3A_351 = %scan3A_337 to %scan3A_339 step %scan3A_340 iter_args(%scan3A_352 = %scan3A) -> (i32)  : i32 {
      %mul3A_353 = arith.constant 3 : i32
      %mul3A_354 = arith.muli %scan3A_351, %mul3A_353 : i32
      %add3A_355 = arith.constant 0 : i32
      %add3A_356 = arith.addi %mul3A_354, %add3A_355 : i32
      %dma_wait3A_357 = arith.constant 0 : i32
      %dma_wait3A_358 = arith.constant 0 : i32
      %dma_wait3A_359 = tpu.memref_slice %arg8[%dma_wait3A_357, %dma_wait3A_358] : memref<96x384xf32, #tpu.memory_space<vmem>> -> memref<96x128xf32, #tpu.memory_space<vmem>>
      %dma_wait3A_360 = arith.constant 0 : i32
      %dma_wait3A_361 = arith.constant 0 : i32
      %dma_wait3A_362 = tpu.memref_slice %arg2[%dma_wait3A_360, %dma_wait3A_361] : memref<10000x128xf32, #tpu.memory_space<hbm>> -> memref<10000x128xf32, #tpu.memory_space<hbm>>
      tpu.wait_indirect_dma semaphore(%arg20 : memref<!tpu.dma_semaphore, #tpu.memory_space<semaphore_mem>>) src(%dma_wait3A_362 : memref<10000x128xf32, #tpu.memory_space<hbm>>) dst(%dma_wait3A_359 : memref<96x128xf32, #tpu.memory_space<vmem>>)
      %dma_wait3A_363 = arith.constant 0 : i32
      %dma_wait3A_364 = arith.constant 128 : i32
      %dma_wait3A_365 = tpu.memref_slice %arg8[%dma_wait3A_363, %dma_wait3A_364] : memref<96x384xf32, #tpu.memory_space<vmem>> -> memref<96x128xf32, #tpu.memory_space<vmem>>
      %dma_wait3A_366 = arith.constant 0 : i32
      %dma_wait3A_367 = arith.constant 0 : i32
      %dma_wait3A_368 = tpu.memref_slice %arg3[%dma_wait3A_366, %dma_wait3A_367] : memref<160000x128xf32, #tpu.memory_space<hbm>> -> memref<160000x128xf32, #tpu.memory_space<hbm>>
      tpu.wait_indirect_dma semaphore(%arg23 : memref<!tpu.dma_semaphore, #tpu.memory_space<semaphore_mem>>) src(%dma_wait3A_368 : memref<160000x128xf32, #tpu.memory_space<hbm>>) dst(%dma_wait3A_365 : memref<96x128xf32, #tpu.memory_space<vmem>>)
      %dma_wait3A_369 = arith.constant 0 : i32
      %dma_wait3A_370 = arith.constant 256 : i32
      %dma_wait3A_371 = tpu.memref_slice %arg8[%dma_wait3A_369, %dma_wait3A_370] : memref<96x384xf32, #tpu.memory_space<vmem>> -> memref<96x128xf32, #tpu.memory_space<vmem>>
      %dma_wait3A_372 = arith.constant 0 : i32
      %dma_wait3A_373 = arith.constant 0 : i32
      %dma_wait3A_374 = tpu.memref_slice %arg2[%dma_wait3A_372, %dma_wait3A_373] : memref<10000x128xf32, #tpu.memory_space<hbm>> -> memref<10000x128xf32, #tpu.memory_space<hbm>>
      tpu.wait_indirect_dma semaphore(%arg26 : memref<!tpu.dma_semaphore, #tpu.memory_space<semaphore_mem>>) src(%dma_wait3A_374 : memref<10000x128xf32, #tpu.memory_space<hbm>>) dst(%dma_wait3A_371 : memref<96x128xf32, #tpu.memory_space<vmem>>)
      %dma_start3A_375 = arith.constant 0 : i32
      %dma_start3A_376 = arith.constant 0 : i32
      %dma_start3A_377 = tpu.memref_slice %arg5[%dma_start3A_375, %dma_start3A_376] : memref<160000x384xf32, #tpu.memory_space<hbm>> -> memref<160000x384xf32, #tpu.memory_space<hbm>>
      tpu.enqueue_indirect_dma source(%arg8 : memref<96x384xf32, #tpu.memory_space<vmem>>) target(%dma_start3A_377 : memref<160000x384xf32, #tpu.memory_space<hbm>>) offsets(%arg17 : memref<96xi32, #tpu.memory_space<vmem>>) semaphore(%arg29 : memref<!tpu.dma_semaphore, #tpu.memory_space<semaphore_mem>>)
      %add3A_378 = arith.constant 2 : i32
      %add3A_379 = arith.addi %add3A_356, %add3A_378 : i32
      %lt3A = arith.constant 54 : i32
      %lt3A_380 = arith.cmpi slt, %add3A_379, %lt3A : i32
      %convert_element_type3A = arith.extui %lt3A_380 : i1 to i32
      %cond3A = arith.constant 0 : i32
      %cond3A_381 = arith.cmpi ne, %convert_element_type3A, %cond3A : i32
      scf.if %cond3A_381 {
        %ge3A = arith.constant 1 : i32
        %ge3A_447 = arith.cmpi sge, %add3A_356, %ge3A : i32
        %convert_element_type3A_448 = arith.extui %ge3A_447 : i1 to i32
        %cond3A_449 = arith.constant 0 : i32
        %cond3A_450 = arith.cmpi ne, %convert_element_type3A_448, %cond3A_449 : i32
        scf.if %cond3A_450 {
          %dma_wait3A_642 = arith.constant 0 : i32
          %dma_wait3A_643 = arith.constant 0 : i32
          %dma_wait3A_644 = tpu.memref_slice %arg5[%dma_wait3A_642, %dma_wait3A_643] : memref<160000x384xf32, #tpu.memory_space<hbm>> -> memref<160000x384xf32, #tpu.memory_space<hbm>>
          tpu.wait_indirect_dma semaphore(%arg31 : memref<!tpu.dma_semaphore, #tpu.memory_space<semaphore_mem>>) src(%arg10 : memref<96x384xf32, #tpu.memory_space<vmem>>) dst(%dma_wait3A_644 : memref<160000x384xf32, #tpu.memory_space<hbm>>)
        } else {
        }
        %add3A_451 = arith.constant 2 : i32
        %add3A_452 = arith.addi %add3A_356, %add3A_451 : i32
        %mul3A_453 = arith.constant 96 : i32
        %mul3A_454 = arith.muli %add3A_452, %mul3A_453 : i32
        %min3A = arith.constant 4904 : i32
        %min3A_455 = arith.minsi %mul3A_454, %min3A : i32
        %iota3A_456 = tpu.iota {dimensions = array<i32: 0>} : vector<16xi32>
        %add3A_457 = arith.constant 0 : i32
        %add3A_458 = arith.addi %min3A_455, %add3A_457 : i32
        %get3A_459 = arith.index_cast %add3A_458 : i32 to index
        %get3A_460 = tpu.vector_load %arg6[%get3A_459] {strides = array<i32>} : memref<5000xi32, #tpu.memory_space<vmem>>, vector<16xi32>,
        %get3A_461 = vector.shape_cast %get3A_460 : vector<16xi32> to vector<16xi32>
        %swap3A_462 = arith.constant 0 : index
        %swap3A_463 = tpu.vector_load %arg13[%swap3A_462] {strides = array<i32>} : memref<96xi32, #tpu.memory_space<vmem>>, vector<16xi32>,
        %swap3A_464 = vector.shape_cast %swap3A_463 : vector<16xi32> to vector<16xi32>
        %swap3A_465 = vector.shape_cast %get3A_461 : vector<16xi32> to vector<16xi32>
        tpu.vector_store %arg13[%swap3A_462], %swap3A_465 {strides = array<i32>} : memref<96xi32, #tpu.memory_space<vmem>>, vector<16xi32>,
        %add3A_466 = arith.constant 0 : i32
        %add3A_467 = arith.addi %min3A_455, %add3A_466 : i32
        %get3A_468 = arith.index_cast %add3A_467 : i32 to index
        %get3A_469 = tpu.vector_load %arg7[%get3A_468] {strides = array<i32>} : memref<5000xi32, #tpu.memory_space<vmem>>, vector<16xi32>,
        %get3A_470 = vector.shape_cast %get3A_469 : vector<16xi32> to vector<16xi32>
        %swap3A_471 = arith.constant 0 : index
        %swap3A_472 = tpu.vector_load %arg16[%swap3A_471] {strides = array<i32>} : memref<96xi32, #tpu.memory_space<vmem>>, vector<16xi32>,
        %swap3A_473 = vector.shape_cast %swap3A_472 : vector<16xi32> to vector<16xi32>
        %swap3A_474 = vector.shape_cast %get3A_470 : vector<16xi32> to vector<16xi32>
        tpu.vector_store %arg16[%swap3A_471], %swap3A_474 {strides = array<i32>} : memref<96xi32, #tpu.memory_space<vmem>>, vector<16xi32>,
        %add3A_475 = arith.addi %mul3A_2, %min3A_455 : i32
        %add3A_476 = arith.constant 0 : i32
        %add3A_477 = arith.addi %add3A_475, %add3A_476 : i32
        %add3A_478 = vector.broadcast %add3A_477 : i32 to vector<16xi32>
        %add3A_479 = arith.addi %add3A_478, %iota3A_456 : vector<16xi32>
        %swap3A_480 = arith.constant 0 : index
        %swap3A_481 = tpu.vector_load %arg19[%swap3A_480] {strides = array<i32>} : memref<96xi32, #tpu.memory_space<vmem>>, vector<16xi32>,
        %swap3A_482 = vector.shape_cast %swap3A_481 : vector<16xi32> to vector<16xi32>
        %swap3A_483 = vector.shape_cast %add3A_479 : vector<16xi32> to vector<16xi32>
        tpu.vector_store %arg19[%swap3A_480], %swap3A_483 {strides = array<i32>} : memref<96xi32, #tpu.memory_space<vmem>>, vector<16xi32>,
        %iota3A_484 = tpu.iota {dimensions = array<i32: 0>} : vector<16xi32>
        %add3A_485 = arith.constant 16 : i32
        %add3A_486 = arith.addi %min3A_455, %add3A_485 : i32
        %get3A_487 = arith.index_cast %add3A_486 : i32 to index
        %get3A_488 = tpu.vector_load %arg6[%get3A_487] {strides = array<i32>} : memref<5000xi32, #tpu.memory_space<vmem>>, vector<16xi32>,
        %get3A_489 = vector.shape_cast %get3A_488 : vector<16xi32> to vector<16xi32>
        %swap3A_490 = arith.constant 16 : index
        %swap3A_491 = tpu.vector_load %arg13[%swap3A_490] {strides = array<i32>} : memref<96xi32, #tpu.memory_space<vmem>>, vector<16xi32>,
        %swap3A_492 = vector.shape_cast %swap3A_491 : vector<16xi32> to vector<16xi32>
        %swap3A_493 = vector.shape_cast %get3A_489 : vector<16xi32> to vector<16xi32>
        tpu.vector_store %arg13[%swap3A_490], %swap3A_493 {strides = array<i32>} : memref<96xi32, #tpu.memory_space<vmem>>, vector<16xi32>,
        %add3A_494 = arith.constant 16 : i32
        %add3A_495 = arith.addi %min3A_455, %add3A_494 : i32
        %get3A_496 = arith.index_cast %add3A_495 : i32 to index
        %get3A_497 = tpu.vector_load %arg7[%get3A_496] {strides = array<i32>} : memref<5000xi32, #tpu.memory_space<vmem>>, vector<16xi32>,
        %get3A_498 = vector.shape_cast %get3A_497 : vector<16xi32> to vector<16xi32>
        %swap3A_499 = arith.constant 16 : index
        %swap3A_500 = tpu.vector_load %arg16[%swap3A_499] {strides = array<i32>} : memref<96xi32, #tpu.memory_space<vmem>>, vector<16xi32>,
        %swap3A_501 = vector.shape_cast %swap3A_500 : vector<16xi32> to vector<16xi32>
        %swap3A_502 = vector.shape_cast %get3A_498 : vector<16xi32> to vector<16xi32>
        tpu.vector_store %arg16[%swap3A_499], %swap3A_502 {strides = array<i32>} : memref<96xi32, #tpu.memory_space<vmem>>, vector<16xi32>,
        %add3A_503 = arith.addi %mul3A_2, %min3A_455 : i32
        %add3A_504 = arith.constant 16 : i32
        %add3A_505 = arith.addi %add3A_503, %add3A_504 : i32
        %add3A_506 = vector.broadcast %add3A_505 : i32 to vector<16xi32>
        %add3A_507 = arith.addi %add3A_506, %iota3A_484 : vector<16xi32>
        %swap3A_508 = arith.constant 16 : index
        %swap3A_509 = tpu.vector_load %arg19[%swap3A_508] {strides = array<i32>} : memref<96xi32, #tpu.memory_space<vmem>>, vector<16xi32>,
        %swap3A_510 = vector.shape_cast %swap3A_509 : vector<16xi32> to vector<16xi32>
        %swap3A_511 = vector.shape_cast %add3A_507 : vector<16xi32> to vector<16xi32>
        tpu.vector_store %arg19[%swap3A_508], %swap3A_511 {strides = array<i32>} : memref<96xi32, #tpu.memory_space<vmem>>, vector<16xi32>,
        %iota3A_512 = tpu.iota {dimensions = array<i32: 0>} : vector<16xi32>
        %add3A_513 = arith.constant 32 : i32
        %add3A_514 = arith.addi %min3A_455, %add3A_513 : i32
        %get3A_515 = arith.index_cast %add3A_514 : i32 to index
        %get3A_516 = tpu.vector_load %arg6[%get3A_515] {strides = array<i32>} : memref<5000xi32, #tpu.memory_space<vmem>>, vector<16xi32>,
        %get3A_517 = vector.shape_cast %get3A_516 : vector<16xi32> to vector<16xi32>
        %swap3A_518 = arith.constant 32 : index
        %swap3A_519 = tpu.vector_load %arg13[%swap3A_518] {strides = array<i32>} : memref<96xi32, #tpu.memory_space<vmem>>, vector<16xi32>,
        %swap3A_520 = vector.shape_cast %swap3A_519 : vector<16xi32> to vector<16xi32>
        %swap3A_521 = vector.shape_cast %get3A_517 : vector<16xi32> to vector<16xi32>
        tpu.vector_store %arg13[%swap3A_518], %swap3A_521 {strides = array<i32>} : memref<96xi32, #tpu.memory_space<vmem>>, vector<16xi32>,
        %add3A_522 = arith.constant 32 : i32
        %add3A_523 = arith.addi %min3A_455, %add3A_522 : i32
        %get3A_524 = arith.index_cast %add3A_523 : i32 to index
        %get3A_525 = tpu.vector_load %arg7[%get3A_524] {strides = array<i32>} : memref<5000xi32, #tpu.memory_space<vmem>>, vector<16xi32>,
        %get3A_526 = vector.shape_cast %get3A_525 : vector<16xi32> to vector<16xi32>
        %swap3A_527 = arith.constant 32 : index
        %swap3A_528 = tpu.vector_load %arg16[%swap3A_527] {strides = array<i32>} : memref<96xi32, #tpu.memory_space<vmem>>, vector<16xi32>,
        %swap3A_529 = vector.shape_cast %swap3A_528 : vector<16xi32> to vector<16xi32>
        %swap3A_530 = vector.shape_cast %get3A_526 : vector<16xi32> to vector<16xi32>
        tpu.vector_store %arg16[%swap3A_527], %swap3A_530 {strides = array<i32>} : memref<96xi32, #tpu.memory_space<vmem>>, vector<16xi32>,
        %add3A_531 = arith.addi %mul3A_2, %min3A_455 : i32
        %add3A_532 = arith.constant 32 : i32
        %add3A_533 = arith.addi %add3A_531, %add3A_532 : i32
        %add3A_534 = vector.broadcast %add3A_533 : i32 to vector<16xi32>
        %add3A_535 = arith.addi %add3A_534, %iota3A_512 : vector<16xi32>
        %swap3A_536 = arith.constant 32 : index
        %swap3A_537 = tpu.vector_load %arg19[%swap3A_536] {strides = array<i32>} : memref<96xi32, #tpu.memory_space<vmem>>, vector<16xi32>,
        %swap3A_538 = vector.shape_cast %swap3A_537 : vector<16xi32> to vector<16xi32>
        %swap3A_539 = vector.shape_cast %add3A_535 : vector<16xi32> to vector<16xi32>
        tpu.vector_store %arg19[%swap3A_536], %swap3A_539 {strides = array<i32>} : memref<96xi32, #tpu.memory_space<vmem>>, vector<16xi32>,
        %iota3A_540 = tpu.iota {dimensions = array<i32: 0>} : vector<16xi32>
        %add3A_541 = arith.constant 48 : i32
        %add3A_542 = arith.addi %min3A_455, %add3A_541 : i32
        %get3A_543 = arith.index_cast %add3A_542 : i32 to index
        %get3A_544 = tpu.vector_load %arg6[%get3A_543] {strides = array<i32>} : memref<5000xi32, #tpu.memory_space<vmem>>, vector<16xi32>,
        %get3A_545 = vector.shape_cast %get3A_544 : vector<16xi32> to vector<16xi32>
        %swap3A_546 = arith.constant 48 : index
        %swap3A_547 = tpu.vector_load %arg13[%swap3A_546] {strides = array<i32>} : memref<96xi32, #tpu.memory_space<vmem>>, vector<16xi32>,
        %swap3A_548 = vector.shape_cast %swap3A_547 : vector<16xi32> to vector<16xi32>
        %swap3A_549 = vector.shape_cast %get3A_545 : vector<16xi32> to vector<16xi32>
        tpu.vector_store %arg13[%swap3A_546], %swap3A_549 {strides = array<i32>} : memref<96xi32, #tpu.memory_space<vmem>>, vector<16xi32>,
        %add3A_550 = arith.constant 48 : i32
        %add3A_551 = arith.addi %min3A_455, %add3A_550 : i32
        %get3A_552 = arith.index_cast %add3A_551 : i32 to index
        %get3A_553 = tpu.vector_load %arg7[%get3A_552] {strides = array<i32>} : memref<5000xi32, #tpu.memory_space<vmem>>, vector<16xi32>,
        %get3A_554 = vector.shape_cast %get3A_553 : vector<16xi32> to vector<16xi32>
        %swap3A_555 = arith.constant 48 : index
        %swap3A_556 = tpu.vector_load %arg16[%swap3A_555] {strides = array<i32>} : memref<96xi32, #tpu.memory_space<vmem>>, vector<16xi32>,
        %swap3A_557 = vector.shape_cast %swap3A_556 : vector<16xi32> to vector<16xi32>
        %swap3A_558 = vector.shape_cast %get3A_554 : vector<16xi32> to vector<16xi32>
        tpu.vector_store %arg16[%swap3A_555], %swap3A_558 {strides = array<i32>} : memref<96xi32, #tpu.memory_space<vmem>>, vector<16xi32>,
        %add3A_559 = arith.addi %mul3A_2, %min3A_455 : i32
        %add3A_560 = arith.constant 48 : i32
        %add3A_561 = arith.addi %add3A_559, %add3A_560 : i32
        %add3A_562 = vector.broadcast %add3A_561 : i32 to vector<16xi32>
        %add3A_563 = arith.addi %add3A_562, %iota3A_540 : vector<16xi32>
        %swap3A_564 = arith.constant 48 : index
        %swap3A_565 = tpu.vector_load %arg19[%swap3A_564] {strides = array<i32>} : memref<96xi32, #tpu.memory_space<vmem>>, vector<16xi32>,
        %swap3A_566 = vector.shape_cast %swap3A_565 : vector<16xi32> to vector<16xi32>
        %swap3A_567 = vector.shape_cast %add3A_563 : vector<16xi32> to vector<16xi32>
        tpu.vector_store %arg19[%swap3A_564], %swap3A_567 {strides = array<i32>} : memref<96xi32, #tpu.memory_space<vmem>>, vector<16xi32>,
        %iota3A_568 = tpu.iota {dimensions = array<i32: 0>} : vector<16xi32>
        %add3A_569 = arith.constant 64 : i32
        %add3A_570 = arith.addi %min3A_455, %add3A_569 : i32
        %get3A_571 = arith.index_cast %add3A_570 : i32 to index
        %get3A_572 = tpu.vector_load %arg6[%get3A_571] {strides = array<i32>} : memref<5000xi32, #tpu.memory_space<vmem>>, vector<16xi32>,
        %get3A_573 = vector.shape_cast %get3A_572 : vector<16xi32> to vector<16xi32>
        %swap3A_574 = arith.constant 64 : index
        %swap3A_575 = tpu.vector_load %arg13[%swap3A_574] {strides = array<i32>} : memref<96xi32, #tpu.memory_space<vmem>>, vector<16xi32>,
        %swap3A_576 = vector.shape_cast %swap3A_575 : vector<16xi32> to vector<16xi32>
        %swap3A_577 = vector.shape_cast %get3A_573 : vector<16xi32> to vector<16xi32>
        tpu.vector_store %arg13[%swap3A_574], %swap3A_577 {strides = array<i32>} : memref<96xi32, #tpu.memory_space<vmem>>, vector<16xi32>,
        %add3A_578 = arith.constant 64 : i32
        %add3A_579 = arith.addi %min3A_455, %add3A_578 : i32
        %get3A_580 = arith.index_cast %add3A_579 : i32 to index
        %get3A_581 = tpu.vector_load %arg7[%get3A_580] {strides = array<i32>} : memref<5000xi32, #tpu.memory_space<vmem>>, vector<16xi32>,
        %get3A_582 = vector.shape_cast %get3A_581 : vector<16xi32> to vector<16xi32>
        %swap3A_583 = arith.constant 64 : index
        %swap3A_584 = tpu.vector_load %arg16[%swap3A_583] {strides = array<i32>} : memref<96xi32, #tpu.memory_space<vmem>>, vector<16xi32>,
        %swap3A_585 = vector.shape_cast %swap3A_584 : vector<16xi32> to vector<16xi32>
        %swap3A_586 = vector.shape_cast %get3A_582 : vector<16xi32> to vector<16xi32>
        tpu.vector_store %arg16[%swap3A_583], %swap3A_586 {strides = array<i32>} : memref<96xi32, #tpu.memory_space<vmem>>, vector<16xi32>,
        %add3A_587 = arith.addi %mul3A_2, %min3A_455 : i32
        %add3A_588 = arith.constant 64 : i32
        %add3A_589 = arith.addi %add3A_587, %add3A_588 : i32
        %add3A_590 = vector.broadcast %add3A_589 : i32 to vector<16xi32>
        %add3A_591 = arith.addi %add3A_590, %iota3A_568 : vector<16xi32>
        %swap3A_592 = arith.constant 64 : index
        %swap3A_593 = tpu.vector_load %arg19[%swap3A_592] {strides = array<i32>} : memref<96xi32, #tpu.memory_space<vmem>>, vector<16xi32>,
        %swap3A_594 = vector.shape_cast %swap3A_593 : vector<16xi32> to vector<16xi32>
        %swap3A_595 = vector.shape_cast %add3A_591 : vector<16xi32> to vector<16xi32>
        tpu.vector_store %arg19[%swap3A_592], %swap3A_595 {strides = array<i32>} : memref<96xi32, #tpu.memory_space<vmem>>, vector<16xi32>,
        %iota3A_596 = tpu.iota {dimensions = array<i32: 0>} : vector<16xi32>
        %add3A_597 = arith.constant 80 : i32
        %add3A_598 = arith.addi %min3A_455, %add3A_597 : i32
        %get3A_599 = arith.index_cast %add3A_598 : i32 to index
        %get3A_600 = tpu.vector_load %arg6[%get3A_599] {strides = array<i32>} : memref<5000xi32, #tpu.memory_space<vmem>>, vector<16xi32>,
        %get3A_601 = vector.shape_cast %get3A_600 : vector<16xi32> to vector<16xi32>
        %swap3A_602 = arith.constant 80 : index
        %swap3A_603 = tpu.vector_load %arg13[%swap3A_602] {strides = array<i32>} : memref<96xi32, #tpu.memory_space<vmem>>, vector<16xi32>,
        %swap3A_604 = vector.shape_cast %swap3A_603 : vector<16xi32> to vector<16xi32>
        %swap3A_605 = vector.shape_cast %get3A_601 : vector<16xi32> to vector<16xi32>
        tpu.vector_store %arg13[%swap3A_602], %swap3A_605 {strides = array<i32>} : memref<96xi32, #tpu.memory_space<vmem>>, vector<16xi32>,
        %add3A_606 = arith.constant 80 : i32
        %add3A_607 = arith.addi %min3A_455, %add3A_606 : i32
        %get3A_608 = arith.index_cast %add3A_607 : i32 to index
        %get3A_609 = tpu.vector_load %arg7[%get3A_608] {strides = array<i32>} : memref<5000xi32, #tpu.memory_space<vmem>>, vector<16xi32>,
        %get3A_610 = vector.shape_cast %get3A_609 : vector<16xi32> to vector<16xi32>
        %swap3A_611 = arith.constant 80 : index
        %swap3A_612 = tpu.vector_load %arg16[%swap3A_611] {strides = array<i32>} : memref<96xi32, #tpu.memory_space<vmem>>, vector<16xi32>,
        %swap3A_613 = vector.shape_cast %swap3A_612 : vector<16xi32> to vector<16xi32>
        %swap3A_614 = vector.shape_cast %get3A_610 : vector<16xi32> to vector<16xi32>
        tpu.vector_store %arg16[%swap3A_611], %swap3A_614 {strides = array<i32>} : memref<96xi32, #tpu.memory_space<vmem>>, vector<16xi32>,
        %add3A_615 = arith.addi %mul3A_2, %min3A_455 : i32
        %add3A_616 = arith.constant 80 : i32
        %add3A_617 = arith.addi %add3A_615, %add3A_616 : i32
        %add3A_618 = vector.broadcast %add3A_617 : i32 to vector<16xi32>
        %add3A_619 = arith.addi %add3A_618, %iota3A_596 : vector<16xi32>
        %swap3A_620 = arith.constant 80 : index
        %swap3A_621 = tpu.vector_load %arg19[%swap3A_620] {strides = array<i32>} : memref<96xi32, #tpu.memory_space<vmem>>, vector<16xi32>,
        %swap3A_622 = vector.shape_cast %swap3A_621 : vector<16xi32> to vector<16xi32>
        %swap3A_623 = vector.shape_cast %add3A_619 : vector<16xi32> to vector<16xi32>
        tpu.vector_store %arg19[%swap3A_620], %swap3A_623 {strides = array<i32>} : memref<96xi32, #tpu.memory_space<vmem>>, vector<16xi32>,
        %dma_start3A_624 = arith.constant 0 : i32
        %dma_start3A_625 = arith.constant 0 : i32
        %dma_start3A_626 = tpu.memref_slice %arg10[%dma_start3A_624, %dma_start3A_625] : memref<96x384xf32, #tpu.memory_space<vmem>> -> memref<96x128xf32, #tpu.memory_space<vmem>>
        %dma_start3A_627 = arith.constant 0 : i32
        %dma_start3A_628 = arith.constant 0 : i32
        %dma_start3A_629 = tpu.memref_slice %arg2[%dma_start3A_627, %dma_start3A_628] : memref<10000x128xf32, #tpu.memory_space<hbm>> -> memref<10000x128xf32, #tpu.memory_space<hbm>>
        tpu.enqueue_indirect_dma source(%dma_start3A_629 : memref<10000x128xf32, #tpu.memory_space<hbm>>) target(%dma_start3A_626 : memref<96x128xf32, #tpu.memory_space<vmem>>) offsets(%arg13 : memref<96xi32, #tpu.memory_space<vmem>>) semaphore(%arg22 : memref<!tpu.dma_semaphore, #tpu.memory_space<semaphore_mem>>)
        %dma_start3A_630 = arith.constant 0 : i32
        %dma_start3A_631 = arith.constant 128 : i32
        %dma_start3A_632 = tpu.memref_slice %arg10[%dma_start3A_630, %dma_start3A_631] : memref<96x384xf32, #tpu.memory_space<vmem>> -> memref<96x128xf32, #tpu.memory_space<vmem>>
        %dma_start3A_633 = arith.constant 0 : i32
        %dma_start3A_634 = arith.constant 0 : i32
        %dma_start3A_635 = tpu.memref_slice %arg3[%dma_start3A_633, %dma_start3A_634] : memref<160000x128xf32, #tpu.memory_space<hbm>> -> memref<160000x128xf32, #tpu.memory_space<hbm>>
        tpu.enqueue_indirect_dma source(%dma_start3A_635 : memref<160000x128xf32, #tpu.memory_space<hbm>>) target(%dma_start3A_632 : memref<96x128xf32, #tpu.memory_space<vmem>>) offsets(%arg19 : memref<96xi32, #tpu.memory_space<vmem>>) semaphore(%arg25 : memref<!tpu.dma_semaphore, #tpu.memory_space<semaphore_mem>>)
        %dma_start3A_636 = arith.constant 0 : i32
        %dma_start3A_637 = arith.constant 256 : i32
        %dma_start3A_638 = tpu.memref_slice %arg10[%dma_start3A_636, %dma_start3A_637] : memref<96x384xf32, #tpu.memory_space<vmem>> -> memref<96x128xf32, #tpu.memory_space<vmem>>
        %dma_start3A_639 = arith.constant 0 : i32
        %dma_start3A_640 = arith.constant 0 : i32
        %dma_start3A_641 = tpu.memref_slice %arg2[%dma_start3A_639, %dma_start3A_640] : memref<10000x128xf32, #tpu.memory_space<hbm>> -> memref<10000x128xf32, #tpu.memory_space<hbm>>
        tpu.enqueue_indirect_dma source(%dma_start3A_641 : memref<10000x128xf32, #tpu.memory_space<hbm>>) target(%dma_start3A_638 : memref<96x128xf32, #tpu.memory_space<vmem>>) offsets(%arg16 : memref<96xi32, #tpu.memory_space<vmem>>) semaphore(%arg28 : memref<!tpu.dma_semaphore, #tpu.memory_space<semaphore_mem>>)
      } else {
      }
      %mul3A_382 = arith.constant 3 : i32
      %mul3A_383 = arith.muli %scan3A_351, %mul3A_382 : i32
      %add3A_384 = arith.constant 1 : i32
      %add3A_385 = arith.addi %mul3A_383, %add3A_384 : i32
      %dma_wait3A_386 = arith.constant 0 : i32
      %dma_wait3A_387 = arith.constant 0 : i32
      %dma_wait3A_388 = tpu.memref_slice %arg9[%dma_wait3A_386, %dma_wait3A_387] : memref<96x384xf32, #tpu.memory_space<vmem>> -> memref<96x128xf32, #tpu.memory_space<vmem>>
      %dma_wait3A_389 = arith.constant 0 : i32
      %dma_wait3A_390 = arith.constant 0 : i32
      %dma_wait3A_391 = tpu.memref_slice %arg2[%dma_wait3A_389, %dma_wait3A_390] : memref<10000x128xf32, #tpu.memory_space<hbm>> -> memref<10000x128xf32, #tpu.memory_space<hbm>>
      tpu.wait_indirect_dma semaphore(%arg21 : memref<!tpu.dma_semaphore, #tpu.memory_space<semaphore_mem>>) src(%dma_wait3A_391 : memref<10000x128xf32, #tpu.memory_space<hbm>>) dst(%dma_wait3A_388 : memref<96x128xf32, #tpu.memory_space<vmem>>)
      %dma_wait3A_392 = arith.constant 0 : i32
      %dma_wait3A_393 = arith.constant 128 : i32
      %dma_wait3A_394 = tpu.memref_slice %arg9[%dma_wait3A_392, %dma_wait3A_393] : memref<96x384xf32, #tpu.memory_space<vmem>> -> memref<96x128xf32, #tpu.memory_space<vmem>>
      %dma_wait3A_395 = arith.constant 0 : i32
      %dma_wait3A_396 = arith.constant 0 : i32
      %dma_wait3A_397 = tpu.memref_slice %arg3[%dma_wait3A_395, %dma_wait3A_396] : memref<160000x128xf32, #tpu.memory_space<hbm>> -> memref<160000x128xf32, #tpu.memory_space<hbm>>
      tpu.wait_indirect_dma semaphore(%arg24 : memref<!tpu.dma_semaphore, #tpu.memory_space<semaphore_mem>>) src(%dma_wait3A_397 : memref<160000x128xf32, #tpu.memory_space<hbm>>) dst(%dma_wait3A_394 : memref<96x128xf32, #tpu.memory_space<vmem>>)
      %dma_wait3A_398 = arith.constant 0 : i32
      %dma_wait3A_399 = arith.constant 256 : i32
      %dma_wait3A_400 = tpu.memref_slice %arg9[%dma_wait3A_398, %dma_wait3A_399] : memref<96x384xf32, #tpu.memory_space<vmem>> -> memref<96x128xf32, #tpu.memory_space<vmem>>
      %dma_wait3A_401 = arith.constant 0 : i32
      %dma_wait3A_402 = arith.constant 0 : i32
      %dma_wait3A_403 = tpu.memref_slice %arg2[%dma_wait3A_401, %dma_wait3A_402] : memref<10000x128xf32, #tpu.memory_space<hbm>> -> memref<10000x128xf32, #tpu.memory_space<hbm>>
      tpu.wait_indirect_dma semaphore(%arg27 : memref<!tpu.dma_semaphore, #tpu.memory_space<semaphore_mem>>) src(%dma_wait3A_403 : memref<10000x128xf32, #tpu.memory_space<hbm>>) dst(%dma_wait3A_400 : memref<96x128xf32, #tpu.memory_space<vmem>>)
      %dma_start3A_404 = arith.constant 0 : i32
      %dma_start3A_405 = arith.constant 0 : i32
      %dma_start3A_406 = tpu.memref_slice %arg5[%dma_start3A_404, %dma_start3A_405] : memref<160000x384xf32, #tpu.memory_space<hbm>> -> memref<160000x384xf32, #tpu.memory_space<hbm>>
      tpu.enqueue_indirect_dma source(%arg9 : memref<96x384xf32, #tpu.memory_space<vmem>>) target(%dma_start3A_406 : memref<160000x384xf32, #tpu.memory_space<hbm>>) offsets(%arg18 : memref<96xi32, #tpu.memory_space<vmem>>) semaphore(%arg30 : memref<!tpu.dma_semaphore, #tpu.memory_space<semaphore_mem>>)
      %add3A_407 = arith.constant 2 : i32
      %add3A_408 = arith.addi %add3A_385, %add3A_407 : i32
      %lt3A_409 = arith.constant 54 : i32
      %lt3A_410 = arith.cmpi slt, %add3A_408, %lt3A_409 : i32
      %convert_element_type3A_411 = arith.extui %lt3A_410 : i1 to i32
      %cond3A_412 = arith.constant 0 : i32
      %cond3A_413 = arith.cmpi ne, %convert_element_type3A_411, %cond3A_412 : i32
      scf.if %cond3A_413 {
        %ge3A = arith.constant 1 : i32
        %ge3A_447 = arith.cmpi sge, %add3A_385, %ge3A : i32
        %convert_element_type3A_448 = arith.extui %ge3A_447 : i1 to i32
        %cond3A_449 = arith.constant 0 : i32
        %cond3A_450 = arith.cmpi ne, %convert_element_type3A_448, %cond3A_449 : i32
        scf.if %cond3A_450 {
          %dma_wait3A_642 = arith.constant 0 : i32
          %dma_wait3A_643 = arith.constant 0 : i32
          %dma_wait3A_644 = tpu.memref_slice %arg5[%dma_wait3A_642, %dma_wait3A_643] : memref<160000x384xf32, #tpu.memory_space<hbm>> -> memref<160000x384xf32, #tpu.memory_space<hbm>>
          tpu.wait_indirect_dma semaphore(%arg29 : memref<!tpu.dma_semaphore, #tpu.memory_space<semaphore_mem>>) src(%arg8 : memref<96x384xf32, #tpu.memory_space<vmem>>) dst(%dma_wait3A_644 : memref<160000x384xf32, #tpu.memory_space<hbm>>)
        } else {
        }
        %add3A_451 = arith.constant 2 : i32
        %add3A_452 = arith.addi %add3A_385, %add3A_451 : i32
        %mul3A_453 = arith.constant 96 : i32
        %mul3A_454 = arith.muli %add3A_452, %mul3A_453 : i32
        %min3A = arith.constant 4904 : i32
        %min3A_455 = arith.minsi %mul3A_454, %min3A : i32
        %iota3A_456 = tpu.iota {dimensions = array<i32: 0>} : vector<16xi32>
        %add3A_457 = arith.constant 0 : i32
        %add3A_458 = arith.addi %min3A_455, %add3A_457 : i32
        %get3A_459 = arith.index_cast %add3A_458 : i32 to index
        %get3A_460 = tpu.vector_load %arg6[%get3A_459] {strides = array<i32>} : memref<5000xi32, #tpu.memory_space<vmem>>, vector<16xi32>,
        %get3A_461 = vector.shape_cast %get3A_460 : vector<16xi32> to vector<16xi32>
        %swap3A_462 = arith.constant 0 : index
        %swap3A_463 = tpu.vector_load %arg11[%swap3A_462] {strides = array<i32>} : memref<96xi32, #tpu.memory_space<vmem>>, vector<16xi32>,
        %swap3A_464 = vector.shape_cast %swap3A_463 : vector<16xi32> to vector<16xi32>
        %swap3A_465 = vector.shape_cast %get3A_461 : vector<16xi32> to vector<16xi32>
        tpu.vector_store %arg11[%swap3A_462], %swap3A_465 {strides = array<i32>} : memref<96xi32, #tpu.memory_space<vmem>>, vector<16xi32>,
        %add3A_466 = arith.constant 0 : i32
        %add3A_467 = arith.addi %min3A_455, %add3A_466 : i32
        %get3A_468 = arith.index_cast %add3A_467 : i32 to index
        %get3A_469 = tpu.vector_load %arg7[%get3A_468] {strides = array<i32>} : memref<5000xi32, #tpu.memory_space<vmem>>, vector<16xi32>,
        %get3A_470 = vector.shape_cast %get3A_469 : vector<16xi32> to vector<16xi32>
        %swap3A_471 = arith.constant 0 : index
        %swap3A_472 = tpu.vector_load %arg14[%swap3A_471] {strides = array<i32>} : memref<96xi32, #tpu.memory_space<vmem>>, vector<16xi32>,
        %swap3A_473 = vector.shape_cast %swap3A_472 : vector<16xi32> to vector<16xi32>
        %swap3A_474 = vector.shape_cast %get3A_470 : vector<16xi32> to vector<16xi32>
        tpu.vector_store %arg14[%swap3A_471], %swap3A_474 {strides = array<i32>} : memref<96xi32, #tpu.memory_space<vmem>>, vector<16xi32>,
        %add3A_475 = arith.addi %mul3A_2, %min3A_455 : i32
        %add3A_476 = arith.constant 0 : i32
        %add3A_477 = arith.addi %add3A_475, %add3A_476 : i32
        %add3A_478 = vector.broadcast %add3A_477 : i32 to vector<16xi32>
        %add3A_479 = arith.addi %add3A_478, %iota3A_456 : vector<16xi32>
        %swap3A_480 = arith.constant 0 : index
        %swap3A_481 = tpu.vector_load %arg17[%swap3A_480] {strides = array<i32>} : memref<96xi32, #tpu.memory_space<vmem>>, vector<16xi32>,
        %swap3A_482 = vector.shape_cast %swap3A_481 : vector<16xi32> to vector<16xi32>
        %swap3A_483 = vector.shape_cast %add3A_479 : vector<16xi32> to vector<16xi32>
        tpu.vector_store %arg17[%swap3A_480], %swap3A_483 {strides = array<i32>} : memref<96xi32, #tpu.memory_space<vmem>>, vector<16xi32>,
        %iota3A_484 = tpu.iota {dimensions = array<i32: 0>} : vector<16xi32>
        %add3A_485 = arith.constant 16 : i32
        %add3A_486 = arith.addi %min3A_455, %add3A_485 : i32
        %get3A_487 = arith.index_cast %add3A_486 : i32 to index
        %get3A_488 = tpu.vector_load %arg6[%get3A_487] {strides = array<i32>} : memref<5000xi32, #tpu.memory_space<vmem>>, vector<16xi32>,
        %get3A_489 = vector.shape_cast %get3A_488 : vector<16xi32> to vector<16xi32>
        %swap3A_490 = arith.constant 16 : index
        %swap3A_491 = tpu.vector_load %arg11[%swap3A_490] {strides = array<i32>} : memref<96xi32, #tpu.memory_space<vmem>>, vector<16xi32>,
        %swap3A_492 = vector.shape_cast %swap3A_491 : vector<16xi32> to vector<16xi32>
        %swap3A_493 = vector.shape_cast %get3A_489 : vector<16xi32> to vector<16xi32>
        tpu.vector_store %arg11[%swap3A_490], %swap3A_493 {strides = array<i32>} : memref<96xi32, #tpu.memory_space<vmem>>, vector<16xi32>,
        %add3A_494 = arith.constant 16 : i32
        %add3A_495 = arith.addi %min3A_455, %add3A_494 : i32
        %get3A_496 = arith.index_cast %add3A_495 : i32 to index
        %get3A_497 = tpu.vector_load %arg7[%get3A_496] {strides = array<i32>} : memref<5000xi32, #tpu.memory_space<vmem>>, vector<16xi32>,
        %get3A_498 = vector.shape_cast %get3A_497 : vector<16xi32> to vector<16xi32>
        %swap3A_499 = arith.constant 16 : index
        %swap3A_500 = tpu.vector_load %arg14[%swap3A_499] {strides = array<i32>} : memref<96xi32, #tpu.memory_space<vmem>>, vector<16xi32>,
        %swap3A_501 = vector.shape_cast %swap3A_500 : vector<16xi32> to vector<16xi32>
        %swap3A_502 = vector.shape_cast %get3A_498 : vector<16xi32> to vector<16xi32>
        tpu.vector_store %arg14[%swap3A_499], %swap3A_502 {strides = array<i32>} : memref<96xi32, #tpu.memory_space<vmem>>, vector<16xi32>,
        %add3A_503 = arith.addi %mul3A_2, %min3A_455 : i32
        %add3A_504 = arith.constant 16 : i32
        %add3A_505 = arith.addi %add3A_503, %add3A_504 : i32
        %add3A_506 = vector.broadcast %add3A_505 : i32 to vector<16xi32>
        %add3A_507 = arith.addi %add3A_506, %iota3A_484 : vector<16xi32>
        %swap3A_508 = arith.constant 16 : index
        %swap3A_509 = tpu.vector_load %arg17[%swap3A_508] {strides = array<i32>} : memref<96xi32, #tpu.memory_space<vmem>>, vector<16xi32>,
        %swap3A_510 = vector.shape_cast %swap3A_509 : vector<16xi32> to vector<16xi32>
        %swap3A_511 = vector.shape_cast %add3A_507 : vector<16xi32> to vector<16xi32>
        tpu.vector_store %arg17[%swap3A_508], %swap3A_511 {strides = array<i32>} : memref<96xi32, #tpu.memory_space<vmem>>, vector<16xi32>,
        %iota3A_512 = tpu.iota {dimensions = array<i32: 0>} : vector<16xi32>
        %add3A_513 = arith.constant 32 : i32
        %add3A_514 = arith.addi %min3A_455, %add3A_513 : i32
        %get3A_515 = arith.index_cast %add3A_514 : i32 to index
        %get3A_516 = tpu.vector_load %arg6[%get3A_515] {strides = array<i32>} : memref<5000xi32, #tpu.memory_space<vmem>>, vector<16xi32>,
        %get3A_517 = vector.shape_cast %get3A_516 : vector<16xi32> to vector<16xi32>
        %swap3A_518 = arith.constant 32 : index
        %swap3A_519 = tpu.vector_load %arg11[%swap3A_518] {strides = array<i32>} : memref<96xi32, #tpu.memory_space<vmem>>, vector<16xi32>,
        %swap3A_520 = vector.shape_cast %swap3A_519 : vector<16xi32> to vector<16xi32>
        %swap3A_521 = vector.shape_cast %get3A_517 : vector<16xi32> to vector<16xi32>
        tpu.vector_store %arg11[%swap3A_518], %swap3A_521 {strides = array<i32>} : memref<96xi32, #tpu.memory_space<vmem>>, vector<16xi32>,
        %add3A_522 = arith.constant 32 : i32
        %add3A_523 = arith.addi %min3A_455, %add3A_522 : i32
        %get3A_524 = arith.index_cast %add3A_523 : i32 to index
        %get3A_525 = tpu.vector_load %arg7[%get3A_524] {strides = array<i32>} : memref<5000xi32, #tpu.memory_space<vmem>>, vector<16xi32>,
        %get3A_526 = vector.shape_cast %get3A_525 : vector<16xi32> to vector<16xi32>
        %swap3A_527 = arith.constant 32 : index
        %swap3A_528 = tpu.vector_load %arg14[%swap3A_527] {strides = array<i32>} : memref<96xi32, #tpu.memory_space<vmem>>, vector<16xi32>,
        %swap3A_529 = vector.shape_cast %swap3A_528 : vector<16xi32> to vector<16xi32>
        %swap3A_530 = vector.shape_cast %get3A_526 : vector<16xi32> to vector<16xi32>
        tpu.vector_store %arg14[%swap3A_527], %swap3A_530 {strides = array<i32>} : memref<96xi32, #tpu.memory_space<vmem>>, vector<16xi32>,
        %add3A_531 = arith.addi %mul3A_2, %min3A_455 : i32
        %add3A_532 = arith.constant 32 : i32
        %add3A_533 = arith.addi %add3A_531, %add3A_532 : i32
        %add3A_534 = vector.broadcast %add3A_533 : i32 to vector<16xi32>
        %add3A_535 = arith.addi %add3A_534, %iota3A_512 : vector<16xi32>
        %swap3A_536 = arith.constant 32 : index
        %swap3A_537 = tpu.vector_load %arg17[%swap3A_536] {strides = array<i32>} : memref<96xi32, #tpu.memory_space<vmem>>, vector<16xi32>,
        %swap3A_538 = vector.shape_cast %swap3A_537 : vector<16xi32> to vector<16xi32>
        %swap3A_539 = vector.shape_cast %add3A_535 : vector<16xi32> to vector<16xi32>
        tpu.vector_store %arg17[%swap3A_536], %swap3A_539 {strides = array<i32>} : memref<96xi32, #tpu.memory_space<vmem>>, vector<16xi32>,
        %iota3A_540 = tpu.iota {dimensions = array<i32: 0>} : vector<16xi32>
        %add3A_541 = arith.constant 48 : i32
        %add3A_542 = arith.addi %min3A_455, %add3A_541 : i32
        %get3A_543 = arith.index_cast %add3A_542 : i32 to index
        %get3A_544 = tpu.vector_load %arg6[%get3A_543] {strides = array<i32>} : memref<5000xi32, #tpu.memory_space<vmem>>, vector<16xi32>,
        %get3A_545 = vector.shape_cast %get3A_544 : vector<16xi32> to vector<16xi32>
        %swap3A_546 = arith.constant 48 : index
        %swap3A_547 = tpu.vector_load %arg11[%swap3A_546] {strides = array<i32>} : memref<96xi32, #tpu.memory_space<vmem>>, vector<16xi32>,
        %swap3A_548 = vector.shape_cast %swap3A_547 : vector<16xi32> to vector<16xi32>
        %swap3A_549 = vector.shape_cast %get3A_545 : vector<16xi32> to vector<16xi32>
        tpu.vector_store %arg11[%swap3A_546], %swap3A_549 {strides = array<i32>} : memref<96xi32, #tpu.memory_space<vmem>>, vector<16xi32>,
        %add3A_550 = arith.constant 48 : i32
        %add3A_551 = arith.addi %min3A_455, %add3A_550 : i32
        %get3A_552 = arith.index_cast %add3A_551 : i32 to index
        %get3A_553 = tpu.vector_load %arg7[%get3A_552] {strides = array<i32>} : memref<5000xi32, #tpu.memory_space<vmem>>, vector<16xi32>,
        %get3A_554 = vector.shape_cast %get3A_553 : vector<16xi32> to vector<16xi32>
        %swap3A_555 = arith.constant 48 : index
        %swap3A_556 = tpu.vector_load %arg14[%swap3A_555] {strides = array<i32>} : memref<96xi32, #tpu.memory_space<vmem>>, vector<16xi32>,
        %swap3A_557 = vector.shape_cast %swap3A_556 : vector<16xi32> to vector<16xi32>
        %swap3A_558 = vector.shape_cast %get3A_554 : vector<16xi32> to vector<16xi32>
        tpu.vector_store %arg14[%swap3A_555], %swap3A_558 {strides = array<i32>} : memref<96xi32, #tpu.memory_space<vmem>>, vector<16xi32>,
        %add3A_559 = arith.addi %mul3A_2, %min3A_455 : i32
        %add3A_560 = arith.constant 48 : i32
        %add3A_561 = arith.addi %add3A_559, %add3A_560 : i32
        %add3A_562 = vector.broadcast %add3A_561 : i32 to vector<16xi32>
        %add3A_563 = arith.addi %add3A_562, %iota3A_540 : vector<16xi32>
        %swap3A_564 = arith.constant 48 : index
        %swap3A_565 = tpu.vector_load %arg17[%swap3A_564] {strides = array<i32>} : memref<96xi32, #tpu.memory_space<vmem>>, vector<16xi32>,
        %swap3A_566 = vector.shape_cast %swap3A_565 : vector<16xi32> to vector<16xi32>
        %swap3A_567 = vector.shape_cast %add3A_563 : vector<16xi32> to vector<16xi32>
        tpu.vector_store %arg17[%swap3A_564], %swap3A_567 {strides = array<i32>} : memref<96xi32, #tpu.memory_space<vmem>>, vector<16xi32>,
        %iota3A_568 = tpu.iota {dimensions = array<i32: 0>} : vector<16xi32>
        %add3A_569 = arith.constant 64 : i32
        %add3A_570 = arith.addi %min3A_455, %add3A_569 : i32
        %get3A_571 = arith.index_cast %add3A_570 : i32 to index
        %get3A_572 = tpu.vector_load %arg6[%get3A_571] {strides = array<i32>} : memref<5000xi32, #tpu.memory_space<vmem>>, vector<16xi32>,
        %get3A_573 = vector.shape_cast %get3A_572 : vector<16xi32> to vector<16xi32>
        %swap3A_574 = arith.constant 64 : index
        %swap3A_575 = tpu.vector_load %arg11[%swap3A_574] {strides = array<i32>} : memref<96xi32, #tpu.memory_space<vmem>>, vector<16xi32>,
        %swap3A_576 = vector.shape_cast %swap3A_575 : vector<16xi32> to vector<16xi32>
        %swap3A_577 = vector.shape_cast %get3A_573 : vector<16xi32> to vector<16xi32>
        tpu.vector_store %arg11[%swap3A_574], %swap3A_577 {strides = array<i32>} : memref<96xi32, #tpu.memory_space<vmem>>, vector<16xi32>,
        %add3A_578 = arith.constant 64 : i32
        %add3A_579 = arith.addi %min3A_455, %add3A_578 : i32
        %get3A_580 = arith.index_cast %add3A_579 : i32 to index
        %get3A_581 = tpu.vector_load %arg7[%get3A_580] {strides = array<i32>} : memref<5000xi32, #tpu.memory_space<vmem>>, vector<16xi32>,
        %get3A_582 = vector.shape_cast %get3A_581 : vector<16xi32> to vector<16xi32>
        %swap3A_583 = arith.constant 64 : index
        %swap3A_584 = tpu.vector_load %arg14[%swap3A_583] {strides = array<i32>} : memref<96xi32, #tpu.memory_space<vmem>>, vector<16xi32>,
        %swap3A_585 = vector.shape_cast %swap3A_584 : vector<16xi32> to vector<16xi32>
        %swap3A_586 = vector.shape_cast %get3A_582 : vector<16xi32> to vector<16xi32>
        tpu.vector_store %arg14[%swap3A_583], %swap3A_586 {strides = array<i32>} : memref<96xi32, #tpu.memory_space<vmem>>, vector<16xi32>,
        %add3A_587 = arith.addi %mul3A_2, %min3A_455 : i32
        %add3A_588 = arith.constant 64 : i32
        %add3A_589 = arith.addi %add3A_587, %add3A_588 : i32
        %add3A_590 = vector.broadcast %add3A_589 : i32 to vector<16xi32>
        %add3A_591 = arith.addi %add3A_590, %iota3A_568 : vector<16xi32>
        %swap3A_592 = arith.constant 64 : index
        %swap3A_593 = tpu.vector_load %arg17[%swap3A_592] {strides = array<i32>} : memref<96xi32, #tpu.memory_space<vmem>>, vector<16xi32>,
        %swap3A_594 = vector.shape_cast %swap3A_593 : vector<16xi32> to vector<16xi32>
        %swap3A_595 = vector.shape_cast %add3A_591 : vector<16xi32> to vector<16xi32>
        tpu.vector_store %arg17[%swap3A_592], %swap3A_595 {strides = array<i32>} : memref<96xi32, #tpu.memory_space<vmem>>, vector<16xi32>,
        %iota3A_596 = tpu.iota {dimensions = array<i32: 0>} : vector<16xi32>
        %add3A_597 = arith.constant 80 : i32
        %add3A_598 = arith.addi %min3A_455, %add3A_597 : i32
        %get3A_599 = arith.index_cast %add3A_598 : i32 to index
        %get3A_600 = tpu.vector_load %arg6[%get3A_599] {strides = array<i32>} : memref<5000xi32, #tpu.memory_space<vmem>>, vector<16xi32>,
        %get3A_601 = vector.shape_cast %get3A_600 : vector<16xi32> to vector<16xi32>
        %swap3A_602 = arith.constant 80 : index
        %swap3A_603 = tpu.vector_load %arg11[%swap3A_602] {strides = array<i32>} : memref<96xi32, #tpu.memory_space<vmem>>, vector<16xi32>,
        %swap3A_604 = vector.shape_cast %swap3A_603 : vector<16xi32> to vector<16xi32>
        %swap3A_605 = vector.shape_cast %get3A_601 : vector<16xi32> to vector<16xi32>
        tpu.vector_store %arg11[%swap3A_602], %swap3A_605 {strides = array<i32>} : memref<96xi32, #tpu.memory_space<vmem>>, vector<16xi32>,
        %add3A_606 = arith.constant 80 : i32
        %add3A_607 = arith.addi %min3A_455, %add3A_606 : i32
        %get3A_608 = arith.index_cast %add3A_607 : i32 to index
        %get3A_609 = tpu.vector_load %arg7[%get3A_608] {strides = array<i32>} : memref<5000xi32, #tpu.memory_space<vmem>>, vector<16xi32>,
        %get3A_610 = vector.shape_cast %get3A_609 : vector<16xi32> to vector<16xi32>
        %swap3A_611 = arith.constant 80 : index
        %swap3A_612 = tpu.vector_load %arg14[%swap3A_611] {strides = array<i32>} : memref<96xi32, #tpu.memory_space<vmem>>, vector<16xi32>,
        %swap3A_613 = vector.shape_cast %swap3A_612 : vector<16xi32> to vector<16xi32>
        %swap3A_614 = vector.shape_cast %get3A_610 : vector<16xi32> to vector<16xi32>
        tpu.vector_store %arg14[%swap3A_611], %swap3A_614 {strides = array<i32>} : memref<96xi32, #tpu.memory_space<vmem>>, vector<16xi32>,
        %add3A_615 = arith.addi %mul3A_2, %min3A_455 : i32
        %add3A_616 = arith.constant 80 : i32
        %add3A_617 = arith.addi %add3A_615, %add3A_616 : i32
        %add3A_618 = vector.broadcast %add3A_617 : i32 to vector<16xi32>
        %add3A_619 = arith.addi %add3A_618, %iota3A_596 : vector<16xi32>
        %swap3A_620 = arith.constant 80 : index
        %swap3A_621 = tpu.vector_load %arg17[%swap3A_620] {strides = array<i32>} : memref<96xi32, #tpu.memory_space<vmem>>, vector<16xi32>,
        %swap3A_622 = vector.shape_cast %swap3A_621 : vector<16xi32> to vector<16xi32>
        %swap3A_623 = vector.shape_cast %add3A_619 : vector<16xi32> to vector<16xi32>
        tpu.vector_store %arg17[%swap3A_620], %swap3A_623 {strides = array<i32>} : memref<96xi32, #tpu.memory_space<vmem>>, vector<16xi32>,
        %dma_start3A_624 = arith.constant 0 : i32
        %dma_start3A_625 = arith.constant 0 : i32
        %dma_start3A_626 = tpu.memref_slice %arg8[%dma_start3A_624, %dma_start3A_625] : memref<96x384xf32, #tpu.memory_space<vmem>> -> memref<96x128xf32, #tpu.memory_space<vmem>>
        %dma_start3A_627 = arith.constant 0 : i32
        %dma_start3A_628 = arith.constant 0 : i32
        %dma_start3A_629 = tpu.memref_slice %arg2[%dma_start3A_627, %dma_start3A_628] : memref<10000x128xf32, #tpu.memory_space<hbm>> -> memref<10000x128xf32, #tpu.memory_space<hbm>>
        tpu.enqueue_indirect_dma source(%dma_start3A_629 : memref<10000x128xf32, #tpu.memory_space<hbm>>) target(%dma_start3A_626 : memref<96x128xf32, #tpu.memory_space<vmem>>) offsets(%arg11 : memref<96xi32, #tpu.memory_space<vmem>>) semaphore(%arg20 : memref<!tpu.dma_semaphore, #tpu.memory_space<semaphore_mem>>)
        %dma_start3A_630 = arith.constant 0 : i32
        %dma_start3A_631 = arith.constant 128 : i32
        %dma_start3A_632 = tpu.memref_slice %arg8[%dma_start3A_630, %dma_start3A_631] : memref<96x384xf32, #tpu.memory_space<vmem>> -> memref<96x128xf32, #tpu.memory_space<vmem>>
        %dma_start3A_633 = arith.constant 0 : i32
        %dma_start3A_634 = arith.constant 0 : i32
        %dma_start3A_635 = tpu.memref_slice %arg3[%dma_start3A_633, %dma_start3A_634] : memref<160000x128xf32, #tpu.memory_space<hbm>> -> memref<160000x128xf32, #tpu.memory_space<hbm>>
        tpu.enqueue_indirect_dma source(%dma_start3A_635 : memref<160000x128xf32, #tpu.memory_space<hbm>>) target(%dma_start3A_632 : memref<96x128xf32, #tpu.memory_space<vmem>>) offsets(%arg17 : memref<96xi32, #tpu.memory_space<vmem>>) semaphore(%arg23 : memref<!tpu.dma_semaphore, #tpu.memory_space<semaphore_mem>>)
        %dma_start3A_636 = arith.constant 0 : i32
        %dma_start3A_637 = arith.constant 256 : i32
        %dma_start3A_638 = tpu.memref_slice %arg8[%dma_start3A_636, %dma_start3A_637] : memref<96x384xf32, #tpu.memory_space<vmem>> -> memref<96x128xf32, #tpu.memory_space<vmem>>
        %dma_start3A_639 = arith.constant 0 : i32
        %dma_start3A_640 = arith.constant 0 : i32
        %dma_start3A_641 = tpu.memref_slice %arg2[%dma_start3A_639, %dma_start3A_640] : memref<10000x128xf32, #tpu.memory_space<hbm>> -> memref<10000x128xf32, #tpu.memory_space<hbm>>
        tpu.enqueue_indirect_dma source(%dma_start3A_641 : memref<10000x128xf32, #tpu.memory_space<hbm>>) target(%dma_start3A_638 : memref<96x128xf32, #tpu.memory_space<vmem>>) offsets(%arg14 : memref<96xi32, #tpu.memory_space<vmem>>) semaphore(%arg26 : memref<!tpu.dma_semaphore, #tpu.memory_space<semaphore_mem>>)
      } else {
      }
      %mul3A_414 = arith.constant 3 : i32
      %mul3A_415 = arith.muli %scan3A_351, %mul3A_414 : i32
      %add3A_416 = arith.constant 2 : i32
      %add3A_417 = arith.addi %mul3A_415, %add3A_416 : i32
      %dma_wait3A_418 = arith.constant 0 : i32
      %dma_wait3A_419 = arith.constant 0 : i32
      %dma_wait3A_420 = tpu.memref_slice %arg10[%dma_wait3A_418, %dma_wait3A_419] : memref<96x384xf32, #tpu.memory_space<vmem>> -> memref<96x128xf32, #tpu.memory_space<vmem>>
      %dma_wait3A_421 = arith.constant 0 : i32
      %dma_wait3A_422 = arith.constant 0 : i32
      %dma_wait3A_423 = tpu.memref_slice %arg2[%dma_wait3A_421, %dma_wait3A_422] : memref<10000x128xf32, #tpu.memory_space<hbm>> -> memref<10000x128xf32, #tpu.memory_space<hbm>>
      tpu.wait_indirect_dma semaphore(%arg22 : memref<!tpu.dma_semaphore, #tpu.memory_space<semaphore_mem>>) src(%dma_wait3A_423 : memref<10000x128xf32, #tpu.memory_space<hbm>>) dst(%dma_wait3A_420 : memref<96x128xf32, #tpu.memory_space<vmem>>)
      %dma_wait3A_424 = arith.constant 0 : i32
      %dma_wait3A_425 = arith.constant 128 : i32
      %dma_wait3A_426 = tpu.memref_slice %arg10[%dma_wait3A_424, %dma_wait3A_425] : memref<96x384xf32, #tpu.memory_space<vmem>> -> memref<96x128xf32, #tpu.memory_space<vmem>>
      %dma_wait3A_427 = arith.constant 0 : i32
      %dma_wait3A_428 = arith.constant 0 : i32
      %dma_wait3A_429 = tpu.memref_slice %arg3[%dma_wait3A_427, %dma_wait3A_428] : memref<160000x128xf32, #tpu.memory_space<hbm>> -> memref<160000x128xf32, #tpu.memory_space<hbm>>
      tpu.wait_indirect_dma semaphore(%arg25 : memref<!tpu.dma_semaphore, #tpu.memory_space<semaphore_mem>>) src(%dma_wait3A_429 : memref<160000x128xf32, #tpu.memory_space<hbm>>) dst(%dma_wait3A_426 : memref<96x128xf32, #tpu.memory_space<vmem>>)
      %dma_wait3A_430 = arith.constant 0 : i32
      %dma_wait3A_431 = arith.constant 256 : i32
      %dma_wait3A_432 = tpu.memref_slice %arg10[%dma_wait3A_430, %dma_wait3A_431] : memref<96x384xf32, #tpu.memory_space<vmem>> -> memref<96x128xf32, #tpu.memory_space<vmem>>
      %dma_wait3A_433 = arith.constant 0 : i32
      %dma_wait3A_434 = arith.constant 0 : i32
      %dma_wait3A_435 = tpu.memref_slice %arg2[%dma_wait3A_433, %dma_wait3A_434] : memref<10000x128xf32, #tpu.memory_space<hbm>> -> memref<10000x128xf32, #tpu.memory_space<hbm>>
      tpu.wait_indirect_dma semaphore(%arg28 : memref<!tpu.dma_semaphore, #tpu.memory_space<semaphore_mem>>) src(%dma_wait3A_435 : memref<10000x128xf32, #tpu.memory_space<hbm>>) dst(%dma_wait3A_432 : memref<96x128xf32, #tpu.memory_space<vmem>>)
      %dma_start3A_436 = arith.constant 0 : i32
      %dma_start3A_437 = arith.constant 0 : i32
      %dma_start3A_438 = tpu.memref_slice %arg5[%dma_start3A_436, %dma_start3A_437] : memref<160000x384xf32, #tpu.memory_space<hbm>> -> memref<160000x384xf32, #tpu.memory_space<hbm>>
      tpu.enqueue_indirect_dma source(%arg10 : memref<96x384xf32, #tpu.memory_space<vmem>>) target(%dma_start3A_438 : memref<160000x384xf32, #tpu.memory_space<hbm>>) offsets(%arg19 : memref<96xi32, #tpu.memory_space<vmem>>) semaphore(%arg31 : memref<!tpu.dma_semaphore, #tpu.memory_space<semaphore_mem>>)
      %add3A_439 = arith.constant 2 : i32
      %add3A_440 = arith.addi %add3A_417, %add3A_439 : i32
      %lt3A_441 = arith.constant 54 : i32
      %lt3A_442 = arith.cmpi slt, %add3A_440, %lt3A_441 : i32
      %convert_element_type3A_443 = arith.extui %lt3A_442 : i1 to i32
      %cond3A_444 = arith.constant 0 : i32
      %cond3A_445 = arith.cmpi ne, %convert_element_type3A_443, %cond3A_444 : i32
      scf.if %cond3A_445 {
        %ge3A = arith.constant 1 : i32
        %ge3A_447 = arith.cmpi sge, %add3A_417, %ge3A : i32
        %convert_element_type3A_448 = arith.extui %ge3A_447 : i1 to i32
        %cond3A_449 = arith.constant 0 : i32
        %cond3A_450 = arith.cmpi ne, %convert_element_type3A_448, %cond3A_449 : i32
        scf.if %cond3A_450 {
          %dma_wait3A_642 = arith.constant 0 : i32
          %dma_wait3A_643 = arith.constant 0 : i32
          %dma_wait3A_644 = tpu.memref_slice %arg5[%dma_wait3A_642, %dma_wait3A_643] : memref<160000x384xf32, #tpu.memory_space<hbm>> -> memref<160000x384xf32, #tpu.memory_space<hbm>>
          tpu.wait_indirect_dma semaphore(%arg30 : memref<!tpu.dma_semaphore, #tpu.memory_space<semaphore_mem>>) src(%arg9 : memref<96x384xf32, #tpu.memory_space<vmem>>) dst(%dma_wait3A_644 : memref<160000x384xf32, #tpu.memory_space<hbm>>)
        } else {
        }
        %add3A_451 = arith.constant 2 : i32
        %add3A_452 = arith.addi %add3A_417, %add3A_451 : i32
        %mul3A_453 = arith.constant 96 : i32
        %mul3A_454 = arith.muli %add3A_452, %mul3A_453 : i32
        %min3A = arith.constant 4904 : i32
        %min3A_455 = arith.minsi %mul3A_454, %min3A : i32
        %iota3A_456 = tpu.iota {dimensions = array<i32: 0>} : vector<16xi32>
        %add3A_457 = arith.constant 0 : i32
        %add3A_458 = arith.addi %min3A_455, %add3A_457 : i32
        %get3A_459 = arith.index_cast %add3A_458 : i32 to index
        %get3A_460 = tpu.vector_load %arg6[%get3A_459] {strides = array<i32>} : memref<5000xi32, #tpu.memory_space<vmem>>, vector<16xi32>,
        %get3A_461 = vector.shape_cast %get3A_460 : vector<16xi32> to vector<16xi32>
        %swap3A_462 = arith.constant 0 : index
        %swap3A_463 = tpu.vector_load %arg12[%swap3A_462] {strides = array<i32>} : memref<96xi32, #tpu.memory_space<vmem>>, vector<16xi32>,
        %swap3A_464 = vector.shape_cast %swap3A_463 : vector<16xi32> to vector<16xi32>
        %swap3A_465 = vector.shape_cast %get3A_461 : vector<16xi32> to vector<16xi32>
        tpu.vector_store %arg12[%swap3A_462], %swap3A_465 {strides = array<i32>} : memref<96xi32, #tpu.memory_space<vmem>>, vector<16xi32>,
        %add3A_466 = arith.constant 0 : i32
        %add3A_467 = arith.addi %min3A_455, %add3A_466 : i32
        %get3A_468 = arith.index_cast %add3A_467 : i32 to index
        %get3A_469 = tpu.vector_load %arg7[%get3A_468] {strides = array<i32>} : memref<5000xi32, #tpu.memory_space<vmem>>, vector<16xi32>,
        %get3A_470 = vector.shape_cast %get3A_469 : vector<16xi32> to vector<16xi32>
        %swap3A_471 = arith.constant 0 : index
        %swap3A_472 = tpu.vector_load %arg15[%swap3A_471] {strides = array<i32>} : memref<96xi32, #tpu.memory_space<vmem>>, vector<16xi32>,
        %swap3A_473 = vector.shape_cast %swap3A_472 : vector<16xi32> to vector<16xi32>
        %swap3A_474 = vector.shape_cast %get3A_470 : vector<16xi32> to vector<16xi32>
        tpu.vector_store %arg15[%swap3A_471], %swap3A_474 {strides = array<i32>} : memref<96xi32, #tpu.memory_space<vmem>>, vector<16xi32>,
        %add3A_475 = arith.addi %mul3A_2, %min3A_455 : i32
        %add3A_476 = arith.constant 0 : i32
        %add3A_477 = arith.addi %add3A_475, %add3A_476 : i32
        %add3A_478 = vector.broadcast %add3A_477 : i32 to vector<16xi32>
        %add3A_479 = arith.addi %add3A_478, %iota3A_456 : vector<16xi32>
        %swap3A_480 = arith.constant 0 : index
        %swap3A_481 = tpu.vector_load %arg18[%swap3A_480] {strides = array<i32>} : memref<96xi32, #tpu.memory_space<vmem>>, vector<16xi32>,
        %swap3A_482 = vector.shape_cast %swap3A_481 : vector<16xi32> to vector<16xi32>
        %swap3A_483 = vector.shape_cast %add3A_479 : vector<16xi32> to vector<16xi32>
        tpu.vector_store %arg18[%swap3A_480], %swap3A_483 {strides = array<i32>} : memref<96xi32, #tpu.memory_space<vmem>>, vector<16xi32>,
        %iota3A_484 = tpu.iota {dimensions = array<i32: 0>} : vector<16xi32>
        %add3A_485 = arith.constant 16 : i32
        %add3A_486 = arith.addi %min3A_455, %add3A_485 : i32
        %get3A_487 = arith.index_cast %add3A_486 : i32 to index
        %get3A_488 = tpu.vector_load %arg6[%get3A_487] {strides = array<i32>} : memref<5000xi32, #tpu.memory_space<vmem>>, vector<16xi32>,
        %get3A_489 = vector.shape_cast %get3A_488 : vector<16xi32> to vector<16xi32>
        %swap3A_490 = arith.constant 16 : index
        %swap3A_491 = tpu.vector_load %arg12[%swap3A_490] {strides = array<i32>} : memref<96xi32, #tpu.memory_space<vmem>>, vector<16xi32>,
        %swap3A_492 = vector.shape_cast %swap3A_491 : vector<16xi32> to vector<16xi32>
        %swap3A_493 = vector.shape_cast %get3A_489 : vector<16xi32> to vector<16xi32>
        tpu.vector_store %arg12[%swap3A_490], %swap3A_493 {strides = array<i32>} : memref<96xi32, #tpu.memory_space<vmem>>, vector<16xi32>,
        %add3A_494 = arith.constant 16 : i32
        %add3A_495 = arith.addi %min3A_455, %add3A_494 : i32
        %get3A_496 = arith.index_cast %add3A_495 : i32 to index
        %get3A_497 = tpu.vector_load %arg7[%get3A_496] {strides = array<i32>} : memref<5000xi32, #tpu.memory_space<vmem>>, vector<16xi32>,
        %get3A_498 = vector.shape_cast %get3A_497 : vector<16xi32> to vector<16xi32>
        %swap3A_499 = arith.constant 16 : index
        %swap3A_500 = tpu.vector_load %arg15[%swap3A_499] {strides = array<i32>} : memref<96xi32, #tpu.memory_space<vmem>>, vector<16xi32>,
        %swap3A_501 = vector.shape_cast %swap3A_500 : vector<16xi32> to vector<16xi32>
        %swap3A_502 = vector.shape_cast %get3A_498 : vector<16xi32> to vector<16xi32>
        tpu.vector_store %arg15[%swap3A_499], %swap3A_502 {strides = array<i32>} : memref<96xi32, #tpu.memory_space<vmem>>, vector<16xi32>,
        %add3A_503 = arith.addi %mul3A_2, %min3A_455 : i32
        %add3A_504 = arith.constant 16 : i32
        %add3A_505 = arith.addi %add3A_503, %add3A_504 : i32
        %add3A_506 = vector.broadcast %add3A_505 : i32 to vector<16xi32>
        %add3A_507 = arith.addi %add3A_506, %iota3A_484 : vector<16xi32>
        %swap3A_508 = arith.constant 16 : index
        %swap3A_509 = tpu.vector_load %arg18[%swap3A_508] {strides = array<i32>} : memref<96xi32, #tpu.memory_space<vmem>>, vector<16xi32>,
        %swap3A_510 = vector.shape_cast %swap3A_509 : vector<16xi32> to vector<16xi32>
        %swap3A_511 = vector.shape_cast %add3A_507 : vector<16xi32> to vector<16xi32>
        tpu.vector_store %arg18[%swap3A_508], %swap3A_511 {strides = array<i32>} : memref<96xi32, #tpu.memory_space<vmem>>, vector<16xi32>,
        %iota3A_512 = tpu.iota {dimensions = array<i32: 0>} : vector<16xi32>
        %add3A_513 = arith.constant 32 : i32
        %add3A_514 = arith.addi %min3A_455, %add3A_513 : i32
        %get3A_515 = arith.index_cast %add3A_514 : i32 to index
        %get3A_516 = tpu.vector_load %arg6[%get3A_515] {strides = array<i32>} : memref<5000xi32, #tpu.memory_space<vmem>>, vector<16xi32>,
        %get3A_517 = vector.shape_cast %get3A_516 : vector<16xi32> to vector<16xi32>
        %swap3A_518 = arith.constant 32 : index
        %swap3A_519 = tpu.vector_load %arg12[%swap3A_518] {strides = array<i32>} : memref<96xi32, #tpu.memory_space<vmem>>, vector<16xi32>,
        %swap3A_520 = vector.shape_cast %swap3A_519 : vector<16xi32> to vector<16xi32>
        %swap3A_521 = vector.shape_cast %get3A_517 : vector<16xi32> to vector<16xi32>
        tpu.vector_store %arg12[%swap3A_518], %swap3A_521 {strides = array<i32>} : memref<96xi32, #tpu.memory_space<vmem>>, vector<16xi32>,
        %add3A_522 = arith.constant 32 : i32
        %add3A_523 = arith.addi %min3A_455, %add3A_522 : i32
        %get3A_524 = arith.index_cast %add3A_523 : i32 to index
        %get3A_525 = tpu.vector_load %arg7[%get3A_524] {strides = array<i32>} : memref<5000xi32, #tpu.memory_space<vmem>>, vector<16xi32>,
        %get3A_526 = vector.shape_cast %get3A_525 : vector<16xi32> to vector<16xi32>
        %swap3A_527 = arith.constant 32 : index
        %swap3A_528 = tpu.vector_load %arg15[%swap3A_527] {strides = array<i32>} : memref<96xi32, #tpu.memory_space<vmem>>, vector<16xi32>,
        %swap3A_529 = vector.shape_cast %swap3A_528 : vector<16xi32> to vector<16xi32>
        %swap3A_530 = vector.shape_cast %get3A_526 : vector<16xi32> to vector<16xi32>
        tpu.vector_store %arg15[%swap3A_527], %swap3A_530 {strides = array<i32>} : memref<96xi32, #tpu.memory_space<vmem>>, vector<16xi32>,
        %add3A_531 = arith.addi %mul3A_2, %min3A_455 : i32
        %add3A_532 = arith.constant 32 : i32
        %add3A_533 = arith.addi %add3A_531, %add3A_532 : i32
        %add3A_534 = vector.broadcast %add3A_533 : i32 to vector<16xi32>
        %add3A_535 = arith.addi %add3A_534, %iota3A_512 : vector<16xi32>
        %swap3A_536 = arith.constant 32 : index
        %swap3A_537 = tpu.vector_load %arg18[%swap3A_536] {strides = array<i32>} : memref<96xi32, #tpu.memory_space<vmem>>, vector<16xi32>,
        %swap3A_538 = vector.shape_cast %swap3A_537 : vector<16xi32> to vector<16xi32>
        %swap3A_539 = vector.shape_cast %add3A_535 : vector<16xi32> to vector<16xi32>
        tpu.vector_store %arg18[%swap3A_536], %swap3A_539 {strides = array<i32>} : memref<96xi32, #tpu.memory_space<vmem>>, vector<16xi32>,
        %iota3A_540 = tpu.iota {dimensions = array<i32: 0>} : vector<16xi32>
        %add3A_541 = arith.constant 48 : i32
        %add3A_542 = arith.addi %min3A_455, %add3A_541 : i32
        %get3A_543 = arith.index_cast %add3A_542 : i32 to index
        %get3A_544 = tpu.vector_load %arg6[%get3A_543] {strides = array<i32>} : memref<5000xi32, #tpu.memory_space<vmem>>, vector<16xi32>,
        %get3A_545 = vector.shape_cast %get3A_544 : vector<16xi32> to vector<16xi32>
        %swap3A_546 = arith.constant 48 : index
        %swap3A_547 = tpu.vector_load %arg12[%swap3A_546] {strides = array<i32>} : memref<96xi32, #tpu.memory_space<vmem>>, vector<16xi32>,
        %swap3A_548 = vector.shape_cast %swap3A_547 : vector<16xi32> to vector<16xi32>
        %swap3A_549 = vector.shape_cast %get3A_545 : vector<16xi32> to vector<16xi32>
        tpu.vector_store %arg12[%swap3A_546], %swap3A_549 {strides = array<i32>} : memref<96xi32, #tpu.memory_space<vmem>>, vector<16xi32>,
        %add3A_550 = arith.constant 48 : i32
        %add3A_551 = arith.addi %min3A_455, %add3A_550 : i32
        %get3A_552 = arith.index_cast %add3A_551 : i32 to index
        %get3A_553 = tpu.vector_load %arg7[%get3A_552] {strides = array<i32>} : memref<5000xi32, #tpu.memory_space<vmem>>, vector<16xi32>,
        %get3A_554 = vector.shape_cast %get3A_553 : vector<16xi32> to vector<16xi32>
        %swap3A_555 = arith.constant 48 : index
        %swap3A_556 = tpu.vector_load %arg15[%swap3A_555] {strides = array<i32>} : memref<96xi32, #tpu.memory_space<vmem>>, vector<16xi32>,
        %swap3A_557 = vector.shape_cast %swap3A_556 : vector<16xi32> to vector<16xi32>
        %swap3A_558 = vector.shape_cast %get3A_554 : vector<16xi32> to vector<16xi32>
        tpu.vector_store %arg15[%swap3A_555], %swap3A_558 {strides = array<i32>} : memref<96xi32, #tpu.memory_space<vmem>>, vector<16xi32>,
        %add3A_559 = arith.addi %mul3A_2, %min3A_455 : i32
        %add3A_560 = arith.constant 48 : i32
        %add3A_561 = arith.addi %add3A_559, %add3A_560 : i32
        %add3A_562 = vector.broadcast %add3A_561 : i32 to vector<16xi32>
        %add3A_563 = arith.addi %add3A_562, %iota3A_540 : vector<16xi32>
        %swap3A_564 = arith.constant 48 : index
        %swap3A_565 = tpu.vector_load %arg18[%swap3A_564] {strides = array<i32>} : memref<96xi32, #tpu.memory_space<vmem>>, vector<16xi32>,
        %swap3A_566 = vector.shape_cast %swap3A_565 : vector<16xi32> to vector<16xi32>
        %swap3A_567 = vector.shape_cast %add3A_563 : vector<16xi32> to vector<16xi32>
        tpu.vector_store %arg18[%swap3A_564], %swap3A_567 {strides = array<i32>} : memref<96xi32, #tpu.memory_space<vmem>>, vector<16xi32>,
        %iota3A_568 = tpu.iota {dimensions = array<i32: 0>} : vector<16xi32>
        %add3A_569 = arith.constant 64 : i32
        %add3A_570 = arith.addi %min3A_455, %add3A_569 : i32
        %get3A_571 = arith.index_cast %add3A_570 : i32 to index
        %get3A_572 = tpu.vector_load %arg6[%get3A_571] {strides = array<i32>} : memref<5000xi32, #tpu.memory_space<vmem>>, vector<16xi32>,
        %get3A_573 = vector.shape_cast %get3A_572 : vector<16xi32> to vector<16xi32>
        %swap3A_574 = arith.constant 64 : index
        %swap3A_575 = tpu.vector_load %arg12[%swap3A_574] {strides = array<i32>} : memref<96xi32, #tpu.memory_space<vmem>>, vector<16xi32>,
        %swap3A_576 = vector.shape_cast %swap3A_575 : vector<16xi32> to vector<16xi32>
        %swap3A_577 = vector.shape_cast %get3A_573 : vector<16xi32> to vector<16xi32>
        tpu.vector_store %arg12[%swap3A_574], %swap3A_577 {strides = array<i32>} : memref<96xi32, #tpu.memory_space<vmem>>, vector<16xi32>,
        %add3A_578 = arith.constant 64 : i32
        %add3A_579 = arith.addi %min3A_455, %add3A_578 : i32
        %get3A_580 = arith.index_cast %add3A_579 : i32 to index
        %get3A_581 = tpu.vector_load %arg7[%get3A_580] {strides = array<i32>} : memref<5000xi32, #tpu.memory_space<vmem>>, vector<16xi32>,
        %get3A_582 = vector.shape_cast %get3A_581 : vector<16xi32> to vector<16xi32>
        %swap3A_583 = arith.constant 64 : index
        %swap3A_584 = tpu.vector_load %arg15[%swap3A_583] {strides = array<i32>} : memref<96xi32, #tpu.memory_space<vmem>>, vector<16xi32>,
        %swap3A_585 = vector.shape_cast %swap3A_584 : vector<16xi32> to vector<16xi32>
        %swap3A_586 = vector.shape_cast %get3A_582 : vector<16xi32> to vector<16xi32>
        tpu.vector_store %arg15[%swap3A_583], %swap3A_586 {strides = array<i32>} : memref<96xi32, #tpu.memory_space<vmem>>, vector<16xi32>,
        %add3A_587 = arith.addi %mul3A_2, %min3A_455 : i32
        %add3A_588 = arith.constant 64 : i32
        %add3A_589 = arith.addi %add3A_587, %add3A_588 : i32
        %add3A_590 = vector.broadcast %add3A_589 : i32 to vector<16xi32>
        %add3A_591 = arith.addi %add3A_590, %iota3A_568 : vector<16xi32>
        %swap3A_592 = arith.constant 64 : index
        %swap3A_593 = tpu.vector_load %arg18[%swap3A_592] {strides = array<i32>} : memref<96xi32, #tpu.memory_space<vmem>>, vector<16xi32>,
        %swap3A_594 = vector.shape_cast %swap3A_593 : vector<16xi32> to vector<16xi32>
        %swap3A_595 = vector.shape_cast %add3A_591 : vector<16xi32> to vector<16xi32>
        tpu.vector_store %arg18[%swap3A_592], %swap3A_595 {strides = array<i32>} : memref<96xi32, #tpu.memory_space<vmem>>, vector<16xi32>,
        %iota3A_596 = tpu.iota {dimensions = array<i32: 0>} : vector<16xi32>
        %add3A_597 = arith.constant 80 : i32
        %add3A_598 = arith.addi %min3A_455, %add3A_597 : i32
        %get3A_599 = arith.index_cast %add3A_598 : i32 to index
        %get3A_600 = tpu.vector_load %arg6[%get3A_599] {strides = array<i32>} : memref<5000xi32, #tpu.memory_space<vmem>>, vector<16xi32>,
        %get3A_601 = vector.shape_cast %get3A_600 : vector<16xi32> to vector<16xi32>
        %swap3A_602 = arith.constant 80 : index
        %swap3A_603 = tpu.vector_load %arg12[%swap3A_602] {strides = array<i32>} : memref<96xi32, #tpu.memory_space<vmem>>, vector<16xi32>,
        %swap3A_604 = vector.shape_cast %swap3A_603 : vector<16xi32> to vector<16xi32>
        %swap3A_605 = vector.shape_cast %get3A_601 : vector<16xi32> to vector<16xi32>
        tpu.vector_store %arg12[%swap3A_602], %swap3A_605 {strides = array<i32>} : memref<96xi32, #tpu.memory_space<vmem>>, vector<16xi32>,
        %add3A_606 = arith.constant 80 : i32
        %add3A_607 = arith.addi %min3A_455, %add3A_606 : i32
        %get3A_608 = arith.index_cast %add3A_607 : i32 to index
        %get3A_609 = tpu.vector_load %arg7[%get3A_608] {strides = array<i32>} : memref<5000xi32, #tpu.memory_space<vmem>>, vector<16xi32>,
        %get3A_610 = vector.shape_cast %get3A_609 : vector<16xi32> to vector<16xi32>
        %swap3A_611 = arith.constant 80 : index
        %swap3A_612 = tpu.vector_load %arg15[%swap3A_611] {strides = array<i32>} : memref<96xi32, #tpu.memory_space<vmem>>, vector<16xi32>,
        %swap3A_613 = vector.shape_cast %swap3A_612 : vector<16xi32> to vector<16xi32>
        %swap3A_614 = vector.shape_cast %get3A_610 : vector<16xi32> to vector<16xi32>
        tpu.vector_store %arg15[%swap3A_611], %swap3A_614 {strides = array<i32>} : memref<96xi32, #tpu.memory_space<vmem>>, vector<16xi32>,
        %add3A_615 = arith.addi %mul3A_2, %min3A_455 : i32
        %add3A_616 = arith.constant 80 : i32
        %add3A_617 = arith.addi %add3A_615, %add3A_616 : i32
        %add3A_618 = vector.broadcast %add3A_617 : i32 to vector<16xi32>
        %add3A_619 = arith.addi %add3A_618, %iota3A_596 : vector<16xi32>
        %swap3A_620 = arith.constant 80 : index
        %swap3A_621 = tpu.vector_load %arg18[%swap3A_620] {strides = array<i32>} : memref<96xi32, #tpu.memory_space<vmem>>, vector<16xi32>,
        %swap3A_622 = vector.shape_cast %swap3A_621 : vector<16xi32> to vector<16xi32>
        %swap3A_623 = vector.shape_cast %add3A_619 : vector<16xi32> to vector<16xi32>
        tpu.vector_store %arg18[%swap3A_620], %swap3A_623 {strides = array<i32>} : memref<96xi32, #tpu.memory_space<vmem>>, vector<16xi32>,
        %dma_start3A_624 = arith.constant 0 : i32
        %dma_start3A_625 = arith.constant 0 : i32
        %dma_start3A_626 = tpu.memref_slice %arg9[%dma_start3A_624, %dma_start3A_625] : memref<96x384xf32, #tpu.memory_space<vmem>> -> memref<96x128xf32, #tpu.memory_space<vmem>>
        %dma_start3A_627 = arith.constant 0 : i32
        %dma_start3A_628 = arith.constant 0 : i32
        %dma_start3A_629 = tpu.memref_slice %arg2[%dma_start3A_627, %dma_start3A_628] : memref<10000x128xf32, #tpu.memory_space<hbm>> -> memref<10000x128xf32, #tpu.memory_space<hbm>>
        tpu.enqueue_indirect_dma source(%dma_start3A_629 : memref<10000x128xf32, #tpu.memory_space<hbm>>) target(%dma_start3A_626 : memref<96x128xf32, #tpu.memory_space<vmem>>) offsets(%arg12 : memref<96xi32, #tpu.memory_space<vmem>>) semaphore(%arg21 : memref<!tpu.dma_semaphore, #tpu.memory_space<semaphore_mem>>)
        %dma_start3A_630 = arith.constant 0 : i32
        %dma_start3A_631 = arith.constant 128 : i32
        %dma_start3A_632 = tpu.memref_slice %arg9[%dma_start3A_630, %dma_start3A_631] : memref<96x384xf32, #tpu.memory_space<vmem>> -> memref<96x128xf32, #tpu.memory_space<vmem>>
        %dma_start3A_633 = arith.constant 0 : i32
        %dma_start3A_634 = arith.constant 0 : i32
        %dma_start3A_635 = tpu.memref_slice %arg3[%dma_start3A_633, %dma_start3A_634] : memref<160000x128xf32, #tpu.memory_space<hbm>> -> memref<160000x128xf32, #tpu.memory_space<hbm>>
        tpu.enqueue_indirect_dma source(%dma_start3A_635 : memref<160000x128xf32, #tpu.memory_space<hbm>>) target(%dma_start3A_632 : memref<96x128xf32, #tpu.memory_space<vmem>>) offsets(%arg18 : memref<96xi32, #tpu.memory_space<vmem>>) semaphore(%arg24 : memref<!tpu.dma_semaphore, #tpu.memory_space<semaphore_mem>>)
        %dma_start3A_636 = arith.constant 0 : i32
        %dma_start3A_637 = arith.constant 256 : i32
        %dma_start3A_638 = tpu.memref_slice %arg9[%dma_start3A_636, %dma_start3A_637] : memref<96x384xf32, #tpu.memory_space<vmem>> -> memref<96x128xf32, #tpu.memory_space<vmem>>
        %dma_start3A_639 = arith.constant 0 : i32
        %dma_start3A_640 = arith.constant 0 : i32
        %dma_start3A_641 = tpu.memref_slice %arg2[%dma_start3A_639, %dma_start3A_640] : memref<10000x128xf32, #tpu.memory_space<hbm>> -> memref<10000x128xf32, #tpu.memory_space<hbm>>
        tpu.enqueue_indirect_dma source(%dma_start3A_641 : memref<10000x128xf32, #tpu.memory_space<hbm>>) target(%dma_start3A_638 : memref<96x128xf32, #tpu.memory_space<vmem>>) offsets(%arg15 : memref<96xi32, #tpu.memory_space<vmem>>) semaphore(%arg27 : memref<!tpu.dma_semaphore, #tpu.memory_space<semaphore_mem>>)
      } else {
      }
      %scan3A_446 = arith.constant 0 : i32
      scf.yield %scan3A_446 : i32
    }
    %scan3A_342 = arith.constant 18 : i32
    %dma_wait3A = arith.constant 0 : i32
    %dma_wait3A_343 = arith.constant 0 : i32
    %dma_wait3A_344 = tpu.memref_slice %arg5[%dma_wait3A, %dma_wait3A_343] : memref<160000x384xf32, #tpu.memory_space<hbm>> -> memref<160000x384xf32, #tpu.memory_space<hbm>>
    tpu.wait_indirect_dma semaphore(%arg29 : memref<!tpu.dma_semaphore, #tpu.memory_space<semaphore_mem>>) src(%arg8 : memref<96x384xf32, #tpu.memory_space<vmem>>) dst(%dma_wait3A_344 : memref<160000x384xf32, #tpu.memory_space<hbm>>)
    %dma_wait3A_345 = arith.constant 0 : i32
    %dma_wait3A_346 = arith.constant 0 : i32
    %dma_wait3A_347 = tpu.memref_slice %arg5[%dma_wait3A_345, %dma_wait3A_346] : memref<160000x384xf32, #tpu.memory_space<hbm>> -> memref<160000x384xf32, #tpu.memory_space<hbm>>
    tpu.wait_indirect_dma semaphore(%arg30 : memref<!tpu.dma_semaphore, #tpu.memory_space<semaphore_mem>>) src(%arg9 : memref<96x384xf32, #tpu.memory_space<vmem>>) dst(%dma_wait3A_347 : memref<160000x384xf32, #tpu.memory_space<hbm>>)
    %dma_wait3A_348 = arith.constant 0 : i32
    %dma_wait3A_349 = arith.constant 0 : i32
    %dma_wait3A_350 = tpu.memref_slice %arg5[%dma_wait3A_348, %dma_wait3A_349] : memref<160000x384xf32, #tpu.memory_space<hbm>> -> memref<160000x384xf32, #tpu.memory_space<hbm>>
    tpu.wait_indirect_dma semaphore(%arg31 : memref<!tpu.dma_semaphore, #tpu.memory_space<semaphore_mem>>) src(%arg10 : memref<96x384xf32, #tpu.memory_space<vmem>>) dst(%dma_wait3A_350 : memref<160000x384xf32, #tpu.memory_space<hbm>>)
    return
  }
}

module attributes {stable_mosaic.version = 14 : i64} {
  func.func @_attr_body(%arg0: i32, %arg1: memref<1x1x8000xi32, #tpu.memory_space<vmem>>, %arg2: memref<1x1x8000xf32, #tpu.memory_space<vmem>>, %arg3: memref<40x128xf32, #tpu.memory_space<vmem>>, %arg4: memref<8000x128xf32, #tpu.memory_space<vmem>>) attributes {dimension_semantics = [#tpu.dimension_semantics<arbitrary>], iteration_bounds = array<i64: 20>, scalar_prefetch = 0 : i64, scratch_operands = 0 : i64, tpu.core_type = #tpu.core_type<tc>, window_params = [{transform_indices = @transform_0, window_bounds = array<i64: 1, 1, 8000>}, {transform_indices = @transform_1, window_bounds = array<i64: 1, 1, 8000>}, {pipeline_mode = #tpu.pipeline_mode<synchronous>, transform_indices = @transform_2, window_bounds = array<i64: 40, 128>}, {transform_indices = @transform_3, window_bounds = array<i64: 8000, 128>}]} {
    %get3A = arith.constant 0 : index
    %get3A_0 = arith.constant 0 : index
    %get3A_1 = arith.constant 0 : index
    %get3A_2 = vector.load %arg1[%get3A, %get3A_0, %get3A_1] : memref<1x1x8000xi32, #tpu.memory_space<vmem>>, vector<1x1x8000xi32>
    %get3A_3 = vector.shape_cast %get3A_2 : vector<1x1x8000xi32> to vector<8000xi32>
    %get3A_4 = arith.constant 0 : index
    %get3A_5 = arith.constant 0 : index
    %get3A_6 = arith.constant 0 : index
    %get3A_7 = vector.load %arg2[%get3A_4, %get3A_5, %get3A_6] : memref<1x1x8000xf32, #tpu.memory_space<vmem>>, vector<1x1x8000xf32>
    %get3A_8 = vector.shape_cast %get3A_7 : vector<1x1x8000xf32> to vector<8000xf32>
    %broadcast_in_dim3A = vector.shape_cast %get3A_3 : vector<8000xi32> to vector<8000x1xi32>
    %iota3A = tpu.iota {dimensions = array<i32: 1>} : vector<8000x40xi32>
    %eq3A = vector.broadcast %broadcast_in_dim3A : vector<8000x1xi32> to vector<8000x40xi32>
    %eq3A_9 = arith.cmpi eq, %eq3A, %iota3A : vector<8000x40xi32>
    %broadcast_in_dim3A_10 = vector.shape_cast %get3A_8 : vector<8000xf32> to vector<8000x1xf32>
    %convert_element_type3A = arith.extui %eq3A_9 : vector<8000x40xi1> to vector<8000x40xi32>
    %convert_element_type3A_11 = arith.sitofp %convert_element_type3A : vector<8000x40xi32> to vector<8000x40xf32>
    %get3A_12 = arith.constant 0 : index
    %get3A_13 = arith.constant 0 : index
    %get3A_14 = vector.load %arg3[%get3A_12, %get3A_13] : memref<40x128xf32, #tpu.memory_space<vmem>>, vector<40x128xf32>
    %dot_general3A = arith.constant dense<0.000000e+00> : vector<8000x128xf32>
    %dot_general3A_15 = tpu.matmul %convert_element_type3A_11, %get3A_14, %dot_general3A {dimension_numbers = #tpu.dot_dimension_numbers<[1], [0], [0], [1], [0, 0, 1, 1], [], []>, transpose_lhs_hint = false} : vector<8000x40xf32>, vector<40x128xf32>, vector<8000x128xf32> -> vector<8000x128xf32>
    %mul3A = vector.broadcast %broadcast_in_dim3A_10 : vector<8000x1xf32> to vector<8000x128xf32>
    %mul3A_16 = arith.mulf %mul3A, %dot_general3A_15 : vector<8000x128xf32>
    %swap3A = arith.constant 0 : index
    %swap3A_17 = arith.constant 0 : index
    %swap3A_18 = vector.load %arg4[%swap3A, %swap3A_17] : memref<8000x128xf32, #tpu.memory_space<vmem>>, vector<8000x128xf32>
    tpu.vector_store %arg4[%swap3A, %swap3A_17], %mul3A_16 {strides = array<i32>} : memref<8000x128xf32, #tpu.memory_space<vmem>>, vector<8000x128xf32>,
    return
  }
  func.func @transform_0(%arg0: i32) -> (i32, i32, i32) {
    %c0_i32 = arith.constant 0 : i32
    %c0_i32_0 = arith.constant 0 : i32
    %c0_i32_1 = arith.constant 0 : i32
    return %arg0, %c0_i32, %c0_i32_0 : i32, i32, i32
  }
  func.func @transform_1(%arg0: i32) -> (i32, i32, i32) {
    %c0_i32 = arith.constant 0 : i32
    %c0_i32_0 = arith.constant 0 : i32
    %c0_i32_1 = arith.constant 0 : i32
    return %arg0, %c0_i32, %c0_i32_0 : i32, i32, i32
  }
  func.func @transform_2(%arg0: i32) -> (i32, i32) {
    %c0_i32 = arith.constant 0 : i32
    %c0_i32_0 = arith.constant 0 : i32
    %c0_i32_1 = arith.constant 0 : i32
    return %c0_i32, %c0_i32_0 : i32, i32
  }
  func.func @transform_3(%arg0: i32) -> (i32, i32) {
    %c0_i32 = arith.constant 0 : i32
    %c0_i32_0 = arith.constant 0 : i32
    return %arg0, %c0_i32 : i32, i32
  }
}

module attributes {stable_mosaic.version = 14 : i64} {
  func.func @_upd_body(%arg0: i32, %arg1: memref<2x2000x128xf32, #tpu.memory_space<vmem>>, %arg2: memref<2000x128xf32, #tpu.memory_space<vmem>>, %arg3: memref<128x128xf32, #tpu.memory_space<vmem>>, %arg4: memref<128x128xf32, #tpu.memory_space<vmem>>, %arg5: memref<2000x128xf32, #tpu.memory_space<vmem>>) attributes {dimension_semantics = [#tpu.dimension_semantics<arbitrary>], iteration_bounds = array<i64: 5>, scalar_prefetch = 0 : i64, scratch_operands = 0 : i64, tpu.core_type = #tpu.core_type<tc>, window_params = [{transform_indices = @transform_0, window_bounds = array<i64: 2, 2000, 128>}, {transform_indices = @transform_1, window_bounds = array<i64: 2000, 128>}, {pipeline_mode = #tpu.pipeline_mode<synchronous>, transform_indices = @transform_2, window_bounds = array<i64: 128, 128>}, {pipeline_mode = #tpu.pipeline_mode<synchronous>, transform_indices = @transform_3, window_bounds = array<i64: 128, 128>}, {transform_indices = @transform_4, window_bounds = array<i64: 2000, 128>}]} {
    %get3A = arith.constant 0 : index
    %get3A_0 = arith.constant 0 : index
    %get3A_1 = arith.constant 0 : index
    %get3A_2 = vector.load %arg1[%get3A, %get3A_0, %get3A_1] : memref<2x2000x128xf32, #tpu.memory_space<vmem>>, vector<1x2000x128xf32>
    %get3A_3 = vector.shape_cast %get3A_2 : vector<1x2000x128xf32> to vector<2000x128xf32>
    %get3A_4 = arith.constant 1 : index
    %get3A_5 = arith.constant 0 : index
    %get3A_6 = arith.constant 0 : index
    %get3A_7 = vector.load %arg1[%get3A_4, %get3A_5, %get3A_6] : memref<2x2000x128xf32, #tpu.memory_space<vmem>>, vector<1x2000x128xf32>
    %get3A_8 = vector.shape_cast %get3A_7 : vector<1x2000x128xf32> to vector<2000x128xf32>
    %add3A = arith.addf %get3A_3, %get3A_8 : vector<2000x128xf32>
    %get3A_9 = arith.constant 0 : index
    %get3A_10 = arith.constant 0 : index
    %get3A_11 = vector.load %arg3[%get3A_9, %get3A_10] : memref<128x128xf32, #tpu.memory_space<vmem>>, vector<128x128xf32>
    %dot_general3A = arith.constant dense<0.000000e+00> : vector<2000x128xf32>
    %dot_general3A_12 = tpu.matmul %add3A, %get3A_11, %dot_general3A {dimension_numbers = #tpu.dot_dimension_numbers<[1], [0], [0], [1], [0, 0, 1, 1], [], []>, transpose_lhs_hint = false} : vector<2000x128xf32>, vector<128x128xf32>, vector<2000x128xf32> -> vector<2000x128xf32>
    %get3A_13 = arith.constant 0 : index
    %get3A_14 = arith.constant 0 : index
    %get3A_15 = vector.load %arg2[%get3A_13, %get3A_14] : memref<2000x128xf32, #tpu.memory_space<vmem>>, vector<2000x128xf32>
    %get3A_16 = arith.constant 0 : index
    %get3A_17 = arith.constant 0 : index
    %get3A_18 = vector.load %arg4[%get3A_16, %get3A_17] : memref<128x128xf32, #tpu.memory_space<vmem>>, vector<128x128xf32>
    %dot_general3A_19 = arith.constant dense<0.000000e+00> : vector<2000x128xf32>
    %dot_general3A_20 = tpu.matmul %get3A_15, %get3A_18, %dot_general3A_19 {dimension_numbers = #tpu.dot_dimension_numbers<[1], [0], [0], [1], [0, 0, 1, 1], [], []>, transpose_lhs_hint = false} : vector<2000x128xf32>, vector<128x128xf32>, vector<2000x128xf32> -> vector<2000x128xf32>
    %add3A_21 = arith.addf %dot_general3A_12, %dot_general3A_20 : vector<2000x128xf32>
    %max3A = arith.constant 0.000000e+00 : f32
    %max3A_22 = vector.broadcast %max3A : f32 to vector<2000x128xf32>
    %max3A_23 = arith.maximumf %add3A_21, %max3A_22 : vector<2000x128xf32>
    %swap3A = arith.constant 0 : index
    %swap3A_24 = arith.constant 0 : index
    %swap3A_25 = vector.load %arg5[%swap3A, %swap3A_24] : memref<2000x128xf32, #tpu.memory_space<vmem>>, vector<2000x128xf32>
    tpu.vector_store %arg5[%swap3A, %swap3A_24], %max3A_23 {strides = array<i32>} : memref<2000x128xf32, #tpu.memory_space<vmem>>, vector<2000x128xf32>,
    return
  }
  func.func @transform_0(%arg0: i32) -> (i32, i32, i32) {
    %c0_i32 = arith.constant 0 : i32
    %c0_i32_0 = arith.constant 0 : i32
    %c0_i32_1 = arith.constant 0 : i32
    return %c0_i32, %arg0, %c0_i32_0 : i32, i32, i32
  }
  func.func @transform_1(%arg0: i32) -> (i32, i32) {
    %c0_i32 = arith.constant 0 : i32
    %c0_i32_0 = arith.constant 0 : i32
    return %arg0, %c0_i32 : i32, i32
  }
  func.func @transform_2(%arg0: i32) -> (i32, i32) {
    %c0_i32 = arith.constant 0 : i32
    %c0_i32_0 = arith.constant 0 : i32
    %c0_i32_1 = arith.constant 0 : i32
    return %c0_i32, %c0_i32_0 : i32, i32
  }
  func.func @transform_3(%arg0: i32) -> (i32, i32) {
    %c0_i32 = arith.constant 0 : i32
    %c0_i32_0 = arith.constant 0 : i32
    %c0_i32_1 = arith.constant 0 : i32
    return %c0_i32, %c0_i32_0 : i32, i32
  }
  func.func @transform_4(%arg0: i32) -> (i32, i32) {
    %c0_i32 = arith.constant 0 : i32
    %c0_i32_0 = arith.constant 0 : i32
    return %arg0, %c0_i32 : i32, i32
  }
}

module attributes {stable_mosaic.version = 14 : i64} {
  func.func @_mm_body(%arg0: i32, %arg1: memref<2048x128xf32, #tpu.memory_space<vmem>>, %arg2: memref<128x128xf32, #tpu.memory_space<vmem>>, %arg3: memref<2048x128xf32, #tpu.memory_space<vmem>>) attributes {dimension_semantics = [#tpu.dimension_semantics<arbitrary>], iteration_bounds = array<i64: 5>, scalar_prefetch = 0 : i64, scratch_operands = 0 : i64, tpu.core_type = #tpu.core_type<tc>, window_params = [{transform_indices = @transform_0, window_bounds = array<i64: 2048, 128>}, {pipeline_mode = #tpu.pipeline_mode<synchronous>, transform_indices = @transform_1, window_bounds = array<i64: 128, 128>}, {transform_indices = @transform_2, window_bounds = array<i64: 2048, 128>}]} {
    %get3A = arith.constant 0 : index
    %get3A_0 = arith.constant 0 : index
    %get3A_1 = vector.load %arg1[%get3A, %get3A_0] : memref<2048x128xf32, #tpu.memory_space<vmem>>, vector<2048x128xf32>
    %get3A_2 = arith.constant 0 : index
    %get3A_3 = arith.constant 0 : index
    %get3A_4 = vector.load %arg2[%get3A_2, %get3A_3] : memref<128x128xf32, #tpu.memory_space<vmem>>, vector<128x128xf32>
    %dot_general3A = arith.constant dense<0.000000e+00> : vector<2048x128xf32>
    %dot_general3A_5 = tpu.matmul %get3A_1, %get3A_4, %dot_general3A {dimension_numbers = #tpu.dot_dimension_numbers<[1], [0], [0], [1], [0, 0, 1, 1], [], []>, transpose_lhs_hint = false} : vector<2048x128xf32>, vector<128x128xf32>, vector<2048x128xf32> -> vector<2048x128xf32>
    %swap3A = arith.constant 0 : index
    %swap3A_6 = arith.constant 0 : index
    %swap3A_7 = vector.load %arg3[%swap3A, %swap3A_6] : memref<2048x128xf32, #tpu.memory_space<vmem>>, vector<2048x128xf32>
    tpu.vector_store %arg3[%swap3A, %swap3A_6], %dot_general3A_5 {strides = array<i32>} : memref<2048x128xf32, #tpu.memory_space<vmem>>, vector<2048x128xf32>,
    return
  }
  func.func @transform_0(%arg0: i32) -> (i32, i32) {
    %c0_i32 = arith.constant 0 : i32
    %c0_i32_0 = arith.constant 0 : i32
    return %arg0, %c0_i32 : i32, i32
  }
  func.func @transform_1(%arg0: i32) -> (i32, i32) {
    %c0_i32 = arith.constant 0 : i32
    %c0_i32_0 = arith.constant 0 : i32
    %c0_i32_1 = arith.constant 0 : i32
    return %c0_i32, %c0_i32_0 : i32, i32
  }
  func.func @transform_2(%arg0: i32) -> (i32, i32) {
    %c0_i32 = arith.constant 0 : i32
    %c0_i32_0 = arith.constant 0 : i32
    return %arg0, %c0_i32 : i32, i32
  }
}

</mosaic_0001>

<sc_bundles>
// kernel: kernel.11.cloned.1.call-start
scs
__scs_entry_jumppad:
0x0: {  	(pc) =	sbr.rel $0x88, $3  }
0x1: {  	(tag) =	ssettag $0x0;
	lr =	simm.s32 $0x1  }
0x2: {  	[smem:$0x3F99] =	sst lr;
	_ =	strace $0xD0000000  }
0x3: {  	_ = 	snop  }
0x4: {  	_ = 	snop  }
0x5: {  	_ = 	snop  }
0x6: {  	_ = 	snop  }
0x7: {  	_ = 	snop  }
__scs_overlays_trampoline_lowered:
0x8: {  	[smem:$0x3FA8] =	sst s0  }
0x9: {  	[smem:$0x3FA9] =	sst s1  }
0xa: {  	[smem:$0x3FAA] =	sst s2  }
0xb: {  	[smem:$0x3FAB] =	sst s3  }
0xc: {  	[smem:$0x3FAC] =	sst s4  }
0xd: {  	[smem:$0x3FAD] =	sst s5  }
0xe: {  	[smem:$0x3FAE] =	sst s6  }
0xf: {  	[smem:$0x3FAF] =	sst s7  }
0x10: {  	[smem:$0x3FB0] =	sst s8  }
0x11: {  	[smem:$0x3FB1] =	sst s9;
	s0 =	simm.s32 @!p0 $0x0  }
0x12: {  	s1 =	sld [smem:$0x3F97];
	s0 =	simm.s32 @p0 $0x1  }
0x13: {  	[smem:$0x3FB2] =	sst s0;
	s0 =	simm.s32 @!p1 $0x0  }
0x14: {  	s2 =	sld [smem:$0x3F96];
	s0 =	simm.s32 @p1 $0x1  }
0x15: {  	[smem:$0x3FB3] =	sst s0;
	s0 =	simm.s32 @!p2 $0x0  }
0x16: {  	s3 =	sld [smem:$0x3FDB];
	s0 =	simm.s32 @p2 $0x1  }
0x17: {  	s4 =	simm.s32 $0x1BF5;
	[smem:$0x3FB5] =	sst s0  }
0x18: {  	s0 =	sld [smem:$0x3F98];
	_ =	swait.ge [sflag:s4], $0x0  }
0x19: {  	s7 =	sld [smem:$0x3F99]  }
0x1a: {  	s8 =	sadd.s32 $0xFFFFE003, lr  }
0x1b: {  	s9 =	sadd.s32 $0xFFFFFEF7, lr;
	s5 =	simm.s32 $0xFFFFFFFF;
	p2 =	slt.u32 s8, $0xFFFFF086  }
0x1c: {  	p1 =	slt.u32 s9, $0xF7A;
	s5 =	simm.s32 @!p2 $0x0  }
0x1d: {  	s5 =	simm.s32 @p1 $0x1;
	p0 =	seq.s32 s7, s2  }
0x1e: {  	s7 =	smul.u32 @!p0 $0xF7A, s2;
	p2 =	seq.s32 @!p0 s5, $0x0  }
0x1f: {  	s9 =	smul.u32 $0xF7A, s1;
	s8 =	simm.s32 @!p0 $0x1BF5;
	p2 =	por !p2, p0  }
0x20: {  	[sflag:s8] =	ssyncset.s32 @!p0 $0xFFFFF086;
	s6 =	sadd.s32 @!p0 s3, s7;
	s7 =	simm.s32 @!p0 $0x108  }
0x21: {  	s3 =	sadd.s32 s3, s9;
	s6 =	sadd.s32 @!p0 $0x88, s6;
	s7 =	simm.s32 @p2 $0x1082  }
0x22: {  	[simem:s7], [sflag:s8] =	dma.local @!p0 [hbm:s6], $0xF7A  }
0x23: {  	s9 =	sor.u32 $0xD0000000, s2;
	s6 =	simm.s32 $0x108;
	_ =	swait.ge @!p0 [sflag:s8], $0x0  }
0x24: {  	s3 =	sadd.s32 $0x88, s3;
	s6 =	simm.s32 @!p1 $0x1082;
	[sflag:s4] =	ssyncset.s32 $0xFFFFF086  }
0x25: {  	[simem:s6], [sflag:s4] =	dma.local [hbm:s3], $0xF7A  }
0x26: {  	[smem:$0x3F99] =	sst s1;
	(tag) =	ssettag s2;
	_ =	strace s9  }
0x27: {  	s1 =	sld [smem:$0x3FA9]  }
0x28: {  	s2 =	sld [smem:$0x3FAA]  }
0x29: {  	s4 =	sld [smem:$0x3FAC]  }
0x2a: {  	p0 =	seq.s32 s5, $0x0;
	s5 =	sld [smem:$0x3FAD]  }
0x2b: {  	s6 =	sld [smem:$0x3FAE]  }
0x2c: {  	s7 =	sld [smem:$0x3FAF]  }
0x2d: {  	s3 =	simm.s32 $0x108;
	s8 =	sld [smem:$0x3FB0]  }
0x2e: {  	s3 =	simm.s32 @!p0 $0x1082;
	s9 =	sld [smem:$0x3FB1]  }
0x2f: {  	lr =	sadd.s32 s0, s3;
	s0 =	sld [smem:$0x3FA8]  }
0x30: {  	s3 =	sld [smem:$0x3FAB]  }
0x31: {  	[smem:$0x3FB4] =	sst s10  }
0x32: {  	s10 =	sld [smem:$0x3FB2];
	_ =	sdelay $0x3  }
0x33: {  	p0 =	seq.s32 s10, $0x1;
	s10 =	sld [smem:$0x3FB4];
	_ =	sdelay $0x3  }
0x34: {  	[smem:$0x3FB4] =	sst s10  }
0x35: {  	s10 =	sld [smem:$0x3FB3];
	_ =	sdelay $0x3  }
0x36: {  	p1 =	seq.s32 s10, $0x1;
	s10 =	sld [smem:$0x3FB4];
	_ =	sdelay $0x3  }
0x37: {  	[smem:$0x3FB4] =	sst s10  }
0x38: {  	s10 =	sld [smem:$0x3FB5]  }
0x39: {  	_ = 	snop;
	(pc) =	sbr.ind lr, $3  }
0x3a: {  	_ = 	snop  }
0x3b: {  	_ = 	snop  }
0x3c: {  	p2 =	seq.s32 s10, $0x1;
	s10 =	sld [smem:$0x3FB4]  }
0x3d: {  	_ =	shalt  }
0x3e: {  	_ =	shalt  }
0x3f: {  	_ =	shalt  }
0x40: {  	_ =	shalt  }
0x41: {  	_ =	shalt  }
0x42: {  	_ =	shalt  }
0x43: {  	_ =	shalt  }
0x44: {  	_ =	shalt  }
0x45: {  	_ =	shalt  }
0x46: {  	_ =	shalt  }
0x47: {  	_ =	shalt  }
0x48: {  	_ =	shalt  }
0x49: {  	_ =	shalt  }
0x4a: {  	_ =	shalt  }
0x4b: {  	_ =	shalt  }
0x4c: {  	_ =	shalt  }
0x4d: {  	_ =	shalt  }
0x4e: {  	_ =	shalt  }
0x4f: {  	_ =	shalt  }
0x50: {  	_ =	shalt  }
0x51: {  	_ =	shalt  }
0x52: {  	_ =	shalt  }
0x53: {  	_ =	shalt  }
0x54: {  	_ =	shalt  }
0x55: {  	_ =	shalt  }
0x56: {  	_ =	shalt  }
0x57: {  	_ =	shalt  }
0x58: {  	_ =	shalt  }
0x59: {  	_ =	shalt  }
0x5a: {  	_ =	shalt  }
0x5b: {  	_ =	shalt  }
0x5c: {  	_ =	shalt  }
0x5d: {  	_ =	shalt  }
0x5e: {  	_ =	shalt  }
0x5f: {  	_ =	shalt  }
0x60: {  	_ =	shalt  }
0x61: {  	_ =	shalt  }
0x62: {  	_ =	shalt  }
0x63: {  	_ =	shalt  }
0x64: {  	_ =	shalt  }
0x65: {  	_ =	shalt  }
0x66: {  	_ =	shalt  }
0x67: {  	_ =	shalt  }
0x68: {  	_ =	shalt  }
0x69: {  	_ =	shalt  }
0x6a: {  	_ =	shalt  }
0x6b: {  	_ =	shalt  }
0x6c: {  	_ =	shalt  }
0x6d: {  	_ =	shalt  }
0x6e: {  	_ =	shalt  }
0x6f: {  	_ =	shalt  }
0x70: {  	_ =	shalt  }
0x71: {  	_ =	shalt  }
0x72: {  	_ =	shalt  }
0x73: {  	_ =	shalt  }
0x74: {  	_ =	shalt  }
0x75: {  	_ =	shalt  }
0x76: {  	_ =	shalt  }
0x77: {  	_ =	shalt  }
0x78: {  	_ =	shalt  }
0x79: {  	_ =	shalt  }
0x7a: {  	_ =	shalt  }
0x7b: {  	_ =	shalt  }
0x7c: {  	_ =	shalt  }
0x7d: {  	_ =	shalt  }
0x7e: {  	_ =	shalt  }
0x7f: {  	_ =	shalt  }
0x80: {  	_ =	shalt  }
0x81: {  	_ =	shalt  }
0x82: {  	_ =	shalt  }
0x83: {  	_ =	shalt  }
0x84: {  	_ =	shalt  }
0x85: {  	_ =	shalt  }
0x86: {  	_ =	shalt  }
0x87: {  	_ =	shalt  }
.Lfunc_end0:
.L_simem_size_0:
called_computation.1_lowered:
.L_overlay_start_0:
0x88: {  	s2 =	sld [smem:$0x3FD9]  }
0x89: {  	s3 =	sld [smem:$0x3FFE];
	_ =	sdelay $0x1  }
0x8a: {  	s1 =	srdreg.scid  }
0x8b: {  	s0 =	sand.u32 $0x1, s1  }
0x8c: {  	s17 =	sshll.u32 s0, $0xA;
	s2 =	sadd.s32 s3, s2  }
0x8d: {  	s2 =	sadd.s32 s2, s17  }
0x8e: {  	[smem:$0x3FC0] =	sst s2  }
0x8f: {  	_ = 	snop  }
0x90: {  	s2 =	sld [smem:$0x3FD0];
	(tm) =	ssettm $0x1  }
0x91: {  	s18 =	sld [smem:$0x3FFB];
	_ =	sdelay $0x3  }
0x92: {  	_ =	strace s18  }
0x93: {  	s3 =	sld [smem:$0x3FFC];
	_ =	sdelay $0x3  }
0x94: {  	_ =	strace s3  }
0x95: {  	s3 =	sld [smem:$0x3FFD];
	_ =	sdelay $0x3  }
0x96: {  	_ =	strace s3  }
0x97: {  	_ =	strace $0x8FFFFFFF  }
0x98: {  	s19 =	sld [smem:$0x3FDB];
	_ =	sdelay $0x1  }
0x99: {  	s4 =	simm.s32 $_scs_section_size  }
0x9a: {  	s5 =	simm.s32 $_size__tile_overlayer_lowered;
	s6 =	simm.s32 $_tile_overlayer_lowered  }
0x9b: {  	s22 =	simm.s32 $0x1BFF;
	s21 =	sshll.u32 s6, $0x1;
	s3 =	sadd.s32 s4, s19  }
0x9c: {  	s7 =	simm.s32 $0x0;
	s20 =	sshll.u32 s5, $0x1;
	s5 =	sadd.s32 s21, s3  }
0x9d: {  	[timem:s7], [sflag:s22] =	dma.local [hbm:s5], s20  }
0x9e: {  	_ =	swait.ge [sflag:s22], s20  }
0x9f: {  	s4 =	ssub.s32 $0x0, s20;
	[sflag:s22] =	ssyncset.done $0x0  }
0xa0: {  	[sflag:s22] =	ssyncadd.s32 s4;
	_ =	sdelay $0x1  }
0xa1: {  	s23 =	simm.s32 $0x1B8B  }
0xa2: {  	_ =	swait.ge [sflag:s23], $0x1  }
0xa3: {  	[sflag:s23] =	ssyncset.done $0x0  }
0xa4: {  	s25 =	simm.s32 $0x1B8E;
	s24 =	sld [smem:$0x3FFE];
	[sflag:s23] =	ssyncadd.s32 $0xFFFFFFFF  }
0xa5: {  	s26 =	simm.s32 $execute0_lowered;
	[smem:$0x3FD2] =	sst s25  }
0xa6: {  	s5 =	sshll.u32 s26, $0x1;
	_ =	strace $0x80000049;
	[dreg:$0x1] =	wrdreg $0xFFFFFFFF  }
0xa7: {  	s28 =	simm.s32 $_size_execute0_lowered;
	s3 =	sadd.s32 s3, s5;
	[dreg:$0x0] =	wrdreg $0x0  }
0xa8: {  	s5 =	sshll.u32 s28, $0x1;
	[dreg:$0x2] =	wrdreg s3  }
0xa9: {  	[dreg:$0x3] =	wrdreg s5  }
0xaa: {  	[dreg:$0x4] =	wrdreg $0xC0  }
0xab: {  	_ =	task [dreg:s7], $0x5FFFF  }
0xac: {  	[dreg:$0x1] =	wrdreg $0xFFFFFFFF  }
0xad: {  	[dreg:$0x0] =	wrdreg $0x60  }
0xae: {  	[dreg:$0x2] =	wrdreg s24  }
0xaf: {  	[dreg:$0x3] =	wrdreg s2  }
0xb0: {  	[dreg:$0x4] =	wrdreg $0x9  }
0xb1: {  	_ =	task.clear_ibuf [dreg:s7], $0x5FFFF;
	_ =	strace $0x90000049  }
0xb2: {  	s29 =	simm.s32 $0x9;
	_ =	strace $0x8000004B  }
0xb3: {  	_ =	swait.ge [sflag:s29], $0x1  }
0xb4: {  	[sflag:s29] =	ssyncadd.s32 $0xFFFFFFFF  }
0xb5: {  	_ =	strace $0x9000004B  }
0xb6: {  	_ =	sfence  }
0xb7: {  	s30 =	sld [smem:$0x0];
	_ =	sdelay $0x2  }
0xb8: {  	s31 =	sshll.u32 s1, $0xD;
	s1 =	sshrl.u32 s1, $0x2  }
0xb9: {  	s3 =	sand.u32 $0x4000, s31;
	s1 =	sadd.s32 s1, s30  }
0xba: {  	s0 =	sor.u32 s3, s0;
	s1 =	sshll.u32 s1, $0x11  }
0xbb: {  	s0 =	sor.u32 s1, s0  }
0xbc: {  	s0 =	sadd.s32 $0x8F2B, s0  }
0xbd: {  	[sflag:s0] =	ssyncadd.remote.s32 $0x1  }
0xbe: {  	_ =	sfence.sel $0xFFFF  }
0xbf: {  	[dreg:$0x0] =	wrdreg $0xFFFFFFFF;
	(pc) =	sbr.abs _section_cstart, $3  }
0xc0: {  	[dreg:$0x1] =	wrdreg $0xFFFFFFFF  }
0xc1: {  	_ =	task.clear_ibuf [dreg:s7], $0x2FFFF;
	_ =	strace $0x9FFFFFFF  }
0xc2: {  	(tm) =	ssettm $0x7FFFFFFF  }
0xc3: {  	_ =	shalt  }
tec
execute0_lowered:
.L_overlay_start_1:
0x0: {  	(tag) =	ssettag $0x1  }
0x1: {  	s0 =	rddreg [dreg:$0x0]  }
0x2: {  	s1 =	srdreg.scid;
	s3 =	stileid.u32  }
0x3: {  	s2 =	rddreg [dreg:$0x1];
	s25 =	simm.s32 $0xB800;
	s26 =	simm.s32 $0xC400  }
0x4: {  	s28 =	simm.s32 $0xD000;
	s29 =	simm.s32 $0xDC00;
	s30 =	simm.s32 $0xE800  }
0x5: {  	s31 =	simm.s32 $0xF400;
	s13 =	simm.s32 $0xD800;
	s21 =	simm.s32 $0x12000  }
0x6: {  	s22 =	simm.s32 $0x12C00;
	s1 =	sand.u32 $0x1, s1;
	s4 =	sshll.u32 s3, $0x1  }
0x7: {  	s3 =	simm.s32 $0x0;
	s5 =	sadd.s32 $0xB600, s0;
	s6 =	sadd.s32 $0x81800, s0  }
0x8: {  	s9 =	sadd.s32 $0x100, s2;
	s4 =	sor.u32 s1, s4;
	s1 =	ssub.s32 $0x2, s1  }
0x9: {  	[smem:$0x7FF] =	sst s3;
	s4 =	smul.u32 $0x1388, s4;
	s8 =	sshrl.u32 s1, $0x1  }
0xa: {  	_ =	strace $0x8000004A;
	s8 =	ssub.s32 s1, s8;
	s1 =	simm.s32 $0x10000  }
0xb: {  	s7 =	sshrl.u32 s4, $0x3;
	s11 =	sadd.s32 $0x10, s4;
	s19 =	sadd.s32 $0x20, s4  }
0xc: {  	s20 =	sadd.s32 $0x30, s4;
	s23 =	sadd.s32 $0x40, s4;
	s24 =	sadd.s32 $0x50, s4  }
0xd: {  	s12 =	sadd.s32 $0x60, s4;
	s14 =	sadd.s32 $0x70, s4;
	s15 =	sadd.s32 $0x80, s4  }
0xe: {  	s16 =	sadd.s32 $0x90, s4;
	s17 =	sadd.s32 $0xA0, s4;
	s8 =	smax.u32 s8, $0x1  }
0xf: {  	v0 =	vlaneseq.u32;
	s18 =	sadd.s32 $0xB0, s4;
	s0 =	sadd.s32 s7, s0;
	[dreg:$0x5] =	wrdreg s8  }
0x10: {  	vm0 =	vmmov $0xff;
	s8 =	simm.s32 $0xC000;
	v2 =	vadd.s32 s19, v0;
	s19 =	simm.s32 $0x10800;
	v3 =	vadd.s32 s20, v0;
	s20 =	simm.s32 $0x11400  }
.Ltmp0:
0x11: {  	vm1 =	vmmov $0xffff;
	v14 =	vshrl.u32 v0, $0x3;
	s7 =	simm.s32 $0x12400;
	v6 =	vadd.s32 s12, v0;
	s12 =	simm.s32 $0x11800;
	(pc) =	sbr.rel .LBB2_1-.Ltmp0, $4  }
0x12: {  	v7 =	vadd.s32 s14, v0;
	s14 =	simm.s32 $0x13000;
	v8 =	vadd.s32 s15, v0;
	s15 =	simm.s32 $0x13C00;
	v9 =	vadd.s32 s16, v0;
	s16 =	simm.s32 $0xE400  }
0x13: {  	v13 =	vand.u32 $0x7, v0;
	v10 =	vadd.s32 s17, v0;
	s17 =	simm.s32 $0xF000;
	v11 =	vadd.s32 s18, v0;
	s18 =	simm.s32 $0xFC00;
	s10 =	sadd.s32 $0x1800, s0  }
0x14: {  	v15 =	vor.u32 $0x8, v0;
	v14 =	vmul.u32 $0x8, v14;
	v4 =	vadd.s32 s23, v0;
	s23 =	simm.s32 $0x0;
	s0 =	sadd.s32 $0x6620, s0;
	[dreg:$0x3] =	wrdreg s10  }
0x15: {  	v12 =	vadd.s32 s4, v0;
	v1 =	vadd.s32 s11, v0;
	v5 =	vadd.s32 s24, v0;
	[dreg:$0x4] =	wrdreg s0;
	s10 =	simm.s32 $0xCC00;
	s0 =	simm.s32 $0x10C00  }
.LBB2_6:
0x16: {  	s8 =	simm.s32 $0xA  }
0x17: {  	_ =	swait.ge [sflag:s8], $0x9000  }
0x18: {  	[sflag:s8] =	ssyncset.done $0x0  }
0x19: {  	s23 =	simm.s32 $0xB;
	[sflag:s8] =	ssyncadd.s32 $0xFFFF7000  }
0x1a: {  	_ =	swait.ge [sflag:s23], $0x9000  }
0x1b: {  	[sflag:s23] =	ssyncset.done $0x0  }
0x1c: {  	s24 =	simm.s32 $0xC;
	[sflag:s23] =	ssyncadd.s32 $0xFFFF7000  }
0x1d: {  	_ =	swait.ge [sflag:s24], $0x9000  }
0x1e: {  	s23 =	rddreg [dreg:$0x6]  }
0x1f: {  	s11 =	rddreg [dreg:$0x5];
	s23 =	sadd.s32 $0x1, s23  }
0x20: {  	p0 =	sne.s32 s23, s11  }
.Ltmp1:
0x21: {  	_ = 	snop;
	(pc) =	sbr.rel @!p0 .LBB2_7-.Ltmp1, $3  }
0x22: {  	_ =	sdelay $0x1  }
0x23: {  	[sflag:s24] =	ssyncset.done $0x0  }
0x24: {  	s8 =	simm.s32 $0xC000;
	[sflag:s24] =	ssyncadd.s32 $0xFFFF7000  }
.LBB2_1:
0x25: {  	[dreg:$0x6] =	wrdreg s23  }
0x26: {  	s11 =	rddreg [dreg:$0x3];
	s23 =	simm.s32 $0xD  }
0x27: {  	[tilespmem:s3], [sflag:$0xD] =	stream.linear.gather [hbm4b:s11+s3], $0x1388, $0x38;
	[tilespmem:$0x1DC80] =	vst v63  }
0x28: {  	_ =	swait.ge [sflag:s23], $0x1388  }
0x29: {  	[sflag:s23] =	ssyncset.done $0x0  }
0x2a: {  	s24 =	simm.s32 $0x1400;
	s11 =	rddreg [dreg:$0x4];
	[sflag:s23] =	ssyncadd.s32 $0xFFFFEC78  }
0x2b: {  	[tilespmem:s24], [sflag:$0xD] =	stream.linear.gather [hbm4b:s11+s3], $0x1388, $0x38;
	[tilespmem:$0x1DC80] =	vst v63  }
0x2c: {  	_ =	swait.ge [sflag:s23], $0x1388  }
0x2d: {  	[sflag:s23] =	ssyncset.done $0x0  }
0x2e: {  	[sflag:s23] =	ssyncadd.s32 $0xFFFFEC78  }
0x2f: {  	v16 =	vld [tilespmem:$0x0];
	_ =	sdelay $0x1  }
0x30: {  	v17 =	vld [tilespmem:$0x1400];
	_ =	sdelay $0x1  }
0x31: {  	[tilespmem:$0x1DB00] =	vst v12  }
0x32: {  	[tilespmem:$0x1D800] =	vst v16;
	v16 =	vld [tilespmem:$0x20]  }
0x33: {  	[tilespmem:$0x1DB10] =	vst v1  }
0x34: {  	[tilespmem:$0x1D980] =	vst v17;
	v17 =	vld [tilespmem:$0x1420]  }
0x35: {  	v18 =	vld [tilespmem:$0x10];
	[tilespmem:$0x1DB20] =	vst v2  }
0x36: {  	v19 =	vld [tilespmem:$0x1410];
	[tilespmem:$0x1DB30] =	vst v3  }
0x37: {  	[tilespmem:$0x1D820] =	vst v16;
	v16 =	vld [tilespmem:$0x1D800]  }
0x38: {  	v52 =	vld [tilespmem:$0x30];
	[tilespmem:$0x1DB40] =	vst v4  }
0x39: {  	[tilespmem:$0x1D9A0] =	vst v17;
	v17 =	vld [tilespmem:$0x40]  }
0x3a: {  	v53 =	vld [tilespmem:$0x1430];
	[tilespmem:$0x1DB50] =	vst v5  }
0x3b: {  	v20 =	vld [tilespmem:$0x1440];
	[tilespmem:$0x1D810] =	vst v18  }
0x3c: {  	v54 =	vld [tilespmem:$0x50];
	[tilespmem:$0x1D990] =	vst v19;
	v21 =	vperm.xlane v16, v13  }
0x3d: {  	v55 =	vld [tilespmem:$0x1450];
	[tilespmem:$0x1D830] =	vst v52  }
0x3e: {  	[tilespmem:$0x1D840] =	vst v17;
	v16 =	vperm.xlane v16, v15;
	v17 =	vadd.s32 v14, v21  }
0x3f: {  	[tilespmem:$0x1D9B0] =	vst v53  }
0x40: {  	[tilespmem:$0x1D9C0] =	vst v20;
	v16 =	vadd.s32 v14, v16  }
0x41: {  	[tilespmem:$0x1D850] =	vst v54  }
0x42: {  	s23 =	simm.s32 $0x2800;
	[tilespmem:$0x1D9D0] =	vst v55  }
0x43: {  	[tilespmem:s23], [sflag:$0x1] =	stream.indirect_vreg.gather [hbm4b:s5+s3], $0x80, v17, vm0, $0xb8;
	[tilespmem:$0x1DC80] =	vst v63  }
0x44: {  	s24 =	simm.s32 $0x3400  }
0x45: {  	[tilespmem:s24], [sflag:$0x1] =	stream.indirect_vreg.gather [hbm4b:s5+s3], $0x80, v16, vm0, $0xb8;
	[tilespmem:$0x1DC80] =	vst v63  }
0x46: {  	v16 =	vld [tilespmem:$0x1D810];
	_ =	sdelay $0x4  }
0x47: {  	v17 =	vperm.xlane v16, v13;
	_ =	sdelay $0x1  }
0x48: {  	v16 =	vperm.xlane v16, v15;
	v17 =	vadd.s32 v14, v17;
	_ =	sdelay $0x1  }
0x49: {  	v16 =	vadd.s32 v14, v16;
	_ =	sdelay $0x1  }
0x4a: {  	s23 =	simm.s32 $0x4000  }
0x4b: {  	[tilespmem:s23], [sflag:$0x1] =	stream.indirect_vreg.gather [hbm4b:s5+s3], $0x80, v17, vm0, $0xb8;
	[tilespmem:$0x1DC80] =	vst v63  }
0x4c: {  	s24 =	simm.s32 $0x4C00  }
0x4d: {  	[tilespmem:s24], [sflag:$0x1] =	stream.indirect_vreg.gather [hbm4b:s5+s3], $0x80, v16, vm0, $0xb8;
	[tilespmem:$0x1DC80] =	vst v63  }
0x4e: {  	v16 =	vld [tilespmem:$0x1D820];
	_ =	sdelay $0x4  }
0x4f: {  	v17 =	vperm.xlane v16, v13;
	_ =	sdelay $0x1  }
0x50: {  	v16 =	vperm.xlane v16, v15;
	v17 =	vadd.s32 v14, v17;
	_ =	sdelay $0x1  }
0x51: {  	v16 =	vadd.s32 v14, v16;
	_ =	sdelay $0x1  }
0x52: {  	s23 =	simm.s32 $0x5800  }
0x53: {  	[tilespmem:s23], [sflag:$0x1] =	stream.indirect_vreg.gather [hbm4b:s5+s3], $0x80, v17, vm0, $0xb8;
	[tilespmem:$0x1DC80] =	vst v63  }
0x54: {  	s24 =	simm.s32 $0x6400  }
0x55: {  	[tilespmem:s24], [sflag:$0x1] =	stream.indirect_vreg.gather [hbm4b:s5+s3], $0x80, v16, vm0, $0xb8;
	[tilespmem:$0x1DC80] =	vst v63  }
0x56: {  	v16 =	vld [tilespmem:$0x1D830];
	_ =	sdelay $0x4  }
0x57: {  	v17 =	vperm.xlane v16, v13;
	_ =	sdelay $0x1  }
0x58: {  	v16 =	vperm.xlane v16, v15;
	v17 =	vadd.s32 v14, v17;
	_ =	sdelay $0x1  }
0x59: {  	v16 =	vadd.s32 v14, v16;
	_ =	sdelay $0x1  }
0x5a: {  	s23 =	simm.s32 $0x7000  }
0x5b: {  	[tilespmem:s23], [sflag:$0x1] =	stream.indirect_vreg.gather [hbm4b:s5+s3], $0x80, v17, vm0, $0xb8;
	[tilespmem:$0x1DC80] =	vst v63  }
0x5c: {  	s24 =	simm.s32 $0x7C00  }
0x5d: {  	[tilespmem:s24], [sflag:$0x1] =	stream.indirect_vreg.gather [hbm4b:s5+s3], $0x80, v16, vm0, $0xb8;
	[tilespmem:$0x1DC80] =	vst v63  }
0x5e: {  	v16 =	vld [tilespmem:$0x1D840];
	_ =	sdelay $0x4  }
0x5f: {  	v17 =	vperm.xlane v16, v13;
	_ =	sdelay $0x1  }
0x60: {  	v16 =	vperm.xlane v16, v15;
	v17 =	vadd.s32 v14, v17;
	_ =	sdelay $0x1  }
0x61: {  	v16 =	vadd.s32 v14, v16;
	_ =	sdelay $0x1  }
0x62: {  	s23 =	simm.s32 $0x8800  }
0x63: {  	[tilespmem:s23], [sflag:$0x1] =	stream.indirect_vreg.gather [hbm4b:s5+s3], $0x80, v17, vm0, $0xb8;
	[tilespmem:$0x1DC80] =	vst v63  }
0x64: {  	s24 =	simm.s32 $0x9400  }
0x65: {  	[tilespmem:s24], [sflag:$0x1] =	stream.indirect_vreg.gather [hbm4b:s5+s3], $0x80, v16, vm0, $0xb8;
	[tilespmem:$0x1DC80] =	vst v63  }
0x66: {  	v16 =	vld [tilespmem:$0x1D850];
	_ =	sdelay $0x4  }
0x67: {  	v17 =	vperm.xlane v16, v13;
	_ =	sdelay $0x1  }
0x68: {  	v16 =	vperm.xlane v16, v15;
	v17 =	vadd.s32 v14, v17;
	_ =	sdelay $0x1  }
0x69: {  	v16 =	vadd.s32 v14, v16;
	_ =	sdelay $0x1  }
0x6a: {  	s23 =	simm.s32 $0xA000  }
0x6b: {  	[tilespmem:s23], [sflag:$0x1] =	stream.indirect_vreg.gather [hbm4b:s5+s3], $0x80, v17, vm0, $0xb8;
	[tilespmem:$0x1DC80] =	vst v63  }
0x6c: {  	s24 =	simm.s32 $0xAC00  }
0x6d: {  	[tilespmem:s24], [sflag:$0x1] =	stream.indirect_vreg.gather [hbm4b:s5+s3], $0x80, v16, vm0, $0xb8;
	[tilespmem:$0x1DC80] =	vst v63  }
0x6e: {  	v16 =	vld [tilespmem:$0x1DB00];
	_ =	sdelay $0x4  }
0x6f: {  	v17 =	vperm.xlane v16, v13;
	_ =	sdelay $0x1  }
0x70: {  	v16 =	vperm.xlane v16, v15;
	v17 =	vadd.s32 v14, v17;
	_ =	sdelay $0x1  }
0x71: {  	v16 =	vadd.s32 v14, v16;
	_ =	sdelay $0x1  }
0x72: {  	s23 =	simm.s32 $0x2C00  }
0x73: {  	[tilespmem:s23], [sflag:$0x4] =	stream.indirect_vreg.gather [hbm4b:s6+s3], $0x80, v17, vm0, $0xb8;
	[tilespmem:$0x1DC80] =	vst v63  }
0x74: {  	s24 =	simm.s32 $0x3800  }
0x75: {  	[tilespmem:s24], [sflag:$0x4] =	stream.indirect_vreg.gather [hbm4b:s6+s3], $0x80, v16, vm0, $0xb8;
	[tilespmem:$0x1DC80] =	vst v63  }
0x76: {  	v16 =	vld [tilespmem:$0x1DB10];
	_ =	sdelay $0x4  }
0x77: {  	v17 =	vperm.xlane v16, v13;
	_ =	sdelay $0x1  }
0x78: {  	v16 =	vperm.xlane v16, v15;
	v17 =	vadd.s32 v14, v17;
	_ =	sdelay $0x1  }
0x79: {  	v16 =	vadd.s32 v14, v16;
	_ =	sdelay $0x1  }
0x7a: {  	s23 =	simm.s32 $0x4400  }
0x7b: {  	[tilespmem:s23], [sflag:$0x4] =	stream.indirect_vreg.gather [hbm4b:s6+s3], $0x80, v17, vm0, $0xb8;
	[tilespmem:$0x1DC80] =	vst v63  }
0x7c: {  	s24 =	simm.s32 $0x5000  }
0x7d: {  	[tilespmem:s24], [sflag:$0x4] =	stream.indirect_vreg.gather [hbm4b:s6+s3], $0x80, v16, vm0, $0xb8;
	[tilespmem:$0x1DC80] =	vst v63  }
0x7e: {  	v16 =	vld [tilespmem:$0x1DB20];
	_ =	sdelay $0x4  }
0x7f: {  	v17 =	vperm.xlane v16, v13;
	_ =	sdelay $0x1  }
0x80: {  	v16 =	vperm.xlane v16, v15;
	v17 =	vadd.s32 v14, v17;
	_ =	sdelay $0x1  }
0x81: {  	v16 =	vadd.s32 v14, v16;
	_ =	sdelay $0x1  }
0x82: {  	s23 =	simm.s32 $0x5C00  }
0x83: {  	[tilespmem:s23], [sflag:$0x4] =	stream.indirect_vreg.gather [hbm4b:s6+s3], $0x80, v17, vm0, $0xb8;
	[tilespmem:$0x1DC80] =	vst v63  }
0x84: {  	s24 =	simm.s32 $0x6800  }
0x85: {  	[tilespmem:s24], [sflag:$0x4] =	stream.indirect_vreg.gather [hbm4b:s6+s3], $0x80, v16, vm0, $0xb8;
	[tilespmem:$0x1DC80] =	vst v63  }
0x86: {  	v16 =	vld [tilespmem:$0x1DB30];
	_ =	sdelay $0x4  }
0x87: {  	v17 =	vperm.xlane v16, v13;
	_ =	sdelay $0x1  }
0x88: {  	v16 =	vperm.xlane v16, v15;
	v17 =	vadd.s32 v14, v17;
	_ =	sdelay $0x1  }
0x89: {  	v16 =	vadd.s32 v14, v16;
	_ =	sdelay $0x1  }
0x8a: {  	s23 =	simm.s32 $0x7400  }
0x8b: {  	[tilespmem:s23], [sflag:$0x4] =	stream.indirect_vreg.gather [hbm4b:s6+s3], $0x80, v17, vm0, $0xb8;
	[tilespmem:$0x1DC80] =	vst v63  }
0x8c: {  	s24 =	simm.s32 $0x8000  }
0x8d: {  	[tilespmem:s24], [sflag:$0x4] =	stream.indirect_vreg.gather [hbm4b:s6+s3], $0x80, v16, vm0, $0xb8;
	[tilespmem:$0x1DC80] =	vst v63  }
0x8e: {  	v16 =	vld [tilespmem:$0x1DB40];
	_ =	sdelay $0x4  }
0x8f: {  	v17 =	vperm.xlane v16, v13;
	_ =	sdelay $0x1  }
0x90: {  	v16 =	vperm.xlane v16, v15;
	v17 =	vadd.s32 v14, v17;
	_ =	sdelay $0x1  }
0x91: {  	v16 =	vadd.s32 v14, v16;
	_ =	sdelay $0x1  }
0x92: {  	s23 =	simm.s32 $0x8C00  }
0x93: {  	[tilespmem:s23], [sflag:$0x4] =	stream.indirect_vreg.gather [hbm4b:s6+s3], $0x80, v17, vm0, $0xb8;
	[tilespmem:$0x1DC80] =	vst v63  }
0x94: {  	s24 =	simm.s32 $0x9800  }
0x95: {  	[tilespmem:s24], [sflag:$0x4] =	stream.indirect_vreg.gather [hbm4b:s6+s3], $0x80, v16, vm0, $0xb8;
	[tilespmem:$0x1DC80] =	vst v63  }
0x96: {  	v16 =	vld [tilespmem:$0x1DB50];
	_ =	sdelay $0x4  }
0x97: {  	v17 =	vperm.xlane v16, v13;
	_ =	sdelay $0x1  }
0x98: {  	v16 =	vperm.xlane v16, v15;
	v17 =	vadd.s32 v14, v17;
	_ =	sdelay $0x1  }
0x99: {  	v16 =	vadd.s32 v14, v16;
	_ =	sdelay $0x1  }
0x9a: {  	s23 =	simm.s32 $0xA400  }
0x9b: {  	[tilespmem:s23], [sflag:$0x4] =	stream.indirect_vreg.gather [hbm4b:s6+s3], $0x80, v17, vm0, $0xb8;
	[tilespmem:$0x1DC80] =	vst v63  }
0x9c: {  	s24 =	simm.s32 $0xB000  }
0x9d: {  	[tilespmem:s24], [sflag:$0x4] =	stream.indirect_vreg.gather [hbm4b:s6+s3], $0x80, v16, vm0, $0xb8;
	[tilespmem:$0x1DC80] =	vst v63  }
0x9e: {  	v16 =	vld [tilespmem:$0x1D980];
	_ =	sdelay $0x4  }
0x9f: {  	v17 =	vperm.xlane v16, v13;
	_ =	sdelay $0x1  }
0xa0: {  	v16 =	vperm.xlane v16, v15;
	v17 =	vadd.s32 v14, v17;
	_ =	sdelay $0x1  }
0xa1: {  	v16 =	vadd.s32 v14, v16;
	_ =	sdelay $0x1  }
0xa2: {  	s23 =	simm.s32 $0x3000  }
0xa3: {  	[tilespmem:s23], [sflag:$0x7] =	stream.indirect_vreg.gather [hbm4b:s5+s3], $0x80, v17, vm0, $0xb8;
	[tilespmem:$0x1DC80] =	vst v63  }
0xa4: {  	s24 =	simm.s32 $0x3C00  }
0xa5: {  	[tilespmem:s24], [sflag:$0x7] =	stream.indirect_vreg.gather [hbm4b:s5+s3], $0x80, v16, vm0, $0xb8;
	[tilespmem:$0x1DC80] =	vst v63  }
0xa6: {  	v16 =	vld [tilespmem:$0x1D990];
	_ =	sdelay $0x4  }
0xa7: {  	v17 =	vperm.xlane v16, v13;
	_ =	sdelay $0x1  }
0xa8: {  	v16 =	vperm.xlane v16, v15;
	v17 =	vadd.s32 v14, v17;
	_ =	sdelay $0x1  }
0xa9: {  	v16 =	vadd.s32 v14, v16;
	_ =	sdelay $0x1  }
0xaa: {  	s23 =	simm.s32 $0x4800  }
0xab: {  	[tilespmem:s23], [sflag:$0x7] =	stream.indirect_vreg.gather [hbm4b:s5+s3], $0x80, v17, vm0, $0xb8;
	[tilespmem:$0x1DC80] =	vst v63  }
0xac: {  	s24 =	simm.s32 $0x5400  }
0xad: {  	[tilespmem:s24], [sflag:$0x7] =	stream.indirect_vreg.gather [hbm4b:s5+s3], $0x80, v16, vm0, $0xb8;
	[tilespmem:$0x1DC80] =	vst v63  }
0xae: {  	v16 =	vld [tilespmem:$0x1D9A0];
	_ =	sdelay $0x4  }
0xaf: {  	v17 =	vperm.xlane v16, v13;
	_ =	sdelay $0x1  }
0xb0: {  	v16 =	vperm.xlane v16, v15;
	v17 =	vadd.s32 v14, v17;
	_ =	sdelay $0x1  }
0xb1: {  	v16 =	vadd.s32 v14, v16;
	_ =	sdelay $0x1  }
0xb2: {  	s23 =	simm.s32 $0x6000  }
0xb3: {  	[tilespmem:s23], [sflag:$0x7] =	stream.indirect_vreg.gather [hbm4b:s5+s3], $0x80, v17, vm0, $0xb8;
	[tilespmem:$0x1DC80] =	vst v63  }
0xb4: {  	s24 =	simm.s32 $0x6C00  }
0xb5: {  	[tilespmem:s24], [sflag:$0x7] =	stream.indirect_vreg.gather [hbm4b:s5+s3], $0x80, v16, vm0, $0xb8;
	[tilespmem:$0x1DC80] =	vst v63  }
0xb6: {  	v16 =	vld [tilespmem:$0x1D9B0];
	_ =	sdelay $0x4  }
0xb7: {  	v17 =	vperm.xlane v16, v13;
	_ =	sdelay $0x1  }
0xb8: {  	v16 =	vperm.xlane v16, v15;
	v17 =	vadd.s32 v14, v17;
	_ =	sdelay $0x1  }
0xb9: {  	v16 =	vadd.s32 v14, v16;
	_ =	sdelay $0x1  }
0xba: {  	s23 =	simm.s32 $0x7800  }
0xbb: {  	[tilespmem:s23], [sflag:$0x7] =	stream.indirect_vreg.gather [hbm4b:s5+s3], $0x80, v17, vm0, $0xb8;
	[tilespmem:$0x1DC80] =	vst v63  }
0xbc: {  	s24 =	simm.s32 $0x8400  }
0xbd: {  	[tilespmem:s24], [sflag:$0x7] =	stream.indirect_vreg.gather [hbm4b:s5+s3], $0x80, v16, vm0, $0xb8;
	[tilespmem:$0x1DC80] =	vst v63  }
0xbe: {  	v16 =	vld [tilespmem:$0x1D9C0];
	_ =	sdelay $0x4  }
0xbf: {  	v17 =	vperm.xlane v16, v13;
	_ =	sdelay $0x1  }
0xc0: {  	v16 =	vperm.xlane v16, v15;
	v17 =	vadd.s32 v14, v17;
	_ =	sdelay $0x1  }
0xc1: {  	v16 =	vadd.s32 v14, v16;
	_ =	sdelay $0x1  }
0xc2: {  	s23 =	simm.s32 $0x9000  }
0xc3: {  	[tilespmem:s23], [sflag:$0x7] =	stream.indirect_vreg.gather [hbm4b:s5+s3], $0x80, v17, vm0, $0xb8;
	[tilespmem:$0x1DC80] =	vst v63  }
0xc4: {  	s24 =	simm.s32 $0x9C00  }
0xc5: {  	[tilespmem:s24], [sflag:$0x7] =	stream.indirect_vreg.gather [hbm4b:s5+s3], $0x80, v16, vm0, $0xb8;
	[tilespmem:$0x1DC80] =	vst v63  }
0xc6: {  	v16 =	vld [tilespmem:$0x1D9D0];
	_ =	sdelay $0x4  }
0xc7: {  	v17 =	vperm.xlane v16, v13;
	_ =	sdelay $0x1  }
0xc8: {  	v16 =	vperm.xlane v16, v15;
	v17 =	vadd.s32 v14, v17;
	_ =	sdelay $0x1  }
0xc9: {  	v16 =	vadd.s32 v14, v16;
	_ =	sdelay $0x1  }
0xca: {  	s23 =	simm.s32 $0xA800  }
0xcb: {  	[tilespmem:s23], [sflag:$0x7] =	stream.indirect_vreg.gather [hbm4b:s5+s3], $0x80, v17, vm0, $0xb8;
	[tilespmem:$0x1DC80] =	vst v63  }
0xcc: {  	s24 =	simm.s32 $0xB400  }
0xcd: {  	[tilespmem:s24], [sflag:$0x7] =	stream.indirect_vreg.gather [hbm4b:s5+s3], $0x80, v16, vm0, $0xb8;
	[tilespmem:$0x1DC80] =	vst v63  }
0xce: {  	v16 =	vld [tilespmem:$0x60];
	_ =	sdelay $0x3  }
0xcf: {  	v17 =	vld [tilespmem:$0x1460];
	[tilespmem:$0x1DB80] =	vst v6  }
0xd0: {  	[tilespmem:$0x1D880] =	vst v16;
	v16 =	vld [tilespmem:$0x90]  }
0xd1: {  	[tilespmem:$0x1DB90] =	vst v7  }
0xd2: {  	v56 =	vld [tilespmem:$0x70];
	[tilespmem:$0x1DBA0] =	vst v8  }
0xd3: {  	v57 =	vld [tilespmem:$0x1470];
	[tilespmem:$0x1DBB0] =	vst v9  }
0xd4: {  	[tilespmem:$0x1DA00] =	vst v17;
	v17 =	vld [tilespmem:$0x1490]  }
0xd5: {  	[tilespmem:$0x1D8B0] =	vst v16;
	v16 =	vld [tilespmem:$0x1D880]  }
0xd6: {  	v58 =	vld [tilespmem:$0x80];
	[tilespmem:$0x1DBC0] =	vst v10  }
0xd7: {  	v59 =	vld [tilespmem:$0x1480];
	[tilespmem:$0x1DBD0] =	vst v11  }
0xd8: {  	v60 =	vld [tilespmem:$0xA0];
	[tilespmem:$0x1D890] =	vst v56  }
0xd9: {  	v61 =	vld [tilespmem:$0x14A0];
	[tilespmem:$0x1DA10] =	vst v57  }
0xda: {  	v62 =	vld [tilespmem:$0xB0];
	[tilespmem:$0x1DA30] =	vst v17;
	v17 =	vperm.xlane v16, v13  }
0xdb: {  	v63 =	vld [tilespmem:$0x14B0];
	[tilespmem:$0x1D8A0] =	vst v58  }
0xdc: {  	[tilespmem:$0x1DA20] =	vst v59;
	v16 =	vperm.xlane v16, v15;
	v17 =	vadd.s32 v14, v17  }
0xdd: {  	[tilespmem:$0x1D8C0] =	vst v60  }
0xde: {  	[tilespmem:$0x1DA40] =	vst v61;
	v16 =	vadd.s32 v14, v16  }
0xdf: {  	[tilespmem:$0x1D8D0] =	vst v62  }
0xe0: {  	[tilespmem:$0x1DA50] =	vst v63  }
0xe1: {  	[tilespmem:s25], [sflag:$0x2] =	stream.indirect_vreg.gather [hbm4b:s5+s3], $0x80, v17, vm0, $0xb8;
	[tilespmem:$0x1DC80] =	vst v63  }
0xe2: {  	_ = 	snop  }
0xe3: {  	[tilespmem:s26], [sflag:$0x2] =	stream.indirect_vreg.gather [hbm4b:s5+s3], $0x80, v16, vm0, $0xb8;
	[tilespmem:$0x1DC80] =	vst v63  }
0xe4: {  	v16 =	vld [tilespmem:$0x1D890];
	_ =	sdelay $0x4  }
0xe5: {  	v17 =	vperm.xlane v16, v13;
	_ =	sdelay $0x1  }
0xe6: {  	v16 =	vperm.xlane v16, v15;
	v17 =	vadd.s32 v14, v17;
	_ =	sdelay $0x1  }
0xe7: {  	v16 =	vadd.s32 v14, v16;
	_ =	sdelay $0x2  }
0xe8: {  	[tilespmem:s28], [sflag:$0x2] =	stream.indirect_vreg.gather [hbm4b:s5+s3], $0x80, v17, vm0, $0xb8;
	[tilespmem:$0x1DC80] =	vst v63  }
0xe9: {  	_ = 	snop  }
0xea: {  	[tilespmem:s29], [sflag:$0x2] =	stream.indirect_vreg.gather [hbm4b:s5+s3], $0x80, v16, vm0, $0xb8;
	[tilespmem:$0x1DC80] =	vst v63  }
0xeb: {  	v16 =	vld [tilespmem:$0x1D8A0];
	_ =	sdelay $0x4  }
0xec: {  	v17 =	vperm.xlane v16, v13;
	_ =	sdelay $0x1  }
0xed: {  	v16 =	vperm.xlane v16, v15;
	v17 =	vadd.s32 v14, v17;
	_ =	sdelay $0x1  }
0xee: {  	v16 =	vadd.s32 v14, v16;
	_ =	sdelay $0x2  }
0xef: {  	[tilespmem:s30], [sflag:$0x2] =	stream.indirect_vreg.gather [hbm4b:s5+s3], $0x80, v17, vm0, $0xb8;
	[tilespmem:$0x1DC80] =	vst v63  }
0xf0: {  	_ = 	snop  }
0xf1: {  	[tilespmem:s31], [sflag:$0x2] =	stream.indirect_vreg.gather [hbm4b:s5+s3], $0x80, v16, vm0, $0xb8;
	[tilespmem:$0x1DC80] =	vst v63  }
0xf2: {  	v16 =	vld [tilespmem:$0x1D8B0];
	_ =	sdelay $0x4  }
0xf3: {  	v17 =	vperm.xlane v16, v13;
	_ =	sdelay $0x1  }
0xf4: {  	v16 =	vperm.xlane v16, v15;
	v17 =	vadd.s32 v14, v17;
	_ =	sdelay $0x1  }
0xf5: {  	v16 =	vadd.s32 v14, v16;
	_ =	sdelay $0x2  }
0xf6: {  	[tilespmem:s1], [sflag:$0x2] =	stream.indirect_vreg.gather [hbm4b:s5+s3], $0x80, v17, vm0, $0xb8;
	[tilespmem:$0x1DC80] =	vst v63  }
0xf7: {  	_ = 	snop  }
0xf8: {  	[tilespmem:s0], [sflag:$0x2] =	stream.indirect_vreg.gather [hbm4b:s5+s3], $0x80, v16, vm0, $0xb8;
	[tilespmem:$0x1DC80] =	vst v63  }
0xf9: {  	v16 =	vld [tilespmem:$0x1D8C0];
	_ =	sdelay $0x4  }
0xfa: {  	v17 =	vperm.xlane v16, v13;
	_ =	sdelay $0x1  }
0xfb: {  	v16 =	vperm.xlane v16, v15;
	v17 =	vadd.s32 v14, v17;
	_ =	sdelay $0x1  }
0xfc: {  	v16 =	vadd.s32 v14, v16;
	_ =	sdelay $0x2  }
0xfd: {  	[tilespmem:s12], [sflag:$0x2] =	stream.indirect_vreg.gather [hbm4b:s5+s3], $0x80, v17, vm0, $0xb8;
	[tilespmem:$0x1DC80] =	vst v63  }
0xfe: {  	_ = 	snop  }
0xff: {  	[tilespmem:s7], [sflag:$0x2] =	stream.indirect_vreg.gather [hbm4b:s5+s3], $0x80, v16, vm0, $0xb8;
	[tilespmem:$0x1DC80] =	vst v63  }
0x100: {  	v16 =	vld [tilespmem:$0x1D8D0];
	_ =	sdelay $0x4  }
0x101: {  	v17 =	vperm.xlane v16, v13;
	_ =	sdelay $0x1  }
0x102: {  	v16 =	vperm.xlane v16, v15;
	v17 =	vadd.s32 v14, v17;
	_ =	sdelay $0x1  }
0x103: {  	v16 =	vadd.s32 v14, v16;
	_ =	sdelay $0x2  }
0x104: {  	[tilespmem:s14], [sflag:$0x2] =	stream.indirect_vreg.gather [hbm4b:s5+s3], $0x80, v17, vm0, $0xb8;
	[tilespmem:$0x1DC80] =	vst v63  }
0x105: {  	_ = 	snop  }
0x106: {  	[tilespmem:s15], [sflag:$0x2] =	stream.indirect_vreg.gather [hbm4b:s5+s3], $0x80, v16, vm0, $0xb8;
	[tilespmem:$0x1DC80] =	vst v63  }
0x107: {  	v16 =	vld [tilespmem:$0x1DB80];
	_ =	sdelay $0x4  }
0x108: {  	v17 =	vperm.xlane v16, v13;
	_ =	sdelay $0x1  }
0x109: {  	v16 =	vperm.xlane v16, v15;
	v17 =	vadd.s32 v14, v17;
	_ =	sdelay $0x1  }
0x10a: {  	v16 =	vadd.s32 v14, v16;
	_ =	sdelay $0x1  }
0x10b: {  	s23 =	simm.s32 $0xBC00  }
0x10c: {  	[tilespmem:s23], [sflag:$0x5] =	stream.indirect_vreg.gather [hbm4b:s6+s3], $0x80, v17, vm0, $0xb8;
	[tilespmem:$0x1DC80] =	vst v63  }
0x10d: {  	s24 =	simm.s32 $0xC800  }
0x10e: {  	[tilespmem:s24], [sflag:$0x5] =	stream.indirect_vreg.gather [hbm4b:s6+s3], $0x80, v16, vm0, $0xb8;
	[tilespmem:$0x1DC80] =	vst v63  }
0x10f: {  	v16 =	vld [tilespmem:$0x1DB90];
	_ =	sdelay $0x4  }
0x110: {  	v17 =	vperm.xlane v16, v13;
	_ =	sdelay $0x1  }
0x111: {  	v16 =	vperm.xlane v16, v15;
	v17 =	vadd.s32 v14, v17;
	_ =	sdelay $0x1  }
0x112: {  	v16 =	vadd.s32 v14, v16;
	_ =	sdelay $0x1  }
0x113: {  	s25 =	simm.s32 $0xD400  }
0x114: {  	[tilespmem:s25], [sflag:$0x5] =	stream.indirect_vreg.gather [hbm4b:s6+s3], $0x80, v17, vm0, $0xb8;
	[tilespmem:$0x1DC80] =	vst v63  }
0x115: {  	s26 =	simm.s32 $0xE000  }
0x116: {  	[tilespmem:s26], [sflag:$0x5] =	stream.indirect_vreg.gather [hbm4b:s6+s3], $0x80, v16, vm0, $0xb8;
	[tilespmem:$0x1DC80] =	vst v63  }
0x117: {  	v16 =	vld [tilespmem:$0x1DBA0];
	_ =	sdelay $0x4  }
0x118: {  	v17 =	vperm.xlane v16, v13;
	_ =	sdelay $0x1  }
0x119: {  	v16 =	vperm.xlane v16, v15;
	v17 =	vadd.s32 v14, v17;
	_ =	sdelay $0x1  }
0x11a: {  	v16 =	vadd.s32 v14, v16;
	_ =	sdelay $0x1  }
0x11b: {  	s1 =	simm.s32 $0xEC00  }
0x11c: {  	[tilespmem:s1], [sflag:$0x5] =	stream.indirect_vreg.gather [hbm4b:s6+s3], $0x80, v17, vm0, $0xb8;
	[tilespmem:$0x1DC80] =	vst v63  }
0x11d: {  	s7 =	simm.s32 $0xF800  }
0x11e: {  	[tilespmem:s7], [sflag:$0x5] =	stream.indirect_vreg.gather [hbm4b:s6+s3], $0x80, v16, vm0, $0xb8;
	[tilespmem:$0x1DC80] =	vst v63  }
0x11f: {  	v16 =	vld [tilespmem:$0x1DBB0];
	_ =	sdelay $0x4  }
0x120: {  	v17 =	vperm.xlane v16, v13;
	_ =	sdelay $0x1  }
0x121: {  	v16 =	vperm.xlane v16, v15;
	v17 =	vadd.s32 v14, v17;
	_ =	sdelay $0x1  }
0x122: {  	v16 =	vadd.s32 v14, v16;
	_ =	sdelay $0x1  }
0x123: {  	s11 =	simm.s32 $0x10400  }
0x124: {  	[tilespmem:s11], [sflag:$0x5] =	stream.indirect_vreg.gather [hbm4b:s6+s3], $0x80, v17, vm0, $0xb8;
	[tilespmem:$0x1DC80] =	vst v63  }
0x125: {  	s12 =	simm.s32 $0x11000  }
0x126: {  	[tilespmem:s12], [sflag:$0x5] =	stream.indirect_vreg.gather [hbm4b:s6+s3], $0x80, v16, vm0, $0xb8;
	[tilespmem:$0x1DC80] =	vst v63  }
0x127: {  	v16 =	vld [tilespmem:$0x1DBC0];
	_ =	sdelay $0x4  }
0x128: {  	v17 =	vperm.xlane v16, v13;
	_ =	sdelay $0x1  }
0x129: {  	v16 =	vperm.xlane v16, v15;
	v17 =	vadd.s32 v14, v17;
	_ =	sdelay $0x1  }
0x12a: {  	v16 =	vadd.s32 v14, v16;
	_ =	sdelay $0x1  }
0x12b: {  	s14 =	simm.s32 $0x11C00  }
0x12c: {  	[tilespmem:s14], [sflag:$0x5] =	stream.indirect_vreg.gather [hbm4b:s6+s3], $0x80, v17, vm0, $0xb8;
	[tilespmem:$0x1DC80] =	vst v63  }
0x12d: {  	s15 =	simm.s32 $0x12800  }
0x12e: {  	[tilespmem:s15], [sflag:$0x5] =	stream.indirect_vreg.gather [hbm4b:s6+s3], $0x80, v16, vm0, $0xb8;
	[tilespmem:$0x1DC80] =	vst v63  }
0x12f: {  	v16 =	vld [tilespmem:$0x1DBD0];
	_ =	sdelay $0x4  }
0x130: {  	v17 =	vperm.xlane v16, v13;
	_ =	sdelay $0x1  }
0x131: {  	v16 =	vperm.xlane v16, v15;
	v17 =	vadd.s32 v14, v17;
	_ =	sdelay $0x1  }
0x132: {  	v16 =	vadd.s32 v14, v16;
	_ =	sdelay $0x1  }
0x133: {  	s23 =	simm.s32 $0x13400  }
0x134: {  	[tilespmem:s23], [sflag:$0x5] =	stream.indirect_vreg.gather [hbm4b:s6+s3], $0x80, v17, vm0, $0xb8;
	[tilespmem:$0x1DC80] =	vst v63  }
0x135: {  	s24 =	simm.s32 $0x14000  }
0x136: {  	[tilespmem:s24], [sflag:$0x5] =	stream.indirect_vreg.gather [hbm4b:s6+s3], $0x80, v16, vm0, $0xb8;
	[tilespmem:$0x1DC80] =	vst v63  }
0x137: {  	v16 =	vld [tilespmem:$0x1DA00];
	_ =	sdelay $0x4  }
0x138: {  	v17 =	vperm.xlane v16, v13;
	_ =	sdelay $0x1  }
0x139: {  	v16 =	vperm.xlane v16, v15;
	v17 =	vadd.s32 v14, v17;
	_ =	sdelay $0x1  }
0x13a: {  	v16 =	vadd.s32 v14, v16;
	_ =	sdelay $0x2  }
0x13b: {  	[tilespmem:s8], [sflag:$0x8] =	stream.indirect_vreg.gather [hbm4b:s5+s3], $0x80, v17, vm0, $0xb8;
	[tilespmem:$0x1DC80] =	vst v63  }
0x13c: {  	_ = 	snop  }
0x13d: {  	[tilespmem:s10], [sflag:$0x8] =	stream.indirect_vreg.gather [hbm4b:s5+s3], $0x80, v16, vm0, $0xb8;
	[tilespmem:$0x1DC80] =	vst v63  }
0x13e: {  	v16 =	vld [tilespmem:$0x1DA10];
	_ =	sdelay $0x4  }
0x13f: {  	v17 =	vperm.xlane v16, v13;
	_ =	sdelay $0x1  }
0x140: {  	v16 =	vperm.xlane v16, v15;
	v17 =	vadd.s32 v14, v17;
	_ =	sdelay $0x1  }
0x141: {  	v16 =	vadd.s32 v14, v16;
	_ =	sdelay $0x2  }
0x142: {  	[tilespmem:s13], [sflag:$0x8] =	stream.indirect_vreg.gather [hbm4b:s5+s3], $0x80, v17, vm0, $0xb8;
	[tilespmem:$0x1DC80] =	vst v63  }
0x143: {  	_ = 	snop  }
0x144: {  	[tilespmem:s16], [sflag:$0x8] =	stream.indirect_vreg.gather [hbm4b:s5+s3], $0x80, v16, vm0, $0xb8;
	[tilespmem:$0x1DC80] =	vst v63  }
0x145: {  	v16 =	vld [tilespmem:$0x1DA20];
	_ =	sdelay $0x4  }
0x146: {  	v17 =	vperm.xlane v16, v13;
	_ =	sdelay $0x1  }
0x147: {  	v16 =	vperm.xlane v16, v15;
	v17 =	vadd.s32 v14, v17;
	_ =	sdelay $0x1  }
0x148: {  	v16 =	vadd.s32 v14, v16;
	_ =	sdelay $0x2  }
0x149: {  	[tilespmem:s17], [sflag:$0x8] =	stream.indirect_vreg.gather [hbm4b:s5+s3], $0x80, v17, vm0, $0xb8;
	[tilespmem:$0x1DC80] =	vst v63  }
0x14a: {  	_ = 	snop  }
0x14b: {  	[tilespmem:s18], [sflag:$0x8] =	stream.indirect_vreg.gather [hbm4b:s5+s3], $0x80, v16, vm0, $0xb8;
	[tilespmem:$0x1DC80] =	vst v63  }
0x14c: {  	v16 =	vld [tilespmem:$0x1DA30];
	_ =	sdelay $0x4  }
0x14d: {  	v17 =	vperm.xlane v16, v13;
	_ =	sdelay $0x1  }
0x14e: {  	v16 =	vperm.xlane v16, v15;
	v17 =	vadd.s32 v14, v17;
	_ =	sdelay $0x1  }
0x14f: {  	v16 =	vadd.s32 v14, v16;
	_ =	sdelay $0x2  }
0x150: {  	[tilespmem:s19], [sflag:$0x8] =	stream.indirect_vreg.gather [hbm4b:s5+s3], $0x80, v17, vm0, $0xb8;
	[tilespmem:$0x1DC80] =	vst v63  }
0x151: {  	_ = 	snop  }
0x152: {  	[tilespmem:s20], [sflag:$0x8] =	stream.indirect_vreg.gather [hbm4b:s5+s3], $0x80, v16, vm0, $0xb8;
	[tilespmem:$0x1DC80] =	vst v63  }
0x153: {  	v16 =	vld [tilespmem:$0x1DA40];
	_ =	sdelay $0x4  }
0x154: {  	v17 =	vperm.xlane v16, v13;
	_ =	sdelay $0x1  }
0x155: {  	v16 =	vperm.xlane v16, v15;
	v17 =	vadd.s32 v14, v17;
	_ =	sdelay $0x1  }
0x156: {  	v16 =	vadd.s32 v14, v16;
	_ =	sdelay $0x2  }
0x157: {  	[tilespmem:s21], [sflag:$0x8] =	stream.indirect_vreg.gather [hbm4b:s5+s3], $0x80, v17, vm0, $0xb8;
	[tilespmem:$0x1DC80] =	vst v63  }
0x158: {  	_ = 	snop  }
0x159: {  	[tilespmem:s22], [sflag:$0x8] =	stream.indirect_vreg.gather [hbm4b:s5+s3], $0x80, v16, vm0, $0xb8;
	[tilespmem:$0x1DC80] =	vst v63  }
0x15a: {  	v16 =	vld [tilespmem:$0x1DA50];
	_ =	sdelay $0x4  }
0x15b: {  	s28 =	simm.s32 $0xC400;
	v17 =	vperm.xlane v16, v13  }
0x15c: {  	s29 =	simm.s32 $0xD000;
	s30 =	simm.s32 $0xDC00;
	s31 =	simm.s32 $0xE800  }
0x15d: {  	s0 =	simm.s32 $0x10000;
	s25 =	simm.s32 $0x13800;
	s26 =	simm.s32 $0x14400;
	v16 =	vperm.xlane v16, v15;
	v17 =	vadd.s32 v14, v17  }
0x15e: {  	s1 =	simm.s32 $0xF400;
	s7 =	simm.s32 $0x11800;
	s12 =	simm.s32 $0x10C00  }
0x15f: {  	s14 =	simm.s32 $0x12400;
	s15 =	simm.s32 $0x13000;
	s23 =	simm.s32 $0x0;
	v16 =	vadd.s32 v14, v16  }
0x160: {  	s8 =	smov.u32 s4;
	s4 =	simm.s32 $0x12C00;
	s10 =	simm.s32 $0xC000  }
0x161: {  	s13 =	simm.s32 $0xCC00;
	s16 =	simm.s32 $0xD800;
	s17 =	simm.s32 $0xE400  }
0x162: {  	[tilespmem:s25], [sflag:$0x8] =	stream.indirect_vreg.gather [hbm4b:s5+s3], $0x80, v17, vm0, $0xb8;
	[tilespmem:$0x1DC80] =	vst v63  }
0x163: {  	s18 =	simm.s32 $0xF000;
	s19 =	simm.s32 $0xFC00;
	s20 =	simm.s32 $0x10800  }
0x164: {  	[tilespmem:s26], [sflag:$0x8] =	stream.indirect_vreg.gather [hbm4b:s5+s3], $0x80, v16, vm0, $0xb8;
	[tilespmem:$0x1DC80] =	vst v63  }
0x165: {  	s21 =	simm.s32 $0x11400;
	s22 =	simm.s32 $0x12000;
	s26 =	simm.s32 $0xB800  }
.LBB2_2:
0x166: {  	s11 =	simm.s32 $0x1  }
0x167: {  	_ =	swait.ge [sflag:s11], $0x3000  }
0x168: {  	[sflag:s11] =	ssyncset.done $0x0  }
0x169: {  	s25 =	simm.s32 $0x4;
	[sflag:s11] =	ssyncadd.s32 $0xFFFFD000  }
0x16a: {  	_ =	swait.ge [sflag:s25], $0x3000  }
0x16b: {  	[sflag:s25] =	ssyncset.done $0x0  }
0x16c: {  	s24 =	simm.s32 $0x7;
	[sflag:s25] =	ssyncadd.s32 $0xFFFFD000  }
0x16d: {  	_ =	swait.ge [sflag:s24], $0x3000  }
0x16e: {  	[sflag:s24] =	ssyncset.done $0x0  }
0x16f: {  	[sflag:s24] =	ssyncadd.s32 $0xFFFFD000  }
0x170: {  	v16 =	vld [tilespmem:$0x1DB00];
	_ =	sdelay $0x4  }
0x171: {  	v17 =	vshrl.u32 v16, $0x3  }
0x172: {  	v17 =	vmul.u32 $0x18, v17  }
0x173: {  	v16 =	vand.u32 $0x7, v16  }
0x174: {  	v16 =	vor.u32 v16, v17  }
0x175: {  	v17 =	vperm.xlane v16, v13;
	_ =	sdelay $0x1  }
0x176: {  	v17 =	vadd.s32 v14, v17;
	_ =	sdelay $0x1  }
0x177: {  	v16 =	vperm.xlane v16, v15;
	_ =	sdelay $0x1  }
0x178: {  	s25 =	simm.s32 $0x2800;
	v16 =	vadd.s32 v14, v16  }
0x179: {  	[hbm4b:s2+s3] =	stream.indirect_vreg.scatter [tilespmem:s25], [sflag:$0xA], $0x80, v17, vm1, $0xb8;
	[tilespmem:$0x1DC80] =	vst v63  }
0x17a: {  	s24 =	simm.s32 $0x3000  }
0x17b: {  	[hbm4b:s9+s3] =	stream.indirect_vreg.scatter [tilespmem:s24], [sflag:$0xA], $0x80, v17, vm0, $0xb8;
	[tilespmem:$0x1DC80] =	vst v63  }
0x17c: {  	s25 =	simm.s32 $0x3400  }
0x17d: {  	[hbm4b:s2+s3] =	stream.indirect_vreg.scatter [tilespmem:s25], [sflag:$0xA], $0x80, v16, vm1, $0xb8;
	[tilespmem:$0x1DC80] =	vst v63  }
0x17e: {  	s24 =	simm.s32 $0x3C00  }
0x17f: {  	[hbm4b:s9+s3] =	stream.indirect_vreg.scatter [tilespmem:s24], [sflag:$0xA], $0x80, v16, vm0, $0xb8;
	[tilespmem:$0x1DC80] =	vst v63  }
0x180: {  	v16 =	vld [tilespmem:$0x1DB10];
	_ =	sdelay $0x4  }
0x181: {  	v17 =	vshrl.u32 v16, $0x3  }
0x182: {  	v17 =	vmul.u32 $0x18, v17  }
0x183: {  	v16 =	vand.u32 $0x7, v16  }
0x184: {  	v16 =	vor.u32 v16, v17  }
0x185: {  	v17 =	vperm.xlane v16, v13;
	_ =	sdelay $0x1  }
0x186: {  	v17 =	vadd.s32 v14, v17;
	_ =	sdelay $0x1  }
0x187: {  	v16 =	vperm.xlane v16, v15;
	_ =	sdelay $0x1  }
0x188: {  	s25 =	simm.s32 $0x4000;
	v16 =	vadd.s32 v14, v16  }
0x189: {  	[hbm4b:s2+s3] =	stream.indirect_vreg.scatter [tilespmem:s25], [sflag:$0xA], $0x80, v17, vm1, $0xb8;
	[tilespmem:$0x1DC80] =	vst v63  }
0x18a: {  	s24 =	simm.s32 $0x4800  }
0x18b: {  	[hbm4b:s9+s3] =	stream.indirect_vreg.scatter [tilespmem:s24], [sflag:$0xA], $0x80, v17, vm0, $0xb8;
	[tilespmem:$0x1DC80] =	vst v63  }
0x18c: {  	s25 =	simm.s32 $0x4C00  }
0x18d: {  	[hbm4b:s2+s3] =	stream.indirect_vreg.scatter [tilespmem:s25], [sflag:$0xA], $0x80, v16, vm1, $0xb8;
	[tilespmem:$0x1DC80] =	vst v63  }
0x18e: {  	s24 =	simm.s32 $0x5400  }
0x18f: {  	[hbm4b:s9+s3] =	stream.indirect_vreg.scatter [tilespmem:s24], [sflag:$0xA], $0x80, v16, vm0, $0xb8;
	[tilespmem:$0x1DC80] =	vst v63  }
0x190: {  	v16 =	vld [tilespmem:$0x1DB20];
	_ =	sdelay $0x4  }
0x191: {  	v17 =	vshrl.u32 v16, $0x3  }
0x192: {  	v17 =	vmul.u32 $0x18, v17  }
0x193: {  	v16 =	vand.u32 $0x7, v16  }
0x194: {  	v16 =	vor.u32 v16, v17  }
0x195: {  	v17 =	vperm.xlane v16, v13;
	_ =	sdelay $0x1  }
0x196: {  	v17 =	vadd.s32 v14, v17;
	_ =	sdelay $0x1  }
0x197: {  	v16 =	vperm.xlane v16, v15;
	_ =	sdelay $0x1  }
0x198: {  	s25 =	simm.s32 $0x5800;
	v16 =	vadd.s32 v14, v16  }
0x199: {  	[hbm4b:s2+s3] =	stream.indirect_vreg.scatter [tilespmem:s25], [sflag:$0xA], $0x80, v17, vm1, $0xb8;
	[tilespmem:$0x1DC80] =	vst v63  }
0x19a: {  	s24 =	simm.s32 $0x6000  }
0x19b: {  	[hbm4b:s9+s3] =	stream.indirect_vreg.scatter [tilespmem:s24], [sflag:$0xA], $0x80, v17, vm0, $0xb8;
	[tilespmem:$0x1DC80] =	vst v63  }
0x19c: {  	s25 =	simm.s32 $0x6400  }
0x19d: {  	[hbm4b:s2+s3] =	stream.indirect_vreg.scatter [tilespmem:s25], [sflag:$0xA], $0x80, v16, vm1, $0xb8;
	[tilespmem:$0x1DC80] =	vst v63  }
0x19e: {  	s24 =	simm.s32 $0x6C00  }
0x19f: {  	[hbm4b:s9+s3] =	stream.indirect_vreg.scatter [tilespmem:s24], [sflag:$0xA], $0x80, v16, vm0, $0xb8;
	[tilespmem:$0x1DC80] =	vst v63  }
0x1a0: {  	v16 =	vld [tilespmem:$0x1DB30];
	_ =	sdelay $0x4  }
0x1a1: {  	v17 =	vshrl.u32 v16, $0x3  }
0x1a2: {  	v17 =	vmul.u32 $0x18, v17  }
0x1a3: {  	v16 =	vand.u32 $0x7, v16  }
0x1a4: {  	v16 =	vor.u32 v16, v17  }
0x1a5: {  	v17 =	vperm.xlane v16, v13;
	_ =	sdelay $0x1  }
0x1a6: {  	v17 =	vadd.s32 v14, v17;
	_ =	sdelay $0x1  }
0x1a7: {  	v16 =	vperm.xlane v16, v15;
	_ =	sdelay $0x1  }
0x1a8: {  	s25 =	simm.s32 $0x7000;
	v16 =	vadd.s32 v14, v16  }
0x1a9: {  	[hbm4b:s2+s3] =	stream.indirect_vreg.scatter [tilespmem:s25], [sflag:$0xA], $0x80, v17, vm1, $0xb8;
	[tilespmem:$0x1DC80] =	vst v63  }
0x1aa: {  	s24 =	simm.s32 $0x7800  }
0x1ab: {  	[hbm4b:s9+s3] =	stream.indirect_vreg.scatter [tilespmem:s24], [sflag:$0xA], $0x80, v17, vm0, $0xb8;
	[tilespmem:$0x1DC80] =	vst v63  }
0x1ac: {  	s25 =	simm.s32 $0x7C00  }
0x1ad: {  	[hbm4b:s2+s3] =	stream.indirect_vreg.scatter [tilespmem:s25], [sflag:$0xA], $0x80, v16, vm1, $0xb8;
	[tilespmem:$0x1DC80] =	vst v63  }
0x1ae: {  	s24 =	simm.s32 $0x8400  }
0x1af: {  	[hbm4b:s9+s3] =	stream.indirect_vreg.scatter [tilespmem:s24], [sflag:$0xA], $0x80, v16, vm0, $0xb8;
	[tilespmem:$0x1DC80] =	vst v63  }
0x1b0: {  	v16 =	vld [tilespmem:$0x1DB40];
	_ =	sdelay $0x4  }
0x1b1: {  	v17 =	vshrl.u32 v16, $0x3  }
0x1b2: {  	v17 =	vmul.u32 $0x18, v17  }
0x1b3: {  	v16 =	vand.u32 $0x7, v16  }
0x1b4: {  	v16 =	vor.u32 v16, v17  }
0x1b5: {  	v17 =	vperm.xlane v16, v13;
	_ =	sdelay $0x1  }
0x1b6: {  	v17 =	vadd.s32 v14, v17;
	_ =	sdelay $0x1  }
0x1b7: {  	v16 =	vperm.xlane v16, v15;
	_ =	sdelay $0x1  }
0x1b8: {  	s25 =	simm.s32 $0x8800;
	v16 =	vadd.s32 v14, v16  }
0x1b9: {  	[hbm4b:s2+s3] =	stream.indirect_vreg.scatter [tilespmem:s25], [sflag:$0xA], $0x80, v17, vm1, $0xb8;
	[tilespmem:$0x1DC80] =	vst v63  }
0x1ba: {  	s24 =	simm.s32 $0x9000  }
0x1bb: {  	[hbm4b:s9+s3] =	stream.indirect_vreg.scatter [tilespmem:s24], [sflag:$0xA], $0x80, v17, vm0, $0xb8;
	[tilespmem:$0x1DC80] =	vst v63  }
0x1bc: {  	s25 =	simm.s32 $0x9400  }
0x1bd: {  	[hbm4b:s2+s3] =	stream.indirect_vreg.scatter [tilespmem:s25], [sflag:$0xA], $0x80, v16, vm1, $0xb8;
	[tilespmem:$0x1DC80] =	vst v63  }
0x1be: {  	s24 =	simm.s32 $0x9C00  }
0x1bf: {  	[hbm4b:s9+s3] =	stream.indirect_vreg.scatter [tilespmem:s24], [sflag:$0xA], $0x80, v16, vm0, $0xb8;
	[tilespmem:$0x1DC80] =	vst v63  }
0x1c0: {  	v16 =	vld [tilespmem:$0x1DB50];
	_ =	sdelay $0x4  }
0x1c1: {  	v17 =	vshrl.u32 v16, $0x3  }
0x1c2: {  	v17 =	vmul.u32 $0x18, v17  }
0x1c3: {  	v16 =	vand.u32 $0x7, v16  }
0x1c4: {  	v16 =	vor.u32 v16, v17  }
0x1c5: {  	v17 =	vperm.xlane v16, v13;
	_ =	sdelay $0x1  }
0x1c6: {  	v17 =	vadd.s32 v14, v17;
	_ =	sdelay $0x1  }
0x1c7: {  	v16 =	vperm.xlane v16, v15;
	_ =	sdelay $0x1  }
0x1c8: {  	s25 =	simm.s32 $0xA000;
	v16 =	vadd.s32 v14, v16  }
0x1c9: {  	[hbm4b:s2+s3] =	stream.indirect_vreg.scatter [tilespmem:s25], [sflag:$0xA], $0x80, v17, vm1, $0xb8;
	[tilespmem:$0x1DC80] =	vst v63  }
0x1ca: {  	s24 =	simm.s32 $0xA800  }
0x1cb: {  	[hbm4b:s9+s3] =	stream.indirect_vreg.scatter [tilespmem:s24], [sflag:$0xA], $0x80, v17, vm0, $0xb8;
	[tilespmem:$0x1DC80] =	vst v63  }
0x1cc: {  	s25 =	simm.s32 $0xAC00  }
0x1cd: {  	[hbm4b:s2+s3] =	stream.indirect_vreg.scatter [tilespmem:s25], [sflag:$0xA], $0x80, v16, vm1, $0xb8;
	[tilespmem:$0x1DC80] =	vst v63  }
0x1ce: {  	p0 =	seq.s32 s23, $0x0;
	s24 =	simm.s32 $0xB400  }
0x1cf: {  	[hbm4b:s9+s3] =	stream.indirect_vreg.scatter [tilespmem:s24], [sflag:$0xA], $0x80, v16, vm0, $0xb8;
	[tilespmem:$0x1DC80] =	vst v63  }
0x1d0: {  	s24 =	simm.s32 @!p0 $0xC  }
0x1d1: {  	_ =	swait.ge @!p0 [sflag:s24], $0x9000  }
0x1d2: {  	[sflag:s24] =	ssyncset.done @!p0 $0x0  }
0x1d3: {  	[sflag:s24] =	ssyncadd.s32 @!p0 $0xFFFF7000;
	s24 =	smin.u32 s23, $0x1268  }
0x1d4: {  	v16 =	vld [tilespmem:s24+$0xC0];
	_ =	sdelay $0x4  }
0x1d5: {  	[tilespmem:$0x1D900] =	vst v16  }
0x1d6: {  	v16 =	vld [tilespmem:s24+$0x14C0];
	_ =	sdelay $0x2  }
0x1d7: {  	s25 =	sadd.s32 $0xC0, s24  }
0x1d8: {  	s11 =	sadd.s32 s8, s25  }
0x1d9: {  	[tilespmem:$0x1DA80] =	vst v16;
	v16 =	vadd.s32 s11, v0  }
0x1da: {  	[tilespmem:$0x1DC00] =	vst v16  }
0x1db: {  	v16 =	vld [tilespmem:s24+$0xD0];
	_ =	sdelay $0x4  }
0x1dc: {  	[tilespmem:$0x1D910] =	vst v16  }
0x1dd: {  	v16 =	vld [tilespmem:s24+$0x14D0];
	_ =	sdelay $0x3  }
0x1de: {  	s25 =	sadd.s32 $0x10, s11  }
0x1df: {  	[tilespmem:$0x1DA90] =	vst v16;
	v16 =	vadd.s32 s25, v0  }
0x1e0: {  	[tilespmem:$0x1DC10] =	vst v16  }
0x1e1: {  	v16 =	vld [tilespmem:s24+$0xE0];
	_ =	sdelay $0x4  }
0x1e2: {  	[tilespmem:$0x1D920] =	vst v16  }
0x1e3: {  	v16 =	vld [tilespmem:s24+$0x14E0];
	_ =	sdelay $0x3  }
0x1e4: {  	s25 =	sadd.s32 $0x20, s11  }
0x1e5: {  	[tilespmem:$0x1DAA0] =	vst v16;
	v16 =	vadd.s32 s25, v0  }
0x1e6: {  	[tilespmem:$0x1DC20] =	vst v16  }
0x1e7: {  	v16 =	vld [tilespmem:s24+$0xF0];
	_ =	sdelay $0x4  }
0x1e8: {  	[tilespmem:$0x1D930] =	vst v16  }
0x1e9: {  	v16 =	vld [tilespmem:s24+$0x14F0];
	_ =	sdelay $0x3  }
0x1ea: {  	s25 =	sadd.s32 $0x30, s11  }
0x1eb: {  	[tilespmem:$0x1DAB0] =	vst v16;
	v16 =	vadd.s32 s25, v0  }
0x1ec: {  	[tilespmem:$0x1DC30] =	vst v16  }
0x1ed: {  	v16 =	vld [tilespmem:s24+$0x100];
	_ =	sdelay $0x4  }
0x1ee: {  	[tilespmem:$0x1D940] =	vst v16  }
0x1ef: {  	v16 =	vld [tilespmem:s24+$0x1500];
	_ =	sdelay $0x1  }
0x1f0: {  	s25 =	sadd.s32 $0x40, s11  }
0x1f1: {  	v17 =	vadd.s32 s25, v0  }
0x1f2: {  	[tilespmem:$0x1DC40] =	vst v17  }
0x1f3: {  	v17 =	vld [tilespmem:$0x1D900];
	[tilespmem:$0x1DAC0] =	vst v16  }
0x1f4: {  	v16 =	vld [tilespmem:s24+$0x110];
	_ =	sdelay $0x4  }
0x1f5: {  	v18 =	vperm.xlane v17, v13;
	[tilespmem:$0x1D950] =	vst v16  }
0x1f6: {  	v16 =	vld [tilespmem:s24+$0x1510]  }
0x1f7: {  	v17 =	vperm.xlane v17, v15;
	v18 =	vadd.s32 v14, v18  }
0x1f8: {  	s11 =	sadd.s32 $0x50, s11  }
0x1f9: {  	v19 =	vadd.s32 s11, v0;
	v17 =	vadd.s32 v14, v17  }
0x1fa: {  	[tilespmem:$0x1DC50] =	vst v19  }
0x1fb: {  	s25 =	simm.s32 $0x14800;
	[tilespmem:$0x1DAD0] =	vst v16  }
0x1fc: {  	[tilespmem:s25], [sflag:$0x3] =	stream.indirect_vreg.gather [hbm4b:s5+s3], $0x80, v18, vm0, $0xb8;
	[tilespmem:$0x1DC80] =	vst v63  }
0x1fd: {  	s24 =	simm.s32 $0x15400  }
0x1fe: {  	[tilespmem:s24], [sflag:$0x3] =	stream.indirect_vreg.gather [hbm4b:s5+s3], $0x80, v17, vm0, $0xb8;
	[tilespmem:$0x1DC80] =	vst v63  }
0x1ff: {  	v16 =	vld [tilespmem:$0x1D910];
	_ =	sdelay $0x4  }
0x200: {  	v17 =	vperm.xlane v16, v13;
	_ =	sdelay $0x1  }
0x201: {  	v16 =	vperm.xlane v16, v15;
	v17 =	vadd.s32 v14, v17;
	_ =	sdelay $0x1  }
0x202: {  	v16 =	vadd.s32 v14, v16;
	_ =	sdelay $0x1  }
0x203: {  	s25 =	simm.s32 $0x16000  }
0x204: {  	[tilespmem:s25], [sflag:$0x3] =	stream.indirect_vreg.gather [hbm4b:s5+s3], $0x80, v17, vm0, $0xb8;
	[tilespmem:$0x1DC80] =	vst v63  }
0x205: {  	s24 =	simm.s32 $0x16C00  }
0x206: {  	[tilespmem:s24], [sflag:$0x3] =	stream.indirect_vreg.gather [hbm4b:s5+s3], $0x80, v16, vm0, $0xb8;
	[tilespmem:$0x1DC80] =	vst v63  }
0x207: {  	v16 =	vld [tilespmem:$0x1D920];
	_ =	sdelay $0x4  }
0x208: {  	v17 =	vperm.xlane v16, v13;
	_ =	sdelay $0x1  }
0x209: {  	v16 =	vperm.xlane v16, v15;
	v17 =	vadd.s32 v14, v17;
	_ =	sdelay $0x1  }
0x20a: {  	v16 =	vadd.s32 v14, v16;
	_ =	sdelay $0x1  }
0x20b: {  	s25 =	simm.s32 $0x17800  }
0x20c: {  	[tilespmem:s25], [sflag:$0x3] =	stream.indirect_vreg.gather [hbm4b:s5+s3], $0x80, v17, vm0, $0xb8;
	[tilespmem:$0x1DC80] =	vst v63  }
0x20d: {  	s24 =	simm.s32 $0x18400  }
0x20e: {  	[tilespmem:s24], [sflag:$0x3] =	stream.indirect_vreg.gather [hbm4b:s5+s3], $0x80, v16, vm0, $0xb8;
	[tilespmem:$0x1DC80] =	vst v63  }
0x20f: {  	v16 =	vld [tilespmem:$0x1D930];
	_ =	sdelay $0x4  }
0x210: {  	v17 =	vperm.xlane v16, v13;
	_ =	sdelay $0x1  }
0x211: {  	v16 =	vperm.xlane v16, v15;
	v17 =	vadd.s32 v14, v17;
	_ =	sdelay $0x1  }
0x212: {  	v16 =	vadd.s32 v14, v16;
	_ =	sdelay $0x1  }
0x213: {  	s25 =	simm.s32 $0x19000  }
0x214: {  	[tilespmem:s25], [sflag:$0x3] =	stream.indirect_vreg.gather [hbm4b:s5+s3], $0x80, v17, vm0, $0xb8;
	[tilespmem:$0x1DC80] =	vst v63  }
0x215: {  	s24 =	simm.s32 $0x19C00  }
0x216: {  	[tilespmem:s24], [sflag:$0x3] =	stream.indirect_vreg.gather [hbm4b:s5+s3], $0x80, v16, vm0, $0xb8;
	[tilespmem:$0x1DC80] =	vst v63  }
0x217: {  	v16 =	vld [tilespmem:$0x1D940];
	_ =	sdelay $0x4  }
0x218: {  	v17 =	vperm.xlane v16, v13;
	_ =	sdelay $0x1  }
0x219: {  	v16 =	vperm.xlane v16, v15;
	v17 =	vadd.s32 v14, v17;
	_ =	sdelay $0x1  }
0x21a: {  	v16 =	vadd.s32 v14, v16;
	_ =	sdelay $0x1  }
0x21b: {  	s25 =	simm.s32 $0x1A800  }
0x21c: {  	[tilespmem:s25], [sflag:$0x3] =	stream.indirect_vreg.gather [hbm4b:s5+s3], $0x80, v17, vm0, $0xb8;
	[tilespmem:$0x1DC80] =	vst v63  }
0x21d: {  	s24 =	simm.s32 $0x1B400  }
0x21e: {  	[tilespmem:s24], [sflag:$0x3] =	stream.indirect_vreg.gather [hbm4b:s5+s3], $0x80, v16, vm0, $0xb8;
	[tilespmem:$0x1DC80] =	vst v63  }
0x21f: {  	v16 =	vld [tilespmem:$0x1D950];
	_ =	sdelay $0x4  }
0x220: {  	v17 =	vperm.xlane v16, v13;
	_ =	sdelay $0x1  }
0x221: {  	v16 =	vperm.xlane v16, v15;
	v17 =	vadd.s32 v14, v17;
	_ =	sdelay $0x1  }
0x222: {  	v16 =	vadd.s32 v14, v16;
	_ =	sdelay $0x1  }
0x223: {  	s25 =	simm.s32 $0x1C000  }
0x224: {  	[tilespmem:s25], [sflag:$0x3] =	stream.indirect_vreg.gather [hbm4b:s5+s3], $0x80, v17, vm0, $0xb8;
	[tilespmem:$0x1DC80] =	vst v63  }
0x225: {  	s24 =	simm.s32 $0x1CC00  }
0x226: {  	[tilespmem:s24], [sflag:$0x3] =	stream.indirect_vreg.gather [hbm4b:s5+s3], $0x80, v16, vm0, $0xb8;
	[tilespmem:$0x1DC80] =	vst v63  }
0x227: {  	v16 =	vld [tilespmem:$0x1DC00];
	_ =	sdelay $0x4  }
0x228: {  	v17 =	vperm.xlane v16, v13;
	_ =	sdelay $0x1  }
0x229: {  	v16 =	vperm.xlane v16, v15;
	v17 =	vadd.s32 v14, v17;
	_ =	sdelay $0x1  }
0x22a: {  	v16 =	vadd.s32 v14, v16;
	_ =	sdelay $0x1  }
0x22b: {  	s25 =	simm.s32 $0x14C00  }
0x22c: {  	[tilespmem:s25], [sflag:$0x6] =	stream.indirect_vreg.gather [hbm4b:s6+s3], $0x80, v17, vm0, $0xb8;
	[tilespmem:$0x1DC80] =	vst v63  }
0x22d: {  	s24 =	simm.s32 $0x15800  }
0x22e: {  	[tilespmem:s24], [sflag:$0x6] =	stream.indirect_vreg.gather [hbm4b:s6+s3], $0x80, v16, vm0, $0xb8;
	[tilespmem:$0x1DC80] =	vst v63  }
0x22f: {  	v16 =	vld [tilespmem:$0x1DC10];
	_ =	sdelay $0x4  }
0x230: {  	v17 =	vperm.xlane v16, v13;
	_ =	sdelay $0x1  }
0x231: {  	v16 =	vperm.xlane v16, v15;
	v17 =	vadd.s32 v14, v17;
	_ =	sdelay $0x1  }
0x232: {  	v16 =	vadd.s32 v14, v16;
	_ =	sdelay $0x1  }
0x233: {  	s25 =	simm.s32 $0x16400  }
0x234: {  	[tilespmem:s25], [sflag:$0x6] =	stream.indirect_vreg.gather [hbm4b:s6+s3], $0x80, v17, vm0, $0xb8;
	[tilespmem:$0x1DC80] =	vst v63  }
0x235: {  	s24 =	simm.s32 $0x17000  }
0x236: {  	[tilespmem:s24], [sflag:$0x6] =	stream.indirect_vreg.gather [hbm4b:s6+s3], $0x80, v16, vm0, $0xb8;
	[tilespmem:$0x1DC80] =	vst v63  }
0x237: {  	v16 =	vld [tilespmem:$0x1DC20];
	_ =	sdelay $0x4  }
0x238: {  	v17 =	vperm.xlane v16, v13;
	_ =	sdelay $0x1  }
0x239: {  	v16 =	vperm.xlane v16, v15;
	v17 =	vadd.s32 v14, v17;
	_ =	sdelay $0x1  }
0x23a: {  	v16 =	vadd.s32 v14, v16;
	_ =	sdelay $0x1  }
0x23b: {  	s25 =	simm.s32 $0x17C00  }
0x23c: {  	[tilespmem:s25], [sflag:$0x6] =	stream.indirect_vreg.gather [hbm4b:s6+s3], $0x80, v17, vm0, $0xb8;
	[tilespmem:$0x1DC80] =	vst v63  }
0x23d: {  	s24 =	simm.s32 $0x18800  }
0x23e: {  	[tilespmem:s24], [sflag:$0x6] =	stream.indirect_vreg.gather [hbm4b:s6+s3], $0x80, v16, vm0, $0xb8;
	[tilespmem:$0x1DC80] =	vst v63  }
0x23f: {  	v16 =	vld [tilespmem:$0x1DC30];
	_ =	sdelay $0x4  }
0x240: {  	v17 =	vperm.xlane v16, v13;
	_ =	sdelay $0x1  }
0x241: {  	v16 =	vperm.xlane v16, v15;
	v17 =	vadd.s32 v14, v17;
	_ =	sdelay $0x1  }
0x242: {  	v16 =	vadd.s32 v14, v16;
	_ =	sdelay $0x1  }
0x243: {  	s25 =	simm.s32 $0x19400  }
0x244: {  	[tilespmem:s25], [sflag:$0x6] =	stream.indirect_vreg.gather [hbm4b:s6+s3], $0x80, v17, vm0, $0xb8;
	[tilespmem:$0x1DC80] =	vst v63  }
0x245: {  	s24 =	simm.s32 $0x1A000  }
0x246: {  	[tilespmem:s24], [sflag:$0x6] =	stream.indirect_vreg.gather [hbm4b:s6+s3], $0x80, v16, vm0, $0xb8;
	[tilespmem:$0x1DC80] =	vst v63  }
0x247: {  	v16 =	vld [tilespmem:$0x1DC40];
	_ =	sdelay $0x4  }
0x248: {  	v17 =	vperm.xlane v16, v13;
	_ =	sdelay $0x1  }
0x249: {  	v16 =	vperm.xlane v16, v15;
	v17 =	vadd.s32 v14, v17;
	_ =	sdelay $0x1  }
0x24a: {  	v16 =	vadd.s32 v14, v16;
	_ =	sdelay $0x1  }
0x24b: {  	s25 =	simm.s32 $0x1AC00  }
0x24c: {  	[tilespmem:s25], [sflag:$0x6] =	stream.indirect_vreg.gather [hbm4b:s6+s3], $0x80, v17, vm0, $0xb8;
	[tilespmem:$0x1DC80] =	vst v63  }
0x24d: {  	s24 =	simm.s32 $0x1B800  }
0x24e: {  	[tilespmem:s24], [sflag:$0x6] =	stream.indirect_vreg.gather [hbm4b:s6+s3], $0x80, v16, vm0, $0xb8;
	[tilespmem:$0x1DC80] =	vst v63  }
0x24f: {  	v16 =	vld [tilespmem:$0x1DC50];
	_ =	sdelay $0x4  }
0x250: {  	v17 =	vperm.xlane v16, v13;
	_ =	sdelay $0x1  }
0x251: {  	v16 =	vperm.xlane v16, v15;
	v17 =	vadd.s32 v14, v17;
	_ =	sdelay $0x1  }
0x252: {  	v16 =	vadd.s32 v14, v16;
	_ =	sdelay $0x1  }
0x253: {  	s25 =	simm.s32 $0x1C400  }
0x254: {  	[tilespmem:s25], [sflag:$0x6] =	stream.indirect_vreg.gather [hbm4b:s6+s3], $0x80, v17, vm0, $0xb8;
	[tilespmem:$0x1DC80] =	vst v63  }
0x255: {  	s24 =	simm.s32 $0x1D000  }
0x256: {  	[tilespmem:s24], [sflag:$0x6] =	stream.indirect_vreg.gather [hbm4b:s6+s3], $0x80, v16, vm0, $0xb8;
	[tilespmem:$0x1DC80] =	vst v63  }
0x257: {  	v16 =	vld [tilespmem:$0x1DA80];
	_ =	sdelay $0x4  }
0x258: {  	v17 =	vperm.xlane v16, v13;
	_ =	sdelay $0x1  }
0x259: {  	v16 =	vperm.xlane v16, v15;
	v17 =	vadd.s32 v14, v17;
	_ =	sdelay $0x1  }
0x25a: {  	v16 =	vadd.s32 v14, v16;
	_ =	sdelay $0x1  }
0x25b: {  	s25 =	simm.s32 $0x15000  }
0x25c: {  	[tilespmem:s25], [sflag:$0x9] =	stream.indirect_vreg.gather [hbm4b:s5+s3], $0x80, v17, vm0, $0xb8;
	[tilespmem:$0x1DC80] =	vst v63  }
0x25d: {  	s24 =	simm.s32 $0x15C00  }
0x25e: {  	[tilespmem:s24], [sflag:$0x9] =	stream.indirect_vreg.gather [hbm4b:s5+s3], $0x80, v16, vm0, $0xb8;
	[tilespmem:$0x1DC80] =	vst v63  }
0x25f: {  	v16 =	vld [tilespmem:$0x1DA90];
	_ =	sdelay $0x4  }
0x260: {  	v17 =	vperm.xlane v16, v13;
	_ =	sdelay $0x1  }
0x261: {  	v16 =	vperm.xlane v16, v15;
	v17 =	vadd.s32 v14, v17;
	_ =	sdelay $0x1  }
0x262: {  	v16 =	vadd.s32 v14, v16;
	_ =	sdelay $0x1  }
0x263: {  	s25 =	simm.s32 $0x16800  }
0x264: {  	[tilespmem:s25], [sflag:$0x9] =	stream.indirect_vreg.gather [hbm4b:s5+s3], $0x80, v17, vm0, $0xb8;
	[tilespmem:$0x1DC80] =	vst v63  }
0x265: {  	s24 =	simm.s32 $0x17400  }
0x266: {  	[tilespmem:s24], [sflag:$0x9] =	stream.indirect_vreg.gather [hbm4b:s5+s3], $0x80, v16, vm0, $0xb8;
	[tilespmem:$0x1DC80] =	vst v63  }
0x267: {  	v16 =	vld [tilespmem:$0x1DAA0];
	_ =	sdelay $0x4  }
0x268: {  	v17 =	vperm.xlane v16, v13;
	_ =	sdelay $0x1  }
0x269: {  	v16 =	vperm.xlane v16, v15;
	v17 =	vadd.s32 v14, v17;
	_ =	sdelay $0x1  }
0x26a: {  	v16 =	vadd.s32 v14, v16;
	_ =	sdelay $0x1  }
0x26b: {  	s25 =	simm.s32 $0x18000  }
0x26c: {  	[tilespmem:s25], [sflag:$0x9] =	stream.indirect_vreg.gather [hbm4b:s5+s3], $0x80, v17, vm0, $0xb8;
	[tilespmem:$0x1DC80] =	vst v63  }
0x26d: {  	s24 =	simm.s32 $0x18C00  }
0x26e: {  	[tilespmem:s24], [sflag:$0x9] =	stream.indirect_vreg.gather [hbm4b:s5+s3], $0x80, v16, vm0, $0xb8;
	[tilespmem:$0x1DC80] =	vst v63  }
0x26f: {  	v16 =	vld [tilespmem:$0x1DAB0];
	_ =	sdelay $0x4  }
0x270: {  	v17 =	vperm.xlane v16, v13;
	_ =	sdelay $0x1  }
0x271: {  	v16 =	vperm.xlane v16, v15;
	v17 =	vadd.s32 v14, v17;
	_ =	sdelay $0x1  }
0x272: {  	v16 =	vadd.s32 v14, v16;
	_ =	sdelay $0x1  }
0x273: {  	s25 =	simm.s32 $0x19800  }
0x274: {  	[tilespmem:s25], [sflag:$0x9] =	stream.indirect_vreg.gather [hbm4b:s5+s3], $0x80, v17, vm0, $0xb8;
	[tilespmem:$0x1DC80] =	vst v63  }
0x275: {  	s24 =	simm.s32 $0x1A400  }
0x276: {  	[tilespmem:s24], [sflag:$0x9] =	stream.indirect_vreg.gather [hbm4b:s5+s3], $0x80, v16, vm0, $0xb8;
	[tilespmem:$0x1DC80] =	vst v63  }
0x277: {  	v16 =	vld [tilespmem:$0x1DAC0];
	_ =	sdelay $0x4  }
0x278: {  	v17 =	vperm.xlane v16, v13;
	_ =	sdelay $0x1  }
0x279: {  	v16 =	vperm.xlane v16, v15;
	v17 =	vadd.s32 v14, v17;
	_ =	sdelay $0x1  }
0x27a: {  	v16 =	vadd.s32 v14, v16;
	_ =	sdelay $0x1  }
0x27b: {  	s25 =	simm.s32 $0x1B000  }
0x27c: {  	[tilespmem:s25], [sflag:$0x9] =	stream.indirect_vreg.gather [hbm4b:s5+s3], $0x80, v17, vm0, $0xb8;
	[tilespmem:$0x1DC80] =	vst v63  }
0x27d: {  	s24 =	simm.s32 $0x1BC00  }
0x27e: {  	[tilespmem:s24], [sflag:$0x9] =	stream.indirect_vreg.gather [hbm4b:s5+s3], $0x80, v16, vm0, $0xb8;
	[tilespmem:$0x1DC80] =	vst v63  }
0x27f: {  	v16 =	vld [tilespmem:$0x1DAD0];
	_ =	sdelay $0x4  }
0x280: {  	v17 =	vperm.xlane v16, v13;
	_ =	sdelay $0x1  }
0x281: {  	v16 =	vperm.xlane v16, v15;
	v17 =	vadd.s32 v14, v17;
	_ =	sdelay $0x1  }
0x282: {  	v16 =	vadd.s32 v14, v16;
	_ =	sdelay $0x1  }
0x283: {  	s25 =	simm.s32 $0x1C800  }
0x284: {  	[tilespmem:s25], [sflag:$0x9] =	stream.indirect_vreg.gather [hbm4b:s5+s3], $0x80, v17, vm0, $0xb8;
	[tilespmem:$0x1DC80] =	vst v63  }
0x285: {  	s24 =	simm.s32 $0x1D400;
	s25 =	simm.s32 $0x2  }
0x286: {  	[tilespmem:s24], [sflag:$0x9] =	stream.indirect_vreg.gather [hbm4b:s5+s3], $0x80, v16, vm0, $0xb8;
	[tilespmem:$0x1DC80] =	vst v63  }
0x287: {  	_ =	swait.ge [sflag:s25], $0x3000  }
0x288: {  	[sflag:s25] =	ssyncset.done $0x0  }
0x289: {  	s24 =	simm.s32 $0x5;
	[sflag:s25] =	ssyncadd.s32 $0xFFFFD000  }
0x28a: {  	_ =	swait.ge [sflag:s24], $0x3000  }
0x28b: {  	[sflag:s24] =	ssyncset.done $0x0  }
0x28c: {  	s25 =	simm.s32 $0x8;
	[sflag:s24] =	ssyncadd.s32 $0xFFFFD000  }
0x28d: {  	_ =	swait.ge [sflag:s25], $0x3000  }
0x28e: {  	[sflag:s25] =	ssyncset.done $0x0  }
0x28f: {  	[sflag:s25] =	ssyncadd.s32 $0xFFFFD000  }
0x290: {  	v16 =	vld [tilespmem:$0x1DB80];
	_ =	sdelay $0x4  }
0x291: {  	v17 =	vshrl.u32 v16, $0x3  }
0x292: {  	v17 =	vmul.u32 $0x18, v17  }
0x293: {  	v16 =	vand.u32 $0x7, v16  }
0x294: {  	v16 =	vor.u32 v16, v17  }
0x295: {  	v17 =	vperm.xlane v16, v13;
	_ =	sdelay $0x1  }
0x296: {  	v17 =	vadd.s32 v14, v17;
	_ =	sdelay $0x1  }
0x297: {  	v16 =	vperm.xlane v16, v15;
	_ =	sdelay $0x1  }
0x298: {  	v16 =	vadd.s32 v14, v16  }
0x299: {  	[hbm4b:s2+s3] =	stream.indirect_vreg.scatter [tilespmem:s26], [sflag:$0xB], $0x80, v17, vm1, $0xb8;
	[tilespmem:$0x1DC80] =	vst v63  }
0x29a: {  	_ = 	snop  }
0x29b: {  	[hbm4b:s9+s3] =	stream.indirect_vreg.scatter [tilespmem:s10], [sflag:$0xB], $0x80, v17, vm0, $0xb8;
	[tilespmem:$0x1DC80] =	vst v63  }
0x29c: {  	_ = 	snop  }
0x29d: {  	[hbm4b:s2+s3] =	stream.indirect_vreg.scatter [tilespmem:s28], [sflag:$0xB], $0x80, v16, vm1, $0xb8;
	[tilespmem:$0x1DC80] =	vst v63  }
0x29e: {  	_ = 	snop  }
0x29f: {  	[hbm4b:s9+s3] =	stream.indirect_vreg.scatter [tilespmem:s13], [sflag:$0xB], $0x80, v16, vm0, $0xb8;
	[tilespmem:$0x1DC80] =	vst v63  }
0x2a0: {  	v16 =	vld [tilespmem:$0x1DB90];
	_ =	sdelay $0x4  }
0x2a1: {  	v17 =	vshrl.u32 v16, $0x3  }
0x2a2: {  	v17 =	vmul.u32 $0x18, v17  }
0x2a3: {  	v16 =	vand.u32 $0x7, v16  }
0x2a4: {  	v16 =	vor.u32 v16, v17  }
0x2a5: {  	v17 =	vperm.xlane v16, v13;
	_ =	sdelay $0x1  }
0x2a6: {  	v17 =	vadd.s32 v14, v17;
	_ =	sdelay $0x1  }
0x2a7: {  	v16 =	vperm.xlane v16, v15;
	_ =	sdelay $0x1  }
0x2a8: {  	v16 =	vadd.s32 v14, v16  }
0x2a9: {  	[hbm4b:s2+s3] =	stream.indirect_vreg.scatter [tilespmem:s29], [sflag:$0xB], $0x80, v17, vm1, $0xb8;
	[tilespmem:$0x1DC80] =	vst v63  }
0x2aa: {  	_ = 	snop  }
0x2ab: {  	[hbm4b:s9+s3] =	stream.indirect_vreg.scatter [tilespmem:s16], [sflag:$0xB], $0x80, v17, vm0, $0xb8;
	[tilespmem:$0x1DC80] =	vst v63  }
0x2ac: {  	_ = 	snop  }
0x2ad: {  	[hbm4b:s2+s3] =	stream.indirect_vreg.scatter [tilespmem:s30], [sflag:$0xB], $0x80, v16, vm1, $0xb8;
	[tilespmem:$0x1DC80] =	vst v63  }
0x2ae: {  	_ = 	snop  }
0x2af: {  	[hbm4b:s9+s3] =	stream.indirect_vreg.scatter [tilespmem:s17], [sflag:$0xB], $0x80, v16, vm0, $0xb8;
	[tilespmem:$0x1DC80] =	vst v63  }
0x2b0: {  	v16 =	vld [tilespmem:$0x1DBA0];
	_ =	sdelay $0x4  }
0x2b1: {  	v17 =	vshrl.u32 v16, $0x3  }
0x2b2: {  	v17 =	vmul.u32 $0x18, v17  }
0x2b3: {  	v16 =	vand.u32 $0x7, v16  }
0x2b4: {  	v16 =	vor.u32 v16, v17  }
0x2b5: {  	v17 =	vperm.xlane v16, v13;
	_ =	sdelay $0x1  }
0x2b6: {  	v17 =	vadd.s32 v14, v17;
	_ =	sdelay $0x1  }
0x2b7: {  	v16 =	vperm.xlane v16, v15;
	_ =	sdelay $0x1  }
0x2b8: {  	v16 =	vadd.s32 v14, v16  }
0x2b9: {  	[hbm4b:s2+s3] =	stream.indirect_vreg.scatter [tilespmem:s31], [sflag:$0xB], $0x80, v17, vm1, $0xb8;
	[tilespmem:$0x1DC80] =	vst v63  }
0x2ba: {  	_ = 	snop  }
0x2bb: {  	[hbm4b:s9+s3] =	stream.indirect_vreg.scatter [tilespmem:s18], [sflag:$0xB], $0x80, v17, vm0, $0xb8;
	[tilespmem:$0x1DC80] =	vst v63  }
0x2bc: {  	_ = 	snop  }
0x2bd: {  	[hbm4b:s2+s3] =	stream.indirect_vreg.scatter [tilespmem:s1], [sflag:$0xB], $0x80, v16, vm1, $0xb8;
	[tilespmem:$0x1DC80] =	vst v63  }
0x2be: {  	_ = 	snop  }
0x2bf: {  	[hbm4b:s9+s3] =	stream.indirect_vreg.scatter [tilespmem:s19], [sflag:$0xB], $0x80, v16, vm0, $0xb8;
	[tilespmem:$0x1DC80] =	vst v63  }
0x2c0: {  	v16 =	vld [tilespmem:$0x1DBB0];
	_ =	sdelay $0x4  }
0x2c1: {  	v17 =	vshrl.u32 v16, $0x3  }
0x2c2: {  	v17 =	vmul.u32 $0x18, v17  }
0x2c3: {  	v16 =	vand.u32 $0x7, v16  }
0x2c4: {  	v16 =	vor.u32 v16, v17  }
0x2c5: {  	v17 =	vperm.xlane v16, v13;
	_ =	sdelay $0x1  }
0x2c6: {  	v17 =	vadd.s32 v14, v17;
	_ =	sdelay $0x1  }
0x2c7: {  	v16 =	vperm.xlane v16, v15;
	_ =	sdelay $0x1  }
0x2c8: {  	v16 =	vadd.s32 v14, v16  }
0x2c9: {  	[hbm4b:s2+s3] =	stream.indirect_vreg.scatter [tilespmem:s0], [sflag:$0xB], $0x80, v17, vm1, $0xb8;
	[tilespmem:$0x1DC80] =	vst v63  }
0x2ca: {  	_ = 	snop  }
0x2cb: {  	[hbm4b:s9+s3] =	stream.indirect_vreg.scatter [tilespmem:s20], [sflag:$0xB], $0x80, v17, vm0, $0xb8;
	[tilespmem:$0x1DC80] =	vst v63  }
0x2cc: {  	_ = 	snop  }
0x2cd: {  	[hbm4b:s2+s3] =	stream.indirect_vreg.scatter [tilespmem:s12], [sflag:$0xB], $0x80, v16, vm1, $0xb8;
	[tilespmem:$0x1DC80] =	vst v63  }
0x2ce: {  	_ = 	snop  }
0x2cf: {  	[hbm4b:s9+s3] =	stream.indirect_vreg.scatter [tilespmem:s21], [sflag:$0xB], $0x80, v16, vm0, $0xb8;
	[tilespmem:$0x1DC80] =	vst v63  }
0x2d0: {  	v16 =	vld [tilespmem:$0x1DBC0];
	_ =	sdelay $0x4  }
0x2d1: {  	v17 =	vshrl.u32 v16, $0x3  }
0x2d2: {  	v17 =	vmul.u32 $0x18, v17  }
0x2d3: {  	v16 =	vand.u32 $0x7, v16  }
0x2d4: {  	v16 =	vor.u32 v16, v17  }
0x2d5: {  	v17 =	vperm.xlane v16, v13;
	_ =	sdelay $0x1  }
0x2d6: {  	v17 =	vadd.s32 v14, v17;
	_ =	sdelay $0x1  }
0x2d7: {  	v16 =	vperm.xlane v16, v15;
	_ =	sdelay $0x1  }
0x2d8: {  	v16 =	vadd.s32 v14, v16  }
0x2d9: {  	[hbm4b:s2+s3] =	stream.indirect_vreg.scatter [tilespmem:s7], [sflag:$0xB], $0x80, v17, vm1, $0xb8;
	[tilespmem:$0x1DC80] =	vst v63  }
0x2da: {  	_ = 	snop  }
0x2db: {  	[hbm4b:s9+s3] =	stream.indirect_vreg.scatter [tilespmem:s22], [sflag:$0xB], $0x80, v17, vm0, $0xb8;
	[tilespmem:$0x1DC80] =	vst v63  }
0x2dc: {  	_ = 	snop  }
0x2dd: {  	[hbm4b:s2+s3] =	stream.indirect_vreg.scatter [tilespmem:s14], [sflag:$0xB], $0x80, v16, vm1, $0xb8;
	[tilespmem:$0x1DC80] =	vst v63  }
0x2de: {  	_ = 	snop  }
0x2df: {  	[hbm4b:s9+s3] =	stream.indirect_vreg.scatter [tilespmem:s4], [sflag:$0xB], $0x80, v16, vm0, $0xb8;
	[tilespmem:$0x1DC80] =	vst v63  }
0x2e0: {  	v16 =	vld [tilespmem:$0x1DBD0];
	_ =	sdelay $0x4  }
0x2e1: {  	v17 =	vshrl.u32 v16, $0x3  }
0x2e2: {  	v17 =	vmul.u32 $0x18, v17  }
0x2e3: {  	v16 =	vand.u32 $0x7, v16  }
0x2e4: {  	v16 =	vor.u32 v16, v17  }
0x2e5: {  	v17 =	vperm.xlane v16, v13;
	_ =	sdelay $0x1  }
0x2e6: {  	p0 =	seq.s32 s23, $0x1320;
	s24 =	simm.s32 $0x13800;
	s25 =	simm.s32 $0x13C00;
	v17 =	vadd.s32 v14, v17  }
0x2e7: {  	s26 =	simm.s32 $0x14400;
	s10 =	simm.s32 $0xCC00;
	s28 =	simm.s32 $0xD000  }
0x2e8: {  	s13 =	simm.s32 $0xD800;
	s29 =	simm.s32 $0xDC00;
	s16 =	simm.s32 $0xE400;
	v16 =	vperm.xlane v16, v15  }
0x2e9: {  	s30 =	simm.s32 $0xE800;
	s17 =	simm.s32 $0xF000;
	s31 =	simm.s32 $0xF400  }
0x2ea: {  	s18 =	simm.s32 $0xFC00;
	s1 =	simm.s32 $0x10000;
	s19 =	simm.s32 $0x10800;
	v16 =	vadd.s32 v14, v16  }
0x2eb: {  	[hbm4b:s2+s3] =	stream.indirect_vreg.scatter [tilespmem:s15], [sflag:$0xB], $0x80, v17, vm1, $0xb8;
	[tilespmem:$0x1DC80] =	vst v63  }
0x2ec: {  	s0 =	simm.s32 $0x10C00;
	s20 =	simm.s32 $0x11400;
	s12 =	simm.s32 $0x11800  }
0x2ed: {  	[hbm4b:s9+s3] =	stream.indirect_vreg.scatter [tilespmem:s24], [sflag:$0xB], $0x80, v17, vm0, $0xb8;
	[tilespmem:$0x1DC80] =	vst v63  }
.Ltmp2:
0x2ee: {  	s21 =	simm.s32 $0x12000;
	s7 =	simm.s32 $0x12400;
	(pc) =	sbr.rel @p0 .LBB2_4-.Ltmp2, $4  }
0x2ef: {  	[hbm4b:s2+s3] =	stream.indirect_vreg.scatter [tilespmem:s25], [sflag:$0xB], $0x80, v16, vm1, $0xb8;
	[tilespmem:$0x1DC80] =	vst v63  }
0x2f0: {  	s22 =	simm.s32 $0x12C00;
	s14 =	simm.s32 $0x13000;
	s4 =	smov.u32 s8  }
0x2f1: {  	[hbm4b:s9+s3] =	stream.indirect_vreg.scatter [tilespmem:s26], [sflag:$0xB], $0x80, v16, vm0, $0xb8;
	[tilespmem:$0x1DC80] =	vst v63  }
0x2f2: {  	s15 =	simm.s32 $0x13C00;
	s25 =	simm.s32 $0xB800;
	s26 =	simm.s32 $0xC400  }
0x2f3: {  	s8 =	simm.s32 $0xA  }
0x2f4: {  	_ =	swait.ge [sflag:s8], $0x9000  }
0x2f5: {  	[sflag:s8] =	ssyncset.done $0x0  }
0x2f6: {  	s11 =	smin.u32 s23, $0x1208;
	[sflag:s8] =	ssyncadd.s32 $0xFFFF7000  }
0x2f7: {  	v16 =	vld [tilespmem:s11+$0x120];
	_ =	sdelay $0x4  }
0x2f8: {  	[tilespmem:$0x1D800] =	vst v16  }
0x2f9: {  	v16 =	vld [tilespmem:s11+$0x1520];
	_ =	sdelay $0x2  }
0x2fa: {  	s24 =	sadd.s32 $0x120, s11  }
0x2fb: {  	s24 =	sadd.s32 s4, s24  }
0x2fc: {  	[tilespmem:$0x1D980] =	vst v16;
	v16 =	vadd.s32 s24, v0  }
0x2fd: {  	[tilespmem:$0x1DB00] =	vst v16  }
0x2fe: {  	v16 =	vld [tilespmem:s11+$0x130];
	_ =	sdelay $0x4  }
0x2ff: {  	[tilespmem:$0x1D810] =	vst v16  }
0x300: {  	v16 =	vld [tilespmem:s11+$0x1530];
	_ =	sdelay $0x3  }
0x301: {  	s25 =	sadd.s32 $0x10, s24  }
0x302: {  	[tilespmem:$0x1D990] =	vst v16;
	v16 =	vadd.s32 s25, v0  }
0x303: {  	[tilespmem:$0x1DB10] =	vst v16  }
0x304: {  	v16 =	vld [tilespmem:s11+$0x140];
	_ =	sdelay $0x4  }
0x305: {  	[tilespmem:$0x1D820] =	vst v16  }
0x306: {  	v16 =	vld [tilespmem:s11+$0x1540];
	_ =	sdelay $0x3  }
0x307: {  	s8 =	sadd.s32 $0x20, s24  }
0x308: {  	[tilespmem:$0x1D9A0] =	vst v16;
	v16 =	vadd.s32 s8, v0  }
0x309: {  	[tilespmem:$0x1DB20] =	vst v16  }
0x30a: {  	v16 =	vld [tilespmem:s11+$0x150];
	_ =	sdelay $0x4  }
0x30b: {  	[tilespmem:$0x1D830] =	vst v16  }
0x30c: {  	v16 =	vld [tilespmem:s11+$0x1550];
	_ =	sdelay $0x3  }
0x30d: {  	s8 =	sadd.s32 $0x30, s24  }
0x30e: {  	[tilespmem:$0x1D9B0] =	vst v16;
	v16 =	vadd.s32 s8, v0  }
0x30f: {  	[tilespmem:$0x1DB30] =	vst v16  }
0x310: {  	v16 =	vld [tilespmem:s11+$0x160];
	_ =	sdelay $0x4  }
0x311: {  	[tilespmem:$0x1D840] =	vst v16  }
0x312: {  	v16 =	vld [tilespmem:s11+$0x1560];
	_ =	sdelay $0x1  }
0x313: {  	s8 =	sadd.s32 $0x40, s24  }
0x314: {  	v17 =	vadd.s32 s8, v0  }
0x315: {  	[tilespmem:$0x1DB40] =	vst v17  }
0x316: {  	v17 =	vld [tilespmem:$0x1D800];
	[tilespmem:$0x1D9C0] =	vst v16  }
0x317: {  	v16 =	vld [tilespmem:s11+$0x170];
	_ =	sdelay $0x4  }
0x318: {  	v18 =	vperm.xlane v17, v13;
	[tilespmem:$0x1D850] =	vst v16  }
0x319: {  	v16 =	vld [tilespmem:s11+$0x1570]  }
0x31a: {  	v17 =	vperm.xlane v17, v15;
	v18 =	vadd.s32 v14, v18  }
0x31b: {  	s24 =	sadd.s32 $0x50, s24  }
0x31c: {  	v19 =	vadd.s32 s24, v0;
	v17 =	vadd.s32 v14, v17  }
0x31d: {  	[tilespmem:$0x1DB50] =	vst v19  }
0x31e: {  	s8 =	simm.s32 $0x2800;
	[tilespmem:$0x1D9D0] =	vst v16  }
0x31f: {  	[tilespmem:s8], [sflag:$0x1] =	stream.indirect_vreg.gather [hbm4b:s5+s3], $0x80, v18, vm0, $0xb8;
	[tilespmem:$0x1DC80] =	vst v63  }
0x320: {  	s24 =	simm.s32 $0x3400  }
0x321: {  	[tilespmem:s24], [sflag:$0x1] =	stream.indirect_vreg.gather [hbm4b:s5+s3], $0x80, v17, vm0, $0xb8;
	[tilespmem:$0x1DC80] =	vst v63  }
0x322: {  	v16 =	vld [tilespmem:$0x1D810];
	_ =	sdelay $0x4  }
0x323: {  	v17 =	vperm.xlane v16, v13;
	_ =	sdelay $0x1  }
0x324: {  	v16 =	vperm.xlane v16, v15;
	v17 =	vadd.s32 v14, v17;
	_ =	sdelay $0x1  }
0x325: {  	v16 =	vadd.s32 v14, v16;
	_ =	sdelay $0x1  }
0x326: {  	s8 =	simm.s32 $0x4000  }
0x327: {  	[tilespmem:s8], [sflag:$0x1] =	stream.indirect_vreg.gather [hbm4b:s5+s3], $0x80, v17, vm0, $0xb8;
	[tilespmem:$0x1DC80] =	vst v63  }
0x328: {  	s24 =	simm.s32 $0x4C00  }
0x329: {  	[tilespmem:s24], [sflag:$0x1] =	stream.indirect_vreg.gather [hbm4b:s5+s3], $0x80, v16, vm0, $0xb8;
	[tilespmem:$0x1DC80] =	vst v63  }
0x32a: {  	v16 =	vld [tilespmem:$0x1D820];
	_ =	sdelay $0x4  }
0x32b: {  	v17 =	vperm.xlane v16, v13;
	_ =	sdelay $0x1  }
0x32c: {  	v16 =	vperm.xlane v16, v15;
	v17 =	vadd.s32 v14, v17;
	_ =	sdelay $0x1  }
0x32d: {  	v16 =	vadd.s32 v14, v16;
	_ =	sdelay $0x1  }
0x32e: {  	s8 =	simm.s32 $0x5800  }
0x32f: {  	[tilespmem:s8], [sflag:$0x1] =	stream.indirect_vreg.gather [hbm4b:s5+s3], $0x80, v17, vm0, $0xb8;
	[tilespmem:$0x1DC80] =	vst v63  }
0x330: {  	s24 =	simm.s32 $0x6400  }
0x331: {  	[tilespmem:s24], [sflag:$0x1] =	stream.indirect_vreg.gather [hbm4b:s5+s3], $0x80, v16, vm0, $0xb8;
	[tilespmem:$0x1DC80] =	vst v63  }
0x332: {  	v16 =	vld [tilespmem:$0x1D830];
	_ =	sdelay $0x4  }
0x333: {  	v17 =	vperm.xlane v16, v13;
	_ =	sdelay $0x1  }
0x334: {  	v16 =	vperm.xlane v16, v15;
	v17 =	vadd.s32 v14, v17;
	_ =	sdelay $0x1  }
0x335: {  	v16 =	vadd.s32 v14, v16;
	_ =	sdelay $0x1  }
0x336: {  	s8 =	simm.s32 $0x7000  }
0x337: {  	[tilespmem:s8], [sflag:$0x1] =	stream.indirect_vreg.gather [hbm4b:s5+s3], $0x80, v17, vm0, $0xb8;
	[tilespmem:$0x1DC80] =	vst v63  }
0x338: {  	s24 =	simm.s32 $0x7C00  }
0x339: {  	[tilespmem:s24], [sflag:$0x1] =	stream.indirect_vreg.gather [hbm4b:s5+s3], $0x80, v16, vm0, $0xb8;
	[tilespmem:$0x1DC80] =	vst v63  }
0x33a: {  	v16 =	vld [tilespmem:$0x1D840];
	_ =	sdelay $0x4  }
0x33b: {  	v17 =	vperm.xlane v16, v13;
	_ =	sdelay $0x1  }
0x33c: {  	v16 =	vperm.xlane v16, v15;
	v17 =	vadd.s32 v14, v17;
	_ =	sdelay $0x1  }
0x33d: {  	v16 =	vadd.s32 v14, v16;
	_ =	sdelay $0x1  }
0x33e: {  	s8 =	simm.s32 $0x8800  }
0x33f: {  	[tilespmem:s8], [sflag:$0x1] =	stream.indirect_vreg.gather [hbm4b:s5+s3], $0x80, v17, vm0, $0xb8;
	[tilespmem:$0x1DC80] =	vst v63  }
0x340: {  	s24 =	simm.s32 $0x9400  }
0x341: {  	[tilespmem:s24], [sflag:$0x1] =	stream.indirect_vreg.gather [hbm4b:s5+s3], $0x80, v16, vm0, $0xb8;
	[tilespmem:$0x1DC80] =	vst v63  }
0x342: {  	v16 =	vld [tilespmem:$0x1D850];
	_ =	sdelay $0x4  }
0x343: {  	v17 =	vperm.xlane v16, v13;
	_ =	sdelay $0x1  }
0x344: {  	v16 =	vperm.xlane v16, v15;
	v17 =	vadd.s32 v14, v17;
	_ =	sdelay $0x1  }
0x345: {  	v16 =	vadd.s32 v14, v16;
	_ =	sdelay $0x1  }
0x346: {  	s8 =	simm.s32 $0xA000  }
0x347: {  	[tilespmem:s8], [sflag:$0x1] =	stream.indirect_vreg.gather [hbm4b:s5+s3], $0x80, v17, vm0, $0xb8;
	[tilespmem:$0x1DC80] =	vst v63  }
0x348: {  	s24 =	simm.s32 $0xAC00  }
0x349: {  	[tilespmem:s24], [sflag:$0x1] =	stream.indirect_vreg.gather [hbm4b:s5+s3], $0x80, v16, vm0, $0xb8;
	[tilespmem:$0x1DC80] =	vst v63  }
0x34a: {  	v16 =	vld [tilespmem:$0x1DB00];
	_ =	sdelay $0x4  }
0x34b: {  	v17 =	vperm.xlane v16, v13;
	_ =	sdelay $0x1  }
0x34c: {  	v16 =	vperm.xlane v16, v15;
	v17 =	vadd.s32 v14, v17;
	_ =	sdelay $0x1  }
0x34d: {  	v16 =	vadd.s32 v14, v16;
	_ =	sdelay $0x1  }
0x34e: {  	s8 =	simm.s32 $0x2C00  }
0x34f: {  	[tilespmem:s8], [sflag:$0x4] =	stream.indirect_vreg.gather [hbm4b:s6+s3], $0x80, v17, vm0, $0xb8;
	[tilespmem:$0x1DC80] =	vst v63  }
0x350: {  	s24 =	simm.s32 $0x3800  }
0x351: {  	[tilespmem:s24], [sflag:$0x4] =	stream.indirect_vreg.gather [hbm4b:s6+s3], $0x80, v16, vm0, $0xb8;
	[tilespmem:$0x1DC80] =	vst v63  }
0x352: {  	v16 =	vld [tilespmem:$0x1DB10];
	_ =	sdelay $0x4  }
0x353: {  	v17 =	vperm.xlane v16, v13;
	_ =	sdelay $0x1  }
0x354: {  	v16 =	vperm.xlane v16, v15;
	v17 =	vadd.s32 v14, v17;
	_ =	sdelay $0x1  }
0x355: {  	v16 =	vadd.s32 v14, v16;
	_ =	sdelay $0x1  }
0x356: {  	s8 =	simm.s32 $0x4400  }
0x357: {  	[tilespmem:s8], [sflag:$0x4] =	stream.indirect_vreg.gather [hbm4b:s6+s3], $0x80, v17, vm0, $0xb8;
	[tilespmem:$0x1DC80] =	vst v63  }
0x358: {  	s24 =	simm.s32 $0x5000  }
0x359: {  	[tilespmem:s24], [sflag:$0x4] =	stream.indirect_vreg.gather [hbm4b:s6+s3], $0x80, v16, vm0, $0xb8;
	[tilespmem:$0x1DC80] =	vst v63  }
0x35a: {  	v16 =	vld [tilespmem:$0x1DB20];
	_ =	sdelay $0x4  }
0x35b: {  	v17 =	vperm.xlane v16, v13;
	_ =	sdelay $0x1  }
0x35c: {  	v16 =	vperm.xlane v16, v15;
	v17 =	vadd.s32 v14, v17;
	_ =	sdelay $0x1  }
0x35d: {  	v16 =	vadd.s32 v14, v16;
	_ =	sdelay $0x1  }
0x35e: {  	s8 =	simm.s32 $0x5C00  }
0x35f: {  	[tilespmem:s8], [sflag:$0x4] =	stream.indirect_vreg.gather [hbm4b:s6+s3], $0x80, v17, vm0, $0xb8;
	[tilespmem:$0x1DC80] =	vst v63  }
0x360: {  	s24 =	simm.s32 $0x6800  }
0x361: {  	[tilespmem:s24], [sflag:$0x4] =	stream.indirect_vreg.gather [hbm4b:s6+s3], $0x80, v16, vm0, $0xb8;
	[tilespmem:$0x1DC80] =	vst v63  }
0x362: {  	v16 =	vld [tilespmem:$0x1DB30];
	_ =	sdelay $0x4  }
0x363: {  	v17 =	vperm.xlane v16, v13;
	_ =	sdelay $0x1  }
0x364: {  	v16 =	vperm.xlane v16, v15;
	v17 =	vadd.s32 v14, v17;
	_ =	sdelay $0x1  }
0x365: {  	v16 =	vadd.s32 v14, v16;
	_ =	sdelay $0x1  }
0x366: {  	s8 =	simm.s32 $0x7400  }
0x367: {  	[tilespmem:s8], [sflag:$0x4] =	stream.indirect_vreg.gather [hbm4b:s6+s3], $0x80, v17, vm0, $0xb8;
	[tilespmem:$0x1DC80] =	vst v63  }
0x368: {  	s24 =	simm.s32 $0x8000  }
0x369: {  	[tilespmem:s24], [sflag:$0x4] =	stream.indirect_vreg.gather [hbm4b:s6+s3], $0x80, v16, vm0, $0xb8;
	[tilespmem:$0x1DC80] =	vst v63  }
0x36a: {  	v16 =	vld [tilespmem:$0x1DB40];
	_ =	sdelay $0x4  }
0x36b: {  	v17 =	vperm.xlane v16, v13;
	_ =	sdelay $0x1  }
0x36c: {  	v16 =	vperm.xlane v16, v15;
	v17 =	vadd.s32 v14, v17;
	_ =	sdelay $0x1  }
0x36d: {  	v16 =	vadd.s32 v14, v16;
	_ =	sdelay $0x1  }
0x36e: {  	s8 =	simm.s32 $0x8C00  }
0x36f: {  	[tilespmem:s8], [sflag:$0x4] =	stream.indirect_vreg.gather [hbm4b:s6+s3], $0x80, v17, vm0, $0xb8;
	[tilespmem:$0x1DC80] =	vst v63  }
0x370: {  	s24 =	simm.s32 $0x9800  }
0x371: {  	[tilespmem:s24], [sflag:$0x4] =	stream.indirect_vreg.gather [hbm4b:s6+s3], $0x80, v16, vm0, $0xb8;
	[tilespmem:$0x1DC80] =	vst v63  }
0x372: {  	v16 =	vld [tilespmem:$0x1DB50];
	_ =	sdelay $0x4  }
0x373: {  	v17 =	vperm.xlane v16, v13;
	_ =	sdelay $0x1  }
0x374: {  	v16 =	vperm.xlane v16, v15;
	v17 =	vadd.s32 v14, v17;
	_ =	sdelay $0x1  }
0x375: {  	v16 =	vadd.s32 v14, v16;
	_ =	sdelay $0x1  }
0x376: {  	s8 =	simm.s32 $0xA400  }
0x377: {  	[tilespmem:s8], [sflag:$0x4] =	stream.indirect_vreg.gather [hbm4b:s6+s3], $0x80, v17, vm0, $0xb8;
	[tilespmem:$0x1DC80] =	vst v63  }
0x378: {  	s24 =	simm.s32 $0xB000  }
0x379: {  	[tilespmem:s24], [sflag:$0x4] =	stream.indirect_vreg.gather [hbm4b:s6+s3], $0x80, v16, vm0, $0xb8;
	[tilespmem:$0x1DC80] =	vst v63  }
0x37a: {  	v16 =	vld [tilespmem:$0x1D980];
	_ =	sdelay $0x4  }
0x37b: {  	v17 =	vperm.xlane v16, v13;
	_ =	sdelay $0x1  }
0x37c: {  	v16 =	vperm.xlane v16, v15;
	v17 =	vadd.s32 v14, v17;
	_ =	sdelay $0x1  }
0x37d: {  	v16 =	vadd.s32 v14, v16;
	_ =	sdelay $0x1  }
0x37e: {  	s8 =	simm.s32 $0x3000  }
0x37f: {  	[tilespmem:s8], [sflag:$0x7] =	stream.indirect_vreg.gather [hbm4b:s5+s3], $0x80, v17, vm0, $0xb8;
	[tilespmem:$0x1DC80] =	vst v63  }
0x380: {  	s24 =	simm.s32 $0x3C00  }
0x381: {  	[tilespmem:s24], [sflag:$0x7] =	stream.indirect_vreg.gather [hbm4b:s5+s3], $0x80, v16, vm0, $0xb8;
	[tilespmem:$0x1DC80] =	vst v63  }
0x382: {  	v16 =	vld [tilespmem:$0x1D990];
	_ =	sdelay $0x4  }
0x383: {  	v17 =	vperm.xlane v16, v13;
	_ =	sdelay $0x1  }
0x384: {  	v16 =	vperm.xlane v16, v15;
	v17 =	vadd.s32 v14, v17;
	_ =	sdelay $0x1  }
0x385: {  	v16 =	vadd.s32 v14, v16;
	_ =	sdelay $0x1  }
0x386: {  	s8 =	simm.s32 $0x4800  }
0x387: {  	[tilespmem:s8], [sflag:$0x7] =	stream.indirect_vreg.gather [hbm4b:s5+s3], $0x80, v17, vm0, $0xb8;
	[tilespmem:$0x1DC80] =	vst v63  }
0x388: {  	s24 =	simm.s32 $0x5400  }
0x389: {  	[tilespmem:s24], [sflag:$0x7] =	stream.indirect_vreg.gather [hbm4b:s5+s3], $0x80, v16, vm0, $0xb8;
	[tilespmem:$0x1DC80] =	vst v63  }
0x38a: {  	v16 =	vld [tilespmem:$0x1D9A0];
	_ =	sdelay $0x4  }
0x38b: {  	v17 =	vperm.xlane v16, v13;
	_ =	sdelay $0x1  }
0x38c: {  	v16 =	vperm.xlane v16, v15;
	v17 =	vadd.s32 v14, v17;
	_ =	sdelay $0x1  }
0x38d: {  	v16 =	vadd.s32 v14, v16;
	_ =	sdelay $0x1  }
0x38e: {  	s8 =	simm.s32 $0x6000  }
0x38f: {  	[tilespmem:s8], [sflag:$0x7] =	stream.indirect_vreg.gather [hbm4b:s5+s3], $0x80, v17, vm0, $0xb8;
	[tilespmem:$0x1DC80] =	vst v63  }
0x390: {  	s24 =	simm.s32 $0x6C00  }
0x391: {  	[tilespmem:s24], [sflag:$0x7] =	stream.indirect_vreg.gather [hbm4b:s5+s3], $0x80, v16, vm0, $0xb8;
	[tilespmem:$0x1DC80] =	vst v63  }
0x392: {  	v16 =	vld [tilespmem:$0x1D9B0];
	_ =	sdelay $0x4  }
0x393: {  	v17 =	vperm.xlane v16, v13;
	_ =	sdelay $0x1  }
0x394: {  	v16 =	vperm.xlane v16, v15;
	v17 =	vadd.s32 v14, v17;
	_ =	sdelay $0x1  }
0x395: {  	v16 =	vadd.s32 v14, v16;
	_ =	sdelay $0x1  }
0x396: {  	s8 =	simm.s32 $0x7800  }
0x397: {  	[tilespmem:s8], [sflag:$0x7] =	stream.indirect_vreg.gather [hbm4b:s5+s3], $0x80, v17, vm0, $0xb8;
	[tilespmem:$0x1DC80] =	vst v63  }
0x398: {  	s24 =	simm.s32 $0x8400  }
0x399: {  	[tilespmem:s24], [sflag:$0x7] =	stream.indirect_vreg.gather [hbm4b:s5+s3], $0x80, v16, vm0, $0xb8;
	[tilespmem:$0x1DC80] =	vst v63  }
0x39a: {  	v16 =	vld [tilespmem:$0x1D9C0];
	_ =	sdelay $0x4  }
0x39b: {  	v17 =	vperm.xlane v16, v13;
	_ =	sdelay $0x1  }
0x39c: {  	v16 =	vperm.xlane v16, v15;
	v17 =	vadd.s32 v14, v17;
	_ =	sdelay $0x1  }
0x39d: {  	v16 =	vadd.s32 v14, v16;
	_ =	sdelay $0x1  }
0x39e: {  	s8 =	simm.s32 $0x9000  }
0x39f: {  	[tilespmem:s8], [sflag:$0x7] =	stream.indirect_vreg.gather [hbm4b:s5+s3], $0x80, v17, vm0, $0xb8;
	[tilespmem:$0x1DC80] =	vst v63  }
0x3a0: {  	s24 =	simm.s32 $0x9C00  }
0x3a1: {  	[tilespmem:s24], [sflag:$0x7] =	stream.indirect_vreg.gather [hbm4b:s5+s3], $0x80, v16, vm0, $0xb8;
	[tilespmem:$0x1DC80] =	vst v63  }
0x3a2: {  	v16 =	vld [tilespmem:$0x1D9D0];
	_ =	sdelay $0x4  }
0x3a3: {  	v17 =	vperm.xlane v16, v13;
	_ =	sdelay $0x1  }
0x3a4: {  	v16 =	vperm.xlane v16, v15;
	v17 =	vadd.s32 v14, v17;
	_ =	sdelay $0x1  }
0x3a5: {  	v16 =	vadd.s32 v14, v16;
	_ =	sdelay $0x1  }
0x3a6: {  	s8 =	simm.s32 $0xA800  }
0x3a7: {  	[tilespmem:s8], [sflag:$0x7] =	stream.indirect_vreg.gather [hbm4b:s5+s3], $0x80, v17, vm0, $0xb8;
	[tilespmem:$0x1DC80] =	vst v63  }
0x3a8: {  	s25 =	simm.s32 $0xB800;
	s24 =	simm.s32 $0xB400  }
0x3a9: {  	[tilespmem:s24], [sflag:$0x7] =	stream.indirect_vreg.gather [hbm4b:s5+s3], $0x80, v16, vm0, $0xb8;
	[tilespmem:$0x1DC80] =	vst v63  }
.LBB2_4:
0x3aa: {  	s8 =	simm.s32 $0x3  }
0x3ab: {  	_ =	swait.ge [sflag:s8], $0x3000  }
0x3ac: {  	[sflag:s8] =	ssyncset.done $0x0  }
0x3ad: {  	s11 =	simm.s32 $0x6;
	[sflag:s8] =	ssyncadd.s32 $0xFFFFD000  }
0x3ae: {  	_ =	swait.ge [sflag:s11], $0x3000  }
0x3af: {  	[sflag:s11] =	ssyncset.done $0x0  }
0x3b0: {  	s24 =	simm.s32 $0x9;
	[sflag:s11] =	ssyncadd.s32 $0xFFFFD000  }
0x3b1: {  	_ =	swait.ge [sflag:s24], $0x3000  }
0x3b2: {  	[sflag:s24] =	ssyncset.done $0x0  }
0x3b3: {  	[sflag:s24] =	ssyncadd.s32 $0xFFFFD000  }
0x3b4: {  	v16 =	vld [tilespmem:$0x1DC00];
	_ =	sdelay $0x4  }
0x3b5: {  	v17 =	vshrl.u32 v16, $0x3  }
0x3b6: {  	v17 =	vmul.u32 $0x18, v17  }
0x3b7: {  	v16 =	vand.u32 $0x7, v16  }
0x3b8: {  	v16 =	vor.u32 v16, v17  }
0x3b9: {  	v17 =	vperm.xlane v16, v13;
	_ =	sdelay $0x1  }
0x3ba: {  	v17 =	vadd.s32 v14, v17;
	_ =	sdelay $0x1  }
0x3bb: {  	v16 =	vperm.xlane v16, v15;
	_ =	sdelay $0x1  }
0x3bc: {  	s11 =	simm.s32 $0x14800;
	v16 =	vadd.s32 v14, v16  }
0x3bd: {  	[hbm4b:s2+s3] =	stream.indirect_vreg.scatter [tilespmem:s11], [sflag:$0xC], $0x80, v17, vm1, $0xb8;
	[tilespmem:$0x1DC80] =	vst v63  }
0x3be: {  	s24 =	simm.s32 $0x15000  }
0x3bf: {  	[hbm4b:s9+s3] =	stream.indirect_vreg.scatter [tilespmem:s24], [sflag:$0xC], $0x80, v17, vm0, $0xb8;
	[tilespmem:$0x1DC80] =	vst v63  }
0x3c0: {  	s11 =	simm.s32 $0x15400  }
0x3c1: {  	[hbm4b:s2+s3] =	stream.indirect_vreg.scatter [tilespmem:s11], [sflag:$0xC], $0x80, v16, vm1, $0xb8;
	[tilespmem:$0x1DC80] =	vst v63  }
0x3c2: {  	s24 =	simm.s32 $0x15C00  }
0x3c3: {  	[hbm4b:s9+s3] =	stream.indirect_vreg.scatter [tilespmem:s24], [sflag:$0xC], $0x80, v16, vm0, $0xb8;
	[tilespmem:$0x1DC80] =	vst v63  }
0x3c4: {  	v16 =	vld [tilespmem:$0x1DC10];
	_ =	sdelay $0x4  }
0x3c5: {  	v17 =	vshrl.u32 v16, $0x3  }
0x3c6: {  	v17 =	vmul.u32 $0x18, v17  }
0x3c7: {  	v16 =	vand.u32 $0x7, v16  }
0x3c8: {  	v16 =	vor.u32 v16, v17  }
0x3c9: {  	v17 =	vperm.xlane v16, v13;
	_ =	sdelay $0x1  }
0x3ca: {  	v17 =	vadd.s32 v14, v17;
	_ =	sdelay $0x1  }
0x3cb: {  	v16 =	vperm.xlane v16, v15;
	_ =	sdelay $0x1  }
0x3cc: {  	s11 =	simm.s32 $0x16000;
	v16 =	vadd.s32 v14, v16  }
0x3cd: {  	[hbm4b:s2+s3] =	stream.indirect_vreg.scatter [tilespmem:s11], [sflag:$0xC], $0x80, v17, vm1, $0xb8;
	[tilespmem:$0x1DC80] =	vst v63  }
0x3ce: {  	s24 =	simm.s32 $0x16800  }
0x3cf: {  	[hbm4b:s9+s3] =	stream.indirect_vreg.scatter [tilespmem:s24], [sflag:$0xC], $0x80, v17, vm0, $0xb8;
	[tilespmem:$0x1DC80] =	vst v63  }
0x3d0: {  	s11 =	simm.s32 $0x16C00  }
0x3d1: {  	[hbm4b:s2+s3] =	stream.indirect_vreg.scatter [tilespmem:s11], [sflag:$0xC], $0x80, v16, vm1, $0xb8;
	[tilespmem:$0x1DC80] =	vst v63  }
0x3d2: {  	s24 =	simm.s32 $0x17400  }
0x3d3: {  	[hbm4b:s9+s3] =	stream.indirect_vreg.scatter [tilespmem:s24], [sflag:$0xC], $0x80, v16, vm0, $0xb8;
	[tilespmem:$0x1DC80] =	vst v63  }
0x3d4: {  	v16 =	vld [tilespmem:$0x1DC20];
	_ =	sdelay $0x4  }
0x3d5: {  	v17 =	vshrl.u32 v16, $0x3  }
0x3d6: {  	v17 =	vmul.u32 $0x18, v17  }
0x3d7: {  	v16 =	vand.u32 $0x7, v16  }
0x3d8: {  	v16 =	vor.u32 v16, v17  }
0x3d9: {  	v17 =	vperm.xlane v16, v13;
	_ =	sdelay $0x1  }
0x3da: {  	v17 =	vadd.s32 v14, v17;
	_ =	sdelay $0x1  }
0x3db: {  	v16 =	vperm.xlane v16, v15;
	_ =	sdelay $0x1  }
0x3dc: {  	s11 =	simm.s32 $0x17800;
	v16 =	vadd.s32 v14, v16  }
0x3dd: {  	[hbm4b:s2+s3] =	stream.indirect_vreg.scatter [tilespmem:s11], [sflag:$0xC], $0x80, v17, vm1, $0xb8;
	[tilespmem:$0x1DC80] =	vst v63  }
0x3de: {  	s24 =	simm.s32 $0x18000  }
0x3df: {  	[hbm4b:s9+s3] =	stream.indirect_vreg.scatter [tilespmem:s24], [sflag:$0xC], $0x80, v17, vm0, $0xb8;
	[tilespmem:$0x1DC80] =	vst v63  }
0x3e0: {  	s11 =	simm.s32 $0x18400  }
0x3e1: {  	[hbm4b:s2+s3] =	stream.indirect_vreg.scatter [tilespmem:s11], [sflag:$0xC], $0x80, v16, vm1, $0xb8;
	[tilespmem:$0x1DC80] =	vst v63  }
0x3e2: {  	s24 =	simm.s32 $0x18C00  }
0x3e3: {  	[hbm4b:s9+s3] =	stream.indirect_vreg.scatter [tilespmem:s24], [sflag:$0xC], $0x80, v16, vm0, $0xb8;
	[tilespmem:$0x1DC80] =	vst v63  }
0x3e4: {  	v16 =	vld [tilespmem:$0x1DC30];
	_ =	sdelay $0x4  }
0x3e5: {  	v17 =	vshrl.u32 v16, $0x3  }
0x3e6: {  	v17 =	vmul.u32 $0x18, v17  }
0x3e7: {  	v16 =	vand.u32 $0x7, v16  }
0x3e8: {  	v16 =	vor.u32 v16, v17  }
0x3e9: {  	v17 =	vperm.xlane v16, v13;
	_ =	sdelay $0x1  }
0x3ea: {  	v17 =	vadd.s32 v14, v17;
	_ =	sdelay $0x1  }
0x3eb: {  	v16 =	vperm.xlane v16, v15;
	_ =	sdelay $0x1  }
0x3ec: {  	s11 =	simm.s32 $0x19000;
	v16 =	vadd.s32 v14, v16  }
0x3ed: {  	[hbm4b:s2+s3] =	stream.indirect_vreg.scatter [tilespmem:s11], [sflag:$0xC], $0x80, v17, vm1, $0xb8;
	[tilespmem:$0x1DC80] =	vst v63  }
0x3ee: {  	s24 =	simm.s32 $0x19800  }
0x3ef: {  	[hbm4b:s9+s3] =	stream.indirect_vreg.scatter [tilespmem:s24], [sflag:$0xC], $0x80, v17, vm0, $0xb8;
	[tilespmem:$0x1DC80] =	vst v63  }
0x3f0: {  	s11 =	simm.s32 $0x19C00  }
0x3f1: {  	[hbm4b:s2+s3] =	stream.indirect_vreg.scatter [tilespmem:s11], [sflag:$0xC], $0x80, v16, vm1, $0xb8;
	[tilespmem:$0x1DC80] =	vst v63  }
0x3f2: {  	s24 =	simm.s32 $0x1A400  }
0x3f3: {  	[hbm4b:s9+s3] =	stream.indirect_vreg.scatter [tilespmem:s24], [sflag:$0xC], $0x80, v16, vm0, $0xb8;
	[tilespmem:$0x1DC80] =	vst v63  }
0x3f4: {  	v16 =	vld [tilespmem:$0x1DC40];
	_ =	sdelay $0x4  }
0x3f5: {  	v17 =	vshrl.u32 v16, $0x3  }
0x3f6: {  	v17 =	vmul.u32 $0x18, v17  }
0x3f7: {  	v16 =	vand.u32 $0x7, v16  }
0x3f8: {  	v16 =	vor.u32 v16, v17  }
0x3f9: {  	v17 =	vperm.xlane v16, v13;
	_ =	sdelay $0x1  }
0x3fa: {  	v17 =	vadd.s32 v14, v17;
	_ =	sdelay $0x1  }
0x3fb: {  	v16 =	vperm.xlane v16, v15;
	_ =	sdelay $0x1  }
0x3fc: {  	s11 =	simm.s32 $0x1A800;
	v16 =	vadd.s32 v14, v16  }
0x3fd: {  	[hbm4b:s2+s3] =	stream.indirect_vreg.scatter [tilespmem:s11], [sflag:$0xC], $0x80, v17, vm1, $0xb8;
	[tilespmem:$0x1DC80] =	vst v63  }
0x3fe: {  	s24 =	simm.s32 $0x1B000  }
0x3ff: {  	[hbm4b:s9+s3] =	stream.indirect_vreg.scatter [tilespmem:s24], [sflag:$0xC], $0x80, v17, vm0, $0xb8;
	[tilespmem:$0x1DC80] =	vst v63  }
0x400: {  	s11 =	simm.s32 $0x1B400  }
0x401: {  	[hbm4b:s2+s3] =	stream.indirect_vreg.scatter [tilespmem:s11], [sflag:$0xC], $0x80, v16, vm1, $0xb8;
	[tilespmem:$0x1DC80] =	vst v63  }
0x402: {  	s24 =	simm.s32 $0x1BC00  }
0x403: {  	[hbm4b:s9+s3] =	stream.indirect_vreg.scatter [tilespmem:s24], [sflag:$0xC], $0x80, v16, vm0, $0xb8;
	[tilespmem:$0x1DC80] =	vst v63  }
0x404: {  	v16 =	vld [tilespmem:$0x1DC50];
	_ =	sdelay $0x4  }
0x405: {  	v17 =	vshrl.u32 v16, $0x3  }
0x406: {  	v17 =	vmul.u32 $0x18, v17  }
0x407: {  	v16 =	vand.u32 $0x7, v16  }
0x408: {  	v16 =	vor.u32 v16, v17  }
0x409: {  	v17 =	vperm.xlane v16, v13;
	_ =	sdelay $0x1  }
0x40a: {  	v17 =	vadd.s32 v14, v17;
	_ =	sdelay $0x2  }
0x40b: {  	v16 =	vperm.xlane v16, v15  }
0x40c: {  	s11 =	simm.s32 $0x1C000  }
0x40d: {  	v16 =	vadd.s32 v14, v16;
	[hbm4b:s2+s3] =	stream.indirect_vreg.scatter [tilespmem:s11], [sflag:$0xC], $0x80, v17, vm1, $0xb8;
	[tilespmem:$0x1DC80] =	vst v63  }
0x40e: {  	s24 =	simm.s32 $0x1C800  }
0x40f: {  	[hbm4b:s9+s3] =	stream.indirect_vreg.scatter [tilespmem:s24], [sflag:$0xC], $0x80, v17, vm0, $0xb8;
	[tilespmem:$0x1DC80] =	vst v63  }
.Ltmp3:
0x410: {  	_ = 	snop;
	(pc) =	sbr.rel @p0 .LBB2_6-.Ltmp3, $4  }
0x411: {  	s11 =	simm.s32 $0x1CC00  }
0x412: {  	[hbm4b:s2+s3] =	stream.indirect_vreg.scatter [tilespmem:s11], [sflag:$0xC], $0x80, v16, vm1, $0xb8;
	[tilespmem:$0x1DC80] =	vst v63  }
0x413: {  	s24 =	simm.s32 $0x1D400  }
0x414: {  	[hbm4b:s9+s3] =	stream.indirect_vreg.scatter [tilespmem:s24], [sflag:$0xC], $0x80, v16, vm0, $0xb8;
	[tilespmem:$0x1DC80] =	vst v63  }
0x415: {  	s0 =	simm.s32 $0xB  }
0x416: {  	_ =	swait.ge [sflag:s0], $0x9000  }
0x417: {  	[sflag:s0] =	ssyncset.done $0x0  }
0x418: {  	s11 =	smin.u32 s23, $0x11A8;
	[sflag:s0] =	ssyncadd.s32 $0xFFFF7000  }
0x419: {  	v16 =	vld [tilespmem:s11+$0x180];
	_ =	sdelay $0x4  }
0x41a: {  	[tilespmem:$0x1D880] =	vst v16  }
0x41b: {  	v16 =	vld [tilespmem:s11+$0x1580];
	_ =	sdelay $0x2  }
0x41c: {  	s24 =	sadd.s32 $0x180, s11  }
0x41d: {  	s24 =	sadd.s32 s4, s24  }
0x41e: {  	[tilespmem:$0x1DA00] =	vst v16;
	v16 =	vadd.s32 s24, v0  }
0x41f: {  	[tilespmem:$0x1DB80] =	vst v16  }
0x420: {  	v16 =	vld [tilespmem:s11+$0x190];
	_ =	sdelay $0x4  }
0x421: {  	[tilespmem:$0x1D890] =	vst v16  }
0x422: {  	v16 =	vld [tilespmem:s11+$0x1590];
	_ =	sdelay $0x3  }
0x423: {  	s25 =	sadd.s32 $0x10, s24  }
0x424: {  	[tilespmem:$0x1DA10] =	vst v16;
	v16 =	vadd.s32 s25, v0  }
0x425: {  	[tilespmem:$0x1DB90] =	vst v16  }
0x426: {  	v16 =	vld [tilespmem:s11+$0x1A0];
	_ =	sdelay $0x4  }
0x427: {  	[tilespmem:$0x1D8A0] =	vst v16  }
0x428: {  	v16 =	vld [tilespmem:s11+$0x15A0];
	_ =	sdelay $0x3  }
0x429: {  	s19 =	sadd.s32 $0x20, s24  }
0x42a: {  	[tilespmem:$0x1DA20] =	vst v16;
	v16 =	vadd.s32 s19, v0  }
0x42b: {  	[tilespmem:$0x1DBA0] =	vst v16  }
0x42c: {  	v16 =	vld [tilespmem:s11+$0x1B0];
	_ =	sdelay $0x4  }
0x42d: {  	[tilespmem:$0x1D8B0] =	vst v16  }
0x42e: {  	v16 =	vld [tilespmem:s11+$0x15B0];
	_ =	sdelay $0x3  }
0x42f: {  	s20 =	sadd.s32 $0x30, s24  }
0x430: {  	[tilespmem:$0x1DA30] =	vst v16;
	v16 =	vadd.s32 s20, v0  }
0x431: {  	[tilespmem:$0x1DBB0] =	vst v16  }
0x432: {  	v16 =	vld [tilespmem:s11+$0x1C0];
	_ =	sdelay $0x4  }
0x433: {  	[tilespmem:$0x1D8C0] =	vst v16  }
0x434: {  	v16 =	vld [tilespmem:s11+$0x15C0];
	_ =	sdelay $0x1  }
0x435: {  	s21 =	sadd.s32 $0x40, s24  }
0x436: {  	v17 =	vadd.s32 s21, v0  }
0x437: {  	[tilespmem:$0x1DBC0] =	vst v17  }
0x438: {  	v17 =	vld [tilespmem:$0x1D880];
	[tilespmem:$0x1DA40] =	vst v16  }
0x439: {  	v16 =	vld [tilespmem:s11+$0x1D0];
	_ =	sdelay $0x4  }
0x43a: {  	v18 =	vperm.xlane v17, v13;
	[tilespmem:$0x1D8D0] =	vst v16  }
0x43b: {  	v16 =	vld [tilespmem:s11+$0x15D0]  }
0x43c: {  	v17 =	vperm.xlane v17, v15;
	v18 =	vadd.s32 v14, v18  }
0x43d: {  	s22 =	sadd.s32 $0x50, s24  }
0x43e: {  	v19 =	vadd.s32 s22, v0;
	v17 =	vadd.s32 v14, v17  }
0x43f: {  	[tilespmem:$0x1DBD0] =	vst v19  }
0x440: {  	s26 =	simm.s32 $0xB800;
	[tilespmem:$0x1DA50] =	vst v16  }
0x441: {  	[tilespmem:s26], [sflag:$0x2] =	stream.indirect_vreg.gather [hbm4b:s5+s3], $0x80, v18, vm0, $0xb8;
	[tilespmem:$0x1DC80] =	vst v63  }
0x442: {  	s28 =	simm.s32 $0xC400  }
0x443: {  	[tilespmem:s28], [sflag:$0x2] =	stream.indirect_vreg.gather [hbm4b:s5+s3], $0x80, v17, vm0, $0xb8;
	[tilespmem:$0x1DC80] =	vst v63  }
0x444: {  	v16 =	vld [tilespmem:$0x1D890];
	_ =	sdelay $0x4  }
0x445: {  	v17 =	vperm.xlane v16, v13;
	_ =	sdelay $0x1  }
0x446: {  	v16 =	vperm.xlane v16, v15;
	v17 =	vadd.s32 v14, v17;
	_ =	sdelay $0x1  }
0x447: {  	v16 =	vadd.s32 v14, v16;
	_ =	sdelay $0x1  }
0x448: {  	s29 =	simm.s32 $0xD000  }
0x449: {  	[tilespmem:s29], [sflag:$0x2] =	stream.indirect_vreg.gather [hbm4b:s5+s3], $0x80, v17, vm0, $0xb8;
	[tilespmem:$0x1DC80] =	vst v63  }
0x44a: {  	s30 =	simm.s32 $0xDC00  }
0x44b: {  	[tilespmem:s30], [sflag:$0x2] =	stream.indirect_vreg.gather [hbm4b:s5+s3], $0x80, v16, vm0, $0xb8;
	[tilespmem:$0x1DC80] =	vst v63  }
0x44c: {  	v16 =	vld [tilespmem:$0x1D8A0];
	_ =	sdelay $0x4  }
0x44d: {  	v17 =	vperm.xlane v16, v13;
	_ =	sdelay $0x1  }
0x44e: {  	v16 =	vperm.xlane v16, v15;
	v17 =	vadd.s32 v14, v17;
	_ =	sdelay $0x1  }
0x44f: {  	v16 =	vadd.s32 v14, v16;
	_ =	sdelay $0x1  }
0x450: {  	s31 =	simm.s32 $0xE800  }
0x451: {  	[tilespmem:s31], [sflag:$0x2] =	stream.indirect_vreg.gather [hbm4b:s5+s3], $0x80, v17, vm0, $0xb8;
	[tilespmem:$0x1DC80] =	vst v63  }
0x452: {  	s1 =	simm.s32 $0xF400  }
0x453: {  	[tilespmem:s1], [sflag:$0x2] =	stream.indirect_vreg.gather [hbm4b:s5+s3], $0x80, v16, vm0, $0xb8;
	[tilespmem:$0x1DC80] =	vst v63  }
0x454: {  	v16 =	vld [tilespmem:$0x1D8B0];
	_ =	sdelay $0x4  }
0x455: {  	v17 =	vperm.xlane v16, v13;
	_ =	sdelay $0x1  }
0x456: {  	v16 =	vperm.xlane v16, v15;
	v17 =	vadd.s32 v14, v17;
	_ =	sdelay $0x1  }
0x457: {  	v16 =	vadd.s32 v14, v16;
	_ =	sdelay $0x1  }
0x458: {  	s0 =	simm.s32 $0x10000  }
0x459: {  	[tilespmem:s0], [sflag:$0x2] =	stream.indirect_vreg.gather [hbm4b:s5+s3], $0x80, v17, vm0, $0xb8;
	[tilespmem:$0x1DC80] =	vst v63  }
0x45a: {  	s12 =	simm.s32 $0x10C00  }
0x45b: {  	[tilespmem:s12], [sflag:$0x2] =	stream.indirect_vreg.gather [hbm4b:s5+s3], $0x80, v16, vm0, $0xb8;
	[tilespmem:$0x1DC80] =	vst v63  }
0x45c: {  	v16 =	vld [tilespmem:$0x1D8C0];
	_ =	sdelay $0x4  }
0x45d: {  	v17 =	vperm.xlane v16, v13;
	_ =	sdelay $0x1  }
0x45e: {  	v16 =	vperm.xlane v16, v15;
	v17 =	vadd.s32 v14, v17;
	_ =	sdelay $0x1  }
0x45f: {  	v16 =	vadd.s32 v14, v16;
	_ =	sdelay $0x1  }
0x460: {  	s7 =	simm.s32 $0x11800  }
0x461: {  	[tilespmem:s7], [sflag:$0x2] =	stream.indirect_vreg.gather [hbm4b:s5+s3], $0x80, v17, vm0, $0xb8;
	[tilespmem:$0x1DC80] =	vst v63  }
0x462: {  	s14 =	simm.s32 $0x12400  }
0x463: {  	[tilespmem:s14], [sflag:$0x2] =	stream.indirect_vreg.gather [hbm4b:s5+s3], $0x80, v16, vm0, $0xb8;
	[tilespmem:$0x1DC80] =	vst v63  }
0x464: {  	v16 =	vld [tilespmem:$0x1D8D0];
	_ =	sdelay $0x4  }
0x465: {  	v17 =	vperm.xlane v16, v13;
	_ =	sdelay $0x1  }
0x466: {  	v16 =	vperm.xlane v16, v15;
	v17 =	vadd.s32 v14, v17;
	_ =	sdelay $0x1  }
0x467: {  	v16 =	vadd.s32 v14, v16;
	_ =	sdelay $0x1  }
0x468: {  	s15 =	simm.s32 $0x13000  }
0x469: {  	[tilespmem:s15], [sflag:$0x2] =	stream.indirect_vreg.gather [hbm4b:s5+s3], $0x80, v17, vm0, $0xb8;
	[tilespmem:$0x1DC80] =	vst v63  }
0x46a: {  	s8 =	simm.s32 $0x13C00  }
0x46b: {  	[tilespmem:s8], [sflag:$0x2] =	stream.indirect_vreg.gather [hbm4b:s5+s3], $0x80, v16, vm0, $0xb8;
	[tilespmem:$0x1DC80] =	vst v63  }
0x46c: {  	v16 =	vld [tilespmem:$0x1DB80];
	_ =	sdelay $0x4  }
0x46d: {  	v17 =	vperm.xlane v16, v13;
	_ =	sdelay $0x1  }
0x46e: {  	v16 =	vperm.xlane v16, v15;
	v17 =	vadd.s32 v14, v17;
	_ =	sdelay $0x1  }
0x46f: {  	v16 =	vadd.s32 v14, v16;
	_ =	sdelay $0x1  }
0x470: {  	s24 =	simm.s32 $0xBC00  }
0x471: {  	[tilespmem:s24], [sflag:$0x5] =	stream.indirect_vreg.gather [hbm4b:s6+s3], $0x80, v17, vm0, $0xb8;
	[tilespmem:$0x1DC80] =	vst v63  }
0x472: {  	s25 =	simm.s32 $0xC800  }
0x473: {  	[tilespmem:s25], [sflag:$0x5] =	stream.indirect_vreg.gather [hbm4b:s6+s3], $0x80, v16, vm0, $0xb8;
	[tilespmem:$0x1DC80] =	vst v63  }
0x474: {  	v16 =	vld [tilespmem:$0x1DB90];
	_ =	sdelay $0x4  }
0x475: {  	v17 =	vperm.xlane v16, v13;
	_ =	sdelay $0x1  }
0x476: {  	v16 =	vperm.xlane v16, v15;
	v17 =	vadd.s32 v14, v17;
	_ =	sdelay $0x1  }
0x477: {  	v16 =	vadd.s32 v14, v16;
	_ =	sdelay $0x1  }
0x478: {  	s8 =	simm.s32 $0xD400  }
0x479: {  	[tilespmem:s8], [sflag:$0x5] =	stream.indirect_vreg.gather [hbm4b:s6+s3], $0x80, v17, vm0, $0xb8;
	[tilespmem:$0x1DC80] =	vst v63  }
0x47a: {  	s10 =	simm.s32 $0xE000  }
0x47b: {  	[tilespmem:s10], [sflag:$0x5] =	stream.indirect_vreg.gather [hbm4b:s6+s3], $0x80, v16, vm0, $0xb8;
	[tilespmem:$0x1DC80] =	vst v63  }
0x47c: {  	v16 =	vld [tilespmem:$0x1DBA0];
	_ =	sdelay $0x4  }
0x47d: {  	v17 =	vperm.xlane v16, v13;
	_ =	sdelay $0x1  }
0x47e: {  	v16 =	vperm.xlane v16, v15;
	v17 =	vadd.s32 v14, v17;
	_ =	sdelay $0x1  }
0x47f: {  	v16 =	vadd.s32 v14, v16;
	_ =	sdelay $0x1  }
0x480: {  	s13 =	simm.s32 $0xEC00  }
0x481: {  	[tilespmem:s13], [sflag:$0x5] =	stream.indirect_vreg.gather [hbm4b:s6+s3], $0x80, v17, vm0, $0xb8;
	[tilespmem:$0x1DC80] =	vst v63  }
0x482: {  	s16 =	simm.s32 $0xF800  }
0x483: {  	[tilespmem:s16], [sflag:$0x5] =	stream.indirect_vreg.gather [hbm4b:s6+s3], $0x80, v16, vm0, $0xb8;
	[tilespmem:$0x1DC80] =	vst v63  }
0x484: {  	v16 =	vld [tilespmem:$0x1DBB0];
	_ =	sdelay $0x4  }
0x485: {  	v17 =	vperm.xlane v16, v13;
	_ =	sdelay $0x1  }
0x486: {  	v16 =	vperm.xlane v16, v15;
	v17 =	vadd.s32 v14, v17;
	_ =	sdelay $0x1  }
0x487: {  	v16 =	vadd.s32 v14, v16;
	_ =	sdelay $0x1  }
0x488: {  	s17 =	simm.s32 $0x10400  }
0x489: {  	[tilespmem:s17], [sflag:$0x5] =	stream.indirect_vreg.gather [hbm4b:s6+s3], $0x80, v17, vm0, $0xb8;
	[tilespmem:$0x1DC80] =	vst v63  }
0x48a: {  	s18 =	simm.s32 $0x11000  }
0x48b: {  	[tilespmem:s18], [sflag:$0x5] =	stream.indirect_vreg.gather [hbm4b:s6+s3], $0x80, v16, vm0, $0xb8;
	[tilespmem:$0x1DC80] =	vst v63  }
0x48c: {  	v16 =	vld [tilespmem:$0x1DBC0];
	_ =	sdelay $0x4  }
0x48d: {  	v17 =	vperm.xlane v16, v13;
	_ =	sdelay $0x1  }
0x48e: {  	v16 =	vperm.xlane v16, v15;
	v17 =	vadd.s32 v14, v17;
	_ =	sdelay $0x1  }
0x48f: {  	v16 =	vadd.s32 v14, v16;
	_ =	sdelay $0x1  }
0x490: {  	s19 =	simm.s32 $0x11C00  }
0x491: {  	[tilespmem:s19], [sflag:$0x5] =	stream.indirect_vreg.gather [hbm4b:s6+s3], $0x80, v17, vm0, $0xb8;
	[tilespmem:$0x1DC80] =	vst v63  }
0x492: {  	s20 =	simm.s32 $0x12800  }
0x493: {  	[tilespmem:s20], [sflag:$0x5] =	stream.indirect_vreg.gather [hbm4b:s6+s3], $0x80, v16, vm0, $0xb8;
	[tilespmem:$0x1DC80] =	vst v63  }
0x494: {  	v16 =	vld [tilespmem:$0x1DBD0];
	_ =	sdelay $0x4  }
0x495: {  	v17 =	vperm.xlane v16, v13;
	_ =	sdelay $0x1  }
0x496: {  	v16 =	vperm.xlane v16, v15;
	v17 =	vadd.s32 v14, v17;
	_ =	sdelay $0x1  }
0x497: {  	v16 =	vadd.s32 v14, v16;
	_ =	sdelay $0x1  }
0x498: {  	s21 =	simm.s32 $0x13400  }
0x499: {  	[tilespmem:s21], [sflag:$0x5] =	stream.indirect_vreg.gather [hbm4b:s6+s3], $0x80, v17, vm0, $0xb8;
	[tilespmem:$0x1DC80] =	vst v63  }
0x49a: {  	s22 =	simm.s32 $0x14000  }
0x49b: {  	[tilespmem:s22], [sflag:$0x5] =	stream.indirect_vreg.gather [hbm4b:s6+s3], $0x80, v16, vm0, $0xb8;
	[tilespmem:$0x1DC80] =	vst v63  }
0x49c: {  	v16 =	vld [tilespmem:$0x1DA00];
	_ =	sdelay $0x4  }
0x49d: {  	v17 =	vperm.xlane v16, v13;
	_ =	sdelay $0x1  }
0x49e: {  	v16 =	vperm.xlane v16, v15;
	v17 =	vadd.s32 v14, v17;
	_ =	sdelay $0x1  }
0x49f: {  	v16 =	vadd.s32 v14, v16;
	_ =	sdelay $0x1  }
0x4a0: {  	s10 =	simm.s32 $0xC000  }
0x4a1: {  	[tilespmem:s10], [sflag:$0x8] =	stream.indirect_vreg.gather [hbm4b:s5+s3], $0x80, v17, vm0, $0xb8;
	[tilespmem:$0x1DC80] =	vst v63  }
0x4a2: {  	s13 =	simm.s32 $0xCC00  }
0x4a3: {  	[tilespmem:s13], [sflag:$0x8] =	stream.indirect_vreg.gather [hbm4b:s5+s3], $0x80, v16, vm0, $0xb8;
	[tilespmem:$0x1DC80] =	vst v63  }
0x4a4: {  	v16 =	vld [tilespmem:$0x1DA10];
	_ =	sdelay $0x4  }
0x4a5: {  	v17 =	vperm.xlane v16, v13;
	_ =	sdelay $0x1  }
0x4a6: {  	v16 =	vperm.xlane v16, v15;
	v17 =	vadd.s32 v14, v17;
	_ =	sdelay $0x1  }
0x4a7: {  	v16 =	vadd.s32 v14, v16;
	_ =	sdelay $0x1  }
0x4a8: {  	s16 =	simm.s32 $0xD800  }
0x4a9: {  	[tilespmem:s16], [sflag:$0x8] =	stream.indirect_vreg.gather [hbm4b:s5+s3], $0x80, v17, vm0, $0xb8;
	[tilespmem:$0x1DC80] =	vst v63  }
0x4aa: {  	s17 =	simm.s32 $0xE400  }
0x4ab: {  	[tilespmem:s17], [sflag:$0x8] =	stream.indirect_vreg.gather [hbm4b:s5+s3], $0x80, v16, vm0, $0xb8;
	[tilespmem:$0x1DC80] =	vst v63  }
0x4ac: {  	v16 =	vld [tilespmem:$0x1DA20];
	_ =	sdelay $0x4  }
0x4ad: {  	v17 =	vperm.xlane v16, v13;
	_ =	sdelay $0x1  }
0x4ae: {  	v16 =	vperm.xlane v16, v15;
	v17 =	vadd.s32 v14, v17;
	_ =	sdelay $0x1  }
0x4af: {  	v16 =	vadd.s32 v14, v16;
	_ =	sdelay $0x1  }
0x4b0: {  	s18 =	simm.s32 $0xF000  }
0x4b1: {  	[tilespmem:s18], [sflag:$0x8] =	stream.indirect_vreg.gather [hbm4b:s5+s3], $0x80, v17, vm0, $0xb8;
	[tilespmem:$0x1DC80] =	vst v63  }
0x4b2: {  	s19 =	simm.s32 $0xFC00  }
0x4b3: {  	[tilespmem:s19], [sflag:$0x8] =	stream.indirect_vreg.gather [hbm4b:s5+s3], $0x80, v16, vm0, $0xb8;
	[tilespmem:$0x1DC80] =	vst v63  }
0x4b4: {  	v16 =	vld [tilespmem:$0x1DA30];
	_ =	sdelay $0x4  }
0x4b5: {  	v17 =	vperm.xlane v16, v13;
	_ =	sdelay $0x1  }
0x4b6: {  	v16 =	vperm.xlane v16, v15;
	v17 =	vadd.s32 v14, v17;
	_ =	sdelay $0x1  }
0x4b7: {  	v16 =	vadd.s32 v14, v16;
	_ =	sdelay $0x1  }
0x4b8: {  	s20 =	simm.s32 $0x10800  }
0x4b9: {  	[tilespmem:s20], [sflag:$0x8] =	stream.indirect_vreg.gather [hbm4b:s5+s3], $0x80, v17, vm0, $0xb8;
	[tilespmem:$0x1DC80] =	vst v63  }
0x4ba: {  	s21 =	simm.s32 $0x11400  }
0x4bb: {  	[tilespmem:s21], [sflag:$0x8] =	stream.indirect_vreg.gather [hbm4b:s5+s3], $0x80, v16, vm0, $0xb8;
	[tilespmem:$0x1DC80] =	vst v63  }
0x4bc: {  	v16 =	vld [tilespmem:$0x1DA40];
	_ =	sdelay $0x4  }
0x4bd: {  	v17 =	vperm.xlane v16, v13;
	_ =	sdelay $0x1  }
0x4be: {  	v16 =	vperm.xlane v16, v15;
	v17 =	vadd.s32 v14, v17;
	_ =	sdelay $0x1  }
0x4bf: {  	v16 =	vadd.s32 v14, v16;
	_ =	sdelay $0x1  }
0x4c0: {  	s22 =	simm.s32 $0x12000  }
0x4c1: {  	[tilespmem:s22], [sflag:$0x8] =	stream.indirect_vreg.gather [hbm4b:s5+s3], $0x80, v17, vm0, $0xb8;
	[tilespmem:$0x1DC80] =	vst v63  }
0x4c2: {  	s8 =	smov.u32 s4;
	s4 =	simm.s32 $0x12C00  }
0x4c3: {  	[tilespmem:s4], [sflag:$0x8] =	stream.indirect_vreg.gather [hbm4b:s5+s3], $0x80, v16, vm0, $0xb8;
	[tilespmem:$0x1DC80] =	vst v63  }
0x4c4: {  	v16 =	vld [tilespmem:$0x1DA50];
	_ =	sdelay $0x4  }
0x4c5: {  	v17 =	vperm.xlane v16, v13;
	_ =	sdelay $0x1  }
0x4c6: {  	v16 =	vperm.xlane v16, v15;
	v17 =	vadd.s32 v14, v17;
	_ =	sdelay $0x1  }
0x4c7: {  	v16 =	vadd.s32 v14, v16  }
.Ltmp4:
0x4c8: {  	_ = 	snop;
	(pc) =	sbr.rel .LBB2_2-.Ltmp4, $4  }
0x4c9: {  	s24 =	simm.s32 $0x13800  }
0x4ca: {  	[tilespmem:s24], [sflag:$0x8] =	stream.indirect_vreg.gather [hbm4b:s5+s3], $0x80, v17, vm0, $0xb8;
	[tilespmem:$0x1DC80] =	vst v63  }
0x4cb: {  	s23 =	sadd.s32 $0x120, s23;
	s25 =	simm.s32 $0x14400  }
0x4cc: {  	[tilespmem:s25], [sflag:$0x8] =	stream.indirect_vreg.gather [hbm4b:s5+s3], $0x80, v16, vm0, $0xb8;
	[tilespmem:$0x1DC80] =	vst v63  }
.LBB2_7:
0x4cd: {  	_ =	sfence.sel $0x180000  }
0x4ce: {  	[bflag:$0x0] =	sbarrier.arrive $0xFFFF  }
0x4cf: {  	_ =	strace $0x9000004A  }
0x4d0: {  	s0 =	stileid.u32;
	[bflag:$0x2] =	sbarrier.arrive $0xFFFF  }
0x4d1: {  	p0 =	sne.s32 s0, $0x0;
	s0 =	rddreg [dreg:$0x2]  }
0x4d2: {  	s0 =	sadd.s32 @!p0 $0x100000, s0  }
0x4d3: {  	[sflag:s0] =	ssyncadd.tile.s32 @!p0 $0x1;
	_ =	shalt  }
.Lfunc_end2:
_tile_overlayer_lowered:
.L_overlay_start_2:
0x4d4: {  	(tag) =	ssettag $0x2  }
0x4d5: {  	s0 =	rddreg [dreg:$0x0];
	s2 =	stileid.u32  }
0x4d6: {  	s1 =	rddreg [dreg:$0x1];
	p0 =	sne.s32 s2, $0x0  }
0x4d7: {  	s3 =	rddreg [dreg:$0x2];
	[bflag:$0x3] =	sbarrier.arrive $0xFFFF;
	s2 =	simm.s32 @!p0 $0x1C0D  }
0x4d8: {  	[timem:s3], [sflag:s2] =	dma.local @!p0 [hbm:s0], s1  }
0x4d9: {  	s0 =	simm.s32 @!p0 $0xD  }
0x4da: {  	_ =	swait.ge @!p0 [sflag:s0], s1  }
0x4db: {  	s1 =	ssub.s32 @!p0 $0x0, s1;
	[sflag:s0] =	ssyncset.done @!p0 $0x0  }
0x4dc: {  	[sflag:s0] =	ssyncadd.s32 @!p0 s1  }
0x4dd: {  	[bflag:$0x3] =	sbarrier.arrive $0xFFFF  }
0x4de: {  	_ =	shalt  }

// kernel: kernel.8.cloned.1.call-start
scs
__scs_entry_jumppad:
0x0: {  	(pc) =	sbr.rel $0x88, $3  }
0x1: {  	(tag) =	ssettag $0x0;
	lr =	simm.s32 $0x1  }
0x2: {  	[smem:$0x3F99] =	sst lr;
	_ =	strace $0xD0000000  }
0x3: {  	_ = 	snop  }
0x4: {  	_ = 	snop  }
0x5: {  	_ = 	snop  }
0x6: {  	_ = 	snop  }
0x7: {  	_ = 	snop  }
__scs_overlays_trampoline_lowered:
0x8: {  	[smem:$0x3FA8] =	sst s0  }
0x9: {  	[smem:$0x3FA9] =	sst s1  }
0xa: {  	[smem:$0x3FAA] =	sst s2  }
0xb: {  	[smem:$0x3FAB] =	sst s3  }
0xc: {  	[smem:$0x3FAC] =	sst s4  }
0xd: {  	[smem:$0x3FAD] =	sst s5  }
0xe: {  	[smem:$0x3FAE] =	sst s6  }
0xf: {  	[smem:$0x3FAF] =	sst s7  }
0x10: {  	[smem:$0x3FB0] =	sst s8  }
0x11: {  	[smem:$0x3FB1] =	sst s9;
	s0 =	simm.s32 @!p0 $0x0  }
0x12: {  	s1 =	sld [smem:$0x3F97];
	s0 =	simm.s32 @p0 $0x1  }
0x13: {  	[smem:$0x3FB2] =	sst s0;
	s0 =	simm.s32 @!p1 $0x0  }
0x14: {  	s2 =	sld [smem:$0x3F96];
	s0 =	simm.s32 @p1 $0x1  }
0x15: {  	[smem:$0x3FB3] =	sst s0;
	s0 =	simm.s32 @!p2 $0x0  }
0x16: {  	s3 =	sld [smem:$0x3FDB];
	s0 =	simm.s32 @p2 $0x1  }
0x17: {  	s4 =	simm.s32 $0x1BF5;
	[smem:$0x3FB5] =	sst s0  }
0x18: {  	s0 =	sld [smem:$0x3F98];
	_ =	swait.ge [sflag:s4], $0x0  }
0x19: {  	s7 =	sld [smem:$0x3F99]  }
0x1a: {  	s8 =	sadd.s32 $0xFFFFE003, lr  }
0x1b: {  	s9 =	sadd.s32 $0xFFFFFEF7, lr;
	s5 =	simm.s32 $0xFFFFFFFF;
	p2 =	slt.u32 s8, $0xFFFFF086  }
0x1c: {  	p1 =	slt.u32 s9, $0xF7A;
	s5 =	simm.s32 @!p2 $0x0  }
0x1d: {  	s5 =	simm.s32 @p1 $0x1;
	p0 =	seq.s32 s7, s2  }
0x1e: {  	s7 =	smul.u32 @!p0 $0xF7A, s2;
	p2 =	seq.s32 @!p0 s5, $0x0  }
0x1f: {  	s9 =	smul.u32 $0xF7A, s1;
	s8 =	simm.s32 @!p0 $0x1BF5;
	p2 =	por !p2, p0  }
0x20: {  	[sflag:s8] =	ssyncset.s32 @!p0 $0xFFFFF086;
	s6 =	sadd.s32 @!p0 s3, s7;
	s7 =	simm.s32 @!p0 $0x108  }
0x21: {  	s3 =	sadd.s32 s3, s9;
	s6 =	sadd.s32 @!p0 $0x88, s6;
	s7 =	simm.s32 @p2 $0x1082  }
0x22: {  	[simem:s7], [sflag:s8] =	dma.local @!p0 [hbm:s6], $0xF7A  }
0x23: {  	s9 =	sor.u32 $0xD0000000, s2;
	s6 =	simm.s32 $0x108;
	_ =	swait.ge @!p0 [sflag:s8], $0x0  }
0x24: {  	s3 =	sadd.s32 $0x88, s3;
	s6 =	simm.s32 @!p1 $0x1082;
	[sflag:s4] =	ssyncset.s32 $0xFFFFF086  }
0x25: {  	[simem:s6], [sflag:s4] =	dma.local [hbm:s3], $0xF7A  }
0x26: {  	[smem:$0x3F99] =	sst s1;
	(tag) =	ssettag s2;
	_ =	strace s9  }
0x27: {  	s1 =	sld [smem:$0x3FA9]  }
0x28: {  	s2 =	sld [smem:$0x3FAA]  }
0x29: {  	s4 =	sld [smem:$0x3FAC]  }
0x2a: {  	p0 =	seq.s32 s5, $0x0;
	s5 =	sld [smem:$0x3FAD]  }
0x2b: {  	s6 =	sld [smem:$0x3FAE]  }
0x2c: {  	s7 =	sld [smem:$0x3FAF]  }
0x2d: {  	s3 =	simm.s32 $0x108;
	s8 =	sld [smem:$0x3FB0]  }
0x2e: {  	s3 =	simm.s32 @!p0 $0x1082;
	s9 =	sld [smem:$0x3FB1]  }
0x2f: {  	lr =	sadd.s32 s0, s3;
	s0 =	sld [smem:$0x3FA8]  }
0x30: {  	s3 =	sld [smem:$0x3FAB]  }
0x31: {  	[smem:$0x3FB4] =	sst s10  }
0x32: {  	s10 =	sld [smem:$0x3FB2];
	_ =	sdelay $0x3  }
0x33: {  	p0 =	seq.s32 s10, $0x1;
	s10 =	sld [smem:$0x3FB4];
	_ =	sdelay $0x3  }
0x34: {  	[smem:$0x3FB4] =	sst s10  }
0x35: {  	s10 =	sld [smem:$0x3FB3];
	_ =	sdelay $0x3  }
0x36: {  	p1 =	seq.s32 s10, $0x1;
	s10 =	sld [smem:$0x3FB4];
	_ =	sdelay $0x3  }
0x37: {  	[smem:$0x3FB4] =	sst s10  }
0x38: {  	s10 =	sld [smem:$0x3FB5]  }
0x39: {  	_ = 	snop;
	(pc) =	sbr.ind lr, $3  }
0x3a: {  	_ = 	snop  }
0x3b: {  	_ = 	snop  }
0x3c: {  	p2 =	seq.s32 s10, $0x1;
	s10 =	sld [smem:$0x3FB4]  }
0x3d: {  	_ =	shalt  }
0x3e: {  	_ =	shalt  }
0x3f: {  	_ =	shalt  }
0x40: {  	_ =	shalt  }
0x41: {  	_ =	shalt  }
0x42: {  	_ =	shalt  }
0x43: {  	_ =	shalt  }
0x44: {  	_ =	shalt  }
0x45: {  	_ =	shalt  }
0x46: {  	_ =	shalt  }
0x47: {  	_ =	shalt  }
0x48: {  	_ =	shalt  }
0x49: {  	_ =	shalt  }
0x4a: {  	_ =	shalt  }
0x4b: {  	_ =	shalt  }
0x4c: {  	_ =	shalt  }
0x4d: {  	_ =	shalt  }
0x4e: {  	_ =	shalt  }
0x4f: {  	_ =	shalt  }
0x50: {  	_ =	shalt  }
0x51: {  	_ =	shalt  }
0x52: {  	_ =	shalt  }
0x53: {  	_ =	shalt  }
0x54: {  	_ =	shalt  }
0x55: {  	_ =	shalt  }
0x56: {  	_ =	shalt  }
0x57: {  	_ =	shalt  }
0x58: {  	_ =	shalt  }
0x59: {  	_ =	shalt  }
0x5a: {  	_ =	shalt  }
0x5b: {  	_ =	shalt  }
0x5c: {  	_ =	shalt  }
0x5d: {  	_ =	shalt  }
0x5e: {  	_ =	shalt  }
0x5f: {  	_ =	shalt  }
0x60: {  	_ =	shalt  }
0x61: {  	_ =	shalt  }
0x62: {  	_ =	shalt  }
0x63: {  	_ =	shalt  }
0x64: {  	_ =	shalt  }
0x65: {  	_ =	shalt  }
0x66: {  	_ =	shalt  }
0x67: {  	_ =	shalt  }
0x68: {  	_ =	shalt  }
0x69: {  	_ =	shalt  }
0x6a: {  	_ =	shalt  }
0x6b: {  	_ =	shalt  }
0x6c: {  	_ =	shalt  }
0x6d: {  	_ =	shalt  }
0x6e: {  	_ =	shalt  }
0x6f: {  	_ =	shalt  }
0x70: {  	_ =	shalt  }
0x71: {  	_ =	shalt  }
0x72: {  	_ =	shalt  }
0x73: {  	_ =	shalt  }
0x74: {  	_ =	shalt  }
0x75: {  	_ =	shalt  }
0x76: {  	_ =	shalt  }
0x77: {  	_ =	shalt  }
0x78: {  	_ =	shalt  }
0x79: {  	_ =	shalt  }
0x7a: {  	_ =	shalt  }
0x7b: {  	_ =	shalt  }
0x7c: {  	_ =	shalt  }
0x7d: {  	_ =	shalt  }
0x7e: {  	_ =	shalt  }
0x7f: {  	_ =	shalt  }
0x80: {  	_ =	shalt  }
0x81: {  	_ =	shalt  }
0x82: {  	_ =	shalt  }
0x83: {  	_ =	shalt  }
0x84: {  	_ =	shalt  }
0x85: {  	_ =	shalt  }
0x86: {  	_ =	shalt  }
0x87: {  	_ =	shalt  }
.Lfunc_end0:
.L_simem_size_0:
called_computation_lowered:
.L_overlay_start_0:
0x88: {  	s2 =	sld [smem:$0x3FD9]  }
0x89: {  	s3 =	sld [smem:$0x3FFE];
	_ =	sdelay $0x1  }
0x8a: {  	s1 =	srdreg.scid  }
0x8b: {  	s0 =	sand.u32 $0x1, s1  }
0x8c: {  	s17 =	sshll.u32 s0, $0xA;
	s2 =	sadd.s32 s3, s2  }
0x8d: {  	s2 =	sadd.s32 s2, s17  }
0x8e: {  	[smem:$0x3FC0] =	sst s2  }
0x8f: {  	_ = 	snop  }
0x90: {  	s2 =	sld [smem:$0x3FD0];
	(tm) =	ssettm $0x1  }
0x91: {  	s18 =	sld [smem:$0x3FFB];
	_ =	sdelay $0x3  }
0x92: {  	_ =	strace s18  }
0x93: {  	s3 =	sld [smem:$0x3FFC];
	_ =	sdelay $0x3  }
0x94: {  	_ =	strace s3  }
0x95: {  	s3 =	sld [smem:$0x3FFD];
	_ =	sdelay $0x3  }
0x96: {  	_ =	strace s3  }
0x97: {  	_ =	strace $0x8FFFFFFF  }
0x98: {  	s19 =	sld [smem:$0x3FDB];
	_ =	sdelay $0x1  }
0x99: {  	s4 =	simm.s32 $_scs_section_size  }
0x9a: {  	s5 =	simm.s32 $_size__tile_overlayer_lowered;
	s6 =	simm.s32 $_tile_overlayer_lowered  }
0x9b: {  	s22 =	simm.s32 $0x1BFF;
	s21 =	sshll.u32 s6, $0x1;
	s3 =	sadd.s32 s4, s19  }
0x9c: {  	s7 =	simm.s32 $0x0;
	s20 =	sshll.u32 s5, $0x1;
	s5 =	sadd.s32 s21, s3  }
0x9d: {  	[timem:s7], [sflag:s22] =	dma.local [hbm:s5], s20  }
0x9e: {  	_ =	swait.ge [sflag:s22], s20  }
0x9f: {  	s4 =	ssub.s32 $0x0, s20;
	[sflag:s22] =	ssyncset.done $0x0  }
0xa0: {  	[sflag:s22] =	ssyncadd.s32 s4;
	_ =	sdelay $0x1  }
0xa1: {  	s23 =	simm.s32 $0x1B8B  }
0xa2: {  	_ =	swait.ge [sflag:s23], $0x1  }
0xa3: {  	[sflag:s23] =	ssyncset.done $0x0  }
0xa4: {  	s25 =	simm.s32 $0x1B8E;
	s24 =	sld [smem:$0x3FFE];
	[sflag:s23] =	ssyncadd.s32 $0xFFFFFFFF  }
0xa5: {  	s26 =	simm.s32 $execute0_lowered;
	[smem:$0x3FD2] =	sst s25  }
0xa6: {  	s5 =	sshll.u32 s26, $0x1;
	_ =	strace $0x80000046;
	[dreg:$0x1] =	wrdreg $0xFFFFFFFF  }
0xa7: {  	s28 =	simm.s32 $_size_execute0_lowered;
	s3 =	sadd.s32 s3, s5;
	[dreg:$0x0] =	wrdreg $0x0  }
0xa8: {  	s5 =	sshll.u32 s28, $0x1;
	[dreg:$0x2] =	wrdreg s3  }
0xa9: {  	[dreg:$0x3] =	wrdreg s5  }
0xaa: {  	[dreg:$0x4] =	wrdreg $0xC0  }
0xab: {  	_ =	task [dreg:s7], $0x5FFFF  }
0xac: {  	[dreg:$0x1] =	wrdreg $0xFFFFFFFF  }
0xad: {  	[dreg:$0x0] =	wrdreg $0x60  }
0xae: {  	[dreg:$0x2] =	wrdreg s24  }
0xaf: {  	[dreg:$0x3] =	wrdreg s2  }
0xb0: {  	[dreg:$0x4] =	wrdreg $0xBC800  }
0xb1: {  	[dreg:$0x5] =	wrdreg $0x9  }
0xb2: {  	_ =	task.clear_ibuf [dreg:s7], $0x6FFFF;
	_ =	strace $0x90000046  }
0xb3: {  	s29 =	simm.s32 $0x9;
	_ =	strace $0x80000048  }
0xb4: {  	_ =	swait.ge [sflag:s29], $0x1  }
0xb5: {  	[sflag:s29] =	ssyncadd.s32 $0xFFFFFFFF  }
0xb6: {  	_ =	strace $0x90000048  }
0xb7: {  	_ =	sfence  }
0xb8: {  	s30 =	sld [smem:$0x0];
	_ =	sdelay $0x2  }
0xb9: {  	s31 =	sshll.u32 s1, $0xD;
	s1 =	sshrl.u32 s1, $0x2  }
0xba: {  	s3 =	sand.u32 $0x4000, s31;
	s1 =	sadd.s32 s1, s30  }
0xbb: {  	s0 =	sor.u32 s3, s0;
	s1 =	sshll.u32 s1, $0x11  }
0xbc: {  	s0 =	sor.u32 s1, s0  }
0xbd: {  	s0 =	sadd.s32 $0x8F2B, s0  }
0xbe: {  	[sflag:s0] =	ssyncadd.remote.s32 $0x1  }
0xbf: {  	_ =	sfence.sel $0xFFFF  }
0xc0: {  	[dreg:$0x0] =	wrdreg $0xFFFFFFFF;
	(pc) =	sbr.abs _section_cstart, $3  }
0xc1: {  	[dreg:$0x1] =	wrdreg $0xFFFFFFFF  }
0xc2: {  	_ =	task.clear_ibuf [dreg:s7], $0x2FFFF;
	_ =	strace $0x9FFFFFFF  }
0xc3: {  	(tm) =	ssettm $0x7FFFFFFF  }
tec
execute0_lowered:
.L_overlay_start_1:
0x0: {  	(tag) =	ssettag $0x1  }
0x1: {  	s0 =	rddreg [dreg:$0x0]  }
0x2: {  	s2 =	rddreg [dreg:$0x1]  }
0x3: {  	s1 =	srdreg.scid;
	s14 =	stileid.u32  }
0x4: {  	s3 =	rddreg [dreg:$0x2];
	s5 =	simm.s32 $0x0;
	s28 =	simm.s32 $0xBA00  }
0x5: {  	s29 =	simm.s32 $0x1;
	s30 =	simm.s32 $0x4;
	s31 =	simm.s32 $0xBB00  }
0x6: {  	s1 =	sand.u32 $0x1, s1;
	s4 =	sshll.u32 s14, $0x1;
	s16 =	smul.u32 $0x4F000, s14  }
0x7: {  	[smem:$0x7FF] =	sst s5;
	s6 =	sadd.s32 $0xB600, s0;
	s24 =	smul.u32 $0x13C00, s14  }
0x8: {  	p0 =	seq.s32 s14, $0xF;
	s14 =	simm.s32 $0x8;
	s4 =	sor.u32 s1, s4  }
0x9: {  	_ =	strace $0x80000047;
	s8 =	ssub.s32 $0x2, s1;
	s1 =	smul.u32 $0x138800, s1  }
0xa: {  	s5 =	smul.u32 $0x1388, s4;
	s9 =	sshrl.u32 s8, $0x1;
	s4 =	sshrl.u32 s16, $0x2  }
0xb: {  	s8 =	ssub.s32 s8, s9;
	s18 =	sadd.s32 s4, s3;
	s9 =	simm.s32 $0xBB80  }
0xc: {  	s7 =	sshrl.u32 s5, $0x3;
	s4 =	sadd.s32 $0x3000, s18;
	s17 =	sadd.s32 $0x6000, s18  }
0xd: {  	s19 =	sadd.s32 $0x9000, s18;
	s20 =	sadd.s32 $0xC000, s18;
	s21 =	sadd.s32 $0xF000, s18  }
0xe: {  	s22 =	sadd.s32 $0x12000, s18;
	s25 =	sadd.s32 $0x10, s5;
	[dreg:$0x4] =	wrdreg s18  }
0xf: {  	s26 =	sadd.s32 $0x20, s5;
	s10 =	sadd.s32 $0x30, s5;
	[dreg:$0x5] =	wrdreg s4  }
0x10: {  	s11 =	sadd.s32 $0x40, s5;
	s12 =	sadd.s32 $0x50, s5;
	[dreg:$0x6] =	wrdreg s17  }
0x11: {  	s13 =	sadd.s32 $0x60, s5;
	s15 =	sadd.s32 $0x70, s5;
	[dreg:$0x7] =	wrdreg s19  }
0x12: {  	s16 =	smax.u32 s8, $0x1;
	s8 =	simm.s32 $0x5;
	[dreg:$0x8] =	wrdreg s20  }
0x13: {  	s7 =	sadd.s32 s7, s0;
	s0 =	sadd.s32 $0x33600, s0;
	[dreg:$0x9] =	wrdreg s21  }
0x14: {  	[dreg:$0xa] =	wrdreg s22;
	s4 =	sadd.s32 s24, s1;
	s1 =	sshrl.u32 s1, $0x3  }
0x15: {  	[dreg:$0xf] =	wrdreg s16;
	s17 =	sadd.s32 $0x80, s5;
	s21 =	sadd.s32 $0x90, s5  }
0x16: {  	v0 =	vlaneseq.u32;
	s24 =	sadd.s32 $0xB0, s5;
	s19 =	simm.s32 $0x2800;
	s20 =	simm.s32 $0xA  }
0x17: {  	s22 =	simm.s32 $0x60;
	v1 =	vadd.s32 s25, v0;
	s25 =	simm.s32 $0xB880;
	v2 =	vadd.s32 s26, v0;
	s26 =	simm.s32 $0x5800  }
0x18: {  	v3 =	vadd.s32 s10, v0;
	v4 =	vadd.s32 s11, v0;
	v5 =	vadd.s32 s12, v0;
	s10 =	simm.s32 $0x3;
	s11 =	simm.s32 $0x6;
	s12 =	simm.s32 $0xBC00  }
0x19: {  	v6 =	vadd.s32 s13, v0;
	s13 =	simm.s32 $0x7;
	s16 =	simm.s32 $0x0;
	s23 =	sadd.s32 $0x1800, s7  }
.Ltmp0:
0x1a: {  	v13 =	vimm.f32 $0.0e+00;
	s7 =	sadd.s32 $0x6620, s7;
	[dreg:$0xb] =	wrdreg s23;
	(pc) =	sbr.rel .LBB2_1-.Ltmp0, $4  }
0x1b: {  	v14 =	vadd.s32 $0x1, v0;
	v15 =	vadd.s32 $0x11, v0;
	s4 =	sshrl.u32 s4, $0x3;
	v9 =	vadd.s32 s21, v0;
	s21 =	simm.s32 $0x8800;
	[dreg:$0xc] =	wrdreg s7  }
0x1c: {  	v16 =	vadd.s32 $0x21, v0;
	v17 =	vadd.s32 $0x31, v0;
	v18 =	vadd.s32 $0x41, v0;
	s4 =	sadd.s32 s0, s4;
	s0 =	sadd.s32 s0, s1;
	s23 =	sadd.s32 $0xA0, s5  }
0x1d: {  	v19 =	vadd.s32 $0x51, v0;
	v12 =	vadd.s32 s5, v0;
	v7 =	vadd.s32 s15, v0;
	s1 =	simm.s32 $0xB900;
	[dreg:$0xd] =	wrdreg s4;
	s0 =	sadd.s32 $0x25080, s0  }
0x1e: {  	v8 =	vadd.s32 s17, v0;
	v11 =	vadd.s32 s24, v0;
	v10 =	vadd.s32 s23, v0;
	s4 =	simm.s32 $0x2;
	[dreg:$0xe] =	wrdreg s0;
	s0 =	simm.s32 $0xBA80  }
.LBB2_22:
0x1f: {  	_ =	swait.ge [sflag:s13], $0x3000  }
0x20: {  	[sflag:s13] =	ssyncset.done $0x0  }
0x21: {  	[sflag:s13] =	ssyncadd.s32 $0xFFFFD000  }
0x22: {  	_ =	swait.ge [sflag:s14], $0x3000  }
0x23: {  	[sflag:s14] =	ssyncset.done $0x0  }
0x24: {  	s7 =	simm.s32 $0x9;
	[sflag:s14] =	ssyncadd.s32 $0xFFFFD000  }
0x25: {  	_ =	swait.ge [sflag:s7], $0x3000  }
0x26: {  	[sflag:s7] =	ssyncset.done $0x0  }
0x27: {  	[sflag:s7] =	ssyncadd.s32 $0xFFFFD000  }
0x28: {  	[bflag:$0x0] =	sbarrier.arrive $0xFFFF  }
0x29: {  	s18 =	rddreg [dreg:$0x4]  }
0x2a: {  	s15 =	simm.s32 @p0 $0x1FCA;
	s16 =	rddreg [dreg:$0xe];
	s7 =	sshrl.u32 @p0 s18, $0x3  }
0x2b: {  	[hbm:s16], [sflag:s15] =	dma.local @p0 [spmem:s7], $0x2080  }
0x2c: {  	s7 =	simm.s32 @p0 $0xA  }
0x2d: {  	s15 =	stileid.u32;
	_ =	swait.ge @p0 [sflag:s7], $0x2080  }
0x2e: {  	s15 =	sshll.u32 @!p0 s15, $0x6;
	[sflag:s7] =	ssyncset.done @p0 $0x0;
	s16 =	rddreg [dreg:$0xd]  }
0x2f: {  	[sflag:s7] =	ssyncadd.s32 @p0 $0xFFFFDF80;
	s7 =	sor.u32 @!p0 $0x1C0A, s15;
	s15 =	sshrl.u32 @!p0 s18, $0x3  }
0x30: {  	[hbm:s16], [sflag:s7] =	dma.local @!p0 [spmem:s15], $0x2780  }
0x31: {  	s7 =	simm.s32 @!p0 $0xA  }
0x32: {  	_ =	swait.ge @!p0 [sflag:s7], $0x2780  }
0x33: {  	s23 =	rddreg [dreg:$0x10]  }
0x34: {  	s24 =	rddreg [dreg:$0xf];
	s16 =	sadd.s32 $0x1, s23  }
0x35: {  	p1 =	sne.s32 s16, s24  }
.Ltmp1:
0x36: {  	_ = 	snop;
	(pc) =	sbr.rel @!p1 .LBB2_23-.Ltmp1, $3  }
0x37: {  	_ =	sdelay $0x1  }
0x38: {  	[sflag:s7] =	ssyncset.done @!p0 $0x0  }
0x39: {  	[sflag:s7] =	ssyncadd.s32 @!p0 $0xFFFFD880  }
.LBB2_1:
0x3a: {  	s15 =	simm.s32 $0x0  }
0x3b: {  	s7 =	sand.u32 $0xFE00, s15  }
0x3c: {  	[dreg:$0x10] =	wrdreg s16;
	s15 =	sand.u32 $0x70, s15;
	s24 =	sshrl.u32 s7, $0x2  }
0x3d: {  	s7 =	simm.s32 $0x40;
	s16 =	sor.u32 s15, s24;
	s15 =	simm.s32 $0x0  }
.LBB2_2:
0x3e: {  	p1 =	sne.s32 s7, $0xBFC0  }
0x3f: {  	[tilespmem:s16+$0x2800] =	vst v13;
	s15 =	sadd.s32 $0x10, s15;
	s16 =	smov.u32 s7;
	s7 =	sadd.s32 $0x40, s7  }
.Ltmp2:
0x40: {  	(pc) =	sbr.rel @p1 .LBB2_2-.Ltmp2, $4  }
0x41: {  	_ = 	snop  }
0x42: {  	s16 =	sand.u32 $0xFE00, s16  }
0x43: {  	s17 =	sand.u32 $0x70, s15;
	s16 =	sshrl.u32 s16, $0x2  }
0x44: {  	s16 =	sor.u32 s17, s16  }
0x45: {  	[tilespmem:s16+$0x2800] =	vst v13  }
0x46: {  	[spmem:s18] =	stream.linear.scatter [tilespmem:s19], [sflag:$0xA], $0x3000, $0x38;
	[tilespmem:$0x1F880] =	vst v63  }
0x47: {  	_ =	swait.ge [sflag:s20], $0x3000  }
0x48: {  	[sflag:s20] =	ssyncset.done $0x0  }
0x49: {  	s7 =	rddreg [dreg:$0x5];
	[sflag:s20] =	ssyncadd.s32 $0xFFFFD000  }
0x4a: {  	[spmem:s7] =	stream.linear.scatter [tilespmem:s19], [sflag:$0xA], $0x3000, $0x38;
	[tilespmem:$0x1F880] =	vst v63  }
0x4b: {  	_ =	swait.ge [sflag:s20], $0x3000  }
0x4c: {  	[sflag:s20] =	ssyncset.done $0x0  }
0x4d: {  	s17 =	rddreg [dreg:$0x6];
	[sflag:s20] =	ssyncadd.s32 $0xFFFFD000  }
0x4e: {  	[spmem:s17] =	stream.linear.scatter [tilespmem:s19], [sflag:$0xA], $0x3000, $0x38;
	[tilespmem:$0x1F880] =	vst v63  }
0x4f: {  	_ =	swait.ge [sflag:s20], $0x3000  }
0x50: {  	[sflag:s20] =	ssyncset.done $0x0  }
0x51: {  	s18 =	rddreg [dreg:$0x7];
	[sflag:s20] =	ssyncadd.s32 $0xFFFFD000  }
0x52: {  	[spmem:s18] =	stream.linear.scatter [tilespmem:s19], [sflag:$0xA], $0x3000, $0x38;
	[tilespmem:$0x1F880] =	vst v63  }
0x53: {  	_ =	swait.ge [sflag:s20], $0x3000  }
0x54: {  	[sflag:s20] =	ssyncset.done $0x0  }
0x55: {  	s23 =	rddreg [dreg:$0x8];
	[sflag:s20] =	ssyncadd.s32 $0xFFFFD000  }
0x56: {  	[spmem:s23] =	stream.linear.scatter [tilespmem:s19], [sflag:$0xA], $0x3000, $0x38;
	[tilespmem:$0x1F880] =	vst v63  }
0x57: {  	_ =	swait.ge [sflag:s20], $0x3000  }
0x58: {  	[sflag:s20] =	ssyncset.done $0x0  }
0x59: {  	s24 =	rddreg [dreg:$0x9];
	[sflag:s20] =	ssyncadd.s32 $0xFFFFD000  }
0x5a: {  	[spmem:s24] =	stream.linear.scatter [tilespmem:s19], [sflag:$0xA], $0x3000, $0x38;
	[tilespmem:$0x1F880] =	vst v63  }
0x5b: {  	_ =	swait.ge [sflag:s20], $0x3000  }
0x5c: {  	[sflag:s20] =	ssyncset.done $0x0  }
0x5d: {  	s15 =	rddreg [dreg:$0xa];
	[sflag:s20] =	ssyncadd.s32 $0xFFFFD000  }
0x5e: {  	[spmem:s15] =	stream.linear.scatter [tilespmem:s19], [sflag:$0xA], $0x1C00, $0x38;
	[tilespmem:$0x1F880] =	vst v63  }
0x5f: {  	_ =	swait.ge [sflag:s20], $0x1C00  }
0x60: {  	[sflag:s20] =	ssyncset.done $0x0  }
0x61: {  	[sflag:s20] =	ssyncadd.s32 $0xFFFFE400  }
0x62: {  	[bflag:$0x0] =	sbarrier.arrive $0xFFFF  }
0x63: {  	s16 =	simm.s32 $0x0;
	s15 =	rddreg [dreg:$0xb]  }
0x64: {  	[tilespmem:s16], [sflag:$0xA] =	stream.linear.gather [hbm4b:s15+s16], $0x1388, $0x38;
	[tilespmem:$0x1F880] =	vst v63  }
0x65: {  	_ =	swait.ge [sflag:s20], $0x1388  }
0x66: {  	[sflag:s20] =	ssyncset.done $0x0  }
0x67: {  	s18 =	simm.s32 $0x1400;
	s17 =	rddreg [dreg:$0xc];
	[sflag:s20] =	ssyncadd.s32 $0xFFFFEC78  }
0x68: {  	[tilespmem:s18], [sflag:$0xA] =	stream.linear.gather [hbm4b:s17+s16], $0x1388, $0x38;
	[tilespmem:$0x1F880] =	vst v63  }
0x69: {  	_ =	swait.ge [sflag:s20], $0x1388  }
0x6a: {  	[sflag:s20] =	ssyncset.done $0x0  }
0x6b: {  	[sflag:s20] =	ssyncadd.s32 $0xFFFFEC78  }
0x6c: {  	v20 =	vld [tilespmem:$0x0];
	_ =	sdelay $0x3  }
0x6d: {  	[tilespmem:$0xB980] =	vst v12  }
0x6e: {  	[tilespmem:$0xB800] =	vst v20;
	v20 =	vld [tilespmem:$0x40]  }
0x6f: {  	[tilespmem:$0xB990] =	vst v1  }
0x70: {  	v21 =	vld [tilespmem:$0x10];
	[tilespmem:$0xB9A0] =	vst v2  }
0x71: {  	v22 =	vld [tilespmem:$0x20];
	[tilespmem:$0xB9B0] =	vst v3  }
0x72: {  	v23 =	vld [tilespmem:$0x30];
	[tilespmem:$0xB9C0] =	vst v4  }
0x73: {  	[tilespmem:$0xB840] =	vst v20;
	v20 =	vld [tilespmem:$0x50]  }
0x74: {  	[tilespmem:$0xB9D0] =	vst v5  }
0x75: {  	[tilespmem:$0xB810] =	vst v21  }
0x76: {  	[tilespmem:$0xB820] =	vst v22  }
0x77: {  	[tilespmem:$0xB830] =	vst v23  }
0x78: {  	s23 =	simm.s32 $0xB800;
	[tilespmem:$0xB850] =	vst v20  }
0x79: {  	[tilespmem:s19], [sflag:$0x1] =	stream.indirect.gather.add.f32 [hbm:s6], $0x80, s23, s22, $0xb8;
	[tilespmem:$0x1F880] =	vst v63  }
0x7a: {  	s7 =	simm.s32 $0x0;
	s24 =	simm.s32 $0xB980;
	s15 =	simm.s32 $0x200  }
0x7b: {  	[tilespmem:s19], [sflag:$0x4] =	stream.indirect.gather.add.f32 [hbm:s2], $0x80, s24, s22, $0xb8;
	[tilespmem:$0x1F880] =	vst v63  }
.LBB2_4:
0x7c: {  	p1 =	sne.s32 s15, $0xBE00;
	[tilespmem:s7+$0x5870] =	vst v13  }
0x7d: {  	[tilespmem:s7+$0x5800] =	vst v13  }
0x7e: {  	[tilespmem:s7+$0x5810] =	vst v13  }
.Ltmp3:
0x7f: {  	[tilespmem:s7+$0x5820] =	vst v13;
	(pc) =	sbr.rel @p1 .LBB2_4-.Ltmp3, $4  }
0x80: {  	[tilespmem:s7+$0x5830] =	vst v13  }
0x81: {  	[tilespmem:s7+$0x5840] =	vst v13  }
0x82: {  	[tilespmem:s7+$0x5850] =	vst v13  }
0x83: {  	[tilespmem:s7+$0x5860] =	vst v13;
	s7 =	sshra.s32 s15, $0x2;
	s15 =	sadd.s32 $0x200, s15  }
0x84: {  	[tilespmem:s7+$0x5870] =	vst v13  }
0x85: {  	[tilespmem:s7+$0x5800] =	vst v13  }
0x86: {  	[tilespmem:s7+$0x5810] =	vst v13  }
0x87: {  	[tilespmem:s7+$0x5820] =	vst v13  }
0x88: {  	[tilespmem:s7+$0x5830] =	vst v13  }
0x89: {  	[tilespmem:s7+$0x5840] =	vst v13  }
0x8a: {  	[tilespmem:s7+$0x5850] =	vst v13  }
0x8b: {  	[tilespmem:s7+$0x5860] =	vst v13  }
0x8c: {  	v20 =	vld [tilespmem:$0x60];
	_ =	sdelay $0x3  }
0x8d: {  	[tilespmem:$0xBA00] =	vst v6  }
0x8e: {  	[tilespmem:$0xB880] =	vst v20;
	v20 =	vld [tilespmem:$0xA0]  }
0x8f: {  	[tilespmem:$0xBA10] =	vst v7  }
0x90: {  	v21 =	vld [tilespmem:$0x70];
	[tilespmem:$0xBA20] =	vst v8  }
0x91: {  	v22 =	vld [tilespmem:$0x80];
	[tilespmem:$0xBA30] =	vst v9  }
0x92: {  	v23 =	vld [tilespmem:$0x90];
	[tilespmem:$0xBA40] =	vst v10  }
0x93: {  	[tilespmem:$0xB8C0] =	vst v20;
	v20 =	vld [tilespmem:$0xB0]  }
0x94: {  	[tilespmem:$0xBA50] =	vst v11  }
0x95: {  	[tilespmem:$0xB890] =	vst v21  }
0x96: {  	[tilespmem:$0xB8A0] =	vst v22  }
0x97: {  	[tilespmem:$0xB8B0] =	vst v23  }
0x98: {  	[tilespmem:$0xB8D0] =	vst v20  }
0x99: {  	[tilespmem:s26], [sflag:$0x2] =	stream.indirect.gather.add.f32 [hbm:s6], $0x80, s25, s22, $0xb8;
	[tilespmem:$0x1F880] =	vst v63  }
0x9a: {  	s17 =	simm.s32 $0x0  }
0x9b: {  	[tilespmem:s26], [sflag:$0x5] =	stream.indirect.gather.add.f32 [hbm:s2], $0x80, s28, s22, $0xb8;
	[tilespmem:$0x1F880] =	vst v63  }
.LBB2_6:
0x9c: {  	_ =	swait.ge [sflag:s29], $0x3000  }
0x9d: {  	[sflag:s29] =	ssyncset.done $0x0  }
0x9e: {  	[sflag:s29] =	ssyncadd.s32 $0xFFFFD000  }
0x9f: {  	_ =	swait.ge [sflag:s30], $0x3000  }
0xa0: {  	s18 =	smul.u32 $0x120, s17;
	[sflag:s30] =	ssyncset.done $0x0  }
0xa1: {  	[sflag:s30] =	ssyncadd.s32 $0xFFFFD000  }
0xa2: {  	v20 =	vld [tilespmem:s18+$0x1400];
	_ =	sdelay $0x4  }
0xa3: {  	[tilespmem:$0xBB00] =	vst v20  }
0xa4: {  	v20 =	vld [tilespmem:s18+$0x1410];
	_ =	sdelay $0x4  }
0xa5: {  	[tilespmem:$0xBB10] =	vst v20  }
0xa6: {  	v20 =	vld [tilespmem:s18+$0x1420];
	_ =	sdelay $0x4  }
0xa7: {  	[tilespmem:$0xBB20] =	vst v20  }
0xa8: {  	v20 =	vld [tilespmem:s18+$0x1430];
	_ =	sdelay $0x4  }
0xa9: {  	[tilespmem:$0xBB30] =	vst v20  }
0xaa: {  	v20 =	vld [tilespmem:s18+$0x1440];
	_ =	sdelay $0x4  }
0xab: {  	[tilespmem:$0xBB40] =	vst v20  }
0xac: {  	v20 =	vld [tilespmem:s18+$0x1450];
	_ =	sdelay $0x4  }
0xad: {  	s7 =	simm.s32 $0x0;
	[tilespmem:$0xBB50] =	vst v20  }
0xae: {  	v22 =	vld [tilespmem:s7+$0x2800]  }
0xaf: {  	v24 =	vld [tilespmem:s7+$0x2810]  }
0xb0: {  	v23 =	vld [tilespmem:s7+$0x2820]  }
0xb1: {  	v21 =	vld [tilespmem:s7+$0x2830]  }
0xb2: {  	v20 =	vld [tilespmem:s7+$0x2840]  }
0xb3: {  	v25 =	vmax.f32 v22, $0.0e+00;
	v22 =	vld [tilespmem:s7+$0x2850]  }
0xb4: {  	s15 =	simm.s32 $0x200;
	[tilespmem:s7+$0x2800] =	vst v25;
	v25 =	vmax.f32 v24, $0.0e+00;
	v24 =	vld [tilespmem:s7+$0x2860]  }
.LBB2_7:
0xb5: {  	s16 =	sshra.s32 s15, $0x2;
	p1 =	sne.s32 s15, $0xBE00;
	[tilespmem:s7+$0x2810] =	vst v25;
	v23 =	vmax.f32 v23, $0.0e+00;
	v25 =	vld [tilespmem:s7+$0x2870]  }
0xb6: {  	v26 =	vld [tilespmem:s16+$0x2800];
	[tilespmem:s7+$0x2820] =	vst v23;
	v21 =	vmax.f32 v21, $0.0e+00  }
0xb7: {  	v27 =	vld [tilespmem:s16+$0x2810];
	[tilespmem:s7+$0x2830] =	vst v21;
	v20 =	vmax.f32 v20, $0.0e+00  }
.Ltmp4:
0xb8: {  	v23 =	vld [tilespmem:s16+$0x2820];
	[tilespmem:s7+$0x2840] =	vst v20;
	v20 =	vmax.f32 v22, $0.0e+00;
	(pc) =	sbr.rel @p1 .LBB2_7-.Ltmp4, $4  }
0xb9: {  	v21 =	vld [tilespmem:s16+$0x2830];
	[tilespmem:s7+$0x2850] =	vst v20;
	v22 =	vmax.f32 v24, $0.0e+00  }
0xba: {  	v20 =	vld [tilespmem:s16+$0x2840];
	[tilespmem:s7+$0x2860] =	vst v22;
	v24 =	vmax.f32 v25, $0.0e+00  }
0xbb: {  	v25 =	vmax.f32 v26, $0.0e+00;
	v22 =	vld [tilespmem:s16+$0x2850];
	[tilespmem:s7+$0x2870] =	vst v24;
	s7 =	smov.u32 s16  }
0xbc: {  	s15 =	sadd.s32 $0x200, s15;
	[tilespmem:s7+$0x2800] =	vst v25;
	v25 =	vmax.f32 v27, $0.0e+00;
	v24 =	vld [tilespmem:s7+$0x2860]  }
0xbd: {  	[tilespmem:s7+$0x2810] =	vst v25;
	v23 =	vmax.f32 v23, $0.0e+00;
	v63 =	vld [tilespmem:s7+$0x2870]  }
0xbe: {  	[tilespmem:s7+$0x2820] =	vst v23;
	v21 =	vmax.f32 v21, $0.0e+00  }
0xbf: {  	[tilespmem:s7+$0x2830] =	vst v21;
	v20 =	vmax.f32 v20, $0.0e+00  }
0xc0: {  	[tilespmem:s7+$0x2840] =	vst v20;
	v20 =	vmax.f32 v22, $0.0e+00  }
0xc1: {  	[tilespmem:s7+$0x2850] =	vst v20;
	v20 =	vmax.f32 v24, $0.0e+00  }
0xc2: {  	p1 =	seq.s32 s17, $0x0;
	[tilespmem:s7+$0x2860] =	vst v20;
	v20 =	vmax.f32 v63, $0.0e+00  }
0xc3: {  	[tilespmem:s7+$0x2870] =	vst v20;
	s7 =	simm.s32 @!p1 $0x9  }
0xc4: {  	[spmem:s3] =	stream.indirect.scatter.add.f32 [tilespmem:s19], [sflag:$0x7], $0x80, s31, s22, $0xb8;
	[tilespmem:$0x1F880] =	vst v63  }
0xc5: {  	_ =	swait.ge @!p1 [sflag:s7], $0x3000  }
0xc6: {  	[sflag:s7] =	ssyncset.done @!p1 $0x0  }
0xc7: {  	s15 =	simm.s32 $0x0;
	[sflag:s7] =	ssyncadd.s32 @!p1 $0xFFFFD000;
	s7 =	simm.s32 $0x200  }
.LBB2_9:
0xc8: {  	p1 =	sne.s32 s7, $0xBE00;
	[tilespmem:s15+$0x8870] =	vst v13  }
0xc9: {  	[tilespmem:s15+$0x8800] =	vst v13  }
0xca: {  	[tilespmem:s15+$0x8810] =	vst v13  }
.Ltmp5:
0xcb: {  	[tilespmem:s15+$0x8820] =	vst v13;
	(pc) =	sbr.rel @p1 .LBB2_9-.Ltmp5, $4  }
0xcc: {  	[tilespmem:s15+$0x8830] =	vst v13  }
0xcd: {  	[tilespmem:s15+$0x8840] =	vst v13  }
0xce: {  	[tilespmem:s15+$0x8850] =	vst v13  }
0xcf: {  	[tilespmem:s15+$0x8860] =	vst v13;
	s15 =	sshra.s32 s7, $0x2;
	s7 =	sadd.s32 $0x200, s7  }
0xd0: {  	[tilespmem:s15+$0x8870] =	vst v13  }
0xd1: {  	[tilespmem:s15+$0x8800] =	vst v13  }
0xd2: {  	[tilespmem:s15+$0x8810] =	vst v13  }
0xd3: {  	[tilespmem:s15+$0x8820] =	vst v13  }
0xd4: {  	[tilespmem:s15+$0x8830] =	vst v13  }
0xd5: {  	[tilespmem:s15+$0x8840] =	vst v13  }
0xd6: {  	[tilespmem:s15+$0x8850] =	vst v13;
	s7 =	sadd.s32 $0xC0, s18  }
0xd7: {  	[tilespmem:s15+$0x8860] =	vst v13;
	s15 =	smin.u32 s7, $0x1328  }
0xd8: {  	v20 =	vld [tilespmem:s15+$0x0];
	_ =	sdelay $0x3  }
0xd9: {  	s16 =	sadd.s32 s5, s15  }
0xda: {  	[tilespmem:$0xB900] =	vst v20;
	v20 =	vadd.s32 s16, v0  }
0xdb: {  	[tilespmem:$0xBA80] =	vst v20  }
0xdc: {  	v20 =	vld [tilespmem:s15+$0x10];
	_ =	sdelay $0x3  }
0xdd: {  	s23 =	sadd.s32 $0x10, s16  }
0xde: {  	[tilespmem:$0xB910] =	vst v20;
	v20 =	vadd.s32 s23, v0  }
0xdf: {  	[tilespmem:$0xBA90] =	vst v20  }
0xe0: {  	v20 =	vld [tilespmem:s15+$0x20];
	_ =	sdelay $0x3  }
0xe1: {  	s24 =	sadd.s32 $0x20, s16  }
0xe2: {  	[tilespmem:$0xB920] =	vst v20;
	v20 =	vadd.s32 s24, v0  }
0xe3: {  	[tilespmem:$0xBAA0] =	vst v20  }
0xe4: {  	v20 =	vld [tilespmem:s15+$0x30];
	_ =	sdelay $0x3  }
0xe5: {  	s24 =	sadd.s32 $0x30, s16  }
0xe6: {  	[tilespmem:$0xB930] =	vst v20;
	v20 =	vadd.s32 s24, v0  }
0xe7: {  	[tilespmem:$0xBAB0] =	vst v20  }
0xe8: {  	v20 =	vld [tilespmem:s15+$0x40];
	_ =	sdelay $0x3  }
0xe9: {  	s24 =	sadd.s32 $0x40, s16  }
0xea: {  	[tilespmem:$0xB940] =	vst v20;
	v20 =	vadd.s32 s24, v0  }
0xeb: {  	[tilespmem:$0xBAC0] =	vst v20  }
0xec: {  	v20 =	vld [tilespmem:s15+$0x50];
	_ =	sdelay $0x3  }
0xed: {  	s16 =	sadd.s32 $0x50, s16  }
0xee: {  	[tilespmem:$0xB950] =	vst v20;
	v20 =	vadd.s32 s16, v0  }
0xef: {  	[tilespmem:$0xBAD0] =	vst v20  }
0xf0: {  	[tilespmem:s21], [sflag:$0x3] =	stream.indirect.gather.add.f32 [hbm:s6], $0x80, s1, s22, $0xb8;
	[tilespmem:$0x1F880] =	vst v63  }
0xf1: {  	_ = 	snop  }
0xf2: {  	[tilespmem:s21], [sflag:$0x6] =	stream.indirect.gather.add.f32 [hbm:s2], $0x80, s0, s22, $0xb8;
	[tilespmem:$0x1F880] =	vst v63  }
0xf3: {  	_ =	swait.ge [sflag:s4], $0x3000  }
0xf4: {  	[sflag:s4] =	ssyncset.done $0x0  }
0xf5: {  	[sflag:s4] =	ssyncadd.s32 $0xFFFFD000  }
0xf6: {  	_ =	swait.ge [sflag:s8], $0x3000  }
0xf7: {  	s23 =	sadd.s32 $0x60, s18;
	[sflag:s8] =	ssyncset.done $0x0  }
0xf8: {  	s24 =	smin.u32 s23, $0x1328;
	[sflag:s8] =	ssyncadd.s32 $0xFFFFD000  }
0xf9: {  	v20 =	vld [tilespmem:s24+$0x1400];
	_ =	sdelay $0x1  }
0xfa: {  	s16 =	ssub.s32 s23, s24  }
0xfb: {  	v21 =	vmov s16  }
0xfc: {  	vm0 =	vlt.u32 v21, v14  }
0xfd: {  	v20 =	vnsel vm0, $0x2710, v20  }
0xfe: {  	[tilespmem:$0xBB80] =	vst v20  }
0xff: {  	v20 =	vld [tilespmem:s24+$0x1410];
	_ =	sdelay $0x3  }
0x100: {  	vm11 =	vlt.u32 v21, v15  }
0x101: {  	v20 =	vnsel vm11, $0x2710, v20  }
0x102: {  	[tilespmem:$0xBB90] =	vst v20  }
0x103: {  	v20 =	vld [tilespmem:s24+$0x1420];
	_ =	sdelay $0x3  }
0x104: {  	vm12 =	vlt.u32 v21, v16  }
0x105: {  	v20 =	vnsel vm12, $0x2710, v20  }
0x106: {  	[tilespmem:$0xBBA0] =	vst v20  }
0x107: {  	v20 =	vld [tilespmem:s24+$0x1430];
	_ =	sdelay $0x3  }
0x108: {  	vm13 =	vlt.u32 v21, v17  }
0x109: {  	v20 =	vnsel vm13, $0x2710, v20  }
0x10a: {  	[tilespmem:$0xBBB0] =	vst v20  }
0x10b: {  	v20 =	vld [tilespmem:s24+$0x1440];
	_ =	sdelay $0x3  }
0x10c: {  	vm14 =	vlt.u32 v21, v18  }
0x10d: {  	v20 =	vnsel vm14, $0x2710, v20  }
0x10e: {  	[tilespmem:$0xBBC0] =	vst v20  }
0x10f: {  	v20 =	vld [tilespmem:s24+$0x1450];
	_ =	sdelay $0x3  }
0x110: {  	vm15 =	vlt.u32 v21, v19  }
0x111: {  	v20 =	vnsel vm15, $0x2710, v20  }
0x112: {  	s16 =	simm.s32 $0x0;
	[tilespmem:$0xBBD0] =	vst v20  }
0x113: {  	v22 =	vld [tilespmem:s16+$0x5800]  }
0x114: {  	v24 =	vld [tilespmem:s16+$0x5810]  }
0x115: {  	v23 =	vld [tilespmem:s16+$0x5820]  }
0x116: {  	v21 =	vld [tilespmem:s16+$0x5830]  }
0x117: {  	v20 =	vld [tilespmem:s16+$0x5840]  }
0x118: {  	v25 =	vmax.f32 v22, $0.0e+00;
	v22 =	vld [tilespmem:s16+$0x5850]  }
0x119: {  	s23 =	simm.s32 $0x200;
	[tilespmem:s16+$0x5800] =	vst v25;
	v25 =	vmax.f32 v24, $0.0e+00;
	v24 =	vld [tilespmem:s16+$0x5860]  }
.LBB2_11:
0x11a: {  	s24 =	sshra.s32 s23, $0x2;
	p1 =	sne.s32 s23, $0xBE00;
	[tilespmem:s16+$0x5810] =	vst v25;
	v23 =	vmax.f32 v23, $0.0e+00;
	v25 =	vld [tilespmem:s16+$0x5870]  }
0x11b: {  	v26 =	vld [tilespmem:s24+$0x5800];
	[tilespmem:s16+$0x5820] =	vst v23;
	v21 =	vmax.f32 v21, $0.0e+00  }
0x11c: {  	v27 =	vld [tilespmem:s24+$0x5810];
	[tilespmem:s16+$0x5830] =	vst v21;
	v20 =	vmax.f32 v20, $0.0e+00  }
.Ltmp6:
0x11d: {  	v23 =	vld [tilespmem:s24+$0x5820];
	[tilespmem:s16+$0x5840] =	vst v20;
	v20 =	vmax.f32 v22, $0.0e+00;
	(pc) =	sbr.rel @p1 .LBB2_11-.Ltmp6, $4  }
0x11e: {  	v21 =	vld [tilespmem:s24+$0x5830];
	[tilespmem:s16+$0x5850] =	vst v20;
	v22 =	vmax.f32 v24, $0.0e+00  }
0x11f: {  	v20 =	vld [tilespmem:s24+$0x5840];
	[tilespmem:s16+$0x5860] =	vst v22;
	v24 =	vmax.f32 v25, $0.0e+00  }
0x120: {  	v25 =	vmax.f32 v26, $0.0e+00;
	v22 =	vld [tilespmem:s24+$0x5850];
	[tilespmem:s16+$0x5870] =	vst v24;
	s16 =	smov.u32 s24  }
0x121: {  	s23 =	sadd.s32 $0x200, s23;
	[tilespmem:s16+$0x5800] =	vst v25;
	v25 =	vmax.f32 v27, $0.0e+00;
	v24 =	vld [tilespmem:s16+$0x5860]  }
0x122: {  	[tilespmem:s16+$0x5810] =	vst v25;
	v23 =	vmax.f32 v23, $0.0e+00;
	v63 =	vld [tilespmem:s16+$0x5870]  }
0x123: {  	[tilespmem:s16+$0x5820] =	vst v23;
	v21 =	vmax.f32 v21, $0.0e+00  }
0x124: {  	p1 =	seq.s32 s17, $0x11;
	[tilespmem:s16+$0x5830] =	vst v21;
	v20 =	vmax.f32 v20, $0.0e+00  }
.Ltmp7:
0x125: {  	[tilespmem:s16+$0x5840] =	vst v20;
	v20 =	vmax.f32 v22, $0.0e+00;
	(pc) =	sbr.rel @p1 .LBB2_16-.Ltmp7, $4  }
0x126: {  	[tilespmem:s16+$0x5850] =	vst v20;
	v20 =	vmax.f32 v24, $0.0e+00  }
0x127: {  	[tilespmem:s16+$0x5860] =	vst v20;
	v20 =	vmax.f32 v63, $0.0e+00  }
0x128: {  	[tilespmem:s16+$0x5870] =	vst v20  }
0x129: {  	[spmem:s3] =	stream.indirect.scatter.add.f32 [tilespmem:s26], [sflag:$0x8], $0x80, s9, s22, $0xb8;
	[tilespmem:$0x1F880] =	vst v63  }
0x12a: {  	_ =	swait.ge [sflag:s13], $0x3000  }
0x12b: {  	[sflag:s13] =	ssyncset.done $0x0  }
0x12c: {  	s16 =	simm.s32 $0x0;
	s23 =	simm.s32 $0x200;
	[sflag:s13] =	ssyncadd.s32 $0xFFFFD000  }
.LBB2_14:
0x12d: {  	p2 =	sne.s32 s23, $0xBE00;
	[tilespmem:s16+$0x2870] =	vst v13  }
0x12e: {  	[tilespmem:s16+$0x2800] =	vst v13  }
0x12f: {  	[tilespmem:s16+$0x2810] =	vst v13  }
.Ltmp8:
0x130: {  	[tilespmem:s16+$0x2820] =	vst v13;
	(pc) =	sbr.rel @p2 .LBB2_14-.Ltmp8, $4  }
0x131: {  	[tilespmem:s16+$0x2830] =	vst v13  }
0x132: {  	[tilespmem:s16+$0x2840] =	vst v13  }
0x133: {  	[tilespmem:s16+$0x2850] =	vst v13  }
0x134: {  	[tilespmem:s16+$0x2860] =	vst v13;
	s16 =	sshra.s32 s23, $0x2;
	s23 =	sadd.s32 $0x200, s23  }
0x135: {  	[tilespmem:s16+$0x2870] =	vst v13  }
0x136: {  	[tilespmem:s16+$0x2800] =	vst v13  }
0x137: {  	[tilespmem:s16+$0x2810] =	vst v13  }
0x138: {  	[tilespmem:s16+$0x2820] =	vst v13  }
0x139: {  	[tilespmem:s16+$0x2830] =	vst v13  }
0x13a: {  	[tilespmem:s16+$0x2840] =	vst v13  }
0x13b: {  	[tilespmem:s16+$0x2850] =	vst v13  }
0x13c: {  	[tilespmem:s16+$0x2860] =	vst v13;
	s16 =	smin.u32 s18, $0x1208  }
0x13d: {  	v20 =	vld [tilespmem:s16+$0x120];
	_ =	sdelay $0x2  }
0x13e: {  	s23 =	sadd.s32 $0x120, s16  }
0x13f: {  	s23 =	sadd.s32 s5, s23  }
0x140: {  	[tilespmem:$0xB800] =	vst v20;
	v20 =	vadd.s32 s23, v0  }
0x141: {  	[tilespmem:$0xB980] =	vst v20  }
0x142: {  	v20 =	vld [tilespmem:s16+$0x130];
	_ =	sdelay $0x3  }
0x143: {  	s24 =	sadd.s32 $0x10, s23  }
0x144: {  	[tilespmem:$0xB810] =	vst v20;
	v20 =	vadd.s32 s24, v0  }
0x145: {  	[tilespmem:$0xB990] =	vst v20  }
0x146: {  	v20 =	vld [tilespmem:s16+$0x140];
	_ =	sdelay $0x3  }
0x147: {  	s24 =	sadd.s32 $0x20, s23  }
0x148: {  	[tilespmem:$0xB820] =	vst v20;
	v20 =	vadd.s32 s24, v0  }
0x149: {  	[tilespmem:$0xB9A0] =	vst v20  }
0x14a: {  	v20 =	vld [tilespmem:s16+$0x150];
	_ =	sdelay $0x3  }
0x14b: {  	s24 =	sadd.s32 $0x30, s23  }
0x14c: {  	[tilespmem:$0xB830] =	vst v20;
	v20 =	vadd.s32 s24, v0  }
0x14d: {  	[tilespmem:$0xB9B0] =	vst v20  }
0x14e: {  	v20 =	vld [tilespmem:s16+$0x160];
	_ =	sdelay $0x3  }
0x14f: {  	s24 =	sadd.s32 $0x40, s23  }
0x150: {  	[tilespmem:$0xB840] =	vst v20;
	v20 =	vadd.s32 s24, v0  }
0x151: {  	[tilespmem:$0xB9C0] =	vst v20  }
0x152: {  	v20 =	vld [tilespmem:s16+$0x170];
	_ =	sdelay $0x3  }
0x153: {  	s24 =	sadd.s32 $0x50, s23  }
0x154: {  	[tilespmem:$0xB850] =	vst v20;
	v20 =	vadd.s32 s24, v0  }
0x155: {  	s23 =	simm.s32 $0xB800;
	[tilespmem:$0xB9D0] =	vst v20  }
0x156: {  	[tilespmem:s19], [sflag:$0x1] =	stream.indirect.gather.add.f32 [hbm:s6], $0x80, s23, s22, $0xb8;
	[tilespmem:$0x1F880] =	vst v63  }
0x157: {  	s24 =	simm.s32 $0xB980  }
0x158: {  	[tilespmem:s19], [sflag:$0x4] =	stream.indirect.gather.add.f32 [hbm:s2], $0x80, s24, s22, $0xb8;
	[tilespmem:$0x1F880] =	vst v63  }
.LBB2_16:
0x159: {  	_ =	swait.ge [sflag:s10], $0x3000  }
0x15a: {  	[sflag:s10] =	ssyncset.done $0x0  }
0x15b: {  	[sflag:s10] =	ssyncadd.s32 $0xFFFFD000  }
0x15c: {  	_ =	swait.ge [sflag:s11], $0x3000  }
0x15d: {  	[sflag:s11] =	ssyncset.done $0x0  }
0x15e: {  	[sflag:s11] =	ssyncadd.s32 $0xFFFFD000  }
0x15f: {  	v20 =	vld [tilespmem:s15+$0x1400]  }
0x160: {  	s7 =	smin.u32 s7, $0x1388  }
0x161: {  	s7 =	ssub.s32 s7, s15  }
0x162: {  	v21 =	vmov s7  }
0x163: {  	vm0 =	vlt.s32 v21, v14  }
0x164: {  	v20 =	vnsel vm0, $0x2710, v20  }
0x165: {  	[tilespmem:$0xBC00] =	vst v20  }
0x166: {  	v20 =	vld [tilespmem:s15+$0x1410];
	_ =	sdelay $0x3  }
0x167: {  	vm11 =	vlt.s32 v21, v15  }
0x168: {  	v20 =	vnsel vm11, $0x2710, v20  }
0x169: {  	[tilespmem:$0xBC10] =	vst v20  }
0x16a: {  	v20 =	vld [tilespmem:s15+$0x1420];
	_ =	sdelay $0x3  }
0x16b: {  	vm12 =	vlt.s32 v21, v16  }
0x16c: {  	v20 =	vnsel vm12, $0x2710, v20  }
0x16d: {  	[tilespmem:$0xBC20] =	vst v20  }
0x16e: {  	v20 =	vld [tilespmem:s15+$0x1430];
	_ =	sdelay $0x3  }
0x16f: {  	vm13 =	vlt.s32 v21, v17  }
0x170: {  	v20 =	vnsel vm13, $0x2710, v20  }
0x171: {  	[tilespmem:$0xBC30] =	vst v20  }
0x172: {  	v20 =	vld [tilespmem:s15+$0x1440];
	_ =	sdelay $0x3  }
0x173: {  	vm14 =	vlt.s32 v21, v18  }
0x174: {  	v20 =	vnsel vm14, $0x2710, v20  }
0x175: {  	[tilespmem:$0xBC40] =	vst v20  }
0x176: {  	v20 =	vld [tilespmem:s15+$0x1450];
	_ =	sdelay $0x3  }
0x177: {  	vm15 =	vlt.s32 v21, v19  }
0x178: {  	v20 =	vnsel vm15, $0x2710, v20  }
0x179: {  	s7 =	simm.s32 $0x0;
	[tilespmem:$0xBC50] =	vst v20  }
0x17a: {  	v22 =	vld [tilespmem:s7+$0x8800]  }
0x17b: {  	v24 =	vld [tilespmem:s7+$0x8810]  }
0x17c: {  	v23 =	vld [tilespmem:s7+$0x8820]  }
0x17d: {  	v21 =	vld [tilespmem:s7+$0x8830]  }
0x17e: {  	v20 =	vld [tilespmem:s7+$0x8840]  }
0x17f: {  	v25 =	vmax.f32 v22, $0.0e+00;
	v22 =	vld [tilespmem:s7+$0x8850]  }
0x180: {  	s15 =	simm.s32 $0x200;
	[tilespmem:s7+$0x8800] =	vst v25;
	v25 =	vmax.f32 v24, $0.0e+00;
	v24 =	vld [tilespmem:s7+$0x8860]  }
.LBB2_17:
0x181: {  	s16 =	sshra.s32 s15, $0x2;
	p2 =	sne.s32 s15, $0xBE00;
	[tilespmem:s7+$0x8810] =	vst v25;
	v23 =	vmax.f32 v23, $0.0e+00;
	v25 =	vld [tilespmem:s7+$0x8870]  }
0x182: {  	v26 =	vld [tilespmem:s16+$0x8800];
	[tilespmem:s7+$0x8820] =	vst v23;
	v21 =	vmax.f32 v21, $0.0e+00  }
0x183: {  	v27 =	vld [tilespmem:s16+$0x8810];
	[tilespmem:s7+$0x8830] =	vst v21;
	v20 =	vmax.f32 v20, $0.0e+00  }
.Ltmp9:
0x184: {  	v23 =	vld [tilespmem:s16+$0x8820];
	[tilespmem:s7+$0x8840] =	vst v20;
	v20 =	vmax.f32 v22, $0.0e+00;
	(pc) =	sbr.rel @p2 .LBB2_17-.Ltmp9, $4  }
0x185: {  	v21 =	vld [tilespmem:s16+$0x8830];
	[tilespmem:s7+$0x8850] =	vst v20;
	v22 =	vmax.f32 v24, $0.0e+00  }
0x186: {  	v20 =	vld [tilespmem:s16+$0x8840];
	[tilespmem:s7+$0x8860] =	vst v22;
	v24 =	vmax.f32 v25, $0.0e+00  }
0x187: {  	v25 =	vmax.f32 v26, $0.0e+00;
	v22 =	vld [tilespmem:s16+$0x8850];
	[tilespmem:s7+$0x8870] =	vst v24;
	s7 =	smov.u32 s16  }
0x188: {  	s15 =	sadd.s32 $0x200, s15;
	[tilespmem:s7+$0x8800] =	vst v25;
	v25 =	vmax.f32 v27, $0.0e+00;
	v24 =	vld [tilespmem:s7+$0x8860]  }
0x189: {  	[tilespmem:s7+$0x8810] =	vst v25;
	v23 =	vmax.f32 v23, $0.0e+00;
	v63 =	vld [tilespmem:s7+$0x8870]  }
0x18a: {  	[tilespmem:s7+$0x8820] =	vst v23;
	v21 =	vmax.f32 v21, $0.0e+00  }
0x18b: {  	[tilespmem:s7+$0x8830] =	vst v21;
	v20 =	vmax.f32 v20, $0.0e+00  }
.Ltmp10:
0x18c: {  	[tilespmem:s7+$0x8840] =	vst v20;
	v20 =	vmax.f32 v22, $0.0e+00;
	(pc) =	sbr.rel @p1 .LBB2_22-.Ltmp10, $4  }
0x18d: {  	[tilespmem:s7+$0x8850] =	vst v20;
	v20 =	vmax.f32 v24, $0.0e+00  }
0x18e: {  	[tilespmem:s7+$0x8860] =	vst v20;
	v20 =	vmax.f32 v63, $0.0e+00  }
0x18f: {  	[tilespmem:s7+$0x8870] =	vst v20  }
0x190: {  	[spmem:s3] =	stream.indirect.scatter.add.f32 [tilespmem:s21], [sflag:$0x9], $0x80, s12, s22, $0xb8;
	[tilespmem:$0x1F880] =	vst v63  }
0x191: {  	_ =	swait.ge [sflag:s14], $0x3000  }
0x192: {  	[sflag:s14] =	ssyncset.done $0x0  }
0x193: {  	s7 =	simm.s32 $0x0;
	s15 =	simm.s32 $0x200;
	[sflag:s14] =	ssyncadd.s32 $0xFFFFD000  }
.LBB2_20:
0x194: {  	p1 =	sne.s32 s15, $0xBE00;
	[tilespmem:s7+$0x5870] =	vst v13  }
0x195: {  	[tilespmem:s7+$0x5800] =	vst v13  }
0x196: {  	[tilespmem:s7+$0x5810] =	vst v13  }
.Ltmp11:
0x197: {  	[tilespmem:s7+$0x5820] =	vst v13;
	(pc) =	sbr.rel @p1 .LBB2_20-.Ltmp11, $4  }
0x198: {  	[tilespmem:s7+$0x5830] =	vst v13  }
0x199: {  	[tilespmem:s7+$0x5840] =	vst v13  }
0x19a: {  	[tilespmem:s7+$0x5850] =	vst v13  }
0x19b: {  	[tilespmem:s7+$0x5860] =	vst v13;
	s7 =	sshra.s32 s15, $0x2;
	s15 =	sadd.s32 $0x200, s15  }
0x19c: {  	[tilespmem:s7+$0x5870] =	vst v13  }
0x19d: {  	[tilespmem:s7+$0x5800] =	vst v13  }
0x19e: {  	[tilespmem:s7+$0x5810] =	vst v13  }
0x19f: {  	[tilespmem:s7+$0x5820] =	vst v13  }
0x1a0: {  	[tilespmem:s7+$0x5830] =	vst v13  }
0x1a1: {  	[tilespmem:s7+$0x5840] =	vst v13  }
0x1a2: {  	[tilespmem:s7+$0x5850] =	vst v13  }
0x1a3: {  	[tilespmem:s7+$0x5860] =	vst v13;
	s7 =	smin.u32 s18, $0x11A8  }
0x1a4: {  	v20 =	vld [tilespmem:s7+$0x180];
	_ =	sdelay $0x2  }
0x1a5: {  	s15 =	sadd.s32 $0x180, s7  }
0x1a6: {  	s15 =	sadd.s32 s5, s15  }
0x1a7: {  	[tilespmem:$0xB880] =	vst v20;
	v20 =	vadd.s32 s15, v0  }
0x1a8: {  	[tilespmem:$0xBA00] =	vst v20  }
0x1a9: {  	v20 =	vld [tilespmem:s7+$0x190];
	_ =	sdelay $0x3  }
0x1aa: {  	s16 =	sadd.s32 $0x10, s15  }
0x1ab: {  	[tilespmem:$0xB890] =	vst v20;
	v20 =	vadd.s32 s16, v0  }
0x1ac: {  	[tilespmem:$0xBA10] =	vst v20  }
0x1ad: {  	v20 =	vld [tilespmem:s7+$0x1A0];
	_ =	sdelay $0x3  }
0x1ae: {  	s24 =	sadd.s32 $0x20, s15  }
0x1af: {  	[tilespmem:$0xB8A0] =	vst v20;
	v20 =	vadd.s32 s24, v0  }
0x1b0: {  	[tilespmem:$0xBA20] =	vst v20  }
0x1b1: {  	v20 =	vld [tilespmem:s7+$0x1B0];
	_ =	sdelay $0x3  }
0x1b2: {  	s18 =	sadd.s32 $0x30, s15  }
0x1b3: {  	[tilespmem:$0xB8B0] =	vst v20;
	v20 =	vadd.s32 s18, v0  }
0x1b4: {  	[tilespmem:$0xBA30] =	vst v20  }
0x1b5: {  	v20 =	vld [tilespmem:s7+$0x1C0];
	_ =	sdelay $0x3  }
0x1b6: {  	s23 =	sadd.s32 $0x40, s15  }
0x1b7: {  	[tilespmem:$0xB8C0] =	vst v20;
	v20 =	vadd.s32 s23, v0  }
0x1b8: {  	[tilespmem:$0xBA40] =	vst v20  }
0x1b9: {  	v20 =	vld [tilespmem:s7+$0x1D0];
	_ =	sdelay $0x3  }
0x1ba: {  	s24 =	sadd.s32 $0x50, s15  }
.Ltmp12:
0x1bb: {  	[tilespmem:$0xB8D0] =	vst v20;
	v20 =	vadd.s32 s24, v0;
	(pc) =	sbr.rel .LBB2_6-.Ltmp12, $4  }
0x1bc: {  	[tilespmem:$0xBA50] =	vst v20  }
0x1bd: {  	[tilespmem:s26], [sflag:$0x2] =	stream.indirect.gather.add.f32 [hbm:s6], $0x80, s25, s22, $0xb8;
	[tilespmem:$0x1F880] =	vst v63  }
0x1be: {  	s17 =	sadd.s32 $0x1, s17  }
0x1bf: {  	[tilespmem:s26], [sflag:$0x5] =	stream.indirect.gather.add.f32 [hbm:s2], $0x80, s28, s22, $0xb8;
	[tilespmem:$0x1F880] =	vst v63  }
.LBB2_23:
0x1c0: {  	_ =	sfence.sel $0x180000  }
0x1c1: {  	[bflag:$0x0] =	sbarrier.arrive $0xFFFF  }
0x1c2: {  	_ =	strace $0x90000047  }
0x1c3: {  	s0 =	stileid.u32;
	[bflag:$0x2] =	sbarrier.arrive $0xFFFF  }
0x1c4: {  	p0 =	sne.s32 s0, $0x0;
	s0 =	rddreg [dreg:$0x3]  }
0x1c5: {  	s0 =	sadd.s32 @!p0 $0x100000, s0  }
0x1c6: {  	[sflag:s0] =	ssyncadd.tile.s32 @!p0 $0x1;
	_ =	shalt  }
.Lfunc_end2:
_tile_overlayer_lowered:
.L_overlay_start_2:
0x1c7: {  	(tag) =	ssettag $0x2  }
0x1c8: {  	s0 =	rddreg [dreg:$0x0];
	s2 =	stileid.u32  }
0x1c9: {  	s1 =	rddreg [dreg:$0x1];
	p0 =	sne.s32 s2, $0x0  }
0x1ca: {  	s3 =	rddreg [dreg:$0x2];
	[bflag:$0x3] =	sbarrier.arrive $0xFFFF;
	s2 =	simm.s32 @!p0 $0x1C0A  }
0x1cb: {  	[timem:s3], [sflag:s2] =	dma.local @!p0 [hbm:s0], s1  }
0x1cc: {  	s0 =	simm.s32 @!p0 $0xA  }
0x1cd: {  	_ =	swait.ge @!p0 [sflag:s0], s1  }
0x1ce: {  	s1 =	ssub.s32 @!p0 $0x0, s1;
	[sflag:s0] =	ssyncset.done @!p0 $0x0  }
0x1cf: {  	[sflag:s0] =	ssyncadd.s32 @!p0 s1  }
0x1d0: {  	[bflag:$0x3] =	sbarrier.arrive $0xFFFF  }
0x1d1: {  	_ =	shalt  }

</sc_bundles>
